<compile_context>
chip_gen: v7x
topology: tpu7x:2x2x1
jax: 0.10.2.dev20260603
libtpu: 0.0.44.dev20260713+nightly
codegen_flags: <defaults>
</compile_context>

<pallas_src>
import functools

import jax
import jax.numpy as jnp
from jax import lax
from jax.experimental import pallas as pl
from jax.experimental.pallas import tpu as pltpu
from jax.experimental.pallas import tpu_sc as plsc

N = 10000
E = 320000
D_IN = 128
D_HID = 16
D_OUT = 64

N_PAD = 10240
CHUNK = 128
CH_FULL = 78
TAIL = 16
EROWS = 2500

_mesh = plsc.VectorSubcoreMesh(core_axis_name="c", subcore_axis_name="s")
_sc_params = pltpu.CompilerParams(use_tc_tiling_on_sc=False)


_GRP = 6
_NG = CH_FULL // _GRP
_W = _GRP * CHUNK


def _stage_indices(ei_hbm, eit_hbm, row, w, idx_v, tail_v, sem):
    pltpu.async_copy(ei_hbm.at[row, pl.ds(w * _NG, _NG)], idx_v, sem)
    pltpu.async_copy(eit_hbm.at[row, pl.ds(w * TAIL, TAIL)], tail_v, sem)


def _wait_indices(ei_hbm, eit_hbm, row, w, idx_v, tail_v, sem):
    pltpu.make_async_copy(ei_hbm.at[row, pl.ds(w * _NG, _NG)], idx_v,
                          sem).wait()
    pltpu.make_async_copy(eit_hbm.at[row, pl.ds(w * TAIL, TAIL)], tail_v,
                          sem).wait()



@functools.partial(
    pl.kernel,
    out_type=jax.ShapeDtypeStruct((2, N_PAD), jnp.float32),
    mesh=_mesh,
    scratch_types=[
        pltpu.VMEM((_NG, _W), jnp.int32),
        pltpu.VMEM((TAIL,), jnp.int32),
        pltpu.VMEM((_W,), jnp.float32),
        pltpu.VMEM((TAIL,), jnp.float32),
        pltpu.VMEM((640,), jnp.float32),
        pltpu.VMEM_SHARED((N_PAD,), jnp.float32),
        pltpu.SemaphoreType.DMA,
        pltpu.SemaphoreType.DMA,
    ],
    compiler_params=_sc_params,
)
def _count_kernel(ei_hbm, eit_hbm, out_hbm, didx_v, dtail_v, ones_v, ones_t,
                  zbuf_v, acc_sh, isem, ssem):
    c = lax.axis_index("c")
    s = lax.axis_index("s")
    w = c * 16 + s
    _stage_indices(ei_hbm, eit_hbm, 1, w, didx_v, dtail_v, isem)

    def fill_body(i, _):
        ones_v[pl.ds(i * 16, 16)] = jnp.ones((16,), jnp.float32)
        return 0
    lax.fori_loop(0, _W // 16, fill_body, 0)
    ones_t[...] = jnp.ones((16,), jnp.float32)

    def zero_body(i, _):
        zbuf_v[pl.ds(i * 16, 16)] = jnp.zeros((16,), jnp.float32)
        return 0
    lax.fori_loop(0, 640 // 16, zero_body, 0)

    _wait_indices(ei_hbm, eit_hbm, 1, w, didx_v, dtail_v, isem)
    pltpu.sync_copy(zbuf_v, acc_sh.at[pl.ds(s * 640, 640)])
    plsc.subcore_barrier()

    def cnt_body(j, _):
        pltpu.make_async_copy(ones_v, acc_sh.at[didx_v.at[j]], ssem).wait()
        pltpu.async_copy(ones_v, acc_sh.at[didx_v.at[j + 2]], ssem, add=True)
        return 0

    for j0 in range(2):
        pltpu.async_copy(ones_v, acc_sh.at[didx_v.at[j0]], ssem, add=True)
    lax.fori_loop(0, _NG - 2, cnt_body, 0)

    def drain_body(j, _):
        pltpu.make_async_copy(ones_v, acc_sh.at[didx_v.at[j]], ssem).wait()
        return 0
    lax.fori_loop(0, 2, drain_body, 0)
    pltpu.sync_copy(ones_t, acc_sh.at[dtail_v], add=True)
    plsc.subcore_barrier()

    pltpu.sync_copy(acc_sh.at[pl.ds(s * 640, 640)],
                    out_hbm.at[c].at[pl.ds(s * 640, 640)])


def _make_agg_kernel(d_feat, subw, nbuf):
    spr = _W // subw
    ng = _NG * spr

    @functools.partial(
        pl.kernel,
        out_type=jax.ShapeDtypeStruct((2, N_PAD, d_feat), jnp.float32),
        mesh=_mesh,
        scratch_types=[
            pltpu.VMEM((_NG, _W), jnp.int32),
            pltpu.VMEM((_NG, _W), jnp.int32),
            pltpu.VMEM((TAIL,), jnp.int32),
            pltpu.VMEM((TAIL,), jnp.int32),
            pltpu.VMEM((nbuf, subw, d_feat), jnp.float32),
            pltpu.VMEM((TAIL, d_feat), jnp.float32),
            pltpu.VMEM((64, d_feat), jnp.float32),
            pltpu.VMEM_SHARED((N_PAD, d_feat), jnp.float32),
            pltpu.SemaphoreType.DMA,
        ] + [pltpu.SemaphoreType.DMA] * (2 * nbuf),
        compiler_params=_sc_params,
    )
    def agg(ei_hbm, eit_hbm, g_hbm, out_hbm, sidx_v, didx_v, stail_v, dtail_v,
            rows_v, trows_v, zbuf_v, acc_sh, isem, *sems):
        gsem = sems[:nbuf]
        ssem = sems[nbuf:]
        c = lax.axis_index("c")
        s = lax.axis_index("s")
        w = c * 16 + s
        _stage_indices(ei_hbm, eit_hbm, 0, w, sidx_v, stail_v, isem)
        _stage_indices(ei_hbm, eit_hbm, 1, w, didx_v, dtail_v, isem)

        def zzero(i, _):
            j = i // (d_feat // 16)
            k = i % (d_feat // 16)
            zbuf_v[j, pl.ds(k * 16, 16)] = jnp.zeros((16,), jnp.float32)
            return 0
        lax.fori_loop(0, 64 * (d_feat // 16), zzero, 0)

        _wait_indices(ei_hbm, eit_hbm, 0, w, sidx_v, stail_v, isem)
        _wait_indices(ei_hbm, eit_hbm, 1, w, didx_v, dtail_v, isem)

        for t in range(10):
            pltpu.async_copy(zbuf_v, acc_sh.at[pl.ds(s * 640 + t * 64, 64)],
                             isem)
        for t in range(10):
            pltpu.make_async_copy(
                zbuf_v, acc_sh.at[pl.ds(s * 640 + t * 64, 64)], isem).wait()
        plsc.subcore_barrier()

        def sl(idx_v, g):
            return idx_v.at[g // spr, pl.ds((g % spr) * subw, subw)]

        def issue(g, b):
            pltpu.async_copy(g_hbm.at[sl(sidx_v, g)], rows_v.at[b], gsem[b])

        def wait_gather(g, b):
            pltpu.make_async_copy(g_hbm.at[sl(sidx_v, g)], rows_v.at[b],
                                  gsem[b]).wait()

        def start_scatter(g, b):
            pltpu.async_copy(rows_v.at[b], acc_sh.at[sl(didx_v, g)], ssem[b],
                             add=True)

        def wait_scatter(g, b):
            pltpu.make_async_copy(rows_v.at[b], acc_sh.at[sl(didx_v, g)],
                                  ssem[b]).wait()

        def step(g, b):
            pb = (b - 1) % nbuf

            @pl.when(g > 0)
            def _():
                wait_scatter(g - 1, pb)

            @pl.when(jnp.logical_and(g > 0, g - 1 + nbuf < ng))
            def _():
                issue(g - 1 + nbuf, pb)

            wait_gather(g, b)
            start_scatter(g, b)

        for b in range(nbuf):
            issue(b, b)

        k_full = ng // nbuf

        def outer_body(o, _):
            for b in range(nbuf):
                step(o * nbuf + b, b)
            return 0
        lax.fori_loop(0, k_full, outer_body, 0)

        for g in range(k_full * nbuf, ng):
            step(g, g % nbuf)
        wait_scatter(ng - 1, (ng - 1) % nbuf)

        pltpu.async_copy(g_hbm.at[stail_v], trows_v, isem)
        pltpu.make_async_copy(g_hbm.at[stail_v], trows_v, isem).wait()
        pltpu.sync_copy(trows_v, acc_sh.at[dtail_v], add=True)
        plsc.subcore_barrier()

        pltpu.sync_copy(acc_sh.at[pl.ds(s * 640, 640)],
                        out_hbm.at[c].at[pl.ds(s * 640, 640)])
    return agg


_agg16 = _make_agg_kernel(D_HID, _W, 2)
_agg64 = _make_agg_kernel(D_OUT, _W // 6, 6)



def _h1_body(x_ref, w1_ref, out_ref):
    out_ref[...] = jnp.dot(x_ref[...], w1_ref[...],
                           preferred_element_type=jnp.float32)


_h1_kernel = pl.pallas_call(
    _h1_body,
    out_shape=jax.ShapeDtypeStruct((N, D_HID), jnp.float32),
)


def _scale_body(cnt_ref, h1_ref, g1_ref, dis_ref):
    deg = lax.dot_general(cnt_ref[...], jnp.ones((2, 1), jnp.float32),
                          (((0,), (0,)), ((), ())),
                          preferred_element_type=jnp.float32) + 1.0
    dis_col = lax.rsqrt(deg)
    dis_ref[...] = dis_col
    g1_ref[...] = dis_col[:N] * h1_ref[...]


_scale_kernel = pl.pallas_call(
    _scale_body,
    out_shape=(jax.ShapeDtypeStruct((N, D_HID), jnp.float32),
               jax.ShapeDtypeStruct((N_PAD, 1), jnp.float32)),
)


def _mid_body(p_ref, g1_ref, dis_ref, b1_ref, w2_ref, out_ref):
    agg = p_ref[0, :N, :] + p_ref[1, :N, :]
    a1 = jnp.maximum(dis_ref[...] * (agg + g1_ref[...]) + b1_ref[...], 0.0)
    h2 = jnp.dot(a1, w2_ref[...], preferred_element_type=jnp.float32)
    out_ref[...] = dis_ref[...] * h2


_mid_kernel = pl.pallas_call(
    _mid_body,
    out_shape=jax.ShapeDtypeStruct((N, D_OUT), jnp.float32),
)


_QROWS = N_PAD * D_OUT // 128
_FROWS = N * D_OUT // 128


def _fin_body(q_ref, g2_ref, dis_ref, b2_ref, out_ref):
    agg = q_ref[0, :_FROWS, :] + q_ref[1, :_FROWS, :]
    out_ref[...] = dis_ref[...] * (agg + g2_ref[...]) + b2_ref[...]


_fin_kernel = pl.pallas_call(
    _fin_body,
    out_shape=jax.ShapeDtypeStruct((_FROWS, 128), jnp.float32),
)



def kernel(x, edge_index, W1, b1, W2, b2):
    ei32 = edge_index.astype(jnp.int32)
    ei = ei32[:, :32 * _NG * _W].reshape(2, 32 * _NG, _W)
    eit = ei32[:, 32 * _NG * _W:]

    cntp = _count_kernel(ei, eit)
    h1 = _h1_kernel(x, W1)
    g1, dis_col_p = _scale_kernel(cntp, h1)
    dis_col = dis_col_p[:N]

    p1 = _agg16(ei, eit, g1)
    g2 = _mid_kernel(p1, g1, dis_col, b1.reshape(1, D_HID), W2)
    p2 = _agg64(ei, eit, g2)
    qv = p2.reshape(2, _QROWS, 128)
    g2p = g2.reshape(_FROWS, 128)
    disp = jnp.broadcast_to(dis_col, (N, D_OUT)).reshape(_FROWS, 128)
    b2p = jnp.concatenate([b2, b2]).reshape(1, 128)
    out = _fin_kernel(qv, g2p, disp, b2p)
    return out.reshape(N, D_OUT)

# --- scband reference (transcript-rebuilt; emitter-appended) ---
"""Pipeline reference for scband-simple-gcn-64476049048081 (READ-ONLY COPY).

The authoritative reference and input builder live on the scoring server;
editing this copy changes nothing except your own understanding.
"""

import jax, jax.numpy as jnp
import numpy as np

N_NODES = 10000
N_EDGES = 320000
D_IN = 128
D_HID = 16
D_OUT = 64


def gcn_conv(x, edge_index, W, b):
    # Faithful PyG GCNConv: add self-loops, symmetric normalization, linear, scatter-add aggregate, bias.
    n = x.shape[0]
    loop = jnp.arange(n, dtype=edge_index.dtype)
    src = jnp.concatenate([edge_index[0], loop])
    dst = jnp.concatenate([edge_index[1], loop])
    deg = jnp.zeros((n,), dtype=x.dtype).at[dst].add(1.0)
    deg_inv_sqrt = jnp.where(deg > 0, deg ** -0.5, 0.0)
    norm = deg_inv_sqrt[src] * deg_inv_sqrt[dst]
    h = x @ W
    msg = h[src] * norm[:, None]
    out = jnp.zeros((n, W.shape[1]), dtype=x.dtype).at[dst].add(msg)
    return out + b


def setup_inputs(seed: int = 0) -> dict:
    key = jax.random.key(seed)
    k_x, k_e, k_w1, k_w2, k_b1, k_b2 = jax.random.split(key, 6)
    x = jax.random.normal(k_x, (N_NODES, D_IN), dtype=jnp.float32)
    edge_index = jax.random.randint(k_e, (2, N_EDGES), 0, N_NODES, dtype=jnp.int64)
    s1 = 1.0 / np.sqrt(D_IN)
    s2 = 1.0 / np.sqrt(D_HID)
    W1 = jax.random.uniform(k_w1, (D_IN, D_HID), dtype=jnp.float32, minval=-s1, maxval=s1)
    b1 = jax.random.uniform(k_b1, (D_HID,), dtype=jnp.float32, minval=-s1, maxval=s1)
    W2 = jax.random.uniform(k_w2, (D_HID, D_OUT), dtype=jnp.float32, minval=-s2, maxval=s2)
    b2 = jax.random.uniform(k_b2, (D_OUT,), dtype=jnp.float32, minval=-s2, maxval=s2)
    return {"x": x, "edge_index": edge_index, "W1": W1, "b1": b1, "W2": W2, "b2": b2}


def reference(x, edge_index, W1, b1, W2, b2):
    h = gcn_conv(x, edge_index, W1, b1)
    h = jax.nn.relu(h)
    # F.dropout with training=self.training; evaluated in eval mode -> identity
    out = gcn_conv(h, edge_index, W2, b2)
    return out

if __name__ == "__main__":
    import jax
    _d = setup_inputs()
    print(jax.jit(kernel)(*tuple(_d.values())))

</pallas_src>

<mosaic_0001>
#map = affine_map<(d0, d1) -> (0, 0, 0)>
#map1 = affine_map<(d0, d1) -> (0, 0)>
module attributes {stable_mosaic.version = 14 : i64} {
  func.func @_count_kernel(%arg0: i32, %arg1: i32, %arg2: memref<2x416x768xi32, #tpu.memory_space<hbm>>, %arg3: memref<2x512xi32, #tpu.memory_space<hbm>>, %arg4: memref<2x10240xf32, #tpu.memory_space<hbm>>, %arg5: memref<13x768xi32, #tpu.memory_space<vmem>>, %arg6: memref<16xi32, #tpu.memory_space<vmem>>, %arg7: memref<768xf32, #tpu.memory_space<vmem>>, %arg8: memref<16xf32, #tpu.memory_space<vmem>>, %arg9: memref<640xf32, #tpu.memory_space<vmem>>, %arg10: memref<10240xf32, #tpu.memory_space<vmem_shared>>, %arg11: memref<!tpu.dma_semaphore, #tpu.memory_space<semaphore_mem>>, %arg12: memref<!tpu.dma_semaphore, #tpu.memory_space<semaphore_mem>>) attributes {dimension_semantics = [#tpu.dimension_semantics<core_parallel>, #tpu.dimension_semantics<subcore_parallel>], iteration_bounds = array<i64: 2, 16>, scalar_prefetch = 0 : i64, scratch_operands = 8 : i64, tpu.core_type = #tpu.core_type<sc_vector_subcore>, window_params = [{transform_indices = #map}, {transform_indices = #map1}, {transform_indices = #map1}]} {
    %mul3A = arith.constant 16 : i32
    %mul3A_0 = arith.muli %arg0, %mul3A : i32
    %add3A = arith.addi %mul3A_0, %arg1 : i32
    %mul3A_1 = arith.constant 13 : i32
    %mul3A_2 = arith.muli %add3A, %mul3A_1 : i32
    %dma_start3A = arith.constant 1 : i32
    %dma_start3A_3 = arith.constant 0 : i32
    %dma_start3A_4 = tpu.memref_slice %arg2[%dma_start3A, %mul3A_2, %dma_start3A_3] : memref<2x416x768xi32, #tpu.memory_space<hbm>> -> memref<1x13x768xi32, #tpu.memory_space<hbm>>
    %dma_start3A_5 = tpu.memref_squeeze %dma_start3A_4 : memref<1x13x768xi32, #tpu.memory_space<hbm>> -> memref<13x768xi32, #tpu.memory_space<hbm>>
    %dma_start3A_6 = arith.constant 0 : i32
    %dma_start3A_7 = tpu.memref_slice %arg2[%dma_start3A, %mul3A_2, %dma_start3A_6] : memref<2x416x768xi32, #tpu.memory_space<hbm>> -> memref<1x13x768xi32, #tpu.memory_space<hbm>>
    %dma_start3A_8 = tpu.memref_squeeze %dma_start3A_7 : memref<1x13x768xi32, #tpu.memory_space<hbm>> -> memref<13x768xi32, #tpu.memory_space<hbm>>
    tpu.enqueue_dma source(%dma_start3A_8 : memref<13x768xi32, #tpu.memory_space<hbm>>) target(%arg5 : memref<13x768xi32, #tpu.memory_space<vmem>>) target_semaphore(%arg11 : memref<!tpu.dma_semaphore, #tpu.memory_space<semaphore_mem>>)
    %mul3A_9 = arith.constant 16 : i32
    %mul3A_10 = arith.muli %add3A, %mul3A_9 : i32
    %dma_start3A_11 = arith.constant 1 : i32
    %dma_start3A_12 = tpu.memref_slice %arg3[%dma_start3A_11, %mul3A_10] : memref<2x512xi32, #tpu.memory_space<hbm>> -> memref<1x16xi32, #tpu.memory_space<hbm>>
    %dma_start3A_13 = tpu.memref_squeeze %dma_start3A_12 : memref<1x16xi32, #tpu.memory_space<hbm>> -> memref<16xi32, #tpu.memory_space<hbm>>
    %dma_start3A_14 = tpu.memref_slice %arg3[%dma_start3A_11, %mul3A_10] : memref<2x512xi32, #tpu.memory_space<hbm>> -> memref<1x16xi32, #tpu.memory_space<hbm>>
    %dma_start3A_15 = tpu.memref_squeeze %dma_start3A_14 : memref<1x16xi32, #tpu.memory_space<hbm>> -> memref<16xi32, #tpu.memory_space<hbm>>
    tpu.enqueue_dma source(%dma_start3A_15 : memref<16xi32, #tpu.memory_space<hbm>>) target(%arg6 : memref<16xi32, #tpu.memory_space<vmem>>) target_semaphore(%arg11 : memref<!tpu.dma_semaphore, #tpu.memory_space<semaphore_mem>>)
    %scan3A = arith.constant 0 : i32
    %scan3A_16 = arith.constant 0 : i32
    %scan3A_17 = arith.constant 48 : i32
    %scan3A_18 = arith.addi %scan3A_16, %scan3A_17 : i32
    %scan3A_19 = arith.constant 1 : i32
    %scan3A_20 = scf.for %scan3A_81 = %scan3A_16 to %scan3A_18 step %scan3A_19 iter_args(%scan3A_82 = %scan3A) -> (i32)  : i32 {
      %broadcast_in_dim3A_83 = arith.constant 1.000000e+00 : f32
      %broadcast_in_dim3A_84 = vector.broadcast %broadcast_in_dim3A_83 : f32 to vector<16xf32>
      %mul3A_85 = arith.constant 16 : i32
      %mul3A_86 = arith.muli %scan3A_81, %mul3A_85 : i32
      %swap3A_87 = arith.index_cast %mul3A_86 : i32 to index
      %swap3A_88 = tpu.vector_load %arg7[%swap3A_87] {strides = array<i32>} : memref<768xf32, #tpu.memory_space<vmem>>, vector<16xf32>,
      %swap3A_89 = vector.shape_cast %swap3A_88 : vector<16xf32> to vector<16xf32>
      %swap3A_90 = vector.shape_cast %broadcast_in_dim3A_84 : vector<16xf32> to vector<16xf32>
      tpu.vector_store %arg7[%swap3A_87], %swap3A_90 {strides = array<i32>} : memref<768xf32, #tpu.memory_space<vmem>>, vector<16xf32>,
      %scan3A_91 = arith.constant 0 : i32
      scf.yield %scan3A_91 : i32
    }
    %scan3A_21 = arith.constant 48 : i32
    %broadcast_in_dim3A = arith.constant 1.000000e+00 : f32
    %broadcast_in_dim3A_22 = vector.broadcast %broadcast_in_dim3A : f32 to vector<16xf32>
    %swap3A = arith.constant 0 : index
    %swap3A_23 = tpu.vector_load %arg8[%swap3A] {strides = array<i32>} : memref<16xf32, #tpu.memory_space<vmem>>, vector<16xf32>,
    %swap3A_24 = vector.shape_cast %swap3A_23 : vector<16xf32> to vector<16xf32>
    %swap3A_25 = vector.shape_cast %broadcast_in_dim3A_22 : vector<16xf32> to vector<16xf32>
    tpu.vector_store %arg8[%swap3A], %swap3A_25 {strides = array<i32>} : memref<16xf32, #tpu.memory_space<vmem>>, vector<16xf32>,
    %scan3A_26 = arith.constant 0 : i32
    %scan3A_27 = arith.constant 0 : i32
    %scan3A_28 = arith.constant 40 : i32
    %scan3A_29 = arith.addi %scan3A_27, %scan3A_28 : i32
    %scan3A_30 = arith.constant 1 : i32
    %scan3A_31 = scf.for %scan3A_81 = %scan3A_27 to %scan3A_29 step %scan3A_30 iter_args(%scan3A_82 = %scan3A_26) -> (i32)  : i32 {
      %broadcast_in_dim3A_83 = arith.constant 0.000000e+00 : f32
      %broadcast_in_dim3A_84 = vector.broadcast %broadcast_in_dim3A_83 : f32 to vector<16xf32>
      %mul3A_85 = arith.constant 16 : i32
      %mul3A_86 = arith.muli %scan3A_81, %mul3A_85 : i32
      %swap3A_87 = arith.index_cast %mul3A_86 : i32 to index
      %swap3A_88 = tpu.vector_load %arg9[%swap3A_87] {strides = array<i32>} : memref<640xf32, #tpu.memory_space<vmem>>, vector<16xf32>,
      %swap3A_89 = vector.shape_cast %swap3A_88 : vector<16xf32> to vector<16xf32>
      %swap3A_90 = vector.shape_cast %broadcast_in_dim3A_84 : vector<16xf32> to vector<16xf32>
      tpu.vector_store %arg9[%swap3A_87], %swap3A_90 {strides = array<i32>} : memref<640xf32, #tpu.memory_space<vmem>>, vector<16xf32>,
      %scan3A_91 = arith.constant 0 : i32
      scf.yield %scan3A_91 : i32
    }
    %scan3A_32 = arith.constant 40 : i32
    %mul3A_33 = arith.constant 13 : i32
    %mul3A_34 = arith.muli %add3A, %mul3A_33 : i32
    %dma_wait3A = arith.constant 1 : i32
    %dma_wait3A_35 = arith.constant 0 : i32
    %dma_wait3A_36 = tpu.memref_slice %arg2[%dma_wait3A, %mul3A_34, %dma_wait3A_35] : memref<2x416x768xi32, #tpu.memory_space<hbm>> -> memref<1x13x768xi32, #tpu.memory_space<hbm>>
    %dma_wait3A_37 = tpu.memref_squeeze %dma_wait3A_36 : memref<1x13x768xi32, #tpu.memory_space<hbm>> -> memref<13x768xi32, #tpu.memory_space<hbm>>
    %dma_wait3A_38 = arith.constant 0 : i32
    %dma_wait3A_39 = tpu.memref_slice %arg2[%dma_wait3A, %mul3A_34, %dma_wait3A_38] : memref<2x416x768xi32, #tpu.memory_space<hbm>> -> memref<1x13x768xi32, #tpu.memory_space<hbm>>
    %dma_wait3A_40 = tpu.memref_squeeze %dma_wait3A_39 : memref<1x13x768xi32, #tpu.memory_space<hbm>> -> memref<13x768xi32, #tpu.memory_space<hbm>>
    tpu.wait_dma2 semaphore(%arg11 : memref<!tpu.dma_semaphore, #tpu.memory_space<semaphore_mem>>) src(%dma_wait3A_40 : memref<13x768xi32, #tpu.memory_space<hbm>>) dst(%arg5 : memref<13x768xi32, #tpu.memory_space<vmem>>)
    %mul3A_41 = arith.constant 16 : i32
    %mul3A_42 = arith.muli %add3A, %mul3A_41 : i32
    %dma_wait3A_43 = arith.constant 1 : i32
    %dma_wait3A_44 = tpu.memref_slice %arg3[%dma_wait3A_43, %mul3A_42] : memref<2x512xi32, #tpu.memory_space<hbm>> -> memref<1x16xi32, #tpu.memory_space<hbm>>
    %dma_wait3A_45 = tpu.memref_squeeze %dma_wait3A_44 : memref<1x16xi32, #tpu.memory_space<hbm>> -> memref<16xi32, #tpu.memory_space<hbm>>
    %dma_wait3A_46 = tpu.memref_slice %arg3[%dma_wait3A_43, %mul3A_42] : memref<2x512xi32, #tpu.memory_space<hbm>> -> memref<1x16xi32, #tpu.memory_space<hbm>>
    %dma_wait3A_47 = tpu.memref_squeeze %dma_wait3A_46 : memref<1x16xi32, #tpu.memory_space<hbm>> -> memref<16xi32, #tpu.memory_space<hbm>>
    tpu.wait_dma2 semaphore(%arg11 : memref<!tpu.dma_semaphore, #tpu.memory_space<semaphore_mem>>) src(%dma_wait3A_47 : memref<16xi32, #tpu.memory_space<hbm>>) dst(%arg6 : memref<16xi32, #tpu.memory_space<vmem>>)
    %mul3A_48 = arith.constant 640 : i32
    %mul3A_49 = arith.muli %arg1, %mul3A_48 : i32
    "tpu.region"() ({
      %run_scoped3A = tpu.sem_alloc : memref<!tpu.dma_semaphore, #tpu.memory_space<semaphore_mem>>
      %dma_start3A_81 = tpu.memref_slice %arg10[%mul3A_49] : memref<10240xf32, #tpu.memory_space<vmem_shared>> -> memref<640xf32, #tpu.memory_space<vmem_shared>>
      %dma_start3A_82 = tpu.memref_slice %arg10[%mul3A_49] : memref<10240xf32, #tpu.memory_space<vmem_shared>> -> memref<640xf32, #tpu.memory_space<vmem_shared>>
      tpu.enqueue_dma source(%arg9 : memref<640xf32, #tpu.memory_space<vmem>>) target(%dma_start3A_82 : memref<640xf32, #tpu.memory_space<vmem_shared>>) target_semaphore(%run_scoped3A : memref<!tpu.dma_semaphore, #tpu.memory_space<semaphore_mem>>)
      %dma_wait3A_83 = tpu.memref_slice %arg10[%mul3A_49] : memref<10240xf32, #tpu.memory_space<vmem_shared>> -> memref<640xf32, #tpu.memory_space<vmem_shared>>
      %dma_wait3A_84 = tpu.memref_slice %arg10[%mul3A_49] : memref<10240xf32, #tpu.memory_space<vmem_shared>> -> memref<640xf32, #tpu.memory_space<vmem_shared>>
      tpu.wait_dma2 semaphore(%run_scoped3A : memref<!tpu.dma_semaphore, #tpu.memory_space<semaphore_mem>>) src(%arg9 : memref<640xf32, #tpu.memory_space<vmem>>) dst(%dma_wait3A_84 : memref<640xf32, #tpu.memory_space<vmem_shared>>)
      tpu.yield
    }) : () -> ()
    %barrier3A = arith.constant 0 : index
    tpu.barrier barrier_id(%barrier3A)
    %dma_start3A_50 = arith.constant 0 : i32
    %dma_start3A_51 = arith.constant 0 : i32
    %dma_start3A_52 = tpu.memref_slice %arg5[%dma_start3A_50, %dma_start3A_51] : memref<13x768xi32, #tpu.memory_space<vmem>> -> memref<1x768xi32, #tpu.memory_space<vmem>>
    %dma_start3A_53 = tpu.memref_squeeze %dma_start3A_52 : memref<1x768xi32, #tpu.memory_space<vmem>> -> memref<768xi32, #tpu.memory_space<vmem>>
    %dma_start3A_54 = arith.constant 0 : i32
    %dma_start3A_55 = tpu.memref_slice %arg10[%dma_start3A_54] : memref<10240xf32, #tpu.memory_space<vmem_shared>> -> memref<10240xf32, #tpu.memory_space<vmem_shared>>
    tpu.enqueue_indirect_dma source(%arg7 : memref<768xf32, #tpu.memory_space<vmem>>) target(%dma_start3A_55 : memref<10240xf32, #tpu.memory_space<vmem_shared>>) offsets(%dma_start3A_53 : memref<768xi32, #tpu.memory_space<vmem>>) semaphore(%arg12 : memref<!tpu.dma_semaphore, #tpu.memory_space<semaphore_mem>>) {add = true}
    %dma_start3A_56 = arith.constant 1 : i32
    %dma_start3A_57 = arith.constant 0 : i32
    %dma_start3A_58 = tpu.memref_slice %arg5[%dma_start3A_56, %dma_start3A_57] : memref<13x768xi32, #tpu.memory_space<vmem>> -> memref<1x768xi32, #tpu.memory_space<vmem>>
    %dma_start3A_59 = tpu.memref_squeeze %dma_start3A_58 : memref<1x768xi32, #tpu.memory_space<vmem>> -> memref<768xi32, #tpu.memory_space<vmem>>
    %dma_start3A_60 = arith.constant 0 : i32
    %dma_start3A_61 = tpu.memref_slice %arg10[%dma_start3A_60] : memref<10240xf32, #tpu.memory_space<vmem_shared>> -> memref<10240xf32, #tpu.memory_space<vmem_shared>>
    tpu.enqueue_indirect_dma source(%arg7 : memref<768xf32, #tpu.memory_space<vmem>>) target(%dma_start3A_61 : memref<10240xf32, #tpu.memory_space<vmem_shared>>) offsets(%dma_start3A_59 : memref<768xi32, #tpu.memory_space<vmem>>) semaphore(%arg12 : memref<!tpu.dma_semaphore, #tpu.memory_space<semaphore_mem>>) {add = true}
    %scan3A_62 = arith.constant 0 : i32
    %scan3A_63 = arith.constant 0 : i32
    %scan3A_64 = arith.constant 11 : i32
    %scan3A_65 = arith.addi %scan3A_63, %scan3A_64 : i32
    %scan3A_66 = arith.constant 1 : i32
    %scan3A_67 = scf.for %scan3A_81 = %scan3A_63 to %scan3A_65 step %scan3A_66 iter_args(%scan3A_82 = %scan3A_62) -> (i32)  : i32 {
      %dma_wait3A_83 = arith.constant 0 : i32
      %dma_wait3A_84 = tpu.memref_slice %arg5[%scan3A_81, %dma_wait3A_83] : memref<13x768xi32, #tpu.memory_space<vmem>> -> memref<1x768xi32, #tpu.memory_space<vmem>>
      %dma_wait3A_85 = tpu.memref_squeeze %dma_wait3A_84 : memref<1x768xi32, #tpu.memory_space<vmem>> -> memref<768xi32, #tpu.memory_space<vmem>>
      %dma_wait3A_86 = arith.constant 0 : i32
      %dma_wait3A_87 = tpu.memref_slice %arg10[%dma_wait3A_86] : memref<10240xf32, #tpu.memory_space<vmem_shared>> -> memref<10240xf32, #tpu.memory_space<vmem_shared>>
      tpu.wait_indirect_dma semaphore(%arg12 : memref<!tpu.dma_semaphore, #tpu.memory_space<semaphore_mem>>) src(%arg7 : memref<768xf32, #tpu.memory_space<vmem>>) dst(%dma_wait3A_87 : memref<10240xf32, #tpu.memory_space<vmem_shared>>)
      %add3A_88 = arith.constant 2 : i32
      %add3A_89 = arith.addi %scan3A_81, %add3A_88 : i32
      %dma_start3A_90 = arith.constant 0 : i32
      %dma_start3A_91 = tpu.memref_slice %arg5[%add3A_89, %dma_start3A_90] : memref<13x768xi32, #tpu.memory_space<vmem>> -> memref<1x768xi32, #tpu.memory_space<vmem>>
      %dma_start3A_92 = tpu.memref_squeeze %dma_start3A_91 : memref<1x768xi32, #tpu.memory_space<vmem>> -> memref<768xi32, #tpu.memory_space<vmem>>
      %dma_start3A_93 = arith.constant 0 : i32
      %dma_start3A_94 = tpu.memref_slice %arg10[%dma_start3A_93] : memref<10240xf32, #tpu.memory_space<vmem_shared>> -> memref<10240xf32, #tpu.memory_space<vmem_shared>>
      tpu.enqueue_indirect_dma source(%arg7 : memref<768xf32, #tpu.memory_space<vmem>>) target(%dma_start3A_94 : memref<10240xf32, #tpu.memory_space<vmem_shared>>) offsets(%dma_start3A_92 : memref<768xi32, #tpu.memory_space<vmem>>) semaphore(%arg12 : memref<!tpu.dma_semaphore, #tpu.memory_space<semaphore_mem>>) {add = true}
      %scan3A_95 = arith.constant 0 : i32
      scf.yield %scan3A_95 : i32
    }
    %scan3A_68 = arith.constant 11 : i32
    %scan3A_69 = arith.constant 0 : i32
    %scan3A_70 = arith.constant 0 : i32
    %scan3A_71 = arith.constant 2 : i32
    %scan3A_72 = arith.addi %scan3A_70, %scan3A_71 : i32
    %scan3A_73 = arith.constant 1 : i32
    %scan3A_74 = scf.for %scan3A_81 = %scan3A_70 to %scan3A_72 step %scan3A_73 iter_args(%scan3A_82 = %scan3A_69) -> (i32)  : i32 {
      %dma_wait3A_83 = arith.constant 0 : i32
      %dma_wait3A_84 = tpu.memref_slice %arg5[%scan3A_81, %dma_wait3A_83] : memref<13x768xi32, #tpu.memory_space<vmem>> -> memref<1x768xi32, #tpu.memory_space<vmem>>
      %dma_wait3A_85 = tpu.memref_squeeze %dma_wait3A_84 : memref<1x768xi32, #tpu.memory_space<vmem>> -> memref<768xi32, #tpu.memory_space<vmem>>
      %dma_wait3A_86 = arith.constant 0 : i32
      %dma_wait3A_87 = tpu.memref_slice %arg10[%dma_wait3A_86] : memref<10240xf32, #tpu.memory_space<vmem_shared>> -> memref<10240xf32, #tpu.memory_space<vmem_shared>>
      tpu.wait_indirect_dma semaphore(%arg12 : memref<!tpu.dma_semaphore, #tpu.memory_space<semaphore_mem>>) src(%arg7 : memref<768xf32, #tpu.memory_space<vmem>>) dst(%dma_wait3A_87 : memref<10240xf32, #tpu.memory_space<vmem_shared>>)
      %scan3A_88 = arith.constant 0 : i32
      scf.yield %scan3A_88 : i32
    }
    %scan3A_75 = arith.constant 2 : i32
    "tpu.region"() ({
      %run_scoped3A = tpu.sem_alloc : memref<!tpu.dma_semaphore, #tpu.memory_space<semaphore_mem>>
      %dma_start3A_81 = arith.constant 0 : i32
      %dma_start3A_82 = tpu.memref_slice %arg10[%dma_start3A_81] : memref<10240xf32, #tpu.memory_space<vmem_shared>> -> memref<10240xf32, #tpu.memory_space<vmem_shared>>
      tpu.enqueue_indirect_dma source(%arg8 : memref<16xf32, #tpu.memory_space<vmem>>) target(%dma_start3A_82 : memref<10240xf32, #tpu.memory_space<vmem_shared>>) offsets(%arg6 : memref<16xi32, #tpu.memory_space<vmem>>) semaphore(%run_scoped3A : memref<!tpu.dma_semaphore, #tpu.memory_space<semaphore_mem>>) {add = true}
      %dma_wait3A_83 = arith.constant 0 : i32
      %dma_wait3A_84 = tpu.memref_slice %arg10[%dma_wait3A_83] : memref<10240xf32, #tpu.memory_space<vmem_shared>> -> memref<10240xf32, #tpu.memory_space<vmem_shared>>
      tpu.wait_indirect_dma semaphore(%run_scoped3A : memref<!tpu.dma_semaphore, #tpu.memory_space<semaphore_mem>>) src(%arg8 : memref<16xf32, #tpu.memory_space<vmem>>) dst(%dma_wait3A_84 : memref<10240xf32, #tpu.memory_space<vmem_shared>>)
      tpu.yield
    }) : () -> ()
    %barrier3A_76 = arith.constant 0 : index
    tpu.barrier barrier_id(%barrier3A_76)
    %mul3A_77 = arith.constant 640 : i32
    %mul3A_78 = arith.muli %arg1, %mul3A_77 : i32
    %mul3A_79 = arith.constant 640 : i32
    %mul3A_80 = arith.muli %arg1, %mul3A_79 : i32
    "tpu.region"() ({
      %run_scoped3A = tpu.sem_alloc : memref<!tpu.dma_semaphore, #tpu.memory_space<semaphore_mem>>
      %dma_start3A_81 = arith.constant 0 : i32
      %dma_start3A_82 = tpu.memref_slice %arg4[%arg0, %dma_start3A_81] : memref<2x10240xf32, #tpu.memory_space<hbm>> -> memref<1x10240xf32, #tpu.memory_space<hbm>>
      %dma_start3A_83 = tpu.memref_squeeze %dma_start3A_82 : memref<1x10240xf32, #tpu.memory_space<hbm>> -> memref<10240xf32, #tpu.memory_space<hbm>>
      %dma_start3A_84 = tpu.memref_slice %dma_start3A_83[%mul3A_80] : memref<10240xf32, #tpu.memory_space<hbm>> -> memref<640xf32, #tpu.memory_space<hbm>>
      %dma_start3A_85 = tpu.memref_slice %arg10[%mul3A_78] : memref<10240xf32, #tpu.memory_space<vmem_shared>> -> memref<640xf32, #tpu.memory_space<vmem_shared>>
      tpu.enqueue_dma source(%dma_start3A_85 : memref<640xf32, #tpu.memory_space<vmem_shared>>) target(%dma_start3A_84 : memref<640xf32, #tpu.memory_space<hbm>>) target_semaphore(%run_scoped3A : memref<!tpu.dma_semaphore, #tpu.memory_space<semaphore_mem>>)
      %dma_wait3A_86 = arith.constant 0 : i32
      %dma_wait3A_87 = tpu.memref_slice %arg4[%arg0, %dma_wait3A_86] : memref<2x10240xf32, #tpu.memory_space<hbm>> -> memref<1x10240xf32, #tpu.memory_space<hbm>>
      %dma_wait3A_88 = tpu.memref_squeeze %dma_wait3A_87 : memref<1x10240xf32, #tpu.memory_space<hbm>> -> memref<10240xf32, #tpu.memory_space<hbm>>
      %dma_wait3A_89 = tpu.memref_slice %dma_wait3A_88[%mul3A_80] : memref<10240xf32, #tpu.memory_space<hbm>> -> memref<640xf32, #tpu.memory_space<hbm>>
      %dma_wait3A_90 = tpu.memref_slice %arg10[%mul3A_78] : memref<10240xf32, #tpu.memory_space<vmem_shared>> -> memref<640xf32, #tpu.memory_space<vmem_shared>>
      tpu.wait_dma2 semaphore(%run_scoped3A : memref<!tpu.dma_semaphore, #tpu.memory_space<semaphore_mem>>) src(%dma_wait3A_90 : memref<640xf32, #tpu.memory_space<vmem_shared>>) dst(%dma_wait3A_89 : memref<640xf32, #tpu.memory_space<hbm>>)
      tpu.yield
    }) : () -> ()
    return
  }
}

#map = affine_map<(d0, d1) -> (0, 0, 0)>
#map1 = affine_map<(d0, d1) -> (0, 0)>
module attributes {stable_mosaic.version = 14 : i64} {
  func.func @agg(%arg0: i32, %arg1: i32, %arg2: memref<2x416x768xi32, #tpu.memory_space<hbm>>, %arg3: memref<2x512xi32, #tpu.memory_space<hbm>>, %arg4: memref<10000x64xf32, #tpu.memory_space<hbm>>, %arg5: memref<2x10240x64xf32, #tpu.memory_space<hbm>>, %arg6: memref<13x768xi32, #tpu.memory_space<vmem>>, %arg7: memref<13x768xi32, #tpu.memory_space<vmem>>, %arg8: memref<16xi32, #tpu.memory_space<vmem>>, %arg9: memref<16xi32, #tpu.memory_space<vmem>>, %arg10: memref<6x128x64xf32, #tpu.memory_space<vmem>>, %arg11: memref<16x64xf32, #tpu.memory_space<vmem>>, %arg12: memref<64x64xf32, #tpu.memory_space<vmem>>, %arg13: memref<10240x64xf32, #tpu.memory_space<vmem_shared>>, %arg14: memref<!tpu.dma_semaphore, #tpu.memory_space<semaphore_mem>>, %arg15: memref<!tpu.dma_semaphore, #tpu.memory_space<semaphore_mem>>, %arg16: memref<!tpu.dma_semaphore, #tpu.memory_space<semaphore_mem>>, %arg17: memref<!tpu.dma_semaphore, #tpu.memory_space<semaphore_mem>>, %arg18: memref<!tpu.dma_semaphore, #tpu.memory_space<semaphore_mem>>, %arg19: memref<!tpu.dma_semaphore, #tpu.memory_space<semaphore_mem>>, %arg20: memref<!tpu.dma_semaphore, #tpu.memory_space<semaphore_mem>>, %arg21: memref<!tpu.dma_semaphore, #tpu.memory_space<semaphore_mem>>, %arg22: memref<!tpu.dma_semaphore, #tpu.memory_space<semaphore_mem>>, %arg23: memref<!tpu.dma_semaphore, #tpu.memory_space<semaphore_mem>>, %arg24: memref<!tpu.dma_semaphore, #tpu.memory_space<semaphore_mem>>, %arg25: memref<!tpu.dma_semaphore, #tpu.memory_space<semaphore_mem>>, %arg26: memref<!tpu.dma_semaphore, #tpu.memory_space<semaphore_mem>>) attributes {dimension_semantics = [#tpu.dimension_semantics<core_parallel>, #tpu.dimension_semantics<subcore_parallel>], iteration_bounds = array<i64: 2, 16>, scalar_prefetch = 0 : i64, scratch_operands = 21 : i64, tpu.core_type = #tpu.core_type<sc_vector_subcore>, window_params = [{transform_indices = #map}, {transform_indices = #map1}, {transform_indices = #map1}, {transform_indices = #map}]} {
    %mul3A = arith.constant 16 : i32
    %mul3A_0 = arith.muli %arg0, %mul3A : i32
    %add3A = arith.addi %mul3A_0, %arg1 : i32
    %mul3A_1 = arith.constant 13 : i32
    %mul3A_2 = arith.muli %add3A, %mul3A_1 : i32
    %dma_start3A = arith.constant 0 : i32
    %dma_start3A_3 = arith.constant 0 : i32
    %dma_start3A_4 = tpu.memref_slice %arg2[%dma_start3A, %mul3A_2, %dma_start3A_3] : memref<2x416x768xi32, #tpu.memory_space<hbm>> -> memref<1x13x768xi32, #tpu.memory_space<hbm>>
    %dma_start3A_5 = tpu.memref_squeeze %dma_start3A_4 : memref<1x13x768xi32, #tpu.memory_space<hbm>> -> memref<13x768xi32, #tpu.memory_space<hbm>>
    %dma_start3A_6 = arith.constant 0 : i32
    %dma_start3A_7 = tpu.memref_slice %arg2[%dma_start3A, %mul3A_2, %dma_start3A_6] : memref<2x416x768xi32, #tpu.memory_space<hbm>> -> memref<1x13x768xi32, #tpu.memory_space<hbm>>
    %dma_start3A_8 = tpu.memref_squeeze %dma_start3A_7 : memref<1x13x768xi32, #tpu.memory_space<hbm>> -> memref<13x768xi32, #tpu.memory_space<hbm>>
    tpu.enqueue_dma source(%dma_start3A_8 : memref<13x768xi32, #tpu.memory_space<hbm>>) target(%arg6 : memref<13x768xi32, #tpu.memory_space<vmem>>) target_semaphore(%arg14 : memref<!tpu.dma_semaphore, #tpu.memory_space<semaphore_mem>>)
    %mul3A_9 = arith.constant 16 : i32
    %mul3A_10 = arith.muli %add3A, %mul3A_9 : i32
    %dma_start3A_11 = arith.constant 0 : i32
    %dma_start3A_12 = tpu.memref_slice %arg3[%dma_start3A_11, %mul3A_10] : memref<2x512xi32, #tpu.memory_space<hbm>> -> memref<1x16xi32, #tpu.memory_space<hbm>>
    %dma_start3A_13 = tpu.memref_squeeze %dma_start3A_12 : memref<1x16xi32, #tpu.memory_space<hbm>> -> memref<16xi32, #tpu.memory_space<hbm>>
    %dma_start3A_14 = tpu.memref_slice %arg3[%dma_start3A_11, %mul3A_10] : memref<2x512xi32, #tpu.memory_space<hbm>> -> memref<1x16xi32, #tpu.memory_space<hbm>>
    %dma_start3A_15 = tpu.memref_squeeze %dma_start3A_14 : memref<1x16xi32, #tpu.memory_space<hbm>> -> memref<16xi32, #tpu.memory_space<hbm>>
    tpu.enqueue_dma source(%dma_start3A_15 : memref<16xi32, #tpu.memory_space<hbm>>) target(%arg8 : memref<16xi32, #tpu.memory_space<vmem>>) target_semaphore(%arg14 : memref<!tpu.dma_semaphore, #tpu.memory_space<semaphore_mem>>)
    %mul3A_16 = arith.constant 13 : i32
    %mul3A_17 = arith.muli %add3A, %mul3A_16 : i32
    %dma_start3A_18 = arith.constant 1 : i32
    %dma_start3A_19 = arith.constant 0 : i32
    %dma_start3A_20 = tpu.memref_slice %arg2[%dma_start3A_18, %mul3A_17, %dma_start3A_19] : memref<2x416x768xi32, #tpu.memory_space<hbm>> -> memref<1x13x768xi32, #tpu.memory_space<hbm>>
    %dma_start3A_21 = tpu.memref_squeeze %dma_start3A_20 : memref<1x13x768xi32, #tpu.memory_space<hbm>> -> memref<13x768xi32, #tpu.memory_space<hbm>>
    %dma_start3A_22 = arith.constant 0 : i32
    %dma_start3A_23 = tpu.memref_slice %arg2[%dma_start3A_18, %mul3A_17, %dma_start3A_22] : memref<2x416x768xi32, #tpu.memory_space<hbm>> -> memref<1x13x768xi32, #tpu.memory_space<hbm>>
    %dma_start3A_24 = tpu.memref_squeeze %dma_start3A_23 : memref<1x13x768xi32, #tpu.memory_space<hbm>> -> memref<13x768xi32, #tpu.memory_space<hbm>>
    tpu.enqueue_dma source(%dma_start3A_24 : memref<13x768xi32, #tpu.memory_space<hbm>>) target(%arg7 : memref<13x768xi32, #tpu.memory_space<vmem>>) target_semaphore(%arg14 : memref<!tpu.dma_semaphore, #tpu.memory_space<semaphore_mem>>)
    %mul3A_25 = arith.constant 16 : i32
    %mul3A_26 = arith.muli %add3A, %mul3A_25 : i32
    %dma_start3A_27 = arith.constant 1 : i32
    %dma_start3A_28 = tpu.memref_slice %arg3[%dma_start3A_27, %mul3A_26] : memref<2x512xi32, #tpu.memory_space<hbm>> -> memref<1x16xi32, #tpu.memory_space<hbm>>
    %dma_start3A_29 = tpu.memref_squeeze %dma_start3A_28 : memref<1x16xi32, #tpu.memory_space<hbm>> -> memref<16xi32, #tpu.memory_space<hbm>>
    %dma_start3A_30 = tpu.memref_slice %arg3[%dma_start3A_27, %mul3A_26] : memref<2x512xi32, #tpu.memory_space<hbm>> -> memref<1x16xi32, #tpu.memory_space<hbm>>
    %dma_start3A_31 = tpu.memref_squeeze %dma_start3A_30 : memref<1x16xi32, #tpu.memory_space<hbm>> -> memref<16xi32, #tpu.memory_space<hbm>>
    tpu.enqueue_dma source(%dma_start3A_31 : memref<16xi32, #tpu.memory_space<hbm>>) target(%arg9 : memref<16xi32, #tpu.memory_space<vmem>>) target_semaphore(%arg14 : memref<!tpu.dma_semaphore, #tpu.memory_space<semaphore_mem>>)
    %scan3A = arith.constant 0 : i32
    %scan3A_32 = arith.constant 0 : i32
    %scan3A_33 = arith.constant 256 : i32
    %scan3A_34 = arith.addi %scan3A_32, %scan3A_33 : i32
    %scan3A_35 = arith.constant 1 : i32
    %scan3A_36 = scf.for %scan3A_331 = %scan3A_32 to %scan3A_34 step %scan3A_35 iter_args(%scan3A_332 = %scan3A) -> (i32)  : i32 {
      %jit3A = arith.constant 4 : i32
      %div3A = arith.divsi %scan3A_331, %jit3A : i32
      %sign3A = arith.constant 0 : i32
      %sign3A_333 = arith.cmpi sgt, %scan3A_331, %sign3A : i32
      %sign3A_334 = arith.extui %sign3A_333 : i1 to i32
      %sign3A_335 = arith.constant 0 : i32
      %sign3A_336 = arith.cmpi slt, %scan3A_331, %sign3A_335 : i32
      %sign3A_337 = arith.extui %sign3A_336 : i1 to i32
      %sign3A_338 = arith.subi %sign3A_334, %sign3A_337 : i32
      %sign3A_339 = arith.constant 0 : i32
      %sign3A_340 = arith.cmpi sgt, %jit3A, %sign3A_339 : i32
      %sign3A_341 = arith.extui %sign3A_340 : i1 to i32
      %sign3A_342 = arith.constant 0 : i32
      %sign3A_343 = arith.cmpi slt, %jit3A, %sign3A_342 : i32
      %sign3A_344 = arith.extui %sign3A_343 : i1 to i32
      %sign3A_345 = arith.subi %sign3A_341, %sign3A_344 : i32
      %ne3A = arith.cmpi ne, %sign3A_338, %sign3A_345 : i32
      %rem3A = arith.remsi %scan3A_331, %jit3A : i32
      %ne3A_346 = arith.constant 0 : i32
      %ne3A_347 = arith.cmpi ne, %rem3A, %ne3A_346 : i32
      %and3A = arith.andi %ne3A, %ne3A_347 : i1
      %sub3A = arith.constant 1 : i32
      %sub3A_348 = arith.subi %div3A, %sub3A : i32
      %select_n3A = arith.select %and3A, %sub3A_348, %div3A : i32
      %jit3A_349 = arith.constant 4 : i32
      %eq3A = arith.constant 0 : i32
      %eq3A_350 = arith.cmpi eq, %jit3A_349, %eq3A : i32
      %jit3A_351 = arith.constant 1 : i32
      %select_n3A_352 = arith.select %eq3A_350, %jit3A_351, %jit3A_349 : i32
      %rem3A_353 = arith.remsi %scan3A_331, %select_n3A_352 : i32
      %ne3A_354 = arith.constant 0 : i32
      %ne3A_355 = arith.cmpi ne, %rem3A_353, %ne3A_354 : i32
      %lt3A = arith.constant 0 : i32
      %lt3A_356 = arith.cmpi slt, %rem3A_353, %lt3A : i32
      %lt3A_357 = arith.constant 0 : i32
      %lt3A_358 = arith.cmpi slt, %select_n3A_352, %lt3A_357 : i32
      %ne3A_359 = arith.xori %lt3A_356, %lt3A_358 : i1
      %and3A_360 = arith.andi %ne3A_359, %ne3A_355 : i1
      %add3A_361 = arith.addi %rem3A_353, %select_n3A_352 : i32
      %select_n3A_362 = arith.select %and3A_360, %add3A_361, %rem3A_353 : i32
      %broadcast_in_dim3A = arith.constant 0.000000e+00 : f32
      %broadcast_in_dim3A_363 = vector.broadcast %broadcast_in_dim3A : f32 to vector<16xf32>
      %mul3A_364 = arith.constant 16 : i32
      %mul3A_365 = arith.muli %select_n3A_362, %mul3A_364 : i32
      %swap3A = arith.index_cast %select_n3A : i32 to index
      %swap3A_366 = arith.index_cast %mul3A_365 : i32 to index
      %swap3A_367 = tpu.vector_load %arg12[%swap3A, %swap3A_366] {strides = array<i32>} : memref<64x64xf32, #tpu.memory_space<vmem>>, vector<1x16xf32>,
      %swap3A_368 = vector.shape_cast %swap3A_367 : vector<1x16xf32> to vector<16xf32>
      %swap3A_369 = vector.shape_cast %broadcast_in_dim3A_363 : vector<16xf32> to vector<1x16xf32>
      tpu.vector_store %arg12[%swap3A, %swap3A_366], %swap3A_369 {strides = array<i32>} : memref<64x64xf32, #tpu.memory_space<vmem>>, vector<1x16xf32>,
      %scan3A_370 = arith.constant 0 : i32
      scf.yield %scan3A_370 : i32
    }
    %scan3A_37 = arith.constant 256 : i32
    %mul3A_38 = arith.constant 13 : i32
    %mul3A_39 = arith.muli %add3A, %mul3A_38 : i32
    %dma_wait3A = arith.constant 0 : i32
    %dma_wait3A_40 = arith.constant 0 : i32
    %dma_wait3A_41 = tpu.memref_slice %arg2[%dma_wait3A, %mul3A_39, %dma_wait3A_40] : memref<2x416x768xi32, #tpu.memory_space<hbm>> -> memref<1x13x768xi32, #tpu.memory_space<hbm>>
    %dma_wait3A_42 = tpu.memref_squeeze %dma_wait3A_41 : memref<1x13x768xi32, #tpu.memory_space<hbm>> -> memref<13x768xi32, #tpu.memory_space<hbm>>
    %dma_wait3A_43 = arith.constant 0 : i32
    %dma_wait3A_44 = tpu.memref_slice %arg2[%dma_wait3A, %mul3A_39, %dma_wait3A_43] : memref<2x416x768xi32, #tpu.memory_space<hbm>> -> memref<1x13x768xi32, #tpu.memory_space<hbm>>
    %dma_wait3A_45 = tpu.memref_squeeze %dma_wait3A_44 : memref<1x13x768xi32, #tpu.memory_space<hbm>> -> memref<13x768xi32, #tpu.memory_space<hbm>>
    tpu.wait_dma2 semaphore(%arg14 : memref<!tpu.dma_semaphore, #tpu.memory_space<semaphore_mem>>) src(%dma_wait3A_45 : memref<13x768xi32, #tpu.memory_space<hbm>>) dst(%arg6 : memref<13x768xi32, #tpu.memory_space<vmem>>)
    %mul3A_46 = arith.constant 16 : i32
    %mul3A_47 = arith.muli %add3A, %mul3A_46 : i32
    %dma_wait3A_48 = arith.constant 0 : i32
    %dma_wait3A_49 = tpu.memref_slice %arg3[%dma_wait3A_48, %mul3A_47] : memref<2x512xi32, #tpu.memory_space<hbm>> -> memref<1x16xi32, #tpu.memory_space<hbm>>
    %dma_wait3A_50 = tpu.memref_squeeze %dma_wait3A_49 : memref<1x16xi32, #tpu.memory_space<hbm>> -> memref<16xi32, #tpu.memory_space<hbm>>
    %dma_wait3A_51 = tpu.memref_slice %arg3[%dma_wait3A_48, %mul3A_47] : memref<2x512xi32, #tpu.memory_space<hbm>> -> memref<1x16xi32, #tpu.memory_space<hbm>>
    %dma_wait3A_52 = tpu.memref_squeeze %dma_wait3A_51 : memref<1x16xi32, #tpu.memory_space<hbm>> -> memref<16xi32, #tpu.memory_space<hbm>>
    tpu.wait_dma2 semaphore(%arg14 : memref<!tpu.dma_semaphore, #tpu.memory_space<semaphore_mem>>) src(%dma_wait3A_52 : memref<16xi32, #tpu.memory_space<hbm>>) dst(%arg8 : memref<16xi32, #tpu.memory_space<vmem>>)
    %mul3A_53 = arith.constant 13 : i32
    %mul3A_54 = arith.muli %add3A, %mul3A_53 : i32
    %dma_wait3A_55 = arith.constant 1 : i32
    %dma_wait3A_56 = arith.constant 0 : i32
    %dma_wait3A_57 = tpu.memref_slice %arg2[%dma_wait3A_55, %mul3A_54, %dma_wait3A_56] : memref<2x416x768xi32, #tpu.memory_space<hbm>> -> memref<1x13x768xi32, #tpu.memory_space<hbm>>
    %dma_wait3A_58 = tpu.memref_squeeze %dma_wait3A_57 : memref<1x13x768xi32, #tpu.memory_space<hbm>> -> memref<13x768xi32, #tpu.memory_space<hbm>>
    %dma_wait3A_59 = arith.constant 0 : i32
    %dma_wait3A_60 = tpu.memref_slice %arg2[%dma_wait3A_55, %mul3A_54, %dma_wait3A_59] : memref<2x416x768xi32, #tpu.memory_space<hbm>> -> memref<1x13x768xi32, #tpu.memory_space<hbm>>
    %dma_wait3A_61 = tpu.memref_squeeze %dma_wait3A_60 : memref<1x13x768xi32, #tpu.memory_space<hbm>> -> memref<13x768xi32, #tpu.memory_space<hbm>>
    tpu.wait_dma2 semaphore(%arg14 : memref<!tpu.dma_semaphore, #tpu.memory_space<semaphore_mem>>) src(%dma_wait3A_61 : memref<13x768xi32, #tpu.memory_space<hbm>>) dst(%arg7 : memref<13x768xi32, #tpu.memory_space<vmem>>)
    %mul3A_62 = arith.constant 16 : i32
    %mul3A_63 = arith.muli %add3A, %mul3A_62 : i32
    %dma_wait3A_64 = arith.constant 1 : i32
    %dma_wait3A_65 = tpu.memref_slice %arg3[%dma_wait3A_64, %mul3A_63] : memref<2x512xi32, #tpu.memory_space<hbm>> -> memref<1x16xi32, #tpu.memory_space<hbm>>
    %dma_wait3A_66 = tpu.memref_squeeze %dma_wait3A_65 : memref<1x16xi32, #tpu.memory_space<hbm>> -> memref<16xi32, #tpu.memory_space<hbm>>
    %dma_wait3A_67 = tpu.memref_slice %arg3[%dma_wait3A_64, %mul3A_63] : memref<2x512xi32, #tpu.memory_space<hbm>> -> memref<1x16xi32, #tpu.memory_space<hbm>>
    %dma_wait3A_68 = tpu.memref_squeeze %dma_wait3A_67 : memref<1x16xi32, #tpu.memory_space<hbm>> -> memref<16xi32, #tpu.memory_space<hbm>>
    tpu.wait_dma2 semaphore(%arg14 : memref<!tpu.dma_semaphore, #tpu.memory_space<semaphore_mem>>) src(%dma_wait3A_68 : memref<16xi32, #tpu.memory_space<hbm>>) dst(%arg9 : memref<16xi32, #tpu.memory_space<vmem>>)
    %mul3A_69 = arith.constant 640 : i32
    %mul3A_70 = arith.muli %arg1, %mul3A_69 : i32
    %add3A_71 = arith.constant 0 : i32
    %add3A_72 = arith.addi %mul3A_70, %add3A_71 : i32
    %dma_start3A_73 = arith.constant 0 : i32
    %dma_start3A_74 = tpu.memref_slice %arg13[%add3A_72, %dma_start3A_73] : memref<10240x64xf32, #tpu.memory_space<vmem_shared>> -> memref<64x64xf32, #tpu.memory_space<vmem_shared>>
    %dma_start3A_75 = arith.constant 0 : i32
    %dma_start3A_76 = tpu.memref_slice %arg13[%add3A_72, %dma_start3A_75] : memref<10240x64xf32, #tpu.memory_space<vmem_shared>> -> memref<64x64xf32, #tpu.memory_space<vmem_shared>>
    tpu.enqueue_dma source(%arg12 : memref<64x64xf32, #tpu.memory_space<vmem>>) target(%dma_start3A_76 : memref<64x64xf32, #tpu.memory_space<vmem_shared>>) target_semaphore(%arg14 : memref<!tpu.dma_semaphore, #tpu.memory_space<semaphore_mem>>)
    %mul3A_77 = arith.constant 640 : i32
    %mul3A_78 = arith.muli %arg1, %mul3A_77 : i32
    %add3A_79 = arith.constant 64 : i32
    %add3A_80 = arith.addi %mul3A_78, %add3A_79 : i32
    %dma_start3A_81 = arith.constant 0 : i32
    %dma_start3A_82 = tpu.memref_slice %arg13[%add3A_80, %dma_start3A_81] : memref<10240x64xf32, #tpu.memory_space<vmem_shared>> -> memref<64x64xf32, #tpu.memory_space<vmem_shared>>
    %dma_start3A_83 = arith.constant 0 : i32
    %dma_start3A_84 = tpu.memref_slice %arg13[%add3A_80, %dma_start3A_83] : memref<10240x64xf32, #tpu.memory_space<vmem_shared>> -> memref<64x64xf32, #tpu.memory_space<vmem_shared>>
    tpu.enqueue_dma source(%arg12 : memref<64x64xf32, #tpu.memory_space<vmem>>) target(%dma_start3A_84 : memref<64x64xf32, #tpu.memory_space<vmem_shared>>) target_semaphore(%arg14 : memref<!tpu.dma_semaphore, #tpu.memory_space<semaphore_mem>>)
    %mul3A_85 = arith.constant 640 : i32
    %mul3A_86 = arith.muli %arg1, %mul3A_85 : i32
    %add3A_87 = arith.constant 128 : i32
    %add3A_88 = arith.addi %mul3A_86, %add3A_87 : i32
    %dma_start3A_89 = arith.constant 0 : i32
    %dma_start3A_90 = tpu.memref_slice %arg13[%add3A_88, %dma_start3A_89] : memref<10240x64xf32, #tpu.memory_space<vmem_shared>> -> memref<64x64xf32, #tpu.memory_space<vmem_shared>>
    %dma_start3A_91 = arith.constant 0 : i32
    %dma_start3A_92 = tpu.memref_slice %arg13[%add3A_88, %dma_start3A_91] : memref<10240x64xf32, #tpu.memory_space<vmem_shared>> -> memref<64x64xf32, #tpu.memory_space<vmem_shared>>
    tpu.enqueue_dma source(%arg12 : memref<64x64xf32, #tpu.memory_space<vmem>>) target(%dma_start3A_92 : memref<64x64xf32, #tpu.memory_space<vmem_shared>>) target_semaphore(%arg14 : memref<!tpu.dma_semaphore, #tpu.memory_space<semaphore_mem>>)
    %mul3A_93 = arith.constant 640 : i32
    %mul3A_94 = arith.muli %arg1, %mul3A_93 : i32
    %add3A_95 = arith.constant 192 : i32
    %add3A_96 = arith.addi %mul3A_94, %add3A_95 : i32
    %dma_start3A_97 = arith.constant 0 : i32
    %dma_start3A_98 = tpu.memref_slice %arg13[%add3A_96, %dma_start3A_97] : memref<10240x64xf32, #tpu.memory_space<vmem_shared>> -> memref<64x64xf32, #tpu.memory_space<vmem_shared>>
    %dma_start3A_99 = arith.constant 0 : i32
    %dma_start3A_100 = tpu.memref_slice %arg13[%add3A_96, %dma_start3A_99] : memref<10240x64xf32, #tpu.memory_space<vmem_shared>> -> memref<64x64xf32, #tpu.memory_space<vmem_shared>>
    tpu.enqueue_dma source(%arg12 : memref<64x64xf32, #tpu.memory_space<vmem>>) target(%dma_start3A_100 : memref<64x64xf32, #tpu.memory_space<vmem_shared>>) target_semaphore(%arg14 : memref<!tpu.dma_semaphore, #tpu.memory_space<semaphore_mem>>)
    %mul3A_101 = arith.constant 640 : i32
    %mul3A_102 = arith.muli %arg1, %mul3A_101 : i32
    %add3A_103 = arith.constant 256 : i32
    %add3A_104 = arith.addi %mul3A_102, %add3A_103 : i32
    %dma_start3A_105 = arith.constant 0 : i32
    %dma_start3A_106 = tpu.memref_slice %arg13[%add3A_104, %dma_start3A_105] : memref<10240x64xf32, #tpu.memory_space<vmem_shared>> -> memref<64x64xf32, #tpu.memory_space<vmem_shared>>
    %dma_start3A_107 = arith.constant 0 : i32
    %dma_start3A_108 = tpu.memref_slice %arg13[%add3A_104, %dma_start3A_107] : memref<10240x64xf32, #tpu.memory_space<vmem_shared>> -> memref<64x64xf32, #tpu.memory_space<vmem_shared>>
    tpu.enqueue_dma source(%arg12 : memref<64x64xf32, #tpu.memory_space<vmem>>) target(%dma_start3A_108 : memref<64x64xf32, #tpu.memory_space<vmem_shared>>) target_semaphore(%arg14 : memref<!tpu.dma_semaphore, #tpu.memory_space<semaphore_mem>>)
    %mul3A_109 = arith.constant 640 : i32
    %mul3A_110 = arith.muli %arg1, %mul3A_109 : i32
    %add3A_111 = arith.constant 320 : i32
    %add3A_112 = arith.addi %mul3A_110, %add3A_111 : i32
    %dma_start3A_113 = arith.constant 0 : i32
    %dma_start3A_114 = tpu.memref_slice %arg13[%add3A_112, %dma_start3A_113] : memref<10240x64xf32, #tpu.memory_space<vmem_shared>> -> memref<64x64xf32, #tpu.memory_space<vmem_shared>>
    %dma_start3A_115 = arith.constant 0 : i32
    %dma_start3A_116 = tpu.memref_slice %arg13[%add3A_112, %dma_start3A_115] : memref<10240x64xf32, #tpu.memory_space<vmem_shared>> -> memref<64x64xf32, #tpu.memory_space<vmem_shared>>
    tpu.enqueue_dma source(%arg12 : memref<64x64xf32, #tpu.memory_space<vmem>>) target(%dma_start3A_116 : memref<64x64xf32, #tpu.memory_space<vmem_shared>>) target_semaphore(%arg14 : memref<!tpu.dma_semaphore, #tpu.memory_space<semaphore_mem>>)
    %mul3A_117 = arith.constant 640 : i32
    %mul3A_118 = arith.muli %arg1, %mul3A_117 : i32
    %add3A_119 = arith.constant 384 : i32
    %add3A_120 = arith.addi %mul3A_118, %add3A_119 : i32
    %dma_start3A_121 = arith.constant 0 : i32
    %dma_start3A_122 = tpu.memref_slice %arg13[%add3A_120, %dma_start3A_121] : memref<10240x64xf32, #tpu.memory_space<vmem_shared>> -> memref<64x64xf32, #tpu.memory_space<vmem_shared>>
    %dma_start3A_123 = arith.constant 0 : i32
    %dma_start3A_124 = tpu.memref_slice %arg13[%add3A_120, %dma_start3A_123] : memref<10240x64xf32, #tpu.memory_space<vmem_shared>> -> memref<64x64xf32, #tpu.memory_space<vmem_shared>>
    tpu.enqueue_dma source(%arg12 : memref<64x64xf32, #tpu.memory_space<vmem>>) target(%dma_start3A_124 : memref<64x64xf32, #tpu.memory_space<vmem_shared>>) target_semaphore(%arg14 : memref<!tpu.dma_semaphore, #tpu.memory_space<semaphore_mem>>)
    %mul3A_125 = arith.constant 640 : i32
    %mul3A_126 = arith.muli %arg1, %mul3A_125 : i32
    %add3A_127 = arith.constant 448 : i32
    %add3A_128 = arith.addi %mul3A_126, %add3A_127 : i32
    %dma_start3A_129 = arith.constant 0 : i32
    %dma_start3A_130 = tpu.memref_slice %arg13[%add3A_128, %dma_start3A_129] : memref<10240x64xf32, #tpu.memory_space<vmem_shared>> -> memref<64x64xf32, #tpu.memory_space<vmem_shared>>
    %dma_start3A_131 = arith.constant 0 : i32
    %dma_start3A_132 = tpu.memref_slice %arg13[%add3A_128, %dma_start3A_131] : memref<10240x64xf32, #tpu.memory_space<vmem_shared>> -> memref<64x64xf32, #tpu.memory_space<vmem_shared>>
    tpu.enqueue_dma source(%arg12 : memref<64x64xf32, #tpu.memory_space<vmem>>) target(%dma_start3A_132 : memref<64x64xf32, #tpu.memory_space<vmem_shared>>) target_semaphore(%arg14 : memref<!tpu.dma_semaphore, #tpu.memory_space<semaphore_mem>>)
    %mul3A_133 = arith.constant 640 : i32
    %mul3A_134 = arith.muli %arg1, %mul3A_133 : i32
    %add3A_135 = arith.constant 512 : i32
    %add3A_136 = arith.addi %mul3A_134, %add3A_135 : i32
    %dma_start3A_137 = arith.constant 0 : i32
    %dma_start3A_138 = tpu.memref_slice %arg13[%add3A_136, %dma_start3A_137] : memref<10240x64xf32, #tpu.memory_space<vmem_shared>> -> memref<64x64xf32, #tpu.memory_space<vmem_shared>>
    %dma_start3A_139 = arith.constant 0 : i32
    %dma_start3A_140 = tpu.memref_slice %arg13[%add3A_136, %dma_start3A_139] : memref<10240x64xf32, #tpu.memory_space<vmem_shared>> -> memref<64x64xf32, #tpu.memory_space<vmem_shared>>
    tpu.enqueue_dma source(%arg12 : memref<64x64xf32, #tpu.memory_space<vmem>>) target(%dma_start3A_140 : memref<64x64xf32, #tpu.memory_space<vmem_shared>>) target_semaphore(%arg14 : memref<!tpu.dma_semaphore, #tpu.memory_space<semaphore_mem>>)
    %mul3A_141 = arith.constant 640 : i32
    %mul3A_142 = arith.muli %arg1, %mul3A_141 : i32
    %add3A_143 = arith.constant 576 : i32
    %add3A_144 = arith.addi %mul3A_142, %add3A_143 : i32
    %dma_start3A_145 = arith.constant 0 : i32
    %dma_start3A_146 = tpu.memref_slice %arg13[%add3A_144, %dma_start3A_145] : memref<10240x64xf32, #tpu.memory_space<vmem_shared>> -> memref<64x64xf32, #tpu.memory_space<vmem_shared>>
    %dma_start3A_147 = arith.constant 0 : i32
    %dma_start3A_148 = tpu.memref_slice %arg13[%add3A_144, %dma_start3A_147] : memref<10240x64xf32, #tpu.memory_space<vmem_shared>> -> memref<64x64xf32, #tpu.memory_space<vmem_shared>>
    tpu.enqueue_dma source(%arg12 : memref<64x64xf32, #tpu.memory_space<vmem>>) target(%dma_start3A_148 : memref<64x64xf32, #tpu.memory_space<vmem_shared>>) target_semaphore(%arg14 : memref<!tpu.dma_semaphore, #tpu.memory_space<semaphore_mem>>)
    %mul3A_149 = arith.constant 640 : i32
    %mul3A_150 = arith.muli %arg1, %mul3A_149 : i32
    %add3A_151 = arith.constant 0 : i32
    %add3A_152 = arith.addi %mul3A_150, %add3A_151 : i32
    %dma_wait3A_153 = arith.constant 0 : i32
    %dma_wait3A_154 = tpu.memref_slice %arg13[%add3A_152, %dma_wait3A_153] : memref<10240x64xf32, #tpu.memory_space<vmem_shared>> -> memref<64x64xf32, #tpu.memory_space<vmem_shared>>
    %dma_wait3A_155 = arith.constant 0 : i32
    %dma_wait3A_156 = tpu.memref_slice %arg13[%add3A_152, %dma_wait3A_155] : memref<10240x64xf32, #tpu.memory_space<vmem_shared>> -> memref<64x64xf32, #tpu.memory_space<vmem_shared>>
    tpu.wait_dma2 semaphore(%arg14 : memref<!tpu.dma_semaphore, #tpu.memory_space<semaphore_mem>>) src(%arg12 : memref<64x64xf32, #tpu.memory_space<vmem>>) dst(%dma_wait3A_156 : memref<64x64xf32, #tpu.memory_space<vmem_shared>>)
    %mul3A_157 = arith.constant 640 : i32
    %mul3A_158 = arith.muli %arg1, %mul3A_157 : i32
    %add3A_159 = arith.constant 64 : i32
    %add3A_160 = arith.addi %mul3A_158, %add3A_159 : i32
    %dma_wait3A_161 = arith.constant 0 : i32
    %dma_wait3A_162 = tpu.memref_slice %arg13[%add3A_160, %dma_wait3A_161] : memref<10240x64xf32, #tpu.memory_space<vmem_shared>> -> memref<64x64xf32, #tpu.memory_space<vmem_shared>>
    %dma_wait3A_163 = arith.constant 0 : i32
    %dma_wait3A_164 = tpu.memref_slice %arg13[%add3A_160, %dma_wait3A_163] : memref<10240x64xf32, #tpu.memory_space<vmem_shared>> -> memref<64x64xf32, #tpu.memory_space<vmem_shared>>
    tpu.wait_dma2 semaphore(%arg14 : memref<!tpu.dma_semaphore, #tpu.memory_space<semaphore_mem>>) src(%arg12 : memref<64x64xf32, #tpu.memory_space<vmem>>) dst(%dma_wait3A_164 : memref<64x64xf32, #tpu.memory_space<vmem_shared>>)
    %mul3A_165 = arith.constant 640 : i32
    %mul3A_166 = arith.muli %arg1, %mul3A_165 : i32
    %add3A_167 = arith.constant 128 : i32
    %add3A_168 = arith.addi %mul3A_166, %add3A_167 : i32
    %dma_wait3A_169 = arith.constant 0 : i32
    %dma_wait3A_170 = tpu.memref_slice %arg13[%add3A_168, %dma_wait3A_169] : memref<10240x64xf32, #tpu.memory_space<vmem_shared>> -> memref<64x64xf32, #tpu.memory_space<vmem_shared>>
    %dma_wait3A_171 = arith.constant 0 : i32
    %dma_wait3A_172 = tpu.memref_slice %arg13[%add3A_168, %dma_wait3A_171] : memref<10240x64xf32, #tpu.memory_space<vmem_shared>> -> memref<64x64xf32, #tpu.memory_space<vmem_shared>>
    tpu.wait_dma2 semaphore(%arg14 : memref<!tpu.dma_semaphore, #tpu.memory_space<semaphore_mem>>) src(%arg12 : memref<64x64xf32, #tpu.memory_space<vmem>>) dst(%dma_wait3A_172 : memref<64x64xf32, #tpu.memory_space<vmem_shared>>)
    %mul3A_173 = arith.constant 640 : i32
    %mul3A_174 = arith.muli %arg1, %mul3A_173 : i32
    %add3A_175 = arith.constant 192 : i32
    %add3A_176 = arith.addi %mul3A_174, %add3A_175 : i32
    %dma_wait3A_177 = arith.constant 0 : i32
    %dma_wait3A_178 = tpu.memref_slice %arg13[%add3A_176, %dma_wait3A_177] : memref<10240x64xf32, #tpu.memory_space<vmem_shared>> -> memref<64x64xf32, #tpu.memory_space<vmem_shared>>
    %dma_wait3A_179 = arith.constant 0 : i32
    %dma_wait3A_180 = tpu.memref_slice %arg13[%add3A_176, %dma_wait3A_179] : memref<10240x64xf32, #tpu.memory_space<vmem_shared>> -> memref<64x64xf32, #tpu.memory_space<vmem_shared>>
    tpu.wait_dma2 semaphore(%arg14 : memref<!tpu.dma_semaphore, #tpu.memory_space<semaphore_mem>>) src(%arg12 : memref<64x64xf32, #tpu.memory_space<vmem>>) dst(%dma_wait3A_180 : memref<64x64xf32, #tpu.memory_space<vmem_shared>>)
    %mul3A_181 = arith.constant 640 : i32
    %mul3A_182 = arith.muli %arg1, %mul3A_181 : i32
    %add3A_183 = arith.constant 256 : i32
    %add3A_184 = arith.addi %mul3A_182, %add3A_183 : i32
    %dma_wait3A_185 = arith.constant 0 : i32
    %dma_wait3A_186 = tpu.memref_slice %arg13[%add3A_184, %dma_wait3A_185] : memref<10240x64xf32, #tpu.memory_space<vmem_shared>> -> memref<64x64xf32, #tpu.memory_space<vmem_shared>>
    %dma_wait3A_187 = arith.constant 0 : i32
    %dma_wait3A_188 = tpu.memref_slice %arg13[%add3A_184, %dma_wait3A_187] : memref<10240x64xf32, #tpu.memory_space<vmem_shared>> -> memref<64x64xf32, #tpu.memory_space<vmem_shared>>
    tpu.wait_dma2 semaphore(%arg14 : memref<!tpu.dma_semaphore, #tpu.memory_space<semaphore_mem>>) src(%arg12 : memref<64x64xf32, #tpu.memory_space<vmem>>) dst(%dma_wait3A_188 : memref<64x64xf32, #tpu.memory_space<vmem_shared>>)
    %mul3A_189 = arith.constant 640 : i32
    %mul3A_190 = arith.muli %arg1, %mul3A_189 : i32
    %add3A_191 = arith.constant 320 : i32
    %add3A_192 = arith.addi %mul3A_190, %add3A_191 : i32
    %dma_wait3A_193 = arith.constant 0 : i32
    %dma_wait3A_194 = tpu.memref_slice %arg13[%add3A_192, %dma_wait3A_193] : memref<10240x64xf32, #tpu.memory_space<vmem_shared>> -> memref<64x64xf32, #tpu.memory_space<vmem_shared>>
    %dma_wait3A_195 = arith.constant 0 : i32
    %dma_wait3A_196 = tpu.memref_slice %arg13[%add3A_192, %dma_wait3A_195] : memref<10240x64xf32, #tpu.memory_space<vmem_shared>> -> memref<64x64xf32, #tpu.memory_space<vmem_shared>>
    tpu.wait_dma2 semaphore(%arg14 : memref<!tpu.dma_semaphore, #tpu.memory_space<semaphore_mem>>) src(%arg12 : memref<64x64xf32, #tpu.memory_space<vmem>>) dst(%dma_wait3A_196 : memref<64x64xf32, #tpu.memory_space<vmem_shared>>)
    %mul3A_197 = arith.constant 640 : i32
    %mul3A_198 = arith.muli %arg1, %mul3A_197 : i32
    %add3A_199 = arith.constant 384 : i32
    %add3A_200 = arith.addi %mul3A_198, %add3A_199 : i32
    %dma_wait3A_201 = arith.constant 0 : i32
    %dma_wait3A_202 = tpu.memref_slice %arg13[%add3A_200, %dma_wait3A_201] : memref<10240x64xf32, #tpu.memory_space<vmem_shared>> -> memref<64x64xf32, #tpu.memory_space<vmem_shared>>
    %dma_wait3A_203 = arith.constant 0 : i32
    %dma_wait3A_204 = tpu.memref_slice %arg13[%add3A_200, %dma_wait3A_203] : memref<10240x64xf32, #tpu.memory_space<vmem_shared>> -> memref<64x64xf32, #tpu.memory_space<vmem_shared>>
    tpu.wait_dma2 semaphore(%arg14 : memref<!tpu.dma_semaphore, #tpu.memory_space<semaphore_mem>>) src(%arg12 : memref<64x64xf32, #tpu.memory_space<vmem>>) dst(%dma_wait3A_204 : memref<64x64xf32, #tpu.memory_space<vmem_shared>>)
    %mul3A_205 = arith.constant 640 : i32
    %mul3A_206 = arith.muli %arg1, %mul3A_205 : i32
    %add3A_207 = arith.constant 448 : i32
    %add3A_208 = arith.addi %mul3A_206, %add3A_207 : i32
    %dma_wait3A_209 = arith.constant 0 : i32
    %dma_wait3A_210 = tpu.memref_slice %arg13[%add3A_208, %dma_wait3A_209] : memref<10240x64xf32, #tpu.memory_space<vmem_shared>> -> memref<64x64xf32, #tpu.memory_space<vmem_shared>>
    %dma_wait3A_211 = arith.constant 0 : i32
    %dma_wait3A_212 = tpu.memref_slice %arg13[%add3A_208, %dma_wait3A_211] : memref<10240x64xf32, #tpu.memory_space<vmem_shared>> -> memref<64x64xf32, #tpu.memory_space<vmem_shared>>
    tpu.wait_dma2 semaphore(%arg14 : memref<!tpu.dma_semaphore, #tpu.memory_space<semaphore_mem>>) src(%arg12 : memref<64x64xf32, #tpu.memory_space<vmem>>) dst(%dma_wait3A_212 : memref<64x64xf32, #tpu.memory_space<vmem_shared>>)
    %mul3A_213 = arith.constant 640 : i32
    %mul3A_214 = arith.muli %arg1, %mul3A_213 : i32
    %add3A_215 = arith.constant 512 : i32
    %add3A_216 = arith.addi %mul3A_214, %add3A_215 : i32
    %dma_wait3A_217 = arith.constant 0 : i32
    %dma_wait3A_218 = tpu.memref_slice %arg13[%add3A_216, %dma_wait3A_217] : memref<10240x64xf32, #tpu.memory_space<vmem_shared>> -> memref<64x64xf32, #tpu.memory_space<vmem_shared>>
    %dma_wait3A_219 = arith.constant 0 : i32
    %dma_wait3A_220 = tpu.memref_slice %arg13[%add3A_216, %dma_wait3A_219] : memref<10240x64xf32, #tpu.memory_space<vmem_shared>> -> memref<64x64xf32, #tpu.memory_space<vmem_shared>>
    tpu.wait_dma2 semaphore(%arg14 : memref<!tpu.dma_semaphore, #tpu.memory_space<semaphore_mem>>) src(%arg12 : memref<64x64xf32, #tpu.memory_space<vmem>>) dst(%dma_wait3A_220 : memref<64x64xf32, #tpu.memory_space<vmem_shared>>)
    %mul3A_221 = arith.constant 640 : i32
    %mul3A_222 = arith.muli %arg1, %mul3A_221 : i32
    %add3A_223 = arith.constant 576 : i32
    %add3A_224 = arith.addi %mul3A_222, %add3A_223 : i32
    %dma_wait3A_225 = arith.constant 0 : i32
    %dma_wait3A_226 = tpu.memref_slice %arg13[%add3A_224, %dma_wait3A_225] : memref<10240x64xf32, #tpu.memory_space<vmem_shared>> -> memref<64x64xf32, #tpu.memory_space<vmem_shared>>
    %dma_wait3A_227 = arith.constant 0 : i32
    %dma_wait3A_228 = tpu.memref_slice %arg13[%add3A_224, %dma_wait3A_227] : memref<10240x64xf32, #tpu.memory_space<vmem_shared>> -> memref<64x64xf32, #tpu.memory_space<vmem_shared>>
    tpu.wait_dma2 semaphore(%arg14 : memref<!tpu.dma_semaphore, #tpu.memory_space<semaphore_mem>>) src(%arg12 : memref<64x64xf32, #tpu.memory_space<vmem>>) dst(%dma_wait3A_228 : memref<64x64xf32, #tpu.memory_space<vmem_shared>>)
    %barrier3A = arith.constant 0 : index
    tpu.barrier barrier_id(%barrier3A)
    %dma_start3A_229 = arith.constant 0 : i32
    %dma_start3A_230 = arith.constant 0 : i32
    %dma_start3A_231 = arith.constant 0 : i32
    %dma_start3A_232 = arith.constant 0 : i32
    %dma_start3A_233 = tpu.memref_slice %arg10[%dma_start3A_230, %dma_start3A_231, %dma_start3A_232] : memref<6x128x64xf32, #tpu.memory_space<vmem>> -> memref<1x128x64xf32, #tpu.memory_space<vmem>>
    %dma_start3A_234 = tpu.memref_squeeze %dma_start3A_233 : memref<1x128x64xf32, #tpu.memory_space<vmem>> -> memref<128x64xf32, #tpu.memory_space<vmem>>
    %dma_start3A_235 = arith.constant 0 : i32
    %dma_start3A_236 = tpu.memref_slice %arg6[%dma_start3A_229, %dma_start3A_235] : memref<13x768xi32, #tpu.memory_space<vmem>> -> memref<1x128xi32, #tpu.memory_space<vmem>>
    %dma_start3A_237 = tpu.memref_squeeze %dma_start3A_236 : memref<1x128xi32, #tpu.memory_space<vmem>> -> memref<128xi32, #tpu.memory_space<vmem>>
    %dma_start3A_238 = arith.constant 0 : i32
    %dma_start3A_239 = arith.constant 0 : i32
    %dma_start3A_240 = tpu.memref_slice %arg4[%dma_start3A_238, %dma_start3A_239] : memref<10000x64xf32, #tpu.memory_space<hbm>> -> memref<10000x64xf32, #tpu.memory_space<hbm>>
    tpu.enqueue_indirect_dma source(%dma_start3A_240 : memref<10000x64xf32, #tpu.memory_space<hbm>>) target(%dma_start3A_234 : memref<128x64xf32, #tpu.memory_space<vmem>>) offsets(%dma_start3A_237 : memref<128xi32, #tpu.memory_space<vmem>>) semaphore(%arg15 : memref<!tpu.dma_semaphore, #tpu.memory_space<semaphore_mem>>)
    %dma_start3A_241 = arith.constant 0 : i32
    %dma_start3A_242 = arith.constant 1 : i32
    %dma_start3A_243 = arith.constant 0 : i32
    %dma_start3A_244 = arith.constant 0 : i32
    %dma_start3A_245 = tpu.memref_slice %arg10[%dma_start3A_242, %dma_start3A_243, %dma_start3A_244] : memref<6x128x64xf32, #tpu.memory_space<vmem>> -> memref<1x128x64xf32, #tpu.memory_space<vmem>>
    %dma_start3A_246 = tpu.memref_squeeze %dma_start3A_245 : memref<1x128x64xf32, #tpu.memory_space<vmem>> -> memref<128x64xf32, #tpu.memory_space<vmem>>
    %dma_start3A_247 = arith.constant 128 : i32
    %dma_start3A_248 = tpu.memref_slice %arg6[%dma_start3A_241, %dma_start3A_247] : memref<13x768xi32, #tpu.memory_space<vmem>> -> memref<1x128xi32, #tpu.memory_space<vmem>>
    %dma_start3A_249 = tpu.memref_squeeze %dma_start3A_248 : memref<1x128xi32, #tpu.memory_space<vmem>> -> memref<128xi32, #tpu.memory_space<vmem>>
    %dma_start3A_250 = arith.constant 0 : i32
    %dma_start3A_251 = arith.constant 0 : i32
    %dma_start3A_252 = tpu.memref_slice %arg4[%dma_start3A_250, %dma_start3A_251] : memref<10000x64xf32, #tpu.memory_space<hbm>> -> memref<10000x64xf32, #tpu.memory_space<hbm>>
    tpu.enqueue_indirect_dma source(%dma_start3A_252 : memref<10000x64xf32, #tpu.memory_space<hbm>>) target(%dma_start3A_246 : memref<128x64xf32, #tpu.memory_space<vmem>>) offsets(%dma_start3A_249 : memref<128xi32, #tpu.memory_space<vmem>>) semaphore(%arg16 : memref<!tpu.dma_semaphore, #tpu.memory_space<semaphore_mem>>)
    %dma_start3A_253 = arith.constant 0 : i32
    %dma_start3A_254 = arith.constant 2 : i32
    %dma_start3A_255 = arith.constant 0 : i32
    %dma_start3A_256 = arith.constant 0 : i32
    %dma_start3A_257 = tpu.memref_slice %arg10[%dma_start3A_254, %dma_start3A_255, %dma_start3A_256] : memref<6x128x64xf32, #tpu.memory_space<vmem>> -> memref<1x128x64xf32, #tpu.memory_space<vmem>>
    %dma_start3A_258 = tpu.memref_squeeze %dma_start3A_257 : memref<1x128x64xf32, #tpu.memory_space<vmem>> -> memref<128x64xf32, #tpu.memory_space<vmem>>
    %dma_start3A_259 = arith.constant 256 : i32
    %dma_start3A_260 = tpu.memref_slice %arg6[%dma_start3A_253, %dma_start3A_259] : memref<13x768xi32, #tpu.memory_space<vmem>> -> memref<1x128xi32, #tpu.memory_space<vmem>>
    %dma_start3A_261 = tpu.memref_squeeze %dma_start3A_260 : memref<1x128xi32, #tpu.memory_space<vmem>> -> memref<128xi32, #tpu.memory_space<vmem>>
    %dma_start3A_262 = arith.constant 0 : i32
    %dma_start3A_263 = arith.constant 0 : i32
    %dma_start3A_264 = tpu.memref_slice %arg4[%dma_start3A_262, %dma_start3A_263] : memref<10000x64xf32, #tpu.memory_space<hbm>> -> memref<10000x64xf32, #tpu.memory_space<hbm>>
    tpu.enqueue_indirect_dma source(%dma_start3A_264 : memref<10000x64xf32, #tpu.memory_space<hbm>>) target(%dma_start3A_258 : memref<128x64xf32, #tpu.memory_space<vmem>>) offsets(%dma_start3A_261 : memref<128xi32, #tpu.memory_space<vmem>>) semaphore(%arg17 : memref<!tpu.dma_semaphore, #tpu.memory_space<semaphore_mem>>)
    %dma_start3A_265 = arith.constant 0 : i32
    %dma_start3A_266 = arith.constant 3 : i32
    %dma_start3A_267 = arith.constant 0 : i32
    %dma_start3A_268 = arith.constant 0 : i32
    %dma_start3A_269 = tpu.memref_slice %arg10[%dma_start3A_266, %dma_start3A_267, %dma_start3A_268] : memref<6x128x64xf32, #tpu.memory_space<vmem>> -> memref<1x128x64xf32, #tpu.memory_space<vmem>>
    %dma_start3A_270 = tpu.memref_squeeze %dma_start3A_269 : memref<1x128x64xf32, #tpu.memory_space<vmem>> -> memref<128x64xf32, #tpu.memory_space<vmem>>
    %dma_start3A_271 = arith.constant 384 : i32
    %dma_start3A_272 = tpu.memref_slice %arg6[%dma_start3A_265, %dma_start3A_271] : memref<13x768xi32, #tpu.memory_space<vmem>> -> memref<1x128xi32, #tpu.memory_space<vmem>>
    %dma_start3A_273 = tpu.memref_squeeze %dma_start3A_272 : memref<1x128xi32, #tpu.memory_space<vmem>> -> memref<128xi32, #tpu.memory_space<vmem>>
    %dma_start3A_274 = arith.constant 0 : i32
    %dma_start3A_275 = arith.constant 0 : i32
    %dma_start3A_276 = tpu.memref_slice %arg4[%dma_start3A_274, %dma_start3A_275] : memref<10000x64xf32, #tpu.memory_space<hbm>> -> memref<10000x64xf32, #tpu.memory_space<hbm>>
    tpu.enqueue_indirect_dma source(%dma_start3A_276 : memref<10000x64xf32, #tpu.memory_space<hbm>>) target(%dma_start3A_270 : memref<128x64xf32, #tpu.memory_space<vmem>>) offsets(%dma_start3A_273 : memref<128xi32, #tpu.memory_space<vmem>>) semaphore(%arg18 : memref<!tpu.dma_semaphore, #tpu.memory_space<semaphore_mem>>)
    %dma_start3A_277 = arith.constant 0 : i32
    %dma_start3A_278 = arith.constant 4 : i32
    %dma_start3A_279 = arith.constant 0 : i32
    %dma_start3A_280 = arith.constant 0 : i32
    %dma_start3A_281 = tpu.memref_slice %arg10[%dma_start3A_278, %dma_start3A_279, %dma_start3A_280] : memref<6x128x64xf32, #tpu.memory_space<vmem>> -> memref<1x128x64xf32, #tpu.memory_space<vmem>>
    %dma_start3A_282 = tpu.memref_squeeze %dma_start3A_281 : memref<1x128x64xf32, #tpu.memory_space<vmem>> -> memref<128x64xf32, #tpu.memory_space<vmem>>
    %dma_start3A_283 = arith.constant 512 : i32
    %dma_start3A_284 = tpu.memref_slice %arg6[%dma_start3A_277, %dma_start3A_283] : memref<13x768xi32, #tpu.memory_space<vmem>> -> memref<1x128xi32, #tpu.memory_space<vmem>>
    %dma_start3A_285 = tpu.memref_squeeze %dma_start3A_284 : memref<1x128xi32, #tpu.memory_space<vmem>> -> memref<128xi32, #tpu.memory_space<vmem>>
    %dma_start3A_286 = arith.constant 0 : i32
    %dma_start3A_287 = arith.constant 0 : i32
    %dma_start3A_288 = tpu.memref_slice %arg4[%dma_start3A_286, %dma_start3A_287] : memref<10000x64xf32, #tpu.memory_space<hbm>> -> memref<10000x64xf32, #tpu.memory_space<hbm>>
    tpu.enqueue_indirect_dma source(%dma_start3A_288 : memref<10000x64xf32, #tpu.memory_space<hbm>>) target(%dma_start3A_282 : memref<128x64xf32, #tpu.memory_space<vmem>>) offsets(%dma_start3A_285 : memref<128xi32, #tpu.memory_space<vmem>>) semaphore(%arg19 : memref<!tpu.dma_semaphore, #tpu.memory_space<semaphore_mem>>)
    %dma_start3A_289 = arith.constant 0 : i32
    %dma_start3A_290 = arith.constant 5 : i32
    %dma_start3A_291 = arith.constant 0 : i32
    %dma_start3A_292 = arith.constant 0 : i32
    %dma_start3A_293 = tpu.memref_slice %arg10[%dma_start3A_290, %dma_start3A_291, %dma_start3A_292] : memref<6x128x64xf32, #tpu.memory_space<vmem>> -> memref<1x128x64xf32, #tpu.memory_space<vmem>>
    %dma_start3A_294 = tpu.memref_squeeze %dma_start3A_293 : memref<1x128x64xf32, #tpu.memory_space<vmem>> -> memref<128x64xf32, #tpu.memory_space<vmem>>
    %dma_start3A_295 = arith.constant 640 : i32
    %dma_start3A_296 = tpu.memref_slice %arg6[%dma_start3A_289, %dma_start3A_295] : memref<13x768xi32, #tpu.memory_space<vmem>> -> memref<1x128xi32, #tpu.memory_space<vmem>>
    %dma_start3A_297 = tpu.memref_squeeze %dma_start3A_296 : memref<1x128xi32, #tpu.memory_space<vmem>> -> memref<128xi32, #tpu.memory_space<vmem>>
    %dma_start3A_298 = arith.constant 0 : i32
    %dma_start3A_299 = arith.constant 0 : i32
    %dma_start3A_300 = tpu.memref_slice %arg4[%dma_start3A_298, %dma_start3A_299] : memref<10000x64xf32, #tpu.memory_space<hbm>> -> memref<10000x64xf32, #tpu.memory_space<hbm>>
    tpu.enqueue_indirect_dma source(%dma_start3A_300 : memref<10000x64xf32, #tpu.memory_space<hbm>>) target(%dma_start3A_294 : memref<128x64xf32, #tpu.memory_space<vmem>>) offsets(%dma_start3A_297 : memref<128xi32, #tpu.memory_space<vmem>>) semaphore(%arg20 : memref<!tpu.dma_semaphore, #tpu.memory_space<semaphore_mem>>)
    %scan3A_301 = arith.constant 0 : i32
    %scan3A_302 = arith.constant 0 : i32
    %scan3A_303 = arith.constant 13 : i32
    %scan3A_304 = arith.addi %scan3A_302, %scan3A_303 : i32
    %scan3A_305 = arith.constant 1 : i32
    %scan3A_306 = scf.for %scan3A_331 = %scan3A_302 to %scan3A_304 step %scan3A_305 iter_args(%scan3A_332 = %scan3A_301) -> (i32)  : i32 {
      %mul3A_333 = arith.constant 6 : i32
      %mul3A_334 = arith.muli %scan3A_331, %mul3A_333 : i32
      %add3A_335 = arith.constant 0 : i32
      %add3A_336 = arith.addi %mul3A_334, %add3A_335 : i32
      %gt3A = arith.constant 0 : i32
      %gt3A_337 = arith.cmpi sgt, %add3A_336, %gt3A : i32
      %convert_element_type3A = arith.extui %gt3A_337 : i1 to i32
      %cond3A = arith.constant 0 : i32
      %cond3A_338 = arith.cmpi ne, %convert_element_type3A, %cond3A : i32
      scf.if %cond3A_338 {
        %sub3A_1071 = arith.constant 1 : i32
        %sub3A_1072 = arith.subi %add3A_336, %sub3A_1071 : i32
        %jit3A_1073 = arith.constant 6 : i32
        %div3A_1074 = arith.divsi %sub3A_1072, %jit3A_1073 : i32
        %sign3A_1075 = arith.constant 0 : i32
        %sign3A_1076 = arith.cmpi sgt, %sub3A_1072, %sign3A_1075 : i32
        %sign3A_1077 = arith.extui %sign3A_1076 : i1 to i32
        %sign3A_1078 = arith.constant 0 : i32
        %sign3A_1079 = arith.cmpi slt, %sub3A_1072, %sign3A_1078 : i32
        %sign3A_1080 = arith.extui %sign3A_1079 : i1 to i32
        %sign3A_1081 = arith.subi %sign3A_1077, %sign3A_1080 : i32
        %sign3A_1082 = arith.constant 0 : i32
        %sign3A_1083 = arith.cmpi sgt, %jit3A_1073, %sign3A_1082 : i32
        %sign3A_1084 = arith.extui %sign3A_1083 : i1 to i32
        %sign3A_1085 = arith.constant 0 : i32
        %sign3A_1086 = arith.cmpi slt, %jit3A_1073, %sign3A_1085 : i32
        %sign3A_1087 = arith.extui %sign3A_1086 : i1 to i32
        %sign3A_1088 = arith.subi %sign3A_1084, %sign3A_1087 : i32
        %ne3A_1089 = arith.cmpi ne, %sign3A_1081, %sign3A_1088 : i32
        %rem3A_1090 = arith.remsi %sub3A_1072, %jit3A_1073 : i32
        %ne3A_1091 = arith.constant 0 : i32
        %ne3A_1092 = arith.cmpi ne, %rem3A_1090, %ne3A_1091 : i32
        %and3A_1093 = arith.andi %ne3A_1089, %ne3A_1092 : i1
        %sub3A_1094 = arith.constant 1 : i32
        %sub3A_1095 = arith.subi %div3A_1074, %sub3A_1094 : i32
        %select_n3A_1096 = arith.select %and3A_1093, %sub3A_1095, %div3A_1074 : i32
        %jit3A_1097 = arith.constant 6 : i32
        %eq3A_1098 = arith.constant 0 : i32
        %eq3A_1099 = arith.cmpi eq, %jit3A_1097, %eq3A_1098 : i32
        %jit3A_1100 = arith.constant 1 : i32
        %select_n3A_1101 = arith.select %eq3A_1099, %jit3A_1100, %jit3A_1097 : i32
        %rem3A_1102 = arith.remsi %sub3A_1072, %select_n3A_1101 : i32
        %ne3A_1103 = arith.constant 0 : i32
        %ne3A_1104 = arith.cmpi ne, %rem3A_1102, %ne3A_1103 : i32
        %lt3A_1105 = arith.constant 0 : i32
        %lt3A_1106 = arith.cmpi slt, %rem3A_1102, %lt3A_1105 : i32
        %lt3A_1107 = arith.constant 0 : i32
        %lt3A_1108 = arith.cmpi slt, %select_n3A_1101, %lt3A_1107 : i32
        %ne3A_1109 = arith.xori %lt3A_1106, %lt3A_1108 : i1
        %and3A_1110 = arith.andi %ne3A_1109, %ne3A_1104 : i1
        %add3A_1111 = arith.addi %rem3A_1102, %select_n3A_1101 : i32
        %select_n3A_1112 = arith.select %and3A_1110, %add3A_1111, %rem3A_1102 : i32
        %mul3A_1113 = arith.constant 128 : i32
        %mul3A_1114 = arith.muli %select_n3A_1112, %mul3A_1113 : i32
        %dma_wait3A_1115 = arith.constant 5 : i32
        %dma_wait3A_1116 = arith.constant 0 : i32
        %dma_wait3A_1117 = arith.constant 0 : i32
        %dma_wait3A_1118 = tpu.memref_slice %arg10[%dma_wait3A_1115, %dma_wait3A_1116, %dma_wait3A_1117] : memref<6x128x64xf32, #tpu.memory_space<vmem>> -> memref<1x128x64xf32, #tpu.memory_space<vmem>>
        %dma_wait3A_1119 = tpu.memref_squeeze %dma_wait3A_1118 : memref<1x128x64xf32, #tpu.memory_space<vmem>> -> memref<128x64xf32, #tpu.memory_space<vmem>>
        %dma_wait3A_1120 = tpu.memref_slice %arg7[%select_n3A_1096, %mul3A_1114] : memref<13x768xi32, #tpu.memory_space<vmem>> -> memref<1x128xi32, #tpu.memory_space<vmem>>
        %dma_wait3A_1121 = tpu.memref_squeeze %dma_wait3A_1120 : memref<1x128xi32, #tpu.memory_space<vmem>> -> memref<128xi32, #tpu.memory_space<vmem>>
        %dma_wait3A_1122 = arith.constant 0 : i32
        %dma_wait3A_1123 = arith.constant 0 : i32
        %dma_wait3A_1124 = tpu.memref_slice %arg13[%dma_wait3A_1122, %dma_wait3A_1123] : memref<10240x64xf32, #tpu.memory_space<vmem_shared>> -> memref<10240x64xf32, #tpu.memory_space<vmem_shared>>
        tpu.wait_indirect_dma semaphore(%arg26 : memref<!tpu.dma_semaphore, #tpu.memory_space<semaphore_mem>>) src(%dma_wait3A_1119 : memref<128x64xf32, #tpu.memory_space<vmem>>) dst(%dma_wait3A_1124 : memref<10240x64xf32, #tpu.memory_space<vmem_shared>>)
      } else {
      }
      %gt3A_339 = arith.constant 0 : i32
      %gt3A_340 = arith.cmpi sgt, %add3A_336, %gt3A_339 : i32
      %sub3A = arith.constant 1 : i32
      %sub3A_341 = arith.subi %add3A_336, %sub3A : i32
      %add3A_342 = arith.constant 6 : i32
      %add3A_343 = arith.addi %sub3A_341, %add3A_342 : i32
      %lt3A = arith.constant 78 : i32
      %lt3A_344 = arith.cmpi slt, %add3A_343, %lt3A : i32
      %and3A = arith.andi %gt3A_340, %lt3A_344 : i1
      %convert_element_type3A_345 = arith.extui %and3A : i1 to i32
      %cond3A_346 = arith.constant 0 : i32
      %cond3A_347 = arith.cmpi ne, %convert_element_type3A_345, %cond3A_346 : i32
      scf.if %cond3A_347 {
        %sub3A_1071 = arith.constant 1 : i32
        %sub3A_1072 = arith.subi %add3A_336, %sub3A_1071 : i32
        %add3A_1073 = arith.constant 6 : i32
        %add3A_1074 = arith.addi %sub3A_1072, %add3A_1073 : i32
        %jit3A_1075 = arith.constant 6 : i32
        %div3A_1076 = arith.divsi %add3A_1074, %jit3A_1075 : i32
        %sign3A_1077 = arith.constant 0 : i32
        %sign3A_1078 = arith.cmpi sgt, %add3A_1074, %sign3A_1077 : i32
        %sign3A_1079 = arith.extui %sign3A_1078 : i1 to i32
        %sign3A_1080 = arith.constant 0 : i32
        %sign3A_1081 = arith.cmpi slt, %add3A_1074, %sign3A_1080 : i32
        %sign3A_1082 = arith.extui %sign3A_1081 : i1 to i32
        %sign3A_1083 = arith.subi %sign3A_1079, %sign3A_1082 : i32
        %sign3A_1084 = arith.constant 0 : i32
        %sign3A_1085 = arith.cmpi sgt, %jit3A_1075, %sign3A_1084 : i32
        %sign3A_1086 = arith.extui %sign3A_1085 : i1 to i32
        %sign3A_1087 = arith.constant 0 : i32
        %sign3A_1088 = arith.cmpi slt, %jit3A_1075, %sign3A_1087 : i32
        %sign3A_1089 = arith.extui %sign3A_1088 : i1 to i32
        %sign3A_1090 = arith.subi %sign3A_1086, %sign3A_1089 : i32
        %ne3A_1091 = arith.cmpi ne, %sign3A_1083, %sign3A_1090 : i32
        %rem3A_1092 = arith.remsi %add3A_1074, %jit3A_1075 : i32
        %ne3A_1093 = arith.constant 0 : i32
        %ne3A_1094 = arith.cmpi ne, %rem3A_1092, %ne3A_1093 : i32
        %and3A_1095 = arith.andi %ne3A_1091, %ne3A_1094 : i1
        %sub3A_1096 = arith.constant 1 : i32
        %sub3A_1097 = arith.subi %div3A_1076, %sub3A_1096 : i32
        %select_n3A_1098 = arith.select %and3A_1095, %sub3A_1097, %div3A_1076 : i32
        %jit3A_1099 = arith.constant 6 : i32
        %eq3A_1100 = arith.constant 0 : i32
        %eq3A_1101 = arith.cmpi eq, %jit3A_1099, %eq3A_1100 : i32
        %jit3A_1102 = arith.constant 1 : i32
        %select_n3A_1103 = arith.select %eq3A_1101, %jit3A_1102, %jit3A_1099 : i32
        %rem3A_1104 = arith.remsi %add3A_1074, %select_n3A_1103 : i32
        %ne3A_1105 = arith.constant 0 : i32
        %ne3A_1106 = arith.cmpi ne, %rem3A_1104, %ne3A_1105 : i32
        %lt3A_1107 = arith.constant 0 : i32
        %lt3A_1108 = arith.cmpi slt, %rem3A_1104, %lt3A_1107 : i32
        %lt3A_1109 = arith.constant 0 : i32
        %lt3A_1110 = arith.cmpi slt, %select_n3A_1103, %lt3A_1109 : i32
        %ne3A_1111 = arith.xori %lt3A_1108, %lt3A_1110 : i1
        %and3A_1112 = arith.andi %ne3A_1111, %ne3A_1106 : i1
        %add3A_1113 = arith.addi %rem3A_1104, %select_n3A_1103 : i32
        %select_n3A_1114 = arith.select %and3A_1112, %add3A_1113, %rem3A_1104 : i32
        %mul3A_1115 = arith.constant 128 : i32
        %mul3A_1116 = arith.muli %select_n3A_1114, %mul3A_1115 : i32
        %dma_start3A_1117 = arith.constant 5 : i32
        %dma_start3A_1118 = arith.constant 0 : i32
        %dma_start3A_1119 = arith.constant 0 : i32
        %dma_start3A_1120 = tpu.memref_slice %arg10[%dma_start3A_1117, %dma_start3A_1118, %dma_start3A_1119] : memref<6x128x64xf32, #tpu.memory_space<vmem>> -> memref<1x128x64xf32, #tpu.memory_space<vmem>>
        %dma_start3A_1121 = tpu.memref_squeeze %dma_start3A_1120 : memref<1x128x64xf32, #tpu.memory_space<vmem>> -> memref<128x64xf32, #tpu.memory_space<vmem>>
        %dma_start3A_1122 = tpu.memref_slice %arg6[%select_n3A_1098, %mul3A_1116] : memref<13x768xi32, #tpu.memory_space<vmem>> -> memref<1x128xi32, #tpu.memory_space<vmem>>
        %dma_start3A_1123 = tpu.memref_squeeze %dma_start3A_1122 : memref<1x128xi32, #tpu.memory_space<vmem>> -> memref<128xi32, #tpu.memory_space<vmem>>
        %dma_start3A_1124 = arith.constant 0 : i32
        %dma_start3A_1125 = arith.constant 0 : i32
        %dma_start3A_1126 = tpu.memref_slice %arg4[%dma_start3A_1124, %dma_start3A_1125] : memref<10000x64xf32, #tpu.memory_space<hbm>> -> memref<10000x64xf32, #tpu.memory_space<hbm>>
        tpu.enqueue_indirect_dma source(%dma_start3A_1126 : memref<10000x64xf32, #tpu.memory_space<hbm>>) target(%dma_start3A_1121 : memref<128x64xf32, #tpu.memory_space<vmem>>) offsets(%dma_start3A_1123 : memref<128xi32, #tpu.memory_space<vmem>>) semaphore(%arg20 : memref<!tpu.dma_semaphore, #tpu.memory_space<semaphore_mem>>)
      } else {
      }
      %jit3A = arith.constant 6 : i32
      %div3A = arith.divsi %add3A_336, %jit3A : i32
      %sign3A = arith.constant 0 : i32
      %sign3A_348 = arith.cmpi sgt, %add3A_336, %sign3A : i32
      %sign3A_349 = arith.extui %sign3A_348 : i1 to i32
      %sign3A_350 = arith.constant 0 : i32
      %sign3A_351 = arith.cmpi slt, %add3A_336, %sign3A_350 : i32
      %sign3A_352 = arith.extui %sign3A_351 : i1 to i32
      %sign3A_353 = arith.subi %sign3A_349, %sign3A_352 : i32
      %sign3A_354 = arith.constant 0 : i32
      %sign3A_355 = arith.cmpi sgt, %jit3A, %sign3A_354 : i32
      %sign3A_356 = arith.extui %sign3A_355 : i1 to i32
      %sign3A_357 = arith.constant 0 : i32
      %sign3A_358 = arith.cmpi slt, %jit3A, %sign3A_357 : i32
      %sign3A_359 = arith.extui %sign3A_358 : i1 to i32
      %sign3A_360 = arith.subi %sign3A_356, %sign3A_359 : i32
      %ne3A = arith.cmpi ne, %sign3A_353, %sign3A_360 : i32
      %rem3A = arith.remsi %add3A_336, %jit3A : i32
      %ne3A_361 = arith.constant 0 : i32
      %ne3A_362 = arith.cmpi ne, %rem3A, %ne3A_361 : i32
      %and3A_363 = arith.andi %ne3A, %ne3A_362 : i1
      %sub3A_364 = arith.constant 1 : i32
      %sub3A_365 = arith.subi %div3A, %sub3A_364 : i32
      %select_n3A = arith.select %and3A_363, %sub3A_365, %div3A : i32
      %jit3A_366 = arith.constant 6 : i32
      %eq3A = arith.constant 0 : i32
      %eq3A_367 = arith.cmpi eq, %jit3A_366, %eq3A : i32
      %jit3A_368 = arith.constant 1 : i32
      %select_n3A_369 = arith.select %eq3A_367, %jit3A_368, %jit3A_366 : i32
      %rem3A_370 = arith.remsi %add3A_336, %select_n3A_369 : i32
      %ne3A_371 = arith.constant 0 : i32
      %ne3A_372 = arith.cmpi ne, %rem3A_370, %ne3A_371 : i32
      %lt3A_373 = arith.constant 0 : i32
      %lt3A_374 = arith.cmpi slt, %rem3A_370, %lt3A_373 : i32
      %lt3A_375 = arith.constant 0 : i32
      %lt3A_376 = arith.cmpi slt, %select_n3A_369, %lt3A_375 : i32
      %ne3A_377 = arith.xori %lt3A_374, %lt3A_376 : i1
      %and3A_378 = arith.andi %ne3A_377, %ne3A_372 : i1
      %add3A_379 = arith.addi %rem3A_370, %select_n3A_369 : i32
      %select_n3A_380 = arith.select %and3A_378, %add3A_379, %rem3A_370 : i32
      %mul3A_381 = arith.constant 128 : i32
      %mul3A_382 = arith.muli %select_n3A_380, %mul3A_381 : i32
      %dma_wait3A_383 = arith.constant 0 : i32
      %dma_wait3A_384 = arith.constant 0 : i32
      %dma_wait3A_385 = arith.constant 0 : i32
      %dma_wait3A_386 = tpu.memref_slice %arg10[%dma_wait3A_383, %dma_wait3A_384, %dma_wait3A_385] : memref<6x128x64xf32, #tpu.memory_space<vmem>> -> memref<1x128x64xf32, #tpu.memory_space<vmem>>
      %dma_wait3A_387 = tpu.memref_squeeze %dma_wait3A_386 : memref<1x128x64xf32, #tpu.memory_space<vmem>> -> memref<128x64xf32, #tpu.memory_space<vmem>>
      %dma_wait3A_388 = tpu.memref_slice %arg6[%select_n3A, %mul3A_382] : memref<13x768xi32, #tpu.memory_space<vmem>> -> memref<1x128xi32, #tpu.memory_space<vmem>>
      %dma_wait3A_389 = tpu.memref_squeeze %dma_wait3A_388 : memref<1x128xi32, #tpu.memory_space<vmem>> -> memref<128xi32, #tpu.memory_space<vmem>>
      %dma_wait3A_390 = arith.constant 0 : i32
      %dma_wait3A_391 = arith.constant 0 : i32
      %dma_wait3A_392 = tpu.memref_slice %arg4[%dma_wait3A_390, %dma_wait3A_391] : memref<10000x64xf32, #tpu.memory_space<hbm>> -> memref<10000x64xf32, #tpu.memory_space<hbm>>
      tpu.wait_indirect_dma semaphore(%arg15 : memref<!tpu.dma_semaphore, #tpu.memory_space<semaphore_mem>>) src(%dma_wait3A_392 : memref<10000x64xf32, #tpu.memory_space<hbm>>) dst(%dma_wait3A_387 : memref<128x64xf32, #tpu.memory_space<vmem>>)
      %jit3A_393 = arith.constant 6 : i32
      %div3A_394 = arith.divsi %add3A_336, %jit3A_393 : i32
      %sign3A_395 = arith.constant 0 : i32
      %sign3A_396 = arith.cmpi sgt, %add3A_336, %sign3A_395 : i32
      %sign3A_397 = arith.extui %sign3A_396 : i1 to i32
      %sign3A_398 = arith.constant 0 : i32
      %sign3A_399 = arith.cmpi slt, %add3A_336, %sign3A_398 : i32
      %sign3A_400 = arith.extui %sign3A_399 : i1 to i32
      %sign3A_401 = arith.subi %sign3A_397, %sign3A_400 : i32
      %sign3A_402 = arith.constant 0 : i32
      %sign3A_403 = arith.cmpi sgt, %jit3A_393, %sign3A_402 : i32
      %sign3A_404 = arith.extui %sign3A_403 : i1 to i32
      %sign3A_405 = arith.constant 0 : i32
      %sign3A_406 = arith.cmpi slt, %jit3A_393, %sign3A_405 : i32
      %sign3A_407 = arith.extui %sign3A_406 : i1 to i32
      %sign3A_408 = arith.subi %sign3A_404, %sign3A_407 : i32
      %ne3A_409 = arith.cmpi ne, %sign3A_401, %sign3A_408 : i32
      %rem3A_410 = arith.remsi %add3A_336, %jit3A_393 : i32
      %ne3A_411 = arith.constant 0 : i32
      %ne3A_412 = arith.cmpi ne, %rem3A_410, %ne3A_411 : i32
      %and3A_413 = arith.andi %ne3A_409, %ne3A_412 : i1
      %sub3A_414 = arith.constant 1 : i32
      %sub3A_415 = arith.subi %div3A_394, %sub3A_414 : i32
      %select_n3A_416 = arith.select %and3A_413, %sub3A_415, %div3A_394 : i32
      %jit3A_417 = arith.constant 6 : i32
      %eq3A_418 = arith.constant 0 : i32
      %eq3A_419 = arith.cmpi eq, %jit3A_417, %eq3A_418 : i32
      %jit3A_420 = arith.constant 1 : i32
      %select_n3A_421 = arith.select %eq3A_419, %jit3A_420, %jit3A_417 : i32
      %rem3A_422 = arith.remsi %add3A_336, %select_n3A_421 : i32
      %ne3A_423 = arith.constant 0 : i32
      %ne3A_424 = arith.cmpi ne, %rem3A_422, %ne3A_423 : i32
      %lt3A_425 = arith.constant 0 : i32
      %lt3A_426 = arith.cmpi slt, %rem3A_422, %lt3A_425 : i32
      %lt3A_427 = arith.constant 0 : i32
      %lt3A_428 = arith.cmpi slt, %select_n3A_421, %lt3A_427 : i32
      %ne3A_429 = arith.xori %lt3A_426, %lt3A_428 : i1
      %and3A_430 = arith.andi %ne3A_429, %ne3A_424 : i1
      %add3A_431 = arith.addi %rem3A_422, %select_n3A_421 : i32
      %select_n3A_432 = arith.select %and3A_430, %add3A_431, %rem3A_422 : i32
      %mul3A_433 = arith.constant 128 : i32
      %mul3A_434 = arith.muli %select_n3A_432, %mul3A_433 : i32
      %dma_start3A_435 = arith.constant 0 : i32
      %dma_start3A_436 = arith.constant 0 : i32
      %dma_start3A_437 = arith.constant 0 : i32
      %dma_start3A_438 = tpu.memref_slice %arg10[%dma_start3A_435, %dma_start3A_436, %dma_start3A_437] : memref<6x128x64xf32, #tpu.memory_space<vmem>> -> memref<1x128x64xf32, #tpu.memory_space<vmem>>
      %dma_start3A_439 = tpu.memref_squeeze %dma_start3A_438 : memref<1x128x64xf32, #tpu.memory_space<vmem>> -> memref<128x64xf32, #tpu.memory_space<vmem>>
      %dma_start3A_440 = tpu.memref_slice %arg7[%select_n3A_416, %mul3A_434] : memref<13x768xi32, #tpu.memory_space<vmem>> -> memref<1x128xi32, #tpu.memory_space<vmem>>
      %dma_start3A_441 = tpu.memref_squeeze %dma_start3A_440 : memref<1x128xi32, #tpu.memory_space<vmem>> -> memref<128xi32, #tpu.memory_space<vmem>>
      %dma_start3A_442 = arith.constant 0 : i32
      %dma_start3A_443 = arith.constant 0 : i32
      %dma_start3A_444 = tpu.memref_slice %arg13[%dma_start3A_442, %dma_start3A_443] : memref<10240x64xf32, #tpu.memory_space<vmem_shared>> -> memref<10240x64xf32, #tpu.memory_space<vmem_shared>>
      tpu.enqueue_indirect_dma source(%dma_start3A_439 : memref<128x64xf32, #tpu.memory_space<vmem>>) target(%dma_start3A_444 : memref<10240x64xf32, #tpu.memory_space<vmem_shared>>) offsets(%dma_start3A_441 : memref<128xi32, #tpu.memory_space<vmem>>) semaphore(%arg21 : memref<!tpu.dma_semaphore, #tpu.memory_space<semaphore_mem>>) {add = true}
      %mul3A_445 = arith.constant 6 : i32
      %mul3A_446 = arith.muli %scan3A_331, %mul3A_445 : i32
      %add3A_447 = arith.constant 1 : i32
      %add3A_448 = arith.addi %mul3A_446, %add3A_447 : i32
      %gt3A_449 = arith.constant 0 : i32
      %gt3A_450 = arith.cmpi sgt, %add3A_448, %gt3A_449 : i32
      %convert_element_type3A_451 = arith.extui %gt3A_450 : i1 to i32
      %cond3A_452 = arith.constant 0 : i32
      %cond3A_453 = arith.cmpi ne, %convert_element_type3A_451, %cond3A_452 : i32
      scf.if %cond3A_453 {
        %sub3A_1071 = arith.constant 1 : i32
        %sub3A_1072 = arith.subi %add3A_448, %sub3A_1071 : i32
        %jit3A_1073 = arith.constant 6 : i32
        %div3A_1074 = arith.divsi %sub3A_1072, %jit3A_1073 : i32
        %sign3A_1075 = arith.constant 0 : i32
        %sign3A_1076 = arith.cmpi sgt, %sub3A_1072, %sign3A_1075 : i32
        %sign3A_1077 = arith.extui %sign3A_1076 : i1 to i32
        %sign3A_1078 = arith.constant 0 : i32
        %sign3A_1079 = arith.cmpi slt, %sub3A_1072, %sign3A_1078 : i32
        %sign3A_1080 = arith.extui %sign3A_1079 : i1 to i32
        %sign3A_1081 = arith.subi %sign3A_1077, %sign3A_1080 : i32
        %sign3A_1082 = arith.constant 0 : i32
        %sign3A_1083 = arith.cmpi sgt, %jit3A_1073, %sign3A_1082 : i32
        %sign3A_1084 = arith.extui %sign3A_1083 : i1 to i32
        %sign3A_1085 = arith.constant 0 : i32
        %sign3A_1086 = arith.cmpi slt, %jit3A_1073, %sign3A_1085 : i32
        %sign3A_1087 = arith.extui %sign3A_1086 : i1 to i32
        %sign3A_1088 = arith.subi %sign3A_1084, %sign3A_1087 : i32
        %ne3A_1089 = arith.cmpi ne, %sign3A_1081, %sign3A_1088 : i32
        %rem3A_1090 = arith.remsi %sub3A_1072, %jit3A_1073 : i32
        %ne3A_1091 = arith.constant 0 : i32
        %ne3A_1092 = arith.cmpi ne, %rem3A_1090, %ne3A_1091 : i32
        %and3A_1093 = arith.andi %ne3A_1089, %ne3A_1092 : i1
        %sub3A_1094 = arith.constant 1 : i32
        %sub3A_1095 = arith.subi %div3A_1074, %sub3A_1094 : i32
        %select_n3A_1096 = arith.select %and3A_1093, %sub3A_1095, %div3A_1074 : i32
        %jit3A_1097 = arith.constant 6 : i32
        %eq3A_1098 = arith.constant 0 : i32
        %eq3A_1099 = arith.cmpi eq, %jit3A_1097, %eq3A_1098 : i32
        %jit3A_1100 = arith.constant 1 : i32
        %select_n3A_1101 = arith.select %eq3A_1099, %jit3A_1100, %jit3A_1097 : i32
        %rem3A_1102 = arith.remsi %sub3A_1072, %select_n3A_1101 : i32
        %ne3A_1103 = arith.constant 0 : i32
        %ne3A_1104 = arith.cmpi ne, %rem3A_1102, %ne3A_1103 : i32
        %lt3A_1105 = arith.constant 0 : i32
        %lt3A_1106 = arith.cmpi slt, %rem3A_1102, %lt3A_1105 : i32
        %lt3A_1107 = arith.constant 0 : i32
        %lt3A_1108 = arith.cmpi slt, %select_n3A_1101, %lt3A_1107 : i32
        %ne3A_1109 = arith.xori %lt3A_1106, %lt3A_1108 : i1
        %and3A_1110 = arith.andi %ne3A_1109, %ne3A_1104 : i1
        %add3A_1111 = arith.addi %rem3A_1102, %select_n3A_1101 : i32
        %select_n3A_1112 = arith.select %and3A_1110, %add3A_1111, %rem3A_1102 : i32
        %mul3A_1113 = arith.constant 128 : i32
        %mul3A_1114 = arith.muli %select_n3A_1112, %mul3A_1113 : i32
        %dma_wait3A_1115 = arith.constant 0 : i32
        %dma_wait3A_1116 = arith.constant 0 : i32
        %dma_wait3A_1117 = arith.constant 0 : i32
        %dma_wait3A_1118 = tpu.memref_slice %arg10[%dma_wait3A_1115, %dma_wait3A_1116, %dma_wait3A_1117] : memref<6x128x64xf32, #tpu.memory_space<vmem>> -> memref<1x128x64xf32, #tpu.memory_space<vmem>>
        %dma_wait3A_1119 = tpu.memref_squeeze %dma_wait3A_1118 : memref<1x128x64xf32, #tpu.memory_space<vmem>> -> memref<128x64xf32, #tpu.memory_space<vmem>>
        %dma_wait3A_1120 = tpu.memref_slice %arg7[%select_n3A_1096, %mul3A_1114] : memref<13x768xi32, #tpu.memory_space<vmem>> -> memref<1x128xi32, #tpu.memory_space<vmem>>
        %dma_wait3A_1121 = tpu.memref_squeeze %dma_wait3A_1120 : memref<1x128xi32, #tpu.memory_space<vmem>> -> memref<128xi32, #tpu.memory_space<vmem>>
        %dma_wait3A_1122 = arith.constant 0 : i32
        %dma_wait3A_1123 = arith.constant 0 : i32
        %dma_wait3A_1124 = tpu.memref_slice %arg13[%dma_wait3A_1122, %dma_wait3A_1123] : memref<10240x64xf32, #tpu.memory_space<vmem_shared>> -> memref<10240x64xf32, #tpu.memory_space<vmem_shared>>
        tpu.wait_indirect_dma semaphore(%arg21 : memref<!tpu.dma_semaphore, #tpu.memory_space<semaphore_mem>>) src(%dma_wait3A_1119 : memref<128x64xf32, #tpu.memory_space<vmem>>) dst(%dma_wait3A_1124 : memref<10240x64xf32, #tpu.memory_space<vmem_shared>>)
      } else {
      }
      %gt3A_454 = arith.constant 0 : i32
      %gt3A_455 = arith.cmpi sgt, %add3A_448, %gt3A_454 : i32
      %sub3A_456 = arith.constant 1 : i32
      %sub3A_457 = arith.subi %add3A_448, %sub3A_456 : i32
      %add3A_458 = arith.constant 6 : i32
      %add3A_459 = arith.addi %sub3A_457, %add3A_458 : i32
      %lt3A_460 = arith.constant 78 : i32
      %lt3A_461 = arith.cmpi slt, %add3A_459, %lt3A_460 : i32
      %and3A_462 = arith.andi %gt3A_455, %lt3A_461 : i1
      %convert_element_type3A_463 = arith.extui %and3A_462 : i1 to i32
      %cond3A_464 = arith.constant 0 : i32
      %cond3A_465 = arith.cmpi ne, %convert_element_type3A_463, %cond3A_464 : i32
      scf.if %cond3A_465 {
        %sub3A_1071 = arith.constant 1 : i32
        %sub3A_1072 = arith.subi %add3A_448, %sub3A_1071 : i32
        %add3A_1073 = arith.constant 6 : i32
        %add3A_1074 = arith.addi %sub3A_1072, %add3A_1073 : i32
        %jit3A_1075 = arith.constant 6 : i32
        %div3A_1076 = arith.divsi %add3A_1074, %jit3A_1075 : i32
        %sign3A_1077 = arith.constant 0 : i32
        %sign3A_1078 = arith.cmpi sgt, %add3A_1074, %sign3A_1077 : i32
        %sign3A_1079 = arith.extui %sign3A_1078 : i1 to i32
        %sign3A_1080 = arith.constant 0 : i32
        %sign3A_1081 = arith.cmpi slt, %add3A_1074, %sign3A_1080 : i32
        %sign3A_1082 = arith.extui %sign3A_1081 : i1 to i32
        %sign3A_1083 = arith.subi %sign3A_1079, %sign3A_1082 : i32
        %sign3A_1084 = arith.constant 0 : i32
        %sign3A_1085 = arith.cmpi sgt, %jit3A_1075, %sign3A_1084 : i32
        %sign3A_1086 = arith.extui %sign3A_1085 : i1 to i32
        %sign3A_1087 = arith.constant 0 : i32
        %sign3A_1088 = arith.cmpi slt, %jit3A_1075, %sign3A_1087 : i32
        %sign3A_1089 = arith.extui %sign3A_1088 : i1 to i32
        %sign3A_1090 = arith.subi %sign3A_1086, %sign3A_1089 : i32
        %ne3A_1091 = arith.cmpi ne, %sign3A_1083, %sign3A_1090 : i32
        %rem3A_1092 = arith.remsi %add3A_1074, %jit3A_1075 : i32
        %ne3A_1093 = arith.constant 0 : i32
        %ne3A_1094 = arith.cmpi ne, %rem3A_1092, %ne3A_1093 : i32
        %and3A_1095 = arith.andi %ne3A_1091, %ne3A_1094 : i1
        %sub3A_1096 = arith.constant 1 : i32
        %sub3A_1097 = arith.subi %div3A_1076, %sub3A_1096 : i32
        %select_n3A_1098 = arith.select %and3A_1095, %sub3A_1097, %div3A_1076 : i32
        %jit3A_1099 = arith.constant 6 : i32
        %eq3A_1100 = arith.constant 0 : i32
        %eq3A_1101 = arith.cmpi eq, %jit3A_1099, %eq3A_1100 : i32
        %jit3A_1102 = arith.constant 1 : i32
        %select_n3A_1103 = arith.select %eq3A_1101, %jit3A_1102, %jit3A_1099 : i32
        %rem3A_1104 = arith.remsi %add3A_1074, %select_n3A_1103 : i32
        %ne3A_1105 = arith.constant 0 : i32
        %ne3A_1106 = arith.cmpi ne, %rem3A_1104, %ne3A_1105 : i32
        %lt3A_1107 = arith.constant 0 : i32
        %lt3A_1108 = arith.cmpi slt, %rem3A_1104, %lt3A_1107 : i32
        %lt3A_1109 = arith.constant 0 : i32
        %lt3A_1110 = arith.cmpi slt, %select_n3A_1103, %lt3A_1109 : i32
        %ne3A_1111 = arith.xori %lt3A_1108, %lt3A_1110 : i1
        %and3A_1112 = arith.andi %ne3A_1111, %ne3A_1106 : i1
        %add3A_1113 = arith.addi %rem3A_1104, %select_n3A_1103 : i32
        %select_n3A_1114 = arith.select %and3A_1112, %add3A_1113, %rem3A_1104 : i32
        %mul3A_1115 = arith.constant 128 : i32
        %mul3A_1116 = arith.muli %select_n3A_1114, %mul3A_1115 : i32
        %dma_start3A_1117 = arith.constant 0 : i32
        %dma_start3A_1118 = arith.constant 0 : i32
        %dma_start3A_1119 = arith.constant 0 : i32
        %dma_start3A_1120 = tpu.memref_slice %arg10[%dma_start3A_1117, %dma_start3A_1118, %dma_start3A_1119] : memref<6x128x64xf32, #tpu.memory_space<vmem>> -> memref<1x128x64xf32, #tpu.memory_space<vmem>>
        %dma_start3A_1121 = tpu.memref_squeeze %dma_start3A_1120 : memref<1x128x64xf32, #tpu.memory_space<vmem>> -> memref<128x64xf32, #tpu.memory_space<vmem>>
        %dma_start3A_1122 = tpu.memref_slice %arg6[%select_n3A_1098, %mul3A_1116] : memref<13x768xi32, #tpu.memory_space<vmem>> -> memref<1x128xi32, #tpu.memory_space<vmem>>
        %dma_start3A_1123 = tpu.memref_squeeze %dma_start3A_1122 : memref<1x128xi32, #tpu.memory_space<vmem>> -> memref<128xi32, #tpu.memory_space<vmem>>
        %dma_start3A_1124 = arith.constant 0 : i32
        %dma_start3A_1125 = arith.constant 0 : i32
        %dma_start3A_1126 = tpu.memref_slice %arg4[%dma_start3A_1124, %dma_start3A_1125] : memref<10000x64xf32, #tpu.memory_space<hbm>> -> memref<10000x64xf32, #tpu.memory_space<hbm>>
        tpu.enqueue_indirect_dma source(%dma_start3A_1126 : memref<10000x64xf32, #tpu.memory_space<hbm>>) target(%dma_start3A_1121 : memref<128x64xf32, #tpu.memory_space<vmem>>) offsets(%dma_start3A_1123 : memref<128xi32, #tpu.memory_space<vmem>>) semaphore(%arg15 : memref<!tpu.dma_semaphore, #tpu.memory_space<semaphore_mem>>)
      } else {
      }
      %jit3A_466 = arith.constant 6 : i32
      %div3A_467 = arith.divsi %add3A_448, %jit3A_466 : i32
      %sign3A_468 = arith.constant 0 : i32
      %sign3A_469 = arith.cmpi sgt, %add3A_448, %sign3A_468 : i32
      %sign3A_470 = arith.extui %sign3A_469 : i1 to i32
      %sign3A_471 = arith.constant 0 : i32
      %sign3A_472 = arith.cmpi slt, %add3A_448, %sign3A_471 : i32
      %sign3A_473 = arith.extui %sign3A_472 : i1 to i32
      %sign3A_474 = arith.subi %sign3A_470, %sign3A_473 : i32
      %sign3A_475 = arith.constant 0 : i32
      %sign3A_476 = arith.cmpi sgt, %jit3A_466, %sign3A_475 : i32
      %sign3A_477 = arith.extui %sign3A_476 : i1 to i32
      %sign3A_478 = arith.constant 0 : i32
      %sign3A_479 = arith.cmpi slt, %jit3A_466, %sign3A_478 : i32
      %sign3A_480 = arith.extui %sign3A_479 : i1 to i32
      %sign3A_481 = arith.subi %sign3A_477, %sign3A_480 : i32
      %ne3A_482 = arith.cmpi ne, %sign3A_474, %sign3A_481 : i32
      %rem3A_483 = arith.remsi %add3A_448, %jit3A_466 : i32
      %ne3A_484 = arith.constant 0 : i32
      %ne3A_485 = arith.cmpi ne, %rem3A_483, %ne3A_484 : i32
      %and3A_486 = arith.andi %ne3A_482, %ne3A_485 : i1
      %sub3A_487 = arith.constant 1 : i32
      %sub3A_488 = arith.subi %div3A_467, %sub3A_487 : i32
      %select_n3A_489 = arith.select %and3A_486, %sub3A_488, %div3A_467 : i32
      %jit3A_490 = arith.constant 6 : i32
      %eq3A_491 = arith.constant 0 : i32
      %eq3A_492 = arith.cmpi eq, %jit3A_490, %eq3A_491 : i32
      %jit3A_493 = arith.constant 1 : i32
      %select_n3A_494 = arith.select %eq3A_492, %jit3A_493, %jit3A_490 : i32
      %rem3A_495 = arith.remsi %add3A_448, %select_n3A_494 : i32
      %ne3A_496 = arith.constant 0 : i32
      %ne3A_497 = arith.cmpi ne, %rem3A_495, %ne3A_496 : i32
      %lt3A_498 = arith.constant 0 : i32
      %lt3A_499 = arith.cmpi slt, %rem3A_495, %lt3A_498 : i32
      %lt3A_500 = arith.constant 0 : i32
      %lt3A_501 = arith.cmpi slt, %select_n3A_494, %lt3A_500 : i32
      %ne3A_502 = arith.xori %lt3A_499, %lt3A_501 : i1
      %and3A_503 = arith.andi %ne3A_502, %ne3A_497 : i1
      %add3A_504 = arith.addi %rem3A_495, %select_n3A_494 : i32
      %select_n3A_505 = arith.select %and3A_503, %add3A_504, %rem3A_495 : i32
      %mul3A_506 = arith.constant 128 : i32
      %mul3A_507 = arith.muli %select_n3A_505, %mul3A_506 : i32
      %dma_wait3A_508 = arith.constant 1 : i32
      %dma_wait3A_509 = arith.constant 0 : i32
      %dma_wait3A_510 = arith.constant 0 : i32
      %dma_wait3A_511 = tpu.memref_slice %arg10[%dma_wait3A_508, %dma_wait3A_509, %dma_wait3A_510] : memref<6x128x64xf32, #tpu.memory_space<vmem>> -> memref<1x128x64xf32, #tpu.memory_space<vmem>>
      %dma_wait3A_512 = tpu.memref_squeeze %dma_wait3A_511 : memref<1x128x64xf32, #tpu.memory_space<vmem>> -> memref<128x64xf32, #tpu.memory_space<vmem>>
      %dma_wait3A_513 = tpu.memref_slice %arg6[%select_n3A_489, %mul3A_507] : memref<13x768xi32, #tpu.memory_space<vmem>> -> memref<1x128xi32, #tpu.memory_space<vmem>>
      %dma_wait3A_514 = tpu.memref_squeeze %dma_wait3A_513 : memref<1x128xi32, #tpu.memory_space<vmem>> -> memref<128xi32, #tpu.memory_space<vmem>>
      %dma_wait3A_515 = arith.constant 0 : i32
      %dma_wait3A_516 = arith.constant 0 : i32
      %dma_wait3A_517 = tpu.memref_slice %arg4[%dma_wait3A_515, %dma_wait3A_516] : memref<10000x64xf32, #tpu.memory_space<hbm>> -> memref<10000x64xf32, #tpu.memory_space<hbm>>
      tpu.wait_indirect_dma semaphore(%arg16 : memref<!tpu.dma_semaphore, #tpu.memory_space<semaphore_mem>>) src(%dma_wait3A_517 : memref<10000x64xf32, #tpu.memory_space<hbm>>) dst(%dma_wait3A_512 : memref<128x64xf32, #tpu.memory_space<vmem>>)
      %jit3A_518 = arith.constant 6 : i32
      %div3A_519 = arith.divsi %add3A_448, %jit3A_518 : i32
      %sign3A_520 = arith.constant 0 : i32
      %sign3A_521 = arith.cmpi sgt, %add3A_448, %sign3A_520 : i32
      %sign3A_522 = arith.extui %sign3A_521 : i1 to i32
      %sign3A_523 = arith.constant 0 : i32
      %sign3A_524 = arith.cmpi slt, %add3A_448, %sign3A_523 : i32
      %sign3A_525 = arith.extui %sign3A_524 : i1 to i32
      %sign3A_526 = arith.subi %sign3A_522, %sign3A_525 : i32
      %sign3A_527 = arith.constant 0 : i32
      %sign3A_528 = arith.cmpi sgt, %jit3A_518, %sign3A_527 : i32
      %sign3A_529 = arith.extui %sign3A_528 : i1 to i32
      %sign3A_530 = arith.constant 0 : i32
      %sign3A_531 = arith.cmpi slt, %jit3A_518, %sign3A_530 : i32
      %sign3A_532 = arith.extui %sign3A_531 : i1 to i32
      %sign3A_533 = arith.subi %sign3A_529, %sign3A_532 : i32
      %ne3A_534 = arith.cmpi ne, %sign3A_526, %sign3A_533 : i32
      %rem3A_535 = arith.remsi %add3A_448, %jit3A_518 : i32
      %ne3A_536 = arith.constant 0 : i32
      %ne3A_537 = arith.cmpi ne, %rem3A_535, %ne3A_536 : i32
      %and3A_538 = arith.andi %ne3A_534, %ne3A_537 : i1
      %sub3A_539 = arith.constant 1 : i32
      %sub3A_540 = arith.subi %div3A_519, %sub3A_539 : i32
      %select_n3A_541 = arith.select %and3A_538, %sub3A_540, %div3A_519 : i32
      %jit3A_542 = arith.constant 6 : i32
      %eq3A_543 = arith.constant 0 : i32
      %eq3A_544 = arith.cmpi eq, %jit3A_542, %eq3A_543 : i32
      %jit3A_545 = arith.constant 1 : i32
      %select_n3A_546 = arith.select %eq3A_544, %jit3A_545, %jit3A_542 : i32
      %rem3A_547 = arith.remsi %add3A_448, %select_n3A_546 : i32
      %ne3A_548 = arith.constant 0 : i32
      %ne3A_549 = arith.cmpi ne, %rem3A_547, %ne3A_548 : i32
      %lt3A_550 = arith.constant 0 : i32
      %lt3A_551 = arith.cmpi slt, %rem3A_547, %lt3A_550 : i32
      %lt3A_552 = arith.constant 0 : i32
      %lt3A_553 = arith.cmpi slt, %select_n3A_546, %lt3A_552 : i32
      %ne3A_554 = arith.xori %lt3A_551, %lt3A_553 : i1
      %and3A_555 = arith.andi %ne3A_554, %ne3A_549 : i1
      %add3A_556 = arith.addi %rem3A_547, %select_n3A_546 : i32
      %select_n3A_557 = arith.select %and3A_555, %add3A_556, %rem3A_547 : i32
      %mul3A_558 = arith.constant 128 : i32
      %mul3A_559 = arith.muli %select_n3A_557, %mul3A_558 : i32
      %dma_start3A_560 = arith.constant 1 : i32
      %dma_start3A_561 = arith.constant 0 : i32
      %dma_start3A_562 = arith.constant 0 : i32
      %dma_start3A_563 = tpu.memref_slice %arg10[%dma_start3A_560, %dma_start3A_561, %dma_start3A_562] : memref<6x128x64xf32, #tpu.memory_space<vmem>> -> memref<1x128x64xf32, #tpu.memory_space<vmem>>
      %dma_start3A_564 = tpu.memref_squeeze %dma_start3A_563 : memref<1x128x64xf32, #tpu.memory_space<vmem>> -> memref<128x64xf32, #tpu.memory_space<vmem>>
      %dma_start3A_565 = tpu.memref_slice %arg7[%select_n3A_541, %mul3A_559] : memref<13x768xi32, #tpu.memory_space<vmem>> -> memref<1x128xi32, #tpu.memory_space<vmem>>
      %dma_start3A_566 = tpu.memref_squeeze %dma_start3A_565 : memref<1x128xi32, #tpu.memory_space<vmem>> -> memref<128xi32, #tpu.memory_space<vmem>>
      %dma_start3A_567 = arith.constant 0 : i32
      %dma_start3A_568 = arith.constant 0 : i32
      %dma_start3A_569 = tpu.memref_slice %arg13[%dma_start3A_567, %dma_start3A_568] : memref<10240x64xf32, #tpu.memory_space<vmem_shared>> -> memref<10240x64xf32, #tpu.memory_space<vmem_shared>>
      tpu.enqueue_indirect_dma source(%dma_start3A_564 : memref<128x64xf32, #tpu.memory_space<vmem>>) target(%dma_start3A_569 : memref<10240x64xf32, #tpu.memory_space<vmem_shared>>) offsets(%dma_start3A_566 : memref<128xi32, #tpu.memory_space<vmem>>) semaphore(%arg22 : memref<!tpu.dma_semaphore, #tpu.memory_space<semaphore_mem>>) {add = true}
      %mul3A_570 = arith.constant 6 : i32
      %mul3A_571 = arith.muli %scan3A_331, %mul3A_570 : i32
      %add3A_572 = arith.constant 2 : i32
      %add3A_573 = arith.addi %mul3A_571, %add3A_572 : i32
      %gt3A_574 = arith.constant 0 : i32
      %gt3A_575 = arith.cmpi sgt, %add3A_573, %gt3A_574 : i32
      %convert_element_type3A_576 = arith.extui %gt3A_575 : i1 to i32
      %cond3A_577 = arith.constant 0 : i32
      %cond3A_578 = arith.cmpi ne, %convert_element_type3A_576, %cond3A_577 : i32
      scf.if %cond3A_578 {
        %sub3A_1071 = arith.constant 1 : i32
        %sub3A_1072 = arith.subi %add3A_573, %sub3A_1071 : i32
        %jit3A_1073 = arith.constant 6 : i32
        %div3A_1074 = arith.divsi %sub3A_1072, %jit3A_1073 : i32
        %sign3A_1075 = arith.constant 0 : i32
        %sign3A_1076 = arith.cmpi sgt, %sub3A_1072, %sign3A_1075 : i32
        %sign3A_1077 = arith.extui %sign3A_1076 : i1 to i32
        %sign3A_1078 = arith.constant 0 : i32
        %sign3A_1079 = arith.cmpi slt, %sub3A_1072, %sign3A_1078 : i32
        %sign3A_1080 = arith.extui %sign3A_1079 : i1 to i32
        %sign3A_1081 = arith.subi %sign3A_1077, %sign3A_1080 : i32
        %sign3A_1082 = arith.constant 0 : i32
        %sign3A_1083 = arith.cmpi sgt, %jit3A_1073, %sign3A_1082 : i32
        %sign3A_1084 = arith.extui %sign3A_1083 : i1 to i32
        %sign3A_1085 = arith.constant 0 : i32
        %sign3A_1086 = arith.cmpi slt, %jit3A_1073, %sign3A_1085 : i32
        %sign3A_1087 = arith.extui %sign3A_1086 : i1 to i32
        %sign3A_1088 = arith.subi %sign3A_1084, %sign3A_1087 : i32
        %ne3A_1089 = arith.cmpi ne, %sign3A_1081, %sign3A_1088 : i32
        %rem3A_1090 = arith.remsi %sub3A_1072, %jit3A_1073 : i32
        %ne3A_1091 = arith.constant 0 : i32
        %ne3A_1092 = arith.cmpi ne, %rem3A_1090, %ne3A_1091 : i32
        %and3A_1093 = arith.andi %ne3A_1089, %ne3A_1092 : i1
        %sub3A_1094 = arith.constant 1 : i32
        %sub3A_1095 = arith.subi %div3A_1074, %sub3A_1094 : i32
        %select_n3A_1096 = arith.select %and3A_1093, %sub3A_1095, %div3A_1074 : i32
        %jit3A_1097 = arith.constant 6 : i32
        %eq3A_1098 = arith.constant 0 : i32
        %eq3A_1099 = arith.cmpi eq, %jit3A_1097, %eq3A_1098 : i32
        %jit3A_1100 = arith.constant 1 : i32
        %select_n3A_1101 = arith.select %eq3A_1099, %jit3A_1100, %jit3A_1097 : i32
        %rem3A_1102 = arith.remsi %sub3A_1072, %select_n3A_1101 : i32
        %ne3A_1103 = arith.constant 0 : i32
        %ne3A_1104 = arith.cmpi ne, %rem3A_1102, %ne3A_1103 : i32
        %lt3A_1105 = arith.constant 0 : i32
        %lt3A_1106 = arith.cmpi slt, %rem3A_1102, %lt3A_1105 : i32
        %lt3A_1107 = arith.constant 0 : i32
        %lt3A_1108 = arith.cmpi slt, %select_n3A_1101, %lt3A_1107 : i32
        %ne3A_1109 = arith.xori %lt3A_1106, %lt3A_1108 : i1
        %and3A_1110 = arith.andi %ne3A_1109, %ne3A_1104 : i1
        %add3A_1111 = arith.addi %rem3A_1102, %select_n3A_1101 : i32
        %select_n3A_1112 = arith.select %and3A_1110, %add3A_1111, %rem3A_1102 : i32
        %mul3A_1113 = arith.constant 128 : i32
        %mul3A_1114 = arith.muli %select_n3A_1112, %mul3A_1113 : i32
        %dma_wait3A_1115 = arith.constant 1 : i32
        %dma_wait3A_1116 = arith.constant 0 : i32
        %dma_wait3A_1117 = arith.constant 0 : i32
        %dma_wait3A_1118 = tpu.memref_slice %arg10[%dma_wait3A_1115, %dma_wait3A_1116, %dma_wait3A_1117] : memref<6x128x64xf32, #tpu.memory_space<vmem>> -> memref<1x128x64xf32, #tpu.memory_space<vmem>>
        %dma_wait3A_1119 = tpu.memref_squeeze %dma_wait3A_1118 : memref<1x128x64xf32, #tpu.memory_space<vmem>> -> memref<128x64xf32, #tpu.memory_space<vmem>>
        %dma_wait3A_1120 = tpu.memref_slice %arg7[%select_n3A_1096, %mul3A_1114] : memref<13x768xi32, #tpu.memory_space<vmem>> -> memref<1x128xi32, #tpu.memory_space<vmem>>
        %dma_wait3A_1121 = tpu.memref_squeeze %dma_wait3A_1120 : memref<1x128xi32, #tpu.memory_space<vmem>> -> memref<128xi32, #tpu.memory_space<vmem>>
        %dma_wait3A_1122 = arith.constant 0 : i32
        %dma_wait3A_1123 = arith.constant 0 : i32
        %dma_wait3A_1124 = tpu.memref_slice %arg13[%dma_wait3A_1122, %dma_wait3A_1123] : memref<10240x64xf32, #tpu.memory_space<vmem_shared>> -> memref<10240x64xf32, #tpu.memory_space<vmem_shared>>
        tpu.wait_indirect_dma semaphore(%arg22 : memref<!tpu.dma_semaphore, #tpu.memory_space<semaphore_mem>>) src(%dma_wait3A_1119 : memref<128x64xf32, #tpu.memory_space<vmem>>) dst(%dma_wait3A_1124 : memref<10240x64xf32, #tpu.memory_space<vmem_shared>>)
      } else {
      }
      %gt3A_579 = arith.constant 0 : i32
      %gt3A_580 = arith.cmpi sgt, %add3A_573, %gt3A_579 : i32
      %sub3A_581 = arith.constant 1 : i32
      %sub3A_582 = arith.subi %add3A_573, %sub3A_581 : i32
      %add3A_583 = arith.constant 6 : i32
      %add3A_584 = arith.addi %sub3A_582, %add3A_583 : i32
      %lt3A_585 = arith.constant 78 : i32
      %lt3A_586 = arith.cmpi slt, %add3A_584, %lt3A_585 : i32
      %and3A_587 = arith.andi %gt3A_580, %lt3A_586 : i1
      %convert_element_type3A_588 = arith.extui %and3A_587 : i1 to i32
      %cond3A_589 = arith.constant 0 : i32
      %cond3A_590 = arith.cmpi ne, %convert_element_type3A_588, %cond3A_589 : i32
      scf.if %cond3A_590 {
        %sub3A_1071 = arith.constant 1 : i32
        %sub3A_1072 = arith.subi %add3A_573, %sub3A_1071 : i32
        %add3A_1073 = arith.constant 6 : i32
        %add3A_1074 = arith.addi %sub3A_1072, %add3A_1073 : i32
        %jit3A_1075 = arith.constant 6 : i32
        %div3A_1076 = arith.divsi %add3A_1074, %jit3A_1075 : i32
        %sign3A_1077 = arith.constant 0 : i32
        %sign3A_1078 = arith.cmpi sgt, %add3A_1074, %sign3A_1077 : i32
        %sign3A_1079 = arith.extui %sign3A_1078 : i1 to i32
        %sign3A_1080 = arith.constant 0 : i32
        %sign3A_1081 = arith.cmpi slt, %add3A_1074, %sign3A_1080 : i32
        %sign3A_1082 = arith.extui %sign3A_1081 : i1 to i32
        %sign3A_1083 = arith.subi %sign3A_1079, %sign3A_1082 : i32
        %sign3A_1084 = arith.constant 0 : i32
        %sign3A_1085 = arith.cmpi sgt, %jit3A_1075, %sign3A_1084 : i32
        %sign3A_1086 = arith.extui %sign3A_1085 : i1 to i32
        %sign3A_1087 = arith.constant 0 : i32
        %sign3A_1088 = arith.cmpi slt, %jit3A_1075, %sign3A_1087 : i32
        %sign3A_1089 = arith.extui %sign3A_1088 : i1 to i32
        %sign3A_1090 = arith.subi %sign3A_1086, %sign3A_1089 : i32
        %ne3A_1091 = arith.cmpi ne, %sign3A_1083, %sign3A_1090 : i32
        %rem3A_1092 = arith.remsi %add3A_1074, %jit3A_1075 : i32
        %ne3A_1093 = arith.constant 0 : i32
        %ne3A_1094 = arith.cmpi ne, %rem3A_1092, %ne3A_1093 : i32
        %and3A_1095 = arith.andi %ne3A_1091, %ne3A_1094 : i1
        %sub3A_1096 = arith.constant 1 : i32
        %sub3A_1097 = arith.subi %div3A_1076, %sub3A_1096 : i32
        %select_n3A_1098 = arith.select %and3A_1095, %sub3A_1097, %div3A_1076 : i32
        %jit3A_1099 = arith.constant 6 : i32
        %eq3A_1100 = arith.constant 0 : i32
        %eq3A_1101 = arith.cmpi eq, %jit3A_1099, %eq3A_1100 : i32
        %jit3A_1102 = arith.constant 1 : i32
        %select_n3A_1103 = arith.select %eq3A_1101, %jit3A_1102, %jit3A_1099 : i32
        %rem3A_1104 = arith.remsi %add3A_1074, %select_n3A_1103 : i32
        %ne3A_1105 = arith.constant 0 : i32
        %ne3A_1106 = arith.cmpi ne, %rem3A_1104, %ne3A_1105 : i32
        %lt3A_1107 = arith.constant 0 : i32
        %lt3A_1108 = arith.cmpi slt, %rem3A_1104, %lt3A_1107 : i32
        %lt3A_1109 = arith.constant 0 : i32
        %lt3A_1110 = arith.cmpi slt, %select_n3A_1103, %lt3A_1109 : i32
        %ne3A_1111 = arith.xori %lt3A_1108, %lt3A_1110 : i1
        %and3A_1112 = arith.andi %ne3A_1111, %ne3A_1106 : i1
        %add3A_1113 = arith.addi %rem3A_1104, %select_n3A_1103 : i32
        %select_n3A_1114 = arith.select %and3A_1112, %add3A_1113, %rem3A_1104 : i32
        %mul3A_1115 = arith.constant 128 : i32
        %mul3A_1116 = arith.muli %select_n3A_1114, %mul3A_1115 : i32
        %dma_start3A_1117 = arith.constant 1 : i32
        %dma_start3A_1118 = arith.constant 0 : i32
        %dma_start3A_1119 = arith.constant 0 : i32
        %dma_start3A_1120 = tpu.memref_slice %arg10[%dma_start3A_1117, %dma_start3A_1118, %dma_start3A_1119] : memref<6x128x64xf32, #tpu.memory_space<vmem>> -> memref<1x128x64xf32, #tpu.memory_space<vmem>>
        %dma_start3A_1121 = tpu.memref_squeeze %dma_start3A_1120 : memref<1x128x64xf32, #tpu.memory_space<vmem>> -> memref<128x64xf32, #tpu.memory_space<vmem>>
        %dma_start3A_1122 = tpu.memref_slice %arg6[%select_n3A_1098, %mul3A_1116] : memref<13x768xi32, #tpu.memory_space<vmem>> -> memref<1x128xi32, #tpu.memory_space<vmem>>
        %dma_start3A_1123 = tpu.memref_squeeze %dma_start3A_1122 : memref<1x128xi32, #tpu.memory_space<vmem>> -> memref<128xi32, #tpu.memory_space<vmem>>
        %dma_start3A_1124 = arith.constant 0 : i32
        %dma_start3A_1125 = arith.constant 0 : i32
        %dma_start3A_1126 = tpu.memref_slice %arg4[%dma_start3A_1124, %dma_start3A_1125] : memref<10000x64xf32, #tpu.memory_space<hbm>> -> memref<10000x64xf32, #tpu.memory_space<hbm>>
        tpu.enqueue_indirect_dma source(%dma_start3A_1126 : memref<10000x64xf32, #tpu.memory_space<hbm>>) target(%dma_start3A_1121 : memref<128x64xf32, #tpu.memory_space<vmem>>) offsets(%dma_start3A_1123 : memref<128xi32, #tpu.memory_space<vmem>>) semaphore(%arg16 : memref<!tpu.dma_semaphore, #tpu.memory_space<semaphore_mem>>)
      } else {
      }
      %jit3A_591 = arith.constant 6 : i32
      %div3A_592 = arith.divsi %add3A_573, %jit3A_591 : i32
      %sign3A_593 = arith.constant 0 : i32
      %sign3A_594 = arith.cmpi sgt, %add3A_573, %sign3A_593 : i32
      %sign3A_595 = arith.extui %sign3A_594 : i1 to i32
      %sign3A_596 = arith.constant 0 : i32
      %sign3A_597 = arith.cmpi slt, %add3A_573, %sign3A_596 : i32
      %sign3A_598 = arith.extui %sign3A_597 : i1 to i32
      %sign3A_599 = arith.subi %sign3A_595, %sign3A_598 : i32
      %sign3A_600 = arith.constant 0 : i32
      %sign3A_601 = arith.cmpi sgt, %jit3A_591, %sign3A_600 : i32
      %sign3A_602 = arith.extui %sign3A_601 : i1 to i32
      %sign3A_603 = arith.constant 0 : i32
      %sign3A_604 = arith.cmpi slt, %jit3A_591, %sign3A_603 : i32
      %sign3A_605 = arith.extui %sign3A_604 : i1 to i32
      %sign3A_606 = arith.subi %sign3A_602, %sign3A_605 : i32
      %ne3A_607 = arith.cmpi ne, %sign3A_599, %sign3A_606 : i32
      %rem3A_608 = arith.remsi %add3A_573, %jit3A_591 : i32
      %ne3A_609 = arith.constant 0 : i32
      %ne3A_610 = arith.cmpi ne, %rem3A_608, %ne3A_609 : i32
      %and3A_611 = arith.andi %ne3A_607, %ne3A_610 : i1
      %sub3A_612 = arith.constant 1 : i32
      %sub3A_613 = arith.subi %div3A_592, %sub3A_612 : i32
      %select_n3A_614 = arith.select %and3A_611, %sub3A_613, %div3A_592 : i32
      %jit3A_615 = arith.constant 6 : i32
      %eq3A_616 = arith.constant 0 : i32
      %eq3A_617 = arith.cmpi eq, %jit3A_615, %eq3A_616 : i32
      %jit3A_618 = arith.constant 1 : i32
      %select_n3A_619 = arith.select %eq3A_617, %jit3A_618, %jit3A_615 : i32
      %rem3A_620 = arith.remsi %add3A_573, %select_n3A_619 : i32
      %ne3A_621 = arith.constant 0 : i32
      %ne3A_622 = arith.cmpi ne, %rem3A_620, %ne3A_621 : i32
      %lt3A_623 = arith.constant 0 : i32
      %lt3A_624 = arith.cmpi slt, %rem3A_620, %lt3A_623 : i32
      %lt3A_625 = arith.constant 0 : i32
      %lt3A_626 = arith.cmpi slt, %select_n3A_619, %lt3A_625 : i32
      %ne3A_627 = arith.xori %lt3A_624, %lt3A_626 : i1
      %and3A_628 = arith.andi %ne3A_627, %ne3A_622 : i1
      %add3A_629 = arith.addi %rem3A_620, %select_n3A_619 : i32
      %select_n3A_630 = arith.select %and3A_628, %add3A_629, %rem3A_620 : i32
      %mul3A_631 = arith.constant 128 : i32
      %mul3A_632 = arith.muli %select_n3A_630, %mul3A_631 : i32
      %dma_wait3A_633 = arith.constant 2 : i32
      %dma_wait3A_634 = arith.constant 0 : i32
      %dma_wait3A_635 = arith.constant 0 : i32
      %dma_wait3A_636 = tpu.memref_slice %arg10[%dma_wait3A_633, %dma_wait3A_634, %dma_wait3A_635] : memref<6x128x64xf32, #tpu.memory_space<vmem>> -> memref<1x128x64xf32, #tpu.memory_space<vmem>>
      %dma_wait3A_637 = tpu.memref_squeeze %dma_wait3A_636 : memref<1x128x64xf32, #tpu.memory_space<vmem>> -> memref<128x64xf32, #tpu.memory_space<vmem>>
      %dma_wait3A_638 = tpu.memref_slice %arg6[%select_n3A_614, %mul3A_632] : memref<13x768xi32, #tpu.memory_space<vmem>> -> memref<1x128xi32, #tpu.memory_space<vmem>>
      %dma_wait3A_639 = tpu.memref_squeeze %dma_wait3A_638 : memref<1x128xi32, #tpu.memory_space<vmem>> -> memref<128xi32, #tpu.memory_space<vmem>>
      %dma_wait3A_640 = arith.constant 0 : i32
      %dma_wait3A_641 = arith.constant 0 : i32
      %dma_wait3A_642 = tpu.memref_slice %arg4[%dma_wait3A_640, %dma_wait3A_641] : memref<10000x64xf32, #tpu.memory_space<hbm>> -> memref<10000x64xf32, #tpu.memory_space<hbm>>
      tpu.wait_indirect_dma semaphore(%arg17 : memref<!tpu.dma_semaphore, #tpu.memory_space<semaphore_mem>>) src(%dma_wait3A_642 : memref<10000x64xf32, #tpu.memory_space<hbm>>) dst(%dma_wait3A_637 : memref<128x64xf32, #tpu.memory_space<vmem>>)
      %jit3A_643 = arith.constant 6 : i32
      %div3A_644 = arith.divsi %add3A_573, %jit3A_643 : i32
      %sign3A_645 = arith.constant 0 : i32
      %sign3A_646 = arith.cmpi sgt, %add3A_573, %sign3A_645 : i32
      %sign3A_647 = arith.extui %sign3A_646 : i1 to i32
      %sign3A_648 = arith.constant 0 : i32
      %sign3A_649 = arith.cmpi slt, %add3A_573, %sign3A_648 : i32
      %sign3A_650 = arith.extui %sign3A_649 : i1 to i32
      %sign3A_651 = arith.subi %sign3A_647, %sign3A_650 : i32
      %sign3A_652 = arith.constant 0 : i32
      %sign3A_653 = arith.cmpi sgt, %jit3A_643, %sign3A_652 : i32
      %sign3A_654 = arith.extui %sign3A_653 : i1 to i32
      %sign3A_655 = arith.constant 0 : i32
      %sign3A_656 = arith.cmpi slt, %jit3A_643, %sign3A_655 : i32
      %sign3A_657 = arith.extui %sign3A_656 : i1 to i32
      %sign3A_658 = arith.subi %sign3A_654, %sign3A_657 : i32
      %ne3A_659 = arith.cmpi ne, %sign3A_651, %sign3A_658 : i32
      %rem3A_660 = arith.remsi %add3A_573, %jit3A_643 : i32
      %ne3A_661 = arith.constant 0 : i32
      %ne3A_662 = arith.cmpi ne, %rem3A_660, %ne3A_661 : i32
      %and3A_663 = arith.andi %ne3A_659, %ne3A_662 : i1
      %sub3A_664 = arith.constant 1 : i32
      %sub3A_665 = arith.subi %div3A_644, %sub3A_664 : i32
      %select_n3A_666 = arith.select %and3A_663, %sub3A_665, %div3A_644 : i32
      %jit3A_667 = arith.constant 6 : i32
      %eq3A_668 = arith.constant 0 : i32
      %eq3A_669 = arith.cmpi eq, %jit3A_667, %eq3A_668 : i32
      %jit3A_670 = arith.constant 1 : i32
      %select_n3A_671 = arith.select %eq3A_669, %jit3A_670, %jit3A_667 : i32
      %rem3A_672 = arith.remsi %add3A_573, %select_n3A_671 : i32
      %ne3A_673 = arith.constant 0 : i32
      %ne3A_674 = arith.cmpi ne, %rem3A_672, %ne3A_673 : i32
      %lt3A_675 = arith.constant 0 : i32
      %lt3A_676 = arith.cmpi slt, %rem3A_672, %lt3A_675 : i32
      %lt3A_677 = arith.constant 0 : i32
      %lt3A_678 = arith.cmpi slt, %select_n3A_671, %lt3A_677 : i32
      %ne3A_679 = arith.xori %lt3A_676, %lt3A_678 : i1
      %and3A_680 = arith.andi %ne3A_679, %ne3A_674 : i1
      %add3A_681 = arith.addi %rem3A_672, %select_n3A_671 : i32
      %select_n3A_682 = arith.select %and3A_680, %add3A_681, %rem3A_672 : i32
      %mul3A_683 = arith.constant 128 : i32
      %mul3A_684 = arith.muli %select_n3A_682, %mul3A_683 : i32
      %dma_start3A_685 = arith.constant 2 : i32
      %dma_start3A_686 = arith.constant 0 : i32
      %dma_start3A_687 = arith.constant 0 : i32
      %dma_start3A_688 = tpu.memref_slice %arg10[%dma_start3A_685, %dma_start3A_686, %dma_start3A_687] : memref<6x128x64xf32, #tpu.memory_space<vmem>> -> memref<1x128x64xf32, #tpu.memory_space<vmem>>
      %dma_start3A_689 = tpu.memref_squeeze %dma_start3A_688 : memref<1x128x64xf32, #tpu.memory_space<vmem>> -> memref<128x64xf32, #tpu.memory_space<vmem>>
      %dma_start3A_690 = tpu.memref_slice %arg7[%select_n3A_666, %mul3A_684] : memref<13x768xi32, #tpu.memory_space<vmem>> -> memref<1x128xi32, #tpu.memory_space<vmem>>
      %dma_start3A_691 = tpu.memref_squeeze %dma_start3A_690 : memref<1x128xi32, #tpu.memory_space<vmem>> -> memref<128xi32, #tpu.memory_space<vmem>>
      %dma_start3A_692 = arith.constant 0 : i32
      %dma_start3A_693 = arith.constant 0 : i32
      %dma_start3A_694 = tpu.memref_slice %arg13[%dma_start3A_692, %dma_start3A_693] : memref<10240x64xf32, #tpu.memory_space<vmem_shared>> -> memref<10240x64xf32, #tpu.memory_space<vmem_shared>>
      tpu.enqueue_indirect_dma source(%dma_start3A_689 : memref<128x64xf32, #tpu.memory_space<vmem>>) target(%dma_start3A_694 : memref<10240x64xf32, #tpu.memory_space<vmem_shared>>) offsets(%dma_start3A_691 : memref<128xi32, #tpu.memory_space<vmem>>) semaphore(%arg23 : memref<!tpu.dma_semaphore, #tpu.memory_space<semaphore_mem>>) {add = true}
      %mul3A_695 = arith.constant 6 : i32
      %mul3A_696 = arith.muli %scan3A_331, %mul3A_695 : i32
      %add3A_697 = arith.constant 3 : i32
      %add3A_698 = arith.addi %mul3A_696, %add3A_697 : i32
      %gt3A_699 = arith.constant 0 : i32
      %gt3A_700 = arith.cmpi sgt, %add3A_698, %gt3A_699 : i32
      %convert_element_type3A_701 = arith.extui %gt3A_700 : i1 to i32
      %cond3A_702 = arith.constant 0 : i32
      %cond3A_703 = arith.cmpi ne, %convert_element_type3A_701, %cond3A_702 : i32
      scf.if %cond3A_703 {
        %sub3A_1071 = arith.constant 1 : i32
        %sub3A_1072 = arith.subi %add3A_698, %sub3A_1071 : i32
        %jit3A_1073 = arith.constant 6 : i32
        %div3A_1074 = arith.divsi %sub3A_1072, %jit3A_1073 : i32
        %sign3A_1075 = arith.constant 0 : i32
        %sign3A_1076 = arith.cmpi sgt, %sub3A_1072, %sign3A_1075 : i32
        %sign3A_1077 = arith.extui %sign3A_1076 : i1 to i32
        %sign3A_1078 = arith.constant 0 : i32
        %sign3A_1079 = arith.cmpi slt, %sub3A_1072, %sign3A_1078 : i32
        %sign3A_1080 = arith.extui %sign3A_1079 : i1 to i32
        %sign3A_1081 = arith.subi %sign3A_1077, %sign3A_1080 : i32
        %sign3A_1082 = arith.constant 0 : i32
        %sign3A_1083 = arith.cmpi sgt, %jit3A_1073, %sign3A_1082 : i32
        %sign3A_1084 = arith.extui %sign3A_1083 : i1 to i32
        %sign3A_1085 = arith.constant 0 : i32
        %sign3A_1086 = arith.cmpi slt, %jit3A_1073, %sign3A_1085 : i32
        %sign3A_1087 = arith.extui %sign3A_1086 : i1 to i32
        %sign3A_1088 = arith.subi %sign3A_1084, %sign3A_1087 : i32
        %ne3A_1089 = arith.cmpi ne, %sign3A_1081, %sign3A_1088 : i32
        %rem3A_1090 = arith.remsi %sub3A_1072, %jit3A_1073 : i32
        %ne3A_1091 = arith.constant 0 : i32
        %ne3A_1092 = arith.cmpi ne, %rem3A_1090, %ne3A_1091 : i32
        %and3A_1093 = arith.andi %ne3A_1089, %ne3A_1092 : i1
        %sub3A_1094 = arith.constant 1 : i32
        %sub3A_1095 = arith.subi %div3A_1074, %sub3A_1094 : i32
        %select_n3A_1096 = arith.select %and3A_1093, %sub3A_1095, %div3A_1074 : i32
        %jit3A_1097 = arith.constant 6 : i32
        %eq3A_1098 = arith.constant 0 : i32
        %eq3A_1099 = arith.cmpi eq, %jit3A_1097, %eq3A_1098 : i32
        %jit3A_1100 = arith.constant 1 : i32
        %select_n3A_1101 = arith.select %eq3A_1099, %jit3A_1100, %jit3A_1097 : i32
        %rem3A_1102 = arith.remsi %sub3A_1072, %select_n3A_1101 : i32
        %ne3A_1103 = arith.constant 0 : i32
        %ne3A_1104 = arith.cmpi ne, %rem3A_1102, %ne3A_1103 : i32
        %lt3A_1105 = arith.constant 0 : i32
        %lt3A_1106 = arith.cmpi slt, %rem3A_1102, %lt3A_1105 : i32
        %lt3A_1107 = arith.constant 0 : i32
        %lt3A_1108 = arith.cmpi slt, %select_n3A_1101, %lt3A_1107 : i32
        %ne3A_1109 = arith.xori %lt3A_1106, %lt3A_1108 : i1
        %and3A_1110 = arith.andi %ne3A_1109, %ne3A_1104 : i1
        %add3A_1111 = arith.addi %rem3A_1102, %select_n3A_1101 : i32
        %select_n3A_1112 = arith.select %and3A_1110, %add3A_1111, %rem3A_1102 : i32
        %mul3A_1113 = arith.constant 128 : i32
        %mul3A_1114 = arith.muli %select_n3A_1112, %mul3A_1113 : i32
        %dma_wait3A_1115 = arith.constant 2 : i32
        %dma_wait3A_1116 = arith.constant 0 : i32
        %dma_wait3A_1117 = arith.constant 0 : i32
        %dma_wait3A_1118 = tpu.memref_slice %arg10[%dma_wait3A_1115, %dma_wait3A_1116, %dma_wait3A_1117] : memref<6x128x64xf32, #tpu.memory_space<vmem>> -> memref<1x128x64xf32, #tpu.memory_space<vmem>>
        %dma_wait3A_1119 = tpu.memref_squeeze %dma_wait3A_1118 : memref<1x128x64xf32, #tpu.memory_space<vmem>> -> memref<128x64xf32, #tpu.memory_space<vmem>>
        %dma_wait3A_1120 = tpu.memref_slice %arg7[%select_n3A_1096, %mul3A_1114] : memref<13x768xi32, #tpu.memory_space<vmem>> -> memref<1x128xi32, #tpu.memory_space<vmem>>
        %dma_wait3A_1121 = tpu.memref_squeeze %dma_wait3A_1120 : memref<1x128xi32, #tpu.memory_space<vmem>> -> memref<128xi32, #tpu.memory_space<vmem>>
        %dma_wait3A_1122 = arith.constant 0 : i32
        %dma_wait3A_1123 = arith.constant 0 : i32
        %dma_wait3A_1124 = tpu.memref_slice %arg13[%dma_wait3A_1122, %dma_wait3A_1123] : memref<10240x64xf32, #tpu.memory_space<vmem_shared>> -> memref<10240x64xf32, #tpu.memory_space<vmem_shared>>
        tpu.wait_indirect_dma semaphore(%arg23 : memref<!tpu.dma_semaphore, #tpu.memory_space<semaphore_mem>>) src(%dma_wait3A_1119 : memref<128x64xf32, #tpu.memory_space<vmem>>) dst(%dma_wait3A_1124 : memref<10240x64xf32, #tpu.memory_space<vmem_shared>>)
      } else {
      }
      %gt3A_704 = arith.constant 0 : i32
      %gt3A_705 = arith.cmpi sgt, %add3A_698, %gt3A_704 : i32
      %sub3A_706 = arith.constant 1 : i32
      %sub3A_707 = arith.subi %add3A_698, %sub3A_706 : i32
      %add3A_708 = arith.constant 6 : i32
      %add3A_709 = arith.addi %sub3A_707, %add3A_708 : i32
      %lt3A_710 = arith.constant 78 : i32
      %lt3A_711 = arith.cmpi slt, %add3A_709, %lt3A_710 : i32
      %and3A_712 = arith.andi %gt3A_705, %lt3A_711 : i1
      %convert_element_type3A_713 = arith.extui %and3A_712 : i1 to i32
      %cond3A_714 = arith.constant 0 : i32
      %cond3A_715 = arith.cmpi ne, %convert_element_type3A_713, %cond3A_714 : i32
      scf.if %cond3A_715 {
        %sub3A_1071 = arith.constant 1 : i32
        %sub3A_1072 = arith.subi %add3A_698, %sub3A_1071 : i32
        %add3A_1073 = arith.constant 6 : i32
        %add3A_1074 = arith.addi %sub3A_1072, %add3A_1073 : i32
        %jit3A_1075 = arith.constant 6 : i32
        %div3A_1076 = arith.divsi %add3A_1074, %jit3A_1075 : i32
        %sign3A_1077 = arith.constant 0 : i32
        %sign3A_1078 = arith.cmpi sgt, %add3A_1074, %sign3A_1077 : i32
        %sign3A_1079 = arith.extui %sign3A_1078 : i1 to i32
        %sign3A_1080 = arith.constant 0 : i32
        %sign3A_1081 = arith.cmpi slt, %add3A_1074, %sign3A_1080 : i32
        %sign3A_1082 = arith.extui %sign3A_1081 : i1 to i32
        %sign3A_1083 = arith.subi %sign3A_1079, %sign3A_1082 : i32
        %sign3A_1084 = arith.constant 0 : i32
        %sign3A_1085 = arith.cmpi sgt, %jit3A_1075, %sign3A_1084 : i32
        %sign3A_1086 = arith.extui %sign3A_1085 : i1 to i32
        %sign3A_1087 = arith.constant 0 : i32
        %sign3A_1088 = arith.cmpi slt, %jit3A_1075, %sign3A_1087 : i32
        %sign3A_1089 = arith.extui %sign3A_1088 : i1 to i32
        %sign3A_1090 = arith.subi %sign3A_1086, %sign3A_1089 : i32
        %ne3A_1091 = arith.cmpi ne, %sign3A_1083, %sign3A_1090 : i32
        %rem3A_1092 = arith.remsi %add3A_1074, %jit3A_1075 : i32
        %ne3A_1093 = arith.constant 0 : i32
        %ne3A_1094 = arith.cmpi ne, %rem3A_1092, %ne3A_1093 : i32
        %and3A_1095 = arith.andi %ne3A_1091, %ne3A_1094 : i1
        %sub3A_1096 = arith.constant 1 : i32
        %sub3A_1097 = arith.subi %div3A_1076, %sub3A_1096 : i32
        %select_n3A_1098 = arith.select %and3A_1095, %sub3A_1097, %div3A_1076 : i32
        %jit3A_1099 = arith.constant 6 : i32
        %eq3A_1100 = arith.constant 0 : i32
        %eq3A_1101 = arith.cmpi eq, %jit3A_1099, %eq3A_1100 : i32
        %jit3A_1102 = arith.constant 1 : i32
        %select_n3A_1103 = arith.select %eq3A_1101, %jit3A_1102, %jit3A_1099 : i32
        %rem3A_1104 = arith.remsi %add3A_1074, %select_n3A_1103 : i32
        %ne3A_1105 = arith.constant 0 : i32
        %ne3A_1106 = arith.cmpi ne, %rem3A_1104, %ne3A_1105 : i32
        %lt3A_1107 = arith.constant 0 : i32
        %lt3A_1108 = arith.cmpi slt, %rem3A_1104, %lt3A_1107 : i32
        %lt3A_1109 = arith.constant 0 : i32
        %lt3A_1110 = arith.cmpi slt, %select_n3A_1103, %lt3A_1109 : i32
        %ne3A_1111 = arith.xori %lt3A_1108, %lt3A_1110 : i1
        %and3A_1112 = arith.andi %ne3A_1111, %ne3A_1106 : i1
        %add3A_1113 = arith.addi %rem3A_1104, %select_n3A_1103 : i32
        %select_n3A_1114 = arith.select %and3A_1112, %add3A_1113, %rem3A_1104 : i32
        %mul3A_1115 = arith.constant 128 : i32
        %mul3A_1116 = arith.muli %select_n3A_1114, %mul3A_1115 : i32
        %dma_start3A_1117 = arith.constant 2 : i32
        %dma_start3A_1118 = arith.constant 0 : i32
        %dma_start3A_1119 = arith.constant 0 : i32
        %dma_start3A_1120 = tpu.memref_slice %arg10[%dma_start3A_1117, %dma_start3A_1118, %dma_start3A_1119] : memref<6x128x64xf32, #tpu.memory_space<vmem>> -> memref<1x128x64xf32, #tpu.memory_space<vmem>>
        %dma_start3A_1121 = tpu.memref_squeeze %dma_start3A_1120 : memref<1x128x64xf32, #tpu.memory_space<vmem>> -> memref<128x64xf32, #tpu.memory_space<vmem>>
        %dma_start3A_1122 = tpu.memref_slice %arg6[%select_n3A_1098, %mul3A_1116] : memref<13x768xi32, #tpu.memory_space<vmem>> -> memref<1x128xi32, #tpu.memory_space<vmem>>
        %dma_start3A_1123 = tpu.memref_squeeze %dma_start3A_1122 : memref<1x128xi32, #tpu.memory_space<vmem>> -> memref<128xi32, #tpu.memory_space<vmem>>
        %dma_start3A_1124 = arith.constant 0 : i32
        %dma_start3A_1125 = arith.constant 0 : i32
        %dma_start3A_1126 = tpu.memref_slice %arg4[%dma_start3A_1124, %dma_start3A_1125] : memref<10000x64xf32, #tpu.memory_space<hbm>> -> memref<10000x64xf32, #tpu.memory_space<hbm>>
        tpu.enqueue_indirect_dma source(%dma_start3A_1126 : memref<10000x64xf32, #tpu.memory_space<hbm>>) target(%dma_start3A_1121 : memref<128x64xf32, #tpu.memory_space<vmem>>) offsets(%dma_start3A_1123 : memref<128xi32, #tpu.memory_space<vmem>>) semaphore(%arg17 : memref<!tpu.dma_semaphore, #tpu.memory_space<semaphore_mem>>)
      } else {
      }
      %jit3A_716 = arith.constant 6 : i32
      %div3A_717 = arith.divsi %add3A_698, %jit3A_716 : i32
      %sign3A_718 = arith.constant 0 : i32
      %sign3A_719 = arith.cmpi sgt, %add3A_698, %sign3A_718 : i32
      %sign3A_720 = arith.extui %sign3A_719 : i1 to i32
      %sign3A_721 = arith.constant 0 : i32
      %sign3A_722 = arith.cmpi slt, %add3A_698, %sign3A_721 : i32
      %sign3A_723 = arith.extui %sign3A_722 : i1 to i32
      %sign3A_724 = arith.subi %sign3A_720, %sign3A_723 : i32
      %sign3A_725 = arith.constant 0 : i32
      %sign3A_726 = arith.cmpi sgt, %jit3A_716, %sign3A_725 : i32
      %sign3A_727 = arith.extui %sign3A_726 : i1 to i32
      %sign3A_728 = arith.constant 0 : i32
      %sign3A_729 = arith.cmpi slt, %jit3A_716, %sign3A_728 : i32
      %sign3A_730 = arith.extui %sign3A_729 : i1 to i32
      %sign3A_731 = arith.subi %sign3A_727, %sign3A_730 : i32
      %ne3A_732 = arith.cmpi ne, %sign3A_724, %sign3A_731 : i32
      %rem3A_733 = arith.remsi %add3A_698, %jit3A_716 : i32
      %ne3A_734 = arith.constant 0 : i32
      %ne3A_735 = arith.cmpi ne, %rem3A_733, %ne3A_734 : i32
      %and3A_736 = arith.andi %ne3A_732, %ne3A_735 : i1
      %sub3A_737 = arith.constant 1 : i32
      %sub3A_738 = arith.subi %div3A_717, %sub3A_737 : i32
      %select_n3A_739 = arith.select %and3A_736, %sub3A_738, %div3A_717 : i32
      %jit3A_740 = arith.constant 6 : i32
      %eq3A_741 = arith.constant 0 : i32
      %eq3A_742 = arith.cmpi eq, %jit3A_740, %eq3A_741 : i32
      %jit3A_743 = arith.constant 1 : i32
      %select_n3A_744 = arith.select %eq3A_742, %jit3A_743, %jit3A_740 : i32
      %rem3A_745 = arith.remsi %add3A_698, %select_n3A_744 : i32
      %ne3A_746 = arith.constant 0 : i32
      %ne3A_747 = arith.cmpi ne, %rem3A_745, %ne3A_746 : i32
      %lt3A_748 = arith.constant 0 : i32
      %lt3A_749 = arith.cmpi slt, %rem3A_745, %lt3A_748 : i32
      %lt3A_750 = arith.constant 0 : i32
      %lt3A_751 = arith.cmpi slt, %select_n3A_744, %lt3A_750 : i32
      %ne3A_752 = arith.xori %lt3A_749, %lt3A_751 : i1
      %and3A_753 = arith.andi %ne3A_752, %ne3A_747 : i1
      %add3A_754 = arith.addi %rem3A_745, %select_n3A_744 : i32
      %select_n3A_755 = arith.select %and3A_753, %add3A_754, %rem3A_745 : i32
      %mul3A_756 = arith.constant 128 : i32
      %mul3A_757 = arith.muli %select_n3A_755, %mul3A_756 : i32
      %dma_wait3A_758 = arith.constant 3 : i32
      %dma_wait3A_759 = arith.constant 0 : i32
      %dma_wait3A_760 = arith.constant 0 : i32
      %dma_wait3A_761 = tpu.memref_slice %arg10[%dma_wait3A_758, %dma_wait3A_759, %dma_wait3A_760] : memref<6x128x64xf32, #tpu.memory_space<vmem>> -> memref<1x128x64xf32, #tpu.memory_space<vmem>>
      %dma_wait3A_762 = tpu.memref_squeeze %dma_wait3A_761 : memref<1x128x64xf32, #tpu.memory_space<vmem>> -> memref<128x64xf32, #tpu.memory_space<vmem>>
      %dma_wait3A_763 = tpu.memref_slice %arg6[%select_n3A_739, %mul3A_757] : memref<13x768xi32, #tpu.memory_space<vmem>> -> memref<1x128xi32, #tpu.memory_space<vmem>>
      %dma_wait3A_764 = tpu.memref_squeeze %dma_wait3A_763 : memref<1x128xi32, #tpu.memory_space<vmem>> -> memref<128xi32, #tpu.memory_space<vmem>>
      %dma_wait3A_765 = arith.constant 0 : i32
      %dma_wait3A_766 = arith.constant 0 : i32
      %dma_wait3A_767 = tpu.memref_slice %arg4[%dma_wait3A_765, %dma_wait3A_766] : memref<10000x64xf32, #tpu.memory_space<hbm>> -> memref<10000x64xf32, #tpu.memory_space<hbm>>
      tpu.wait_indirect_dma semaphore(%arg18 : memref<!tpu.dma_semaphore, #tpu.memory_space<semaphore_mem>>) src(%dma_wait3A_767 : memref<10000x64xf32, #tpu.memory_space<hbm>>) dst(%dma_wait3A_762 : memref<128x64xf32, #tpu.memory_space<vmem>>)
      %jit3A_768 = arith.constant 6 : i32
      %div3A_769 = arith.divsi %add3A_698, %jit3A_768 : i32
      %sign3A_770 = arith.constant 0 : i32
      %sign3A_771 = arith.cmpi sgt, %add3A_698, %sign3A_770 : i32
      %sign3A_772 = arith.extui %sign3A_771 : i1 to i32
      %sign3A_773 = arith.constant 0 : i32
      %sign3A_774 = arith.cmpi slt, %add3A_698, %sign3A_773 : i32
      %sign3A_775 = arith.extui %sign3A_774 : i1 to i32
      %sign3A_776 = arith.subi %sign3A_772, %sign3A_775 : i32
      %sign3A_777 = arith.constant 0 : i32
      %sign3A_778 = arith.cmpi sgt, %jit3A_768, %sign3A_777 : i32
      %sign3A_779 = arith.extui %sign3A_778 : i1 to i32
      %sign3A_780 = arith.constant 0 : i32
      %sign3A_781 = arith.cmpi slt, %jit3A_768, %sign3A_780 : i32
      %sign3A_782 = arith.extui %sign3A_781 : i1 to i32
      %sign3A_783 = arith.subi %sign3A_779, %sign3A_782 : i32
      %ne3A_784 = arith.cmpi ne, %sign3A_776, %sign3A_783 : i32
      %rem3A_785 = arith.remsi %add3A_698, %jit3A_768 : i32
      %ne3A_786 = arith.constant 0 : i32
      %ne3A_787 = arith.cmpi ne, %rem3A_785, %ne3A_786 : i32
      %and3A_788 = arith.andi %ne3A_784, %ne3A_787 : i1
      %sub3A_789 = arith.constant 1 : i32
      %sub3A_790 = arith.subi %div3A_769, %sub3A_789 : i32
      %select_n3A_791 = arith.select %and3A_788, %sub3A_790, %div3A_769 : i32
      %jit3A_792 = arith.constant 6 : i32
      %eq3A_793 = arith.constant 0 : i32
      %eq3A_794 = arith.cmpi eq, %jit3A_792, %eq3A_793 : i32
      %jit3A_795 = arith.constant 1 : i32
      %select_n3A_796 = arith.select %eq3A_794, %jit3A_795, %jit3A_792 : i32
      %rem3A_797 = arith.remsi %add3A_698, %select_n3A_796 : i32
      %ne3A_798 = arith.constant 0 : i32
      %ne3A_799 = arith.cmpi ne, %rem3A_797, %ne3A_798 : i32
      %lt3A_800 = arith.constant 0 : i32
      %lt3A_801 = arith.cmpi slt, %rem3A_797, %lt3A_800 : i32
      %lt3A_802 = arith.constant 0 : i32
      %lt3A_803 = arith.cmpi slt, %select_n3A_796, %lt3A_802 : i32
      %ne3A_804 = arith.xori %lt3A_801, %lt3A_803 : i1
      %and3A_805 = arith.andi %ne3A_804, %ne3A_799 : i1
      %add3A_806 = arith.addi %rem3A_797, %select_n3A_796 : i32
      %select_n3A_807 = arith.select %and3A_805, %add3A_806, %rem3A_797 : i32
      %mul3A_808 = arith.constant 128 : i32
      %mul3A_809 = arith.muli %select_n3A_807, %mul3A_808 : i32
      %dma_start3A_810 = arith.constant 3 : i32
      %dma_start3A_811 = arith.constant 0 : i32
      %dma_start3A_812 = arith.constant 0 : i32
      %dma_start3A_813 = tpu.memref_slice %arg10[%dma_start3A_810, %dma_start3A_811, %dma_start3A_812] : memref<6x128x64xf32, #tpu.memory_space<vmem>> -> memref<1x128x64xf32, #tpu.memory_space<vmem>>
      %dma_start3A_814 = tpu.memref_squeeze %dma_start3A_813 : memref<1x128x64xf32, #tpu.memory_space<vmem>> -> memref<128x64xf32, #tpu.memory_space<vmem>>
      %dma_start3A_815 = tpu.memref_slice %arg7[%select_n3A_791, %mul3A_809] : memref<13x768xi32, #tpu.memory_space<vmem>> -> memref<1x128xi32, #tpu.memory_space<vmem>>
      %dma_start3A_816 = tpu.memref_squeeze %dma_start3A_815 : memref<1x128xi32, #tpu.memory_space<vmem>> -> memref<128xi32, #tpu.memory_space<vmem>>
      %dma_start3A_817 = arith.constant 0 : i32
      %dma_start3A_818 = arith.constant 0 : i32
      %dma_start3A_819 = tpu.memref_slice %arg13[%dma_start3A_817, %dma_start3A_818] : memref<10240x64xf32, #tpu.memory_space<vmem_shared>> -> memref<10240x64xf32, #tpu.memory_space<vmem_shared>>
      tpu.enqueue_indirect_dma source(%dma_start3A_814 : memref<128x64xf32, #tpu.memory_space<vmem>>) target(%dma_start3A_819 : memref<10240x64xf32, #tpu.memory_space<vmem_shared>>) offsets(%dma_start3A_816 : memref<128xi32, #tpu.memory_space<vmem>>) semaphore(%arg24 : memref<!tpu.dma_semaphore, #tpu.memory_space<semaphore_mem>>) {add = true}
      %mul3A_820 = arith.constant 6 : i32
      %mul3A_821 = arith.muli %scan3A_331, %mul3A_820 : i32
      %add3A_822 = arith.constant 4 : i32
      %add3A_823 = arith.addi %mul3A_821, %add3A_822 : i32
      %gt3A_824 = arith.constant 0 : i32
      %gt3A_825 = arith.cmpi sgt, %add3A_823, %gt3A_824 : i32
      %convert_element_type3A_826 = arith.extui %gt3A_825 : i1 to i32
      %cond3A_827 = arith.constant 0 : i32
      %cond3A_828 = arith.cmpi ne, %convert_element_type3A_826, %cond3A_827 : i32
      scf.if %cond3A_828 {
        %sub3A_1071 = arith.constant 1 : i32
        %sub3A_1072 = arith.subi %add3A_823, %sub3A_1071 : i32
        %jit3A_1073 = arith.constant 6 : i32
        %div3A_1074 = arith.divsi %sub3A_1072, %jit3A_1073 : i32
        %sign3A_1075 = arith.constant 0 : i32
        %sign3A_1076 = arith.cmpi sgt, %sub3A_1072, %sign3A_1075 : i32
        %sign3A_1077 = arith.extui %sign3A_1076 : i1 to i32
        %sign3A_1078 = arith.constant 0 : i32
        %sign3A_1079 = arith.cmpi slt, %sub3A_1072, %sign3A_1078 : i32
        %sign3A_1080 = arith.extui %sign3A_1079 : i1 to i32
        %sign3A_1081 = arith.subi %sign3A_1077, %sign3A_1080 : i32
        %sign3A_1082 = arith.constant 0 : i32
        %sign3A_1083 = arith.cmpi sgt, %jit3A_1073, %sign3A_1082 : i32
        %sign3A_1084 = arith.extui %sign3A_1083 : i1 to i32
        %sign3A_1085 = arith.constant 0 : i32
        %sign3A_1086 = arith.cmpi slt, %jit3A_1073, %sign3A_1085 : i32
        %sign3A_1087 = arith.extui %sign3A_1086 : i1 to i32
        %sign3A_1088 = arith.subi %sign3A_1084, %sign3A_1087 : i32
        %ne3A_1089 = arith.cmpi ne, %sign3A_1081, %sign3A_1088 : i32
        %rem3A_1090 = arith.remsi %sub3A_1072, %jit3A_1073 : i32
        %ne3A_1091 = arith.constant 0 : i32
        %ne3A_1092 = arith.cmpi ne, %rem3A_1090, %ne3A_1091 : i32
        %and3A_1093 = arith.andi %ne3A_1089, %ne3A_1092 : i1
        %sub3A_1094 = arith.constant 1 : i32
        %sub3A_1095 = arith.subi %div3A_1074, %sub3A_1094 : i32
        %select_n3A_1096 = arith.select %and3A_1093, %sub3A_1095, %div3A_1074 : i32
        %jit3A_1097 = arith.constant 6 : i32
        %eq3A_1098 = arith.constant 0 : i32
        %eq3A_1099 = arith.cmpi eq, %jit3A_1097, %eq3A_1098 : i32
        %jit3A_1100 = arith.constant 1 : i32
        %select_n3A_1101 = arith.select %eq3A_1099, %jit3A_1100, %jit3A_1097 : i32
        %rem3A_1102 = arith.remsi %sub3A_1072, %select_n3A_1101 : i32
        %ne3A_1103 = arith.constant 0 : i32
        %ne3A_1104 = arith.cmpi ne, %rem3A_1102, %ne3A_1103 : i32
        %lt3A_1105 = arith.constant 0 : i32
        %lt3A_1106 = arith.cmpi slt, %rem3A_1102, %lt3A_1105 : i32
        %lt3A_1107 = arith.constant 0 : i32
        %lt3A_1108 = arith.cmpi slt, %select_n3A_1101, %lt3A_1107 : i32
        %ne3A_1109 = arith.xori %lt3A_1106, %lt3A_1108 : i1
        %and3A_1110 = arith.andi %ne3A_1109, %ne3A_1104 : i1
        %add3A_1111 = arith.addi %rem3A_1102, %select_n3A_1101 : i32
        %select_n3A_1112 = arith.select %and3A_1110, %add3A_1111, %rem3A_1102 : i32
        %mul3A_1113 = arith.constant 128 : i32
        %mul3A_1114 = arith.muli %select_n3A_1112, %mul3A_1113 : i32
        %dma_wait3A_1115 = arith.constant 3 : i32
        %dma_wait3A_1116 = arith.constant 0 : i32
        %dma_wait3A_1117 = arith.constant 0 : i32
        %dma_wait3A_1118 = tpu.memref_slice %arg10[%dma_wait3A_1115, %dma_wait3A_1116, %dma_wait3A_1117] : memref<6x128x64xf32, #tpu.memory_space<vmem>> -> memref<1x128x64xf32, #tpu.memory_space<vmem>>
        %dma_wait3A_1119 = tpu.memref_squeeze %dma_wait3A_1118 : memref<1x128x64xf32, #tpu.memory_space<vmem>> -> memref<128x64xf32, #tpu.memory_space<vmem>>
        %dma_wait3A_1120 = tpu.memref_slice %arg7[%select_n3A_1096, %mul3A_1114] : memref<13x768xi32, #tpu.memory_space<vmem>> -> memref<1x128xi32, #tpu.memory_space<vmem>>
        %dma_wait3A_1121 = tpu.memref_squeeze %dma_wait3A_1120 : memref<1x128xi32, #tpu.memory_space<vmem>> -> memref<128xi32, #tpu.memory_space<vmem>>
        %dma_wait3A_1122 = arith.constant 0 : i32
        %dma_wait3A_1123 = arith.constant 0 : i32
        %dma_wait3A_1124 = tpu.memref_slice %arg13[%dma_wait3A_1122, %dma_wait3A_1123] : memref<10240x64xf32, #tpu.memory_space<vmem_shared>> -> memref<10240x64xf32, #tpu.memory_space<vmem_shared>>
        tpu.wait_indirect_dma semaphore(%arg24 : memref<!tpu.dma_semaphore, #tpu.memory_space<semaphore_mem>>) src(%dma_wait3A_1119 : memref<128x64xf32, #tpu.memory_space<vmem>>) dst(%dma_wait3A_1124 : memref<10240x64xf32, #tpu.memory_space<vmem_shared>>)
      } else {
      }
      %gt3A_829 = arith.constant 0 : i32
      %gt3A_830 = arith.cmpi sgt, %add3A_823, %gt3A_829 : i32
      %sub3A_831 = arith.constant 1 : i32
      %sub3A_832 = arith.subi %add3A_823, %sub3A_831 : i32
      %add3A_833 = arith.constant 6 : i32
      %add3A_834 = arith.addi %sub3A_832, %add3A_833 : i32
      %lt3A_835 = arith.constant 78 : i32
      %lt3A_836 = arith.cmpi slt, %add3A_834, %lt3A_835 : i32
      %and3A_837 = arith.andi %gt3A_830, %lt3A_836 : i1
      %convert_element_type3A_838 = arith.extui %and3A_837 : i1 to i32
      %cond3A_839 = arith.constant 0 : i32
      %cond3A_840 = arith.cmpi ne, %convert_element_type3A_838, %cond3A_839 : i32
      scf.if %cond3A_840 {
        %sub3A_1071 = arith.constant 1 : i32
        %sub3A_1072 = arith.subi %add3A_823, %sub3A_1071 : i32
        %add3A_1073 = arith.constant 6 : i32
        %add3A_1074 = arith.addi %sub3A_1072, %add3A_1073 : i32
        %jit3A_1075 = arith.constant 6 : i32
        %div3A_1076 = arith.divsi %add3A_1074, %jit3A_1075 : i32
        %sign3A_1077 = arith.constant 0 : i32
        %sign3A_1078 = arith.cmpi sgt, %add3A_1074, %sign3A_1077 : i32
        %sign3A_1079 = arith.extui %sign3A_1078 : i1 to i32
        %sign3A_1080 = arith.constant 0 : i32
        %sign3A_1081 = arith.cmpi slt, %add3A_1074, %sign3A_1080 : i32
        %sign3A_1082 = arith.extui %sign3A_1081 : i1 to i32
        %sign3A_1083 = arith.subi %sign3A_1079, %sign3A_1082 : i32
        %sign3A_1084 = arith.constant 0 : i32
        %sign3A_1085 = arith.cmpi sgt, %jit3A_1075, %sign3A_1084 : i32
        %sign3A_1086 = arith.extui %sign3A_1085 : i1 to i32
        %sign3A_1087 = arith.constant 0 : i32
        %sign3A_1088 = arith.cmpi slt, %jit3A_1075, %sign3A_1087 : i32
        %sign3A_1089 = arith.extui %sign3A_1088 : i1 to i32
        %sign3A_1090 = arith.subi %sign3A_1086, %sign3A_1089 : i32
        %ne3A_1091 = arith.cmpi ne, %sign3A_1083, %sign3A_1090 : i32
        %rem3A_1092 = arith.remsi %add3A_1074, %jit3A_1075 : i32
        %ne3A_1093 = arith.constant 0 : i32
        %ne3A_1094 = arith.cmpi ne, %rem3A_1092, %ne3A_1093 : i32
        %and3A_1095 = arith.andi %ne3A_1091, %ne3A_1094 : i1
        %sub3A_1096 = arith.constant 1 : i32
        %sub3A_1097 = arith.subi %div3A_1076, %sub3A_1096 : i32
        %select_n3A_1098 = arith.select %and3A_1095, %sub3A_1097, %div3A_1076 : i32
        %jit3A_1099 = arith.constant 6 : i32
        %eq3A_1100 = arith.constant 0 : i32
        %eq3A_1101 = arith.cmpi eq, %jit3A_1099, %eq3A_1100 : i32
        %jit3A_1102 = arith.constant 1 : i32
        %select_n3A_1103 = arith.select %eq3A_1101, %jit3A_1102, %jit3A_1099 : i32
        %rem3A_1104 = arith.remsi %add3A_1074, %select_n3A_1103 : i32
        %ne3A_1105 = arith.constant 0 : i32
        %ne3A_1106 = arith.cmpi ne, %rem3A_1104, %ne3A_1105 : i32
        %lt3A_1107 = arith.constant 0 : i32
        %lt3A_1108 = arith.cmpi slt, %rem3A_1104, %lt3A_1107 : i32
        %lt3A_1109 = arith.constant 0 : i32
        %lt3A_1110 = arith.cmpi slt, %select_n3A_1103, %lt3A_1109 : i32
        %ne3A_1111 = arith.xori %lt3A_1108, %lt3A_1110 : i1
        %and3A_1112 = arith.andi %ne3A_1111, %ne3A_1106 : i1
        %add3A_1113 = arith.addi %rem3A_1104, %select_n3A_1103 : i32
        %select_n3A_1114 = arith.select %and3A_1112, %add3A_1113, %rem3A_1104 : i32
        %mul3A_1115 = arith.constant 128 : i32
        %mul3A_1116 = arith.muli %select_n3A_1114, %mul3A_1115 : i32
        %dma_start3A_1117 = arith.constant 3 : i32
        %dma_start3A_1118 = arith.constant 0 : i32
        %dma_start3A_1119 = arith.constant 0 : i32
        %dma_start3A_1120 = tpu.memref_slice %arg10[%dma_start3A_1117, %dma_start3A_1118, %dma_start3A_1119] : memref<6x128x64xf32, #tpu.memory_space<vmem>> -> memref<1x128x64xf32, #tpu.memory_space<vmem>>
        %dma_start3A_1121 = tpu.memref_squeeze %dma_start3A_1120 : memref<1x128x64xf32, #tpu.memory_space<vmem>> -> memref<128x64xf32, #tpu.memory_space<vmem>>
        %dma_start3A_1122 = tpu.memref_slice %arg6[%select_n3A_1098, %mul3A_1116] : memref<13x768xi32, #tpu.memory_space<vmem>> -> memref<1x128xi32, #tpu.memory_space<vmem>>
        %dma_start3A_1123 = tpu.memref_squeeze %dma_start3A_1122 : memref<1x128xi32, #tpu.memory_space<vmem>> -> memref<128xi32, #tpu.memory_space<vmem>>
        %dma_start3A_1124 = arith.constant 0 : i32
        %dma_start3A_1125 = arith.constant 0 : i32
        %dma_start3A_1126 = tpu.memref_slice %arg4[%dma_start3A_1124, %dma_start3A_1125] : memref<10000x64xf32, #tpu.memory_space<hbm>> -> memref<10000x64xf32, #tpu.memory_space<hbm>>
        tpu.enqueue_indirect_dma source(%dma_start3A_1126 : memref<10000x64xf32, #tpu.memory_space<hbm>>) target(%dma_start3A_1121 : memref<128x64xf32, #tpu.memory_space<vmem>>) offsets(%dma_start3A_1123 : memref<128xi32, #tpu.memory_space<vmem>>) semaphore(%arg18 : memref<!tpu.dma_semaphore, #tpu.memory_space<semaphore_mem>>)
      } else {
      }
      %jit3A_841 = arith.constant 6 : i32
      %div3A_842 = arith.divsi %add3A_823, %jit3A_841 : i32
      %sign3A_843 = arith.constant 0 : i32
      %sign3A_844 = arith.cmpi sgt, %add3A_823, %sign3A_843 : i32
      %sign3A_845 = arith.extui %sign3A_844 : i1 to i32
      %sign3A_846 = arith.constant 0 : i32
      %sign3A_847 = arith.cmpi slt, %add3A_823, %sign3A_846 : i32
      %sign3A_848 = arith.extui %sign3A_847 : i1 to i32
      %sign3A_849 = arith.subi %sign3A_845, %sign3A_848 : i32
      %sign3A_850 = arith.constant 0 : i32
      %sign3A_851 = arith.cmpi sgt, %jit3A_841, %sign3A_850 : i32
      %sign3A_852 = arith.extui %sign3A_851 : i1 to i32
      %sign3A_853 = arith.constant 0 : i32
      %sign3A_854 = arith.cmpi slt, %jit3A_841, %sign3A_853 : i32
      %sign3A_855 = arith.extui %sign3A_854 : i1 to i32
      %sign3A_856 = arith.subi %sign3A_852, %sign3A_855 : i32
      %ne3A_857 = arith.cmpi ne, %sign3A_849, %sign3A_856 : i32
      %rem3A_858 = arith.remsi %add3A_823, %jit3A_841 : i32
      %ne3A_859 = arith.constant 0 : i32
      %ne3A_860 = arith.cmpi ne, %rem3A_858, %ne3A_859 : i32
      %and3A_861 = arith.andi %ne3A_857, %ne3A_860 : i1
      %sub3A_862 = arith.constant 1 : i32
      %sub3A_863 = arith.subi %div3A_842, %sub3A_862 : i32
      %select_n3A_864 = arith.select %and3A_861, %sub3A_863, %div3A_842 : i32
      %jit3A_865 = arith.constant 6 : i32
      %eq3A_866 = arith.constant 0 : i32
      %eq3A_867 = arith.cmpi eq, %jit3A_865, %eq3A_866 : i32
      %jit3A_868 = arith.constant 1 : i32
      %select_n3A_869 = arith.select %eq3A_867, %jit3A_868, %jit3A_865 : i32
      %rem3A_870 = arith.remsi %add3A_823, %select_n3A_869 : i32
      %ne3A_871 = arith.constant 0 : i32
      %ne3A_872 = arith.cmpi ne, %rem3A_870, %ne3A_871 : i32
      %lt3A_873 = arith.constant 0 : i32
      %lt3A_874 = arith.cmpi slt, %rem3A_870, %lt3A_873 : i32
      %lt3A_875 = arith.constant 0 : i32
      %lt3A_876 = arith.cmpi slt, %select_n3A_869, %lt3A_875 : i32
      %ne3A_877 = arith.xori %lt3A_874, %lt3A_876 : i1
      %and3A_878 = arith.andi %ne3A_877, %ne3A_872 : i1
      %add3A_879 = arith.addi %rem3A_870, %select_n3A_869 : i32
      %select_n3A_880 = arith.select %and3A_878, %add3A_879, %rem3A_870 : i32
      %mul3A_881 = arith.constant 128 : i32
      %mul3A_882 = arith.muli %select_n3A_880, %mul3A_881 : i32
      %dma_wait3A_883 = arith.constant 4 : i32
      %dma_wait3A_884 = arith.constant 0 : i32
      %dma_wait3A_885 = arith.constant 0 : i32
      %dma_wait3A_886 = tpu.memref_slice %arg10[%dma_wait3A_883, %dma_wait3A_884, %dma_wait3A_885] : memref<6x128x64xf32, #tpu.memory_space<vmem>> -> memref<1x128x64xf32, #tpu.memory_space<vmem>>
      %dma_wait3A_887 = tpu.memref_squeeze %dma_wait3A_886 : memref<1x128x64xf32, #tpu.memory_space<vmem>> -> memref<128x64xf32, #tpu.memory_space<vmem>>
      %dma_wait3A_888 = tpu.memref_slice %arg6[%select_n3A_864, %mul3A_882] : memref<13x768xi32, #tpu.memory_space<vmem>> -> memref<1x128xi32, #tpu.memory_space<vmem>>
      %dma_wait3A_889 = tpu.memref_squeeze %dma_wait3A_888 : memref<1x128xi32, #tpu.memory_space<vmem>> -> memref<128xi32, #tpu.memory_space<vmem>>
      %dma_wait3A_890 = arith.constant 0 : i32
      %dma_wait3A_891 = arith.constant 0 : i32
      %dma_wait3A_892 = tpu.memref_slice %arg4[%dma_wait3A_890, %dma_wait3A_891] : memref<10000x64xf32, #tpu.memory_space<hbm>> -> memref<10000x64xf32, #tpu.memory_space<hbm>>
      tpu.wait_indirect_dma semaphore(%arg19 : memref<!tpu.dma_semaphore, #tpu.memory_space<semaphore_mem>>) src(%dma_wait3A_892 : memref<10000x64xf32, #tpu.memory_space<hbm>>) dst(%dma_wait3A_887 : memref<128x64xf32, #tpu.memory_space<vmem>>)
      %jit3A_893 = arith.constant 6 : i32
      %div3A_894 = arith.divsi %add3A_823, %jit3A_893 : i32
      %sign3A_895 = arith.constant 0 : i32
      %sign3A_896 = arith.cmpi sgt, %add3A_823, %sign3A_895 : i32
      %sign3A_897 = arith.extui %sign3A_896 : i1 to i32
      %sign3A_898 = arith.constant 0 : i32
      %sign3A_899 = arith.cmpi slt, %add3A_823, %sign3A_898 : i32
      %sign3A_900 = arith.extui %sign3A_899 : i1 to i32
      %sign3A_901 = arith.subi %sign3A_897, %sign3A_900 : i32
      %sign3A_902 = arith.constant 0 : i32
      %sign3A_903 = arith.cmpi sgt, %jit3A_893, %sign3A_902 : i32
      %sign3A_904 = arith.extui %sign3A_903 : i1 to i32
      %sign3A_905 = arith.constant 0 : i32
      %sign3A_906 = arith.cmpi slt, %jit3A_893, %sign3A_905 : i32
      %sign3A_907 = arith.extui %sign3A_906 : i1 to i32
      %sign3A_908 = arith.subi %sign3A_904, %sign3A_907 : i32
      %ne3A_909 = arith.cmpi ne, %sign3A_901, %sign3A_908 : i32
      %rem3A_910 = arith.remsi %add3A_823, %jit3A_893 : i32
      %ne3A_911 = arith.constant 0 : i32
      %ne3A_912 = arith.cmpi ne, %rem3A_910, %ne3A_911 : i32
      %and3A_913 = arith.andi %ne3A_909, %ne3A_912 : i1
      %sub3A_914 = arith.constant 1 : i32
      %sub3A_915 = arith.subi %div3A_894, %sub3A_914 : i32
      %select_n3A_916 = arith.select %and3A_913, %sub3A_915, %div3A_894 : i32
      %jit3A_917 = arith.constant 6 : i32
      %eq3A_918 = arith.constant 0 : i32
      %eq3A_919 = arith.cmpi eq, %jit3A_917, %eq3A_918 : i32
      %jit3A_920 = arith.constant 1 : i32
      %select_n3A_921 = arith.select %eq3A_919, %jit3A_920, %jit3A_917 : i32
      %rem3A_922 = arith.remsi %add3A_823, %select_n3A_921 : i32
      %ne3A_923 = arith.constant 0 : i32
      %ne3A_924 = arith.cmpi ne, %rem3A_922, %ne3A_923 : i32
      %lt3A_925 = arith.constant 0 : i32
      %lt3A_926 = arith.cmpi slt, %rem3A_922, %lt3A_925 : i32
      %lt3A_927 = arith.constant 0 : i32
      %lt3A_928 = arith.cmpi slt, %select_n3A_921, %lt3A_927 : i32
      %ne3A_929 = arith.xori %lt3A_926, %lt3A_928 : i1
      %and3A_930 = arith.andi %ne3A_929, %ne3A_924 : i1
      %add3A_931 = arith.addi %rem3A_922, %select_n3A_921 : i32
      %select_n3A_932 = arith.select %and3A_930, %add3A_931, %rem3A_922 : i32
      %mul3A_933 = arith.constant 128 : i32
      %mul3A_934 = arith.muli %select_n3A_932, %mul3A_933 : i32
      %dma_start3A_935 = arith.constant 4 : i32
      %dma_start3A_936 = arith.constant 0 : i32
      %dma_start3A_937 = arith.constant 0 : i32
      %dma_start3A_938 = tpu.memref_slice %arg10[%dma_start3A_935, %dma_start3A_936, %dma_start3A_937] : memref<6x128x64xf32, #tpu.memory_space<vmem>> -> memref<1x128x64xf32, #tpu.memory_space<vmem>>
      %dma_start3A_939 = tpu.memref_squeeze %dma_start3A_938 : memref<1x128x64xf32, #tpu.memory_space<vmem>> -> memref<128x64xf32, #tpu.memory_space<vmem>>
      %dma_start3A_940 = tpu.memref_slice %arg7[%select_n3A_916, %mul3A_934] : memref<13x768xi32, #tpu.memory_space<vmem>> -> memref<1x128xi32, #tpu.memory_space<vmem>>
      %dma_start3A_941 = tpu.memref_squeeze %dma_start3A_940 : memref<1x128xi32, #tpu.memory_space<vmem>> -> memref<128xi32, #tpu.memory_space<vmem>>
      %dma_start3A_942 = arith.constant 0 : i32
      %dma_start3A_943 = arith.constant 0 : i32
      %dma_start3A_944 = tpu.memref_slice %arg13[%dma_start3A_942, %dma_start3A_943] : memref<10240x64xf32, #tpu.memory_space<vmem_shared>> -> memref<10240x64xf32, #tpu.memory_space<vmem_shared>>
      tpu.enqueue_indirect_dma source(%dma_start3A_939 : memref<128x64xf32, #tpu.memory_space<vmem>>) target(%dma_start3A_944 : memref<10240x64xf32, #tpu.memory_space<vmem_shared>>) offsets(%dma_start3A_941 : memref<128xi32, #tpu.memory_space<vmem>>) semaphore(%arg25 : memref<!tpu.dma_semaphore, #tpu.memory_space<semaphore_mem>>) {add = true}
      %mul3A_945 = arith.constant 6 : i32
      %mul3A_946 = arith.muli %scan3A_331, %mul3A_945 : i32
      %add3A_947 = arith.constant 5 : i32
      %add3A_948 = arith.addi %mul3A_946, %add3A_947 : i32
      %gt3A_949 = arith.constant 0 : i32
      %gt3A_950 = arith.cmpi sgt, %add3A_948, %gt3A_949 : i32
      %convert_element_type3A_951 = arith.extui %gt3A_950 : i1 to i32
      %cond3A_952 = arith.constant 0 : i32
      %cond3A_953 = arith.cmpi ne, %convert_element_type3A_951, %cond3A_952 : i32
      scf.if %cond3A_953 {
        %sub3A_1071 = arith.constant 1 : i32
        %sub3A_1072 = arith.subi %add3A_948, %sub3A_1071 : i32
        %jit3A_1073 = arith.constant 6 : i32
        %div3A_1074 = arith.divsi %sub3A_1072, %jit3A_1073 : i32
        %sign3A_1075 = arith.constant 0 : i32
        %sign3A_1076 = arith.cmpi sgt, %sub3A_1072, %sign3A_1075 : i32
        %sign3A_1077 = arith.extui %sign3A_1076 : i1 to i32
        %sign3A_1078 = arith.constant 0 : i32
        %sign3A_1079 = arith.cmpi slt, %sub3A_1072, %sign3A_1078 : i32
        %sign3A_1080 = arith.extui %sign3A_1079 : i1 to i32
        %sign3A_1081 = arith.subi %sign3A_1077, %sign3A_1080 : i32
        %sign3A_1082 = arith.constant 0 : i32
        %sign3A_1083 = arith.cmpi sgt, %jit3A_1073, %sign3A_1082 : i32
        %sign3A_1084 = arith.extui %sign3A_1083 : i1 to i32
        %sign3A_1085 = arith.constant 0 : i32
        %sign3A_1086 = arith.cmpi slt, %jit3A_1073, %sign3A_1085 : i32
        %sign3A_1087 = arith.extui %sign3A_1086 : i1 to i32
        %sign3A_1088 = arith.subi %sign3A_1084, %sign3A_1087 : i32
        %ne3A_1089 = arith.cmpi ne, %sign3A_1081, %sign3A_1088 : i32
        %rem3A_1090 = arith.remsi %sub3A_1072, %jit3A_1073 : i32
        %ne3A_1091 = arith.constant 0 : i32
        %ne3A_1092 = arith.cmpi ne, %rem3A_1090, %ne3A_1091 : i32
        %and3A_1093 = arith.andi %ne3A_1089, %ne3A_1092 : i1
        %sub3A_1094 = arith.constant 1 : i32
        %sub3A_1095 = arith.subi %div3A_1074, %sub3A_1094 : i32
        %select_n3A_1096 = arith.select %and3A_1093, %sub3A_1095, %div3A_1074 : i32
        %jit3A_1097 = arith.constant 6 : i32
        %eq3A_1098 = arith.constant 0 : i32
        %eq3A_1099 = arith.cmpi eq, %jit3A_1097, %eq3A_1098 : i32
        %jit3A_1100 = arith.constant 1 : i32
        %select_n3A_1101 = arith.select %eq3A_1099, %jit3A_1100, %jit3A_1097 : i32
        %rem3A_1102 = arith.remsi %sub3A_1072, %select_n3A_1101 : i32
        %ne3A_1103 = arith.constant 0 : i32
        %ne3A_1104 = arith.cmpi ne, %rem3A_1102, %ne3A_1103 : i32
        %lt3A_1105 = arith.constant 0 : i32
        %lt3A_1106 = arith.cmpi slt, %rem3A_1102, %lt3A_1105 : i32
        %lt3A_1107 = arith.constant 0 : i32
        %lt3A_1108 = arith.cmpi slt, %select_n3A_1101, %lt3A_1107 : i32
        %ne3A_1109 = arith.xori %lt3A_1106, %lt3A_1108 : i1
        %and3A_1110 = arith.andi %ne3A_1109, %ne3A_1104 : i1
        %add3A_1111 = arith.addi %rem3A_1102, %select_n3A_1101 : i32
        %select_n3A_1112 = arith.select %and3A_1110, %add3A_1111, %rem3A_1102 : i32
        %mul3A_1113 = arith.constant 128 : i32
        %mul3A_1114 = arith.muli %select_n3A_1112, %mul3A_1113 : i32
        %dma_wait3A_1115 = arith.constant 4 : i32
        %dma_wait3A_1116 = arith.constant 0 : i32
        %dma_wait3A_1117 = arith.constant 0 : i32
        %dma_wait3A_1118 = tpu.memref_slice %arg10[%dma_wait3A_1115, %dma_wait3A_1116, %dma_wait3A_1117] : memref<6x128x64xf32, #tpu.memory_space<vmem>> -> memref<1x128x64xf32, #tpu.memory_space<vmem>>
        %dma_wait3A_1119 = tpu.memref_squeeze %dma_wait3A_1118 : memref<1x128x64xf32, #tpu.memory_space<vmem>> -> memref<128x64xf32, #tpu.memory_space<vmem>>
        %dma_wait3A_1120 = tpu.memref_slice %arg7[%select_n3A_1096, %mul3A_1114] : memref<13x768xi32, #tpu.memory_space<vmem>> -> memref<1x128xi32, #tpu.memory_space<vmem>>
        %dma_wait3A_1121 = tpu.memref_squeeze %dma_wait3A_1120 : memref<1x128xi32, #tpu.memory_space<vmem>> -> memref<128xi32, #tpu.memory_space<vmem>>
        %dma_wait3A_1122 = arith.constant 0 : i32
        %dma_wait3A_1123 = arith.constant 0 : i32
        %dma_wait3A_1124 = tpu.memref_slice %arg13[%dma_wait3A_1122, %dma_wait3A_1123] : memref<10240x64xf32, #tpu.memory_space<vmem_shared>> -> memref<10240x64xf32, #tpu.memory_space<vmem_shared>>
        tpu.wait_indirect_dma semaphore(%arg25 : memref<!tpu.dma_semaphore, #tpu.memory_space<semaphore_mem>>) src(%dma_wait3A_1119 : memref<128x64xf32, #tpu.memory_space<vmem>>) dst(%dma_wait3A_1124 : memref<10240x64xf32, #tpu.memory_space<vmem_shared>>)
      } else {
      }
      %gt3A_954 = arith.constant 0 : i32
      %gt3A_955 = arith.cmpi sgt, %add3A_948, %gt3A_954 : i32
      %sub3A_956 = arith.constant 1 : i32
      %sub3A_957 = arith.subi %add3A_948, %sub3A_956 : i32
      %add3A_958 = arith.constant 6 : i32
      %add3A_959 = arith.addi %sub3A_957, %add3A_958 : i32
      %lt3A_960 = arith.constant 78 : i32
      %lt3A_961 = arith.cmpi slt, %add3A_959, %lt3A_960 : i32
      %and3A_962 = arith.andi %gt3A_955, %lt3A_961 : i1
      %convert_element_type3A_963 = arith.extui %and3A_962 : i1 to i32
      %cond3A_964 = arith.constant 0 : i32
      %cond3A_965 = arith.cmpi ne, %convert_element_type3A_963, %cond3A_964 : i32
      scf.if %cond3A_965 {
        %sub3A_1071 = arith.constant 1 : i32
        %sub3A_1072 = arith.subi %add3A_948, %sub3A_1071 : i32
        %add3A_1073 = arith.constant 6 : i32
        %add3A_1074 = arith.addi %sub3A_1072, %add3A_1073 : i32
        %jit3A_1075 = arith.constant 6 : i32
        %div3A_1076 = arith.divsi %add3A_1074, %jit3A_1075 : i32
        %sign3A_1077 = arith.constant 0 : i32
        %sign3A_1078 = arith.cmpi sgt, %add3A_1074, %sign3A_1077 : i32
        %sign3A_1079 = arith.extui %sign3A_1078 : i1 to i32
        %sign3A_1080 = arith.constant 0 : i32
        %sign3A_1081 = arith.cmpi slt, %add3A_1074, %sign3A_1080 : i32
        %sign3A_1082 = arith.extui %sign3A_1081 : i1 to i32
        %sign3A_1083 = arith.subi %sign3A_1079, %sign3A_1082 : i32
        %sign3A_1084 = arith.constant 0 : i32
        %sign3A_1085 = arith.cmpi sgt, %jit3A_1075, %sign3A_1084 : i32
        %sign3A_1086 = arith.extui %sign3A_1085 : i1 to i32
        %sign3A_1087 = arith.constant 0 : i32
        %sign3A_1088 = arith.cmpi slt, %jit3A_1075, %sign3A_1087 : i32
        %sign3A_1089 = arith.extui %sign3A_1088 : i1 to i32
        %sign3A_1090 = arith.subi %sign3A_1086, %sign3A_1089 : i32
        %ne3A_1091 = arith.cmpi ne, %sign3A_1083, %sign3A_1090 : i32
        %rem3A_1092 = arith.remsi %add3A_1074, %jit3A_1075 : i32
        %ne3A_1093 = arith.constant 0 : i32
        %ne3A_1094 = arith.cmpi ne, %rem3A_1092, %ne3A_1093 : i32
        %and3A_1095 = arith.andi %ne3A_1091, %ne3A_1094 : i1
        %sub3A_1096 = arith.constant 1 : i32
        %sub3A_1097 = arith.subi %div3A_1076, %sub3A_1096 : i32
        %select_n3A_1098 = arith.select %and3A_1095, %sub3A_1097, %div3A_1076 : i32
        %jit3A_1099 = arith.constant 6 : i32
        %eq3A_1100 = arith.constant 0 : i32
        %eq3A_1101 = arith.cmpi eq, %jit3A_1099, %eq3A_1100 : i32
        %jit3A_1102 = arith.constant 1 : i32
        %select_n3A_1103 = arith.select %eq3A_1101, %jit3A_1102, %jit3A_1099 : i32
        %rem3A_1104 = arith.remsi %add3A_1074, %select_n3A_1103 : i32
        %ne3A_1105 = arith.constant 0 : i32
        %ne3A_1106 = arith.cmpi ne, %rem3A_1104, %ne3A_1105 : i32
        %lt3A_1107 = arith.constant 0 : i32
        %lt3A_1108 = arith.cmpi slt, %rem3A_1104, %lt3A_1107 : i32
        %lt3A_1109 = arith.constant 0 : i32
        %lt3A_1110 = arith.cmpi slt, %select_n3A_1103, %lt3A_1109 : i32
        %ne3A_1111 = arith.xori %lt3A_1108, %lt3A_1110 : i1
        %and3A_1112 = arith.andi %ne3A_1111, %ne3A_1106 : i1
        %add3A_1113 = arith.addi %rem3A_1104, %select_n3A_1103 : i32
        %select_n3A_1114 = arith.select %and3A_1112, %add3A_1113, %rem3A_1104 : i32
        %mul3A_1115 = arith.constant 128 : i32
        %mul3A_1116 = arith.muli %select_n3A_1114, %mul3A_1115 : i32
        %dma_start3A_1117 = arith.constant 4 : i32
        %dma_start3A_1118 = arith.constant 0 : i32
        %dma_start3A_1119 = arith.constant 0 : i32
        %dma_start3A_1120 = tpu.memref_slice %arg10[%dma_start3A_1117, %dma_start3A_1118, %dma_start3A_1119] : memref<6x128x64xf32, #tpu.memory_space<vmem>> -> memref<1x128x64xf32, #tpu.memory_space<vmem>>
        %dma_start3A_1121 = tpu.memref_squeeze %dma_start3A_1120 : memref<1x128x64xf32, #tpu.memory_space<vmem>> -> memref<128x64xf32, #tpu.memory_space<vmem>>
        %dma_start3A_1122 = tpu.memref_slice %arg6[%select_n3A_1098, %mul3A_1116] : memref<13x768xi32, #tpu.memory_space<vmem>> -> memref<1x128xi32, #tpu.memory_space<vmem>>
        %dma_start3A_1123 = tpu.memref_squeeze %dma_start3A_1122 : memref<1x128xi32, #tpu.memory_space<vmem>> -> memref<128xi32, #tpu.memory_space<vmem>>
        %dma_start3A_1124 = arith.constant 0 : i32
        %dma_start3A_1125 = arith.constant 0 : i32
        %dma_start3A_1126 = tpu.memref_slice %arg4[%dma_start3A_1124, %dma_start3A_1125] : memref<10000x64xf32, #tpu.memory_space<hbm>> -> memref<10000x64xf32, #tpu.memory_space<hbm>>
        tpu.enqueue_indirect_dma source(%dma_start3A_1126 : memref<10000x64xf32, #tpu.memory_space<hbm>>) target(%dma_start3A_1121 : memref<128x64xf32, #tpu.memory_space<vmem>>) offsets(%dma_start3A_1123 : memref<128xi32, #tpu.memory_space<vmem>>) semaphore(%arg19 : memref<!tpu.dma_semaphore, #tpu.memory_space<semaphore_mem>>)
      } else {
      }
      %jit3A_966 = arith.constant 6 : i32
      %div3A_967 = arith.divsi %add3A_948, %jit3A_966 : i32
      %sign3A_968 = arith.constant 0 : i32
      %sign3A_969 = arith.cmpi sgt, %add3A_948, %sign3A_968 : i32
      %sign3A_970 = arith.extui %sign3A_969 : i1 to i32
      %sign3A_971 = arith.constant 0 : i32
      %sign3A_972 = arith.cmpi slt, %add3A_948, %sign3A_971 : i32
      %sign3A_973 = arith.extui %sign3A_972 : i1 to i32
      %sign3A_974 = arith.subi %sign3A_970, %sign3A_973 : i32
      %sign3A_975 = arith.constant 0 : i32
      %sign3A_976 = arith.cmpi sgt, %jit3A_966, %sign3A_975 : i32
      %sign3A_977 = arith.extui %sign3A_976 : i1 to i32
      %sign3A_978 = arith.constant 0 : i32
      %sign3A_979 = arith.cmpi slt, %jit3A_966, %sign3A_978 : i32
      %sign3A_980 = arith.extui %sign3A_979 : i1 to i32
      %sign3A_981 = arith.subi %sign3A_977, %sign3A_980 : i32
      %ne3A_982 = arith.cmpi ne, %sign3A_974, %sign3A_981 : i32
      %rem3A_983 = arith.remsi %add3A_948, %jit3A_966 : i32
      %ne3A_984 = arith.constant 0 : i32
      %ne3A_985 = arith.cmpi ne, %rem3A_983, %ne3A_984 : i32
      %and3A_986 = arith.andi %ne3A_982, %ne3A_985 : i1
      %sub3A_987 = arith.constant 1 : i32
      %sub3A_988 = arith.subi %div3A_967, %sub3A_987 : i32
      %select_n3A_989 = arith.select %and3A_986, %sub3A_988, %div3A_967 : i32
      %jit3A_990 = arith.constant 6 : i32
      %eq3A_991 = arith.constant 0 : i32
      %eq3A_992 = arith.cmpi eq, %jit3A_990, %eq3A_991 : i32
      %jit3A_993 = arith.constant 1 : i32
      %select_n3A_994 = arith.select %eq3A_992, %jit3A_993, %jit3A_990 : i32
      %rem3A_995 = arith.remsi %add3A_948, %select_n3A_994 : i32
      %ne3A_996 = arith.constant 0 : i32
      %ne3A_997 = arith.cmpi ne, %rem3A_995, %ne3A_996 : i32
      %lt3A_998 = arith.constant 0 : i32
      %lt3A_999 = arith.cmpi slt, %rem3A_995, %lt3A_998 : i32
      %lt3A_1000 = arith.constant 0 : i32
      %lt3A_1001 = arith.cmpi slt, %select_n3A_994, %lt3A_1000 : i32
      %ne3A_1002 = arith.xori %lt3A_999, %lt3A_1001 : i1
      %and3A_1003 = arith.andi %ne3A_1002, %ne3A_997 : i1
      %add3A_1004 = arith.addi %rem3A_995, %select_n3A_994 : i32
      %select_n3A_1005 = arith.select %and3A_1003, %add3A_1004, %rem3A_995 : i32
      %mul3A_1006 = arith.constant 128 : i32
      %mul3A_1007 = arith.muli %select_n3A_1005, %mul3A_1006 : i32
      %dma_wait3A_1008 = arith.constant 5 : i32
      %dma_wait3A_1009 = arith.constant 0 : i32
      %dma_wait3A_1010 = arith.constant 0 : i32
      %dma_wait3A_1011 = tpu.memref_slice %arg10[%dma_wait3A_1008, %dma_wait3A_1009, %dma_wait3A_1010] : memref<6x128x64xf32, #tpu.memory_space<vmem>> -> memref<1x128x64xf32, #tpu.memory_space<vmem>>
      %dma_wait3A_1012 = tpu.memref_squeeze %dma_wait3A_1011 : memref<1x128x64xf32, #tpu.memory_space<vmem>> -> memref<128x64xf32, #tpu.memory_space<vmem>>
      %dma_wait3A_1013 = tpu.memref_slice %arg6[%select_n3A_989, %mul3A_1007] : memref<13x768xi32, #tpu.memory_space<vmem>> -> memref<1x128xi32, #tpu.memory_space<vmem>>
      %dma_wait3A_1014 = tpu.memref_squeeze %dma_wait3A_1013 : memref<1x128xi32, #tpu.memory_space<vmem>> -> memref<128xi32, #tpu.memory_space<vmem>>
      %dma_wait3A_1015 = arith.constant 0 : i32
      %dma_wait3A_1016 = arith.constant 0 : i32
      %dma_wait3A_1017 = tpu.memref_slice %arg4[%dma_wait3A_1015, %dma_wait3A_1016] : memref<10000x64xf32, #tpu.memory_space<hbm>> -> memref<10000x64xf32, #tpu.memory_space<hbm>>
      tpu.wait_indirect_dma semaphore(%arg20 : memref<!tpu.dma_semaphore, #tpu.memory_space<semaphore_mem>>) src(%dma_wait3A_1017 : memref<10000x64xf32, #tpu.memory_space<hbm>>) dst(%dma_wait3A_1012 : memref<128x64xf32, #tpu.memory_space<vmem>>)
      %jit3A_1018 = arith.constant 6 : i32
      %div3A_1019 = arith.divsi %add3A_948, %jit3A_1018 : i32
      %sign3A_1020 = arith.constant 0 : i32
      %sign3A_1021 = arith.cmpi sgt, %add3A_948, %sign3A_1020 : i32
      %sign3A_1022 = arith.extui %sign3A_1021 : i1 to i32
      %sign3A_1023 = arith.constant 0 : i32
      %sign3A_1024 = arith.cmpi slt, %add3A_948, %sign3A_1023 : i32
      %sign3A_1025 = arith.extui %sign3A_1024 : i1 to i32
      %sign3A_1026 = arith.subi %sign3A_1022, %sign3A_1025 : i32
      %sign3A_1027 = arith.constant 0 : i32
      %sign3A_1028 = arith.cmpi sgt, %jit3A_1018, %sign3A_1027 : i32
      %sign3A_1029 = arith.extui %sign3A_1028 : i1 to i32
      %sign3A_1030 = arith.constant 0 : i32
      %sign3A_1031 = arith.cmpi slt, %jit3A_1018, %sign3A_1030 : i32
      %sign3A_1032 = arith.extui %sign3A_1031 : i1 to i32
      %sign3A_1033 = arith.subi %sign3A_1029, %sign3A_1032 : i32
      %ne3A_1034 = arith.cmpi ne, %sign3A_1026, %sign3A_1033 : i32
      %rem3A_1035 = arith.remsi %add3A_948, %jit3A_1018 : i32
      %ne3A_1036 = arith.constant 0 : i32
      %ne3A_1037 = arith.cmpi ne, %rem3A_1035, %ne3A_1036 : i32
      %and3A_1038 = arith.andi %ne3A_1034, %ne3A_1037 : i1
      %sub3A_1039 = arith.constant 1 : i32
      %sub3A_1040 = arith.subi %div3A_1019, %sub3A_1039 : i32
      %select_n3A_1041 = arith.select %and3A_1038, %sub3A_1040, %div3A_1019 : i32
      %jit3A_1042 = arith.constant 6 : i32
      %eq3A_1043 = arith.constant 0 : i32
      %eq3A_1044 = arith.cmpi eq, %jit3A_1042, %eq3A_1043 : i32
      %jit3A_1045 = arith.constant 1 : i32
      %select_n3A_1046 = arith.select %eq3A_1044, %jit3A_1045, %jit3A_1042 : i32
      %rem3A_1047 = arith.remsi %add3A_948, %select_n3A_1046 : i32
      %ne3A_1048 = arith.constant 0 : i32
      %ne3A_1049 = arith.cmpi ne, %rem3A_1047, %ne3A_1048 : i32
      %lt3A_1050 = arith.constant 0 : i32
      %lt3A_1051 = arith.cmpi slt, %rem3A_1047, %lt3A_1050 : i32
      %lt3A_1052 = arith.constant 0 : i32
      %lt3A_1053 = arith.cmpi slt, %select_n3A_1046, %lt3A_1052 : i32
      %ne3A_1054 = arith.xori %lt3A_1051, %lt3A_1053 : i1
      %and3A_1055 = arith.andi %ne3A_1054, %ne3A_1049 : i1
      %add3A_1056 = arith.addi %rem3A_1047, %select_n3A_1046 : i32
      %select_n3A_1057 = arith.select %and3A_1055, %add3A_1056, %rem3A_1047 : i32
      %mul3A_1058 = arith.constant 128 : i32
      %mul3A_1059 = arith.muli %select_n3A_1057, %mul3A_1058 : i32
      %dma_start3A_1060 = arith.constant 5 : i32
      %dma_start3A_1061 = arith.constant 0 : i32
      %dma_start3A_1062 = arith.constant 0 : i32
      %dma_start3A_1063 = tpu.memref_slice %arg10[%dma_start3A_1060, %dma_start3A_1061, %dma_start3A_1062] : memref<6x128x64xf32, #tpu.memory_space<vmem>> -> memref<1x128x64xf32, #tpu.memory_space<vmem>>
      %dma_start3A_1064 = tpu.memref_squeeze %dma_start3A_1063 : memref<1x128x64xf32, #tpu.memory_space<vmem>> -> memref<128x64xf32, #tpu.memory_space<vmem>>
      %dma_start3A_1065 = tpu.memref_slice %arg7[%select_n3A_1041, %mul3A_1059] : memref<13x768xi32, #tpu.memory_space<vmem>> -> memref<1x128xi32, #tpu.memory_space<vmem>>
      %dma_start3A_1066 = tpu.memref_squeeze %dma_start3A_1065 : memref<1x128xi32, #tpu.memory_space<vmem>> -> memref<128xi32, #tpu.memory_space<vmem>>
      %dma_start3A_1067 = arith.constant 0 : i32
      %dma_start3A_1068 = arith.constant 0 : i32
      %dma_start3A_1069 = tpu.memref_slice %arg13[%dma_start3A_1067, %dma_start3A_1068] : memref<10240x64xf32, #tpu.memory_space<vmem_shared>> -> memref<10240x64xf32, #tpu.memory_space<vmem_shared>>
      tpu.enqueue_indirect_dma source(%dma_start3A_1064 : memref<128x64xf32, #tpu.memory_space<vmem>>) target(%dma_start3A_1069 : memref<10240x64xf32, #tpu.memory_space<vmem_shared>>) offsets(%dma_start3A_1066 : memref<128xi32, #tpu.memory_space<vmem>>) semaphore(%arg26 : memref<!tpu.dma_semaphore, #tpu.memory_space<semaphore_mem>>) {add = true}
      %scan3A_1070 = arith.constant 0 : i32
      scf.yield %scan3A_1070 : i32
    }
    %scan3A_307 = arith.constant 13 : i32
    %dma_wait3A_308 = arith.constant 5 : i32
    %dma_wait3A_309 = arith.constant 12 : i32
    %dma_wait3A_310 = arith.constant 0 : i32
    %dma_wait3A_311 = arith.constant 0 : i32
    %dma_wait3A_312 = tpu.memref_slice %arg10[%dma_wait3A_308, %dma_wait3A_310, %dma_wait3A_311] : memref<6x128x64xf32, #tpu.memory_space<vmem>> -> memref<1x128x64xf32, #tpu.memory_space<vmem>>
    %dma_wait3A_313 = tpu.memref_squeeze %dma_wait3A_312 : memref<1x128x64xf32, #tpu.memory_space<vmem>> -> memref<128x64xf32, #tpu.memory_space<vmem>>
    %dma_wait3A_314 = arith.constant 640 : i32
    %dma_wait3A_315 = tpu.memref_slice %arg7[%dma_wait3A_309, %dma_wait3A_314] : memref<13x768xi32, #tpu.memory_space<vmem>> -> memref<1x128xi32, #tpu.memory_space<vmem>>
    %dma_wait3A_316 = tpu.memref_squeeze %dma_wait3A_315 : memref<1x128xi32, #tpu.memory_space<vmem>> -> memref<128xi32, #tpu.memory_space<vmem>>
    %dma_wait3A_317 = arith.constant 0 : i32
    %dma_wait3A_318 = arith.constant 0 : i32
    %dma_wait3A_319 = tpu.memref_slice %arg13[%dma_wait3A_317, %dma_wait3A_318] : memref<10240x64xf32, #tpu.memory_space<vmem_shared>> -> memref<10240x64xf32, #tpu.memory_space<vmem_shared>>
    tpu.wait_indirect_dma semaphore(%arg26 : memref<!tpu.dma_semaphore, #tpu.memory_space<semaphore_mem>>) src(%dma_wait3A_313 : memref<128x64xf32, #tpu.memory_space<vmem>>) dst(%dma_wait3A_319 : memref<10240x64xf32, #tpu.memory_space<vmem_shared>>)
    %dma_start3A_320 = arith.constant 0 : i32
    %dma_start3A_321 = arith.constant 0 : i32
    %dma_start3A_322 = tpu.memref_slice %arg4[%dma_start3A_320, %dma_start3A_321] : memref<10000x64xf32, #tpu.memory_space<hbm>> -> memref<10000x64xf32, #tpu.memory_space<hbm>>
    tpu.enqueue_indirect_dma source(%dma_start3A_322 : memref<10000x64xf32, #tpu.memory_space<hbm>>) target(%arg11 : memref<16x64xf32, #tpu.memory_space<vmem>>) offsets(%arg8 : memref<16xi32, #tpu.memory_space<vmem>>) semaphore(%arg14 : memref<!tpu.dma_semaphore, #tpu.memory_space<semaphore_mem>>)
    %dma_wait3A_323 = arith.constant 0 : i32
    %dma_wait3A_324 = arith.constant 0 : i32
    %dma_wait3A_325 = tpu.memref_slice %arg4[%dma_wait3A_323, %dma_wait3A_324] : memref<10000x64xf32, #tpu.memory_space<hbm>> -> memref<10000x64xf32, #tpu.memory_space<hbm>>
    tpu.wait_indirect_dma semaphore(%arg14 : memref<!tpu.dma_semaphore, #tpu.memory_space<semaphore_mem>>) src(%dma_wait3A_325 : memref<10000x64xf32, #tpu.memory_space<hbm>>) dst(%arg11 : memref<16x64xf32, #tpu.memory_space<vmem>>)
    "tpu.region"() ({
      %run_scoped3A = tpu.sem_alloc : memref<!tpu.dma_semaphore, #tpu.memory_space<semaphore_mem>>
      %dma_start3A_331 = arith.constant 0 : i32
      %dma_start3A_332 = arith.constant 0 : i32
      %dma_start3A_333 = tpu.memref_slice %arg13[%dma_start3A_331, %dma_start3A_332] : memref<10240x64xf32, #tpu.memory_space<vmem_shared>> -> memref<10240x64xf32, #tpu.memory_space<vmem_shared>>
      tpu.enqueue_indirect_dma source(%arg11 : memref<16x64xf32, #tpu.memory_space<vmem>>) target(%dma_start3A_333 : memref<10240x64xf32, #tpu.memory_space<vmem_shared>>) offsets(%arg9 : memref<16xi32, #tpu.memory_space<vmem>>) semaphore(%run_scoped3A : memref<!tpu.dma_semaphore, #tpu.memory_space<semaphore_mem>>) {add = true}
      %dma_wait3A_334 = arith.constant 0 : i32
      %dma_wait3A_335 = arith.constant 0 : i32
      %dma_wait3A_336 = tpu.memref_slice %arg13[%dma_wait3A_334, %dma_wait3A_335] : memref<10240x64xf32, #tpu.memory_space<vmem_shared>> -> memref<10240x64xf32, #tpu.memory_space<vmem_shared>>
      tpu.wait_indirect_dma semaphore(%run_scoped3A : memref<!tpu.dma_semaphore, #tpu.memory_space<semaphore_mem>>) src(%arg11 : memref<16x64xf32, #tpu.memory_space<vmem>>) dst(%dma_wait3A_336 : memref<10240x64xf32, #tpu.memory_space<vmem_shared>>)
      tpu.yield
    }) : () -> ()
    %barrier3A_326 = arith.constant 0 : index
    tpu.barrier barrier_id(%barrier3A_326)
    %mul3A_327 = arith.constant 640 : i32
    %mul3A_328 = arith.muli %arg1, %mul3A_327 : i32
    %mul3A_329 = arith.constant 640 : i32
    %mul3A_330 = arith.muli %arg1, %mul3A_329 : i32
    "tpu.region"() ({
      %run_scoped3A = tpu.sem_alloc : memref<!tpu.dma_semaphore, #tpu.memory_space<semaphore_mem>>
      %dma_start3A_331 = arith.constant 0 : i32
      %dma_start3A_332 = arith.constant 0 : i32
      %dma_start3A_333 = tpu.memref_slice %arg5[%arg0, %dma_start3A_331, %dma_start3A_332] : memref<2x10240x64xf32, #tpu.memory_space<hbm>> -> memref<1x10240x64xf32, #tpu.memory_space<hbm>>
      %dma_start3A_334 = tpu.memref_squeeze %dma_start3A_333 : memref<1x10240x64xf32, #tpu.memory_space<hbm>> -> memref<10240x64xf32, #tpu.memory_space<hbm>>
      %dma_start3A_335 = arith.constant 0 : i32
      %dma_start3A_336 = tpu.memref_slice %dma_start3A_334[%mul3A_330, %dma_start3A_335] : memref<10240x64xf32, #tpu.memory_space<hbm>> -> memref<640x64xf32, #tpu.memory_space<hbm>>
      %dma_start3A_337 = arith.constant 0 : i32
      %dma_start3A_338 = tpu.memref_slice %arg13[%mul3A_328, %dma_start3A_337] : memref<10240x64xf32, #tpu.memory_space<vmem_shared>> -> memref<640x64xf32, #tpu.memory_space<vmem_shared>>
      tpu.enqueue_dma source(%dma_start3A_338 : memref<640x64xf32, #tpu.memory_space<vmem_shared>>) target(%dma_start3A_336 : memref<640x64xf32, #tpu.memory_space<hbm>>) target_semaphore(%run_scoped3A : memref<!tpu.dma_semaphore, #tpu.memory_space<semaphore_mem>>)
      %dma_wait3A_339 = arith.constant 0 : i32
      %dma_wait3A_340 = arith.constant 0 : i32
      %dma_wait3A_341 = tpu.memref_slice %arg5[%arg0, %dma_wait3A_339, %dma_wait3A_340] : memref<2x10240x64xf32, #tpu.memory_space<hbm>> -> memref<1x10240x64xf32, #tpu.memory_space<hbm>>
      %dma_wait3A_342 = tpu.memref_squeeze %dma_wait3A_341 : memref<1x10240x64xf32, #tpu.memory_space<hbm>> -> memref<10240x64xf32, #tpu.memory_space<hbm>>
      %dma_wait3A_343 = arith.constant 0 : i32
      %dma_wait3A_344 = tpu.memref_slice %dma_wait3A_342[%mul3A_330, %dma_wait3A_343] : memref<10240x64xf32, #tpu.memory_space<hbm>> -> memref<640x64xf32, #tpu.memory_space<hbm>>
      %dma_wait3A_345 = arith.constant 0 : i32
      %dma_wait3A_346 = tpu.memref_slice %arg13[%mul3A_328, %dma_wait3A_345] : memref<10240x64xf32, #tpu.memory_space<vmem_shared>> -> memref<640x64xf32, #tpu.memory_space<vmem_shared>>
      tpu.wait_dma2 semaphore(%run_scoped3A : memref<!tpu.dma_semaphore, #tpu.memory_space<semaphore_mem>>) src(%dma_wait3A_346 : memref<640x64xf32, #tpu.memory_space<vmem_shared>>) dst(%dma_wait3A_344 : memref<640x64xf32, #tpu.memory_space<hbm>>)
      tpu.yield
    }) : () -> ()
    return
  }
}

#map = affine_map<(d0, d1) -> (0, 0, 0)>
#map1 = affine_map<(d0, d1) -> (0, 0)>
module attributes {stable_mosaic.version = 14 : i64} {
  func.func @agg(%arg0: i32, %arg1: i32, %arg2: memref<2x416x768xi32, #tpu.memory_space<hbm>>, %arg3: memref<2x512xi32, #tpu.memory_space<hbm>>, %arg4: memref<10000x16xf32, #tpu.memory_space<hbm>>, %arg5: memref<2x10240x16xf32, #tpu.memory_space<hbm>>, %arg6: memref<13x768xi32, #tpu.memory_space<vmem>>, %arg7: memref<13x768xi32, #tpu.memory_space<vmem>>, %arg8: memref<16xi32, #tpu.memory_space<vmem>>, %arg9: memref<16xi32, #tpu.memory_space<vmem>>, %arg10: memref<2x768x16xf32, #tpu.memory_space<vmem>>, %arg11: memref<16x16xf32, #tpu.memory_space<vmem>>, %arg12: memref<64x16xf32, #tpu.memory_space<vmem>>, %arg13: memref<10240x16xf32, #tpu.memory_space<vmem_shared>>, %arg14: memref<!tpu.dma_semaphore, #tpu.memory_space<semaphore_mem>>, %arg15: memref<!tpu.dma_semaphore, #tpu.memory_space<semaphore_mem>>, %arg16: memref<!tpu.dma_semaphore, #tpu.memory_space<semaphore_mem>>, %arg17: memref<!tpu.dma_semaphore, #tpu.memory_space<semaphore_mem>>, %arg18: memref<!tpu.dma_semaphore, #tpu.memory_space<semaphore_mem>>) attributes {dimension_semantics = [#tpu.dimension_semantics<core_parallel>, #tpu.dimension_semantics<subcore_parallel>], iteration_bounds = array<i64: 2, 16>, scalar_prefetch = 0 : i64, scratch_operands = 13 : i64, tpu.core_type = #tpu.core_type<sc_vector_subcore>, window_params = [{transform_indices = #map}, {transform_indices = #map1}, {transform_indices = #map1}, {transform_indices = #map}]} {
    %mul3A = arith.constant 16 : i32
    %mul3A_0 = arith.muli %arg0, %mul3A : i32
    %add3A = arith.addi %mul3A_0, %arg1 : i32
    %mul3A_1 = arith.constant 13 : i32
    %mul3A_2 = arith.muli %add3A, %mul3A_1 : i32
    %dma_start3A = arith.constant 0 : i32
    %dma_start3A_3 = arith.constant 0 : i32
    %dma_start3A_4 = tpu.memref_slice %arg2[%dma_start3A, %mul3A_2, %dma_start3A_3] : memref<2x416x768xi32, #tpu.memory_space<hbm>> -> memref<1x13x768xi32, #tpu.memory_space<hbm>>
    %dma_start3A_5 = tpu.memref_squeeze %dma_start3A_4 : memref<1x13x768xi32, #tpu.memory_space<hbm>> -> memref<13x768xi32, #tpu.memory_space<hbm>>
    %dma_start3A_6 = arith.constant 0 : i32
    %dma_start3A_7 = tpu.memref_slice %arg2[%dma_start3A, %mul3A_2, %dma_start3A_6] : memref<2x416x768xi32, #tpu.memory_space<hbm>> -> memref<1x13x768xi32, #tpu.memory_space<hbm>>
    %dma_start3A_8 = tpu.memref_squeeze %dma_start3A_7 : memref<1x13x768xi32, #tpu.memory_space<hbm>> -> memref<13x768xi32, #tpu.memory_space<hbm>>
    tpu.enqueue_dma source(%dma_start3A_8 : memref<13x768xi32, #tpu.memory_space<hbm>>) target(%arg6 : memref<13x768xi32, #tpu.memory_space<vmem>>) target_semaphore(%arg14 : memref<!tpu.dma_semaphore, #tpu.memory_space<semaphore_mem>>)
    %mul3A_9 = arith.constant 16 : i32
    %mul3A_10 = arith.muli %add3A, %mul3A_9 : i32
    %dma_start3A_11 = arith.constant 0 : i32
    %dma_start3A_12 = tpu.memref_slice %arg3[%dma_start3A_11, %mul3A_10] : memref<2x512xi32, #tpu.memory_space<hbm>> -> memref<1x16xi32, #tpu.memory_space<hbm>>
    %dma_start3A_13 = tpu.memref_squeeze %dma_start3A_12 : memref<1x16xi32, #tpu.memory_space<hbm>> -> memref<16xi32, #tpu.memory_space<hbm>>
    %dma_start3A_14 = tpu.memref_slice %arg3[%dma_start3A_11, %mul3A_10] : memref<2x512xi32, #tpu.memory_space<hbm>> -> memref<1x16xi32, #tpu.memory_space<hbm>>
    %dma_start3A_15 = tpu.memref_squeeze %dma_start3A_14 : memref<1x16xi32, #tpu.memory_space<hbm>> -> memref<16xi32, #tpu.memory_space<hbm>>
    tpu.enqueue_dma source(%dma_start3A_15 : memref<16xi32, #tpu.memory_space<hbm>>) target(%arg8 : memref<16xi32, #tpu.memory_space<vmem>>) target_semaphore(%arg14 : memref<!tpu.dma_semaphore, #tpu.memory_space<semaphore_mem>>)
    %mul3A_16 = arith.constant 13 : i32
    %mul3A_17 = arith.muli %add3A, %mul3A_16 : i32
    %dma_start3A_18 = arith.constant 1 : i32
    %dma_start3A_19 = arith.constant 0 : i32
    %dma_start3A_20 = tpu.memref_slice %arg2[%dma_start3A_18, %mul3A_17, %dma_start3A_19] : memref<2x416x768xi32, #tpu.memory_space<hbm>> -> memref<1x13x768xi32, #tpu.memory_space<hbm>>
    %dma_start3A_21 = tpu.memref_squeeze %dma_start3A_20 : memref<1x13x768xi32, #tpu.memory_space<hbm>> -> memref<13x768xi32, #tpu.memory_space<hbm>>
    %dma_start3A_22 = arith.constant 0 : i32
    %dma_start3A_23 = tpu.memref_slice %arg2[%dma_start3A_18, %mul3A_17, %dma_start3A_22] : memref<2x416x768xi32, #tpu.memory_space<hbm>> -> memref<1x13x768xi32, #tpu.memory_space<hbm>>
    %dma_start3A_24 = tpu.memref_squeeze %dma_start3A_23 : memref<1x13x768xi32, #tpu.memory_space<hbm>> -> memref<13x768xi32, #tpu.memory_space<hbm>>
    tpu.enqueue_dma source(%dma_start3A_24 : memref<13x768xi32, #tpu.memory_space<hbm>>) target(%arg7 : memref<13x768xi32, #tpu.memory_space<vmem>>) target_semaphore(%arg14 : memref<!tpu.dma_semaphore, #tpu.memory_space<semaphore_mem>>)
    %mul3A_25 = arith.constant 16 : i32
    %mul3A_26 = arith.muli %add3A, %mul3A_25 : i32
    %dma_start3A_27 = arith.constant 1 : i32
    %dma_start3A_28 = tpu.memref_slice %arg3[%dma_start3A_27, %mul3A_26] : memref<2x512xi32, #tpu.memory_space<hbm>> -> memref<1x16xi32, #tpu.memory_space<hbm>>
    %dma_start3A_29 = tpu.memref_squeeze %dma_start3A_28 : memref<1x16xi32, #tpu.memory_space<hbm>> -> memref<16xi32, #tpu.memory_space<hbm>>
    %dma_start3A_30 = tpu.memref_slice %arg3[%dma_start3A_27, %mul3A_26] : memref<2x512xi32, #tpu.memory_space<hbm>> -> memref<1x16xi32, #tpu.memory_space<hbm>>
    %dma_start3A_31 = tpu.memref_squeeze %dma_start3A_30 : memref<1x16xi32, #tpu.memory_space<hbm>> -> memref<16xi32, #tpu.memory_space<hbm>>
    tpu.enqueue_dma source(%dma_start3A_31 : memref<16xi32, #tpu.memory_space<hbm>>) target(%arg9 : memref<16xi32, #tpu.memory_space<vmem>>) target_semaphore(%arg14 : memref<!tpu.dma_semaphore, #tpu.memory_space<semaphore_mem>>)
    %scan3A = arith.constant 0 : i32
    %scan3A_32 = arith.constant 0 : i32
    %scan3A_33 = arith.constant 64 : i32
    %scan3A_34 = arith.addi %scan3A_32, %scan3A_33 : i32
    %scan3A_35 = arith.constant 1 : i32
    %scan3A_36 = scf.for %scan3A_322 = %scan3A_32 to %scan3A_34 step %scan3A_35 iter_args(%scan3A_323 = %scan3A) -> (i32)  : i32 {
      %jit3A = arith.constant 1 : i32
      %div3A = arith.divsi %scan3A_322, %jit3A : i32
      %sign3A = arith.constant 0 : i32
      %sign3A_324 = arith.cmpi sgt, %scan3A_322, %sign3A : i32
      %sign3A_325 = arith.extui %sign3A_324 : i1 to i32
      %sign3A_326 = arith.constant 0 : i32
      %sign3A_327 = arith.cmpi slt, %scan3A_322, %sign3A_326 : i32
      %sign3A_328 = arith.extui %sign3A_327 : i1 to i32
      %sign3A_329 = arith.subi %sign3A_325, %sign3A_328 : i32
      %sign3A_330 = arith.constant 0 : i32
      %sign3A_331 = arith.cmpi sgt, %jit3A, %sign3A_330 : i32
      %sign3A_332 = arith.extui %sign3A_331 : i1 to i32
      %sign3A_333 = arith.constant 0 : i32
      %sign3A_334 = arith.cmpi slt, %jit3A, %sign3A_333 : i32
      %sign3A_335 = arith.extui %sign3A_334 : i1 to i32
      %sign3A_336 = arith.subi %sign3A_332, %sign3A_335 : i32
      %ne3A = arith.cmpi ne, %sign3A_329, %sign3A_336 : i32
      %rem3A = arith.remsi %scan3A_322, %jit3A : i32
      %ne3A_337 = arith.constant 0 : i32
      %ne3A_338 = arith.cmpi ne, %rem3A, %ne3A_337 : i32
      %and3A_339 = arith.andi %ne3A, %ne3A_338 : i1
      %sub3A = arith.constant 1 : i32
      %sub3A_340 = arith.subi %div3A, %sub3A : i32
      %select_n3A = arith.select %and3A_339, %sub3A_340, %div3A : i32
      %jit3A_341 = arith.constant 1 : i32
      %eq3A = arith.constant 0 : i32
      %eq3A_342 = arith.cmpi eq, %jit3A_341, %eq3A : i32
      %jit3A_343 = arith.constant 1 : i32
      %select_n3A_344 = arith.select %eq3A_342, %jit3A_343, %jit3A_341 : i32
      %rem3A_345 = arith.remsi %scan3A_322, %select_n3A_344 : i32
      %ne3A_346 = arith.constant 0 : i32
      %ne3A_347 = arith.cmpi ne, %rem3A_345, %ne3A_346 : i32
      %lt3A = arith.constant 0 : i32
      %lt3A_348 = arith.cmpi slt, %rem3A_345, %lt3A : i32
      %lt3A_349 = arith.constant 0 : i32
      %lt3A_350 = arith.cmpi slt, %select_n3A_344, %lt3A_349 : i32
      %ne3A_351 = arith.xori %lt3A_348, %lt3A_350 : i1
      %and3A_352 = arith.andi %ne3A_351, %ne3A_347 : i1
      %add3A_353 = arith.addi %rem3A_345, %select_n3A_344 : i32
      %select_n3A_354 = arith.select %and3A_352, %add3A_353, %rem3A_345 : i32
      %broadcast_in_dim3A = arith.constant 0.000000e+00 : f32
      %broadcast_in_dim3A_355 = vector.broadcast %broadcast_in_dim3A : f32 to vector<16xf32>
      %mul3A_356 = arith.constant 16 : i32
      %mul3A_357 = arith.muli %select_n3A_354, %mul3A_356 : i32
      %swap3A = arith.index_cast %select_n3A : i32 to index
      %swap3A_358 = arith.index_cast %mul3A_357 : i32 to index
      %swap3A_359 = tpu.vector_load %arg12[%swap3A, %swap3A_358] {strides = array<i32>} : memref<64x16xf32, #tpu.memory_space<vmem>>, vector<1x16xf32>,
      %swap3A_360 = vector.shape_cast %swap3A_359 : vector<1x16xf32> to vector<16xf32>
      %swap3A_361 = vector.shape_cast %broadcast_in_dim3A_355 : vector<16xf32> to vector<1x16xf32>
      tpu.vector_store %arg12[%swap3A, %swap3A_358], %swap3A_361 {strides = array<i32>} : memref<64x16xf32, #tpu.memory_space<vmem>>, vector<1x16xf32>,
      %scan3A_362 = arith.constant 0 : i32
      scf.yield %scan3A_362 : i32
    }
    %scan3A_37 = arith.constant 64 : i32
    %mul3A_38 = arith.constant 13 : i32
    %mul3A_39 = arith.muli %add3A, %mul3A_38 : i32
    %dma_wait3A = arith.constant 0 : i32
    %dma_wait3A_40 = arith.constant 0 : i32
    %dma_wait3A_41 = tpu.memref_slice %arg2[%dma_wait3A, %mul3A_39, %dma_wait3A_40] : memref<2x416x768xi32, #tpu.memory_space<hbm>> -> memref<1x13x768xi32, #tpu.memory_space<hbm>>
    %dma_wait3A_42 = tpu.memref_squeeze %dma_wait3A_41 : memref<1x13x768xi32, #tpu.memory_space<hbm>> -> memref<13x768xi32, #tpu.memory_space<hbm>>
    %dma_wait3A_43 = arith.constant 0 : i32
    %dma_wait3A_44 = tpu.memref_slice %arg2[%dma_wait3A, %mul3A_39, %dma_wait3A_43] : memref<2x416x768xi32, #tpu.memory_space<hbm>> -> memref<1x13x768xi32, #tpu.memory_space<hbm>>
    %dma_wait3A_45 = tpu.memref_squeeze %dma_wait3A_44 : memref<1x13x768xi32, #tpu.memory_space<hbm>> -> memref<13x768xi32, #tpu.memory_space<hbm>>
    tpu.wait_dma2 semaphore(%arg14 : memref<!tpu.dma_semaphore, #tpu.memory_space<semaphore_mem>>) src(%dma_wait3A_45 : memref<13x768xi32, #tpu.memory_space<hbm>>) dst(%arg6 : memref<13x768xi32, #tpu.memory_space<vmem>>)
    %mul3A_46 = arith.constant 16 : i32
    %mul3A_47 = arith.muli %add3A, %mul3A_46 : i32
    %dma_wait3A_48 = arith.constant 0 : i32
    %dma_wait3A_49 = tpu.memref_slice %arg3[%dma_wait3A_48, %mul3A_47] : memref<2x512xi32, #tpu.memory_space<hbm>> -> memref<1x16xi32, #tpu.memory_space<hbm>>
    %dma_wait3A_50 = tpu.memref_squeeze %dma_wait3A_49 : memref<1x16xi32, #tpu.memory_space<hbm>> -> memref<16xi32, #tpu.memory_space<hbm>>
    %dma_wait3A_51 = tpu.memref_slice %arg3[%dma_wait3A_48, %mul3A_47] : memref<2x512xi32, #tpu.memory_space<hbm>> -> memref<1x16xi32, #tpu.memory_space<hbm>>
    %dma_wait3A_52 = tpu.memref_squeeze %dma_wait3A_51 : memref<1x16xi32, #tpu.memory_space<hbm>> -> memref<16xi32, #tpu.memory_space<hbm>>
    tpu.wait_dma2 semaphore(%arg14 : memref<!tpu.dma_semaphore, #tpu.memory_space<semaphore_mem>>) src(%dma_wait3A_52 : memref<16xi32, #tpu.memory_space<hbm>>) dst(%arg8 : memref<16xi32, #tpu.memory_space<vmem>>)
    %mul3A_53 = arith.constant 13 : i32
    %mul3A_54 = arith.muli %add3A, %mul3A_53 : i32
    %dma_wait3A_55 = arith.constant 1 : i32
    %dma_wait3A_56 = arith.constant 0 : i32
    %dma_wait3A_57 = tpu.memref_slice %arg2[%dma_wait3A_55, %mul3A_54, %dma_wait3A_56] : memref<2x416x768xi32, #tpu.memory_space<hbm>> -> memref<1x13x768xi32, #tpu.memory_space<hbm>>
    %dma_wait3A_58 = tpu.memref_squeeze %dma_wait3A_57 : memref<1x13x768xi32, #tpu.memory_space<hbm>> -> memref<13x768xi32, #tpu.memory_space<hbm>>
    %dma_wait3A_59 = arith.constant 0 : i32
    %dma_wait3A_60 = tpu.memref_slice %arg2[%dma_wait3A_55, %mul3A_54, %dma_wait3A_59] : memref<2x416x768xi32, #tpu.memory_space<hbm>> -> memref<1x13x768xi32, #tpu.memory_space<hbm>>
    %dma_wait3A_61 = tpu.memref_squeeze %dma_wait3A_60 : memref<1x13x768xi32, #tpu.memory_space<hbm>> -> memref<13x768xi32, #tpu.memory_space<hbm>>
    tpu.wait_dma2 semaphore(%arg14 : memref<!tpu.dma_semaphore, #tpu.memory_space<semaphore_mem>>) src(%dma_wait3A_61 : memref<13x768xi32, #tpu.memory_space<hbm>>) dst(%arg7 : memref<13x768xi32, #tpu.memory_space<vmem>>)
    %mul3A_62 = arith.constant 16 : i32
    %mul3A_63 = arith.muli %add3A, %mul3A_62 : i32
    %dma_wait3A_64 = arith.constant 1 : i32
    %dma_wait3A_65 = tpu.memref_slice %arg3[%dma_wait3A_64, %mul3A_63] : memref<2x512xi32, #tpu.memory_space<hbm>> -> memref<1x16xi32, #tpu.memory_space<hbm>>
    %dma_wait3A_66 = tpu.memref_squeeze %dma_wait3A_65 : memref<1x16xi32, #tpu.memory_space<hbm>> -> memref<16xi32, #tpu.memory_space<hbm>>
    %dma_wait3A_67 = tpu.memref_slice %arg3[%dma_wait3A_64, %mul3A_63] : memref<2x512xi32, #tpu.memory_space<hbm>> -> memref<1x16xi32, #tpu.memory_space<hbm>>
    %dma_wait3A_68 = tpu.memref_squeeze %dma_wait3A_67 : memref<1x16xi32, #tpu.memory_space<hbm>> -> memref<16xi32, #tpu.memory_space<hbm>>
    tpu.wait_dma2 semaphore(%arg14 : memref<!tpu.dma_semaphore, #tpu.memory_space<semaphore_mem>>) src(%dma_wait3A_68 : memref<16xi32, #tpu.memory_space<hbm>>) dst(%arg9 : memref<16xi32, #tpu.memory_space<vmem>>)
    %mul3A_69 = arith.constant 640 : i32
    %mul3A_70 = arith.muli %arg1, %mul3A_69 : i32
    %add3A_71 = arith.constant 0 : i32
    %add3A_72 = arith.addi %mul3A_70, %add3A_71 : i32
    %dma_start3A_73 = arith.constant 0 : i32
    %dma_start3A_74 = tpu.memref_slice %arg13[%add3A_72, %dma_start3A_73] : memref<10240x16xf32, #tpu.memory_space<vmem_shared>> -> memref<64x16xf32, #tpu.memory_space<vmem_shared>>
    %dma_start3A_75 = arith.constant 0 : i32
    %dma_start3A_76 = tpu.memref_slice %arg13[%add3A_72, %dma_start3A_75] : memref<10240x16xf32, #tpu.memory_space<vmem_shared>> -> memref<64x16xf32, #tpu.memory_space<vmem_shared>>
    tpu.enqueue_dma source(%arg12 : memref<64x16xf32, #tpu.memory_space<vmem>>) target(%dma_start3A_76 : memref<64x16xf32, #tpu.memory_space<vmem_shared>>) target_semaphore(%arg14 : memref<!tpu.dma_semaphore, #tpu.memory_space<semaphore_mem>>)
    %mul3A_77 = arith.constant 640 : i32
    %mul3A_78 = arith.muli %arg1, %mul3A_77 : i32
    %add3A_79 = arith.constant 64 : i32
    %add3A_80 = arith.addi %mul3A_78, %add3A_79 : i32
    %dma_start3A_81 = arith.constant 0 : i32
    %dma_start3A_82 = tpu.memref_slice %arg13[%add3A_80, %dma_start3A_81] : memref<10240x16xf32, #tpu.memory_space<vmem_shared>> -> memref<64x16xf32, #tpu.memory_space<vmem_shared>>
    %dma_start3A_83 = arith.constant 0 : i32
    %dma_start3A_84 = tpu.memref_slice %arg13[%add3A_80, %dma_start3A_83] : memref<10240x16xf32, #tpu.memory_space<vmem_shared>> -> memref<64x16xf32, #tpu.memory_space<vmem_shared>>
    tpu.enqueue_dma source(%arg12 : memref<64x16xf32, #tpu.memory_space<vmem>>) target(%dma_start3A_84 : memref<64x16xf32, #tpu.memory_space<vmem_shared>>) target_semaphore(%arg14 : memref<!tpu.dma_semaphore, #tpu.memory_space<semaphore_mem>>)
    %mul3A_85 = arith.constant 640 : i32
    %mul3A_86 = arith.muli %arg1, %mul3A_85 : i32
    %add3A_87 = arith.constant 128 : i32
    %add3A_88 = arith.addi %mul3A_86, %add3A_87 : i32
    %dma_start3A_89 = arith.constant 0 : i32
    %dma_start3A_90 = tpu.memref_slice %arg13[%add3A_88, %dma_start3A_89] : memref<10240x16xf32, #tpu.memory_space<vmem_shared>> -> memref<64x16xf32, #tpu.memory_space<vmem_shared>>
    %dma_start3A_91 = arith.constant 0 : i32
    %dma_start3A_92 = tpu.memref_slice %arg13[%add3A_88, %dma_start3A_91] : memref<10240x16xf32, #tpu.memory_space<vmem_shared>> -> memref<64x16xf32, #tpu.memory_space<vmem_shared>>
    tpu.enqueue_dma source(%arg12 : memref<64x16xf32, #tpu.memory_space<vmem>>) target(%dma_start3A_92 : memref<64x16xf32, #tpu.memory_space<vmem_shared>>) target_semaphore(%arg14 : memref<!tpu.dma_semaphore, #tpu.memory_space<semaphore_mem>>)
    %mul3A_93 = arith.constant 640 : i32
    %mul3A_94 = arith.muli %arg1, %mul3A_93 : i32
    %add3A_95 = arith.constant 192 : i32
    %add3A_96 = arith.addi %mul3A_94, %add3A_95 : i32
    %dma_start3A_97 = arith.constant 0 : i32
    %dma_start3A_98 = tpu.memref_slice %arg13[%add3A_96, %dma_start3A_97] : memref<10240x16xf32, #tpu.memory_space<vmem_shared>> -> memref<64x16xf32, #tpu.memory_space<vmem_shared>>
    %dma_start3A_99 = arith.constant 0 : i32
    %dma_start3A_100 = tpu.memref_slice %arg13[%add3A_96, %dma_start3A_99] : memref<10240x16xf32, #tpu.memory_space<vmem_shared>> -> memref<64x16xf32, #tpu.memory_space<vmem_shared>>
    tpu.enqueue_dma source(%arg12 : memref<64x16xf32, #tpu.memory_space<vmem>>) target(%dma_start3A_100 : memref<64x16xf32, #tpu.memory_space<vmem_shared>>) target_semaphore(%arg14 : memref<!tpu.dma_semaphore, #tpu.memory_space<semaphore_mem>>)
    %mul3A_101 = arith.constant 640 : i32
    %mul3A_102 = arith.muli %arg1, %mul3A_101 : i32
    %add3A_103 = arith.constant 256 : i32
    %add3A_104 = arith.addi %mul3A_102, %add3A_103 : i32
    %dma_start3A_105 = arith.constant 0 : i32
    %dma_start3A_106 = tpu.memref_slice %arg13[%add3A_104, %dma_start3A_105] : memref<10240x16xf32, #tpu.memory_space<vmem_shared>> -> memref<64x16xf32, #tpu.memory_space<vmem_shared>>
    %dma_start3A_107 = arith.constant 0 : i32
    %dma_start3A_108 = tpu.memref_slice %arg13[%add3A_104, %dma_start3A_107] : memref<10240x16xf32, #tpu.memory_space<vmem_shared>> -> memref<64x16xf32, #tpu.memory_space<vmem_shared>>
    tpu.enqueue_dma source(%arg12 : memref<64x16xf32, #tpu.memory_space<vmem>>) target(%dma_start3A_108 : memref<64x16xf32, #tpu.memory_space<vmem_shared>>) target_semaphore(%arg14 : memref<!tpu.dma_semaphore, #tpu.memory_space<semaphore_mem>>)
    %mul3A_109 = arith.constant 640 : i32
    %mul3A_110 = arith.muli %arg1, %mul3A_109 : i32
    %add3A_111 = arith.constant 320 : i32
    %add3A_112 = arith.addi %mul3A_110, %add3A_111 : i32
    %dma_start3A_113 = arith.constant 0 : i32
    %dma_start3A_114 = tpu.memref_slice %arg13[%add3A_112, %dma_start3A_113] : memref<10240x16xf32, #tpu.memory_space<vmem_shared>> -> memref<64x16xf32, #tpu.memory_space<vmem_shared>>
    %dma_start3A_115 = arith.constant 0 : i32
    %dma_start3A_116 = tpu.memref_slice %arg13[%add3A_112, %dma_start3A_115] : memref<10240x16xf32, #tpu.memory_space<vmem_shared>> -> memref<64x16xf32, #tpu.memory_space<vmem_shared>>
    tpu.enqueue_dma source(%arg12 : memref<64x16xf32, #tpu.memory_space<vmem>>) target(%dma_start3A_116 : memref<64x16xf32, #tpu.memory_space<vmem_shared>>) target_semaphore(%arg14 : memref<!tpu.dma_semaphore, #tpu.memory_space<semaphore_mem>>)
    %mul3A_117 = arith.constant 640 : i32
    %mul3A_118 = arith.muli %arg1, %mul3A_117 : i32
    %add3A_119 = arith.constant 384 : i32
    %add3A_120 = arith.addi %mul3A_118, %add3A_119 : i32
    %dma_start3A_121 = arith.constant 0 : i32
    %dma_start3A_122 = tpu.memref_slice %arg13[%add3A_120, %dma_start3A_121] : memref<10240x16xf32, #tpu.memory_space<vmem_shared>> -> memref<64x16xf32, #tpu.memory_space<vmem_shared>>
    %dma_start3A_123 = arith.constant 0 : i32
    %dma_start3A_124 = tpu.memref_slice %arg13[%add3A_120, %dma_start3A_123] : memref<10240x16xf32, #tpu.memory_space<vmem_shared>> -> memref<64x16xf32, #tpu.memory_space<vmem_shared>>
    tpu.enqueue_dma source(%arg12 : memref<64x16xf32, #tpu.memory_space<vmem>>) target(%dma_start3A_124 : memref<64x16xf32, #tpu.memory_space<vmem_shared>>) target_semaphore(%arg14 : memref<!tpu.dma_semaphore, #tpu.memory_space<semaphore_mem>>)
    %mul3A_125 = arith.constant 640 : i32
    %mul3A_126 = arith.muli %arg1, %mul3A_125 : i32
    %add3A_127 = arith.constant 448 : i32
    %add3A_128 = arith.addi %mul3A_126, %add3A_127 : i32
    %dma_start3A_129 = arith.constant 0 : i32
    %dma_start3A_130 = tpu.memref_slice %arg13[%add3A_128, %dma_start3A_129] : memref<10240x16xf32, #tpu.memory_space<vmem_shared>> -> memref<64x16xf32, #tpu.memory_space<vmem_shared>>
    %dma_start3A_131 = arith.constant 0 : i32
    %dma_start3A_132 = tpu.memref_slice %arg13[%add3A_128, %dma_start3A_131] : memref<10240x16xf32, #tpu.memory_space<vmem_shared>> -> memref<64x16xf32, #tpu.memory_space<vmem_shared>>
    tpu.enqueue_dma source(%arg12 : memref<64x16xf32, #tpu.memory_space<vmem>>) target(%dma_start3A_132 : memref<64x16xf32, #tpu.memory_space<vmem_shared>>) target_semaphore(%arg14 : memref<!tpu.dma_semaphore, #tpu.memory_space<semaphore_mem>>)
    %mul3A_133 = arith.constant 640 : i32
    %mul3A_134 = arith.muli %arg1, %mul3A_133 : i32
    %add3A_135 = arith.constant 512 : i32
    %add3A_136 = arith.addi %mul3A_134, %add3A_135 : i32
    %dma_start3A_137 = arith.constant 0 : i32
    %dma_start3A_138 = tpu.memref_slice %arg13[%add3A_136, %dma_start3A_137] : memref<10240x16xf32, #tpu.memory_space<vmem_shared>> -> memref<64x16xf32, #tpu.memory_space<vmem_shared>>
    %dma_start3A_139 = arith.constant 0 : i32
    %dma_start3A_140 = tpu.memref_slice %arg13[%add3A_136, %dma_start3A_139] : memref<10240x16xf32, #tpu.memory_space<vmem_shared>> -> memref<64x16xf32, #tpu.memory_space<vmem_shared>>
    tpu.enqueue_dma source(%arg12 : memref<64x16xf32, #tpu.memory_space<vmem>>) target(%dma_start3A_140 : memref<64x16xf32, #tpu.memory_space<vmem_shared>>) target_semaphore(%arg14 : memref<!tpu.dma_semaphore, #tpu.memory_space<semaphore_mem>>)
    %mul3A_141 = arith.constant 640 : i32
    %mul3A_142 = arith.muli %arg1, %mul3A_141 : i32
    %add3A_143 = arith.constant 576 : i32
    %add3A_144 = arith.addi %mul3A_142, %add3A_143 : i32
    %dma_start3A_145 = arith.constant 0 : i32
    %dma_start3A_146 = tpu.memref_slice %arg13[%add3A_144, %dma_start3A_145] : memref<10240x16xf32, #tpu.memory_space<vmem_shared>> -> memref<64x16xf32, #tpu.memory_space<vmem_shared>>
    %dma_start3A_147 = arith.constant 0 : i32
    %dma_start3A_148 = tpu.memref_slice %arg13[%add3A_144, %dma_start3A_147] : memref<10240x16xf32, #tpu.memory_space<vmem_shared>> -> memref<64x16xf32, #tpu.memory_space<vmem_shared>>
    tpu.enqueue_dma source(%arg12 : memref<64x16xf32, #tpu.memory_space<vmem>>) target(%dma_start3A_148 : memref<64x16xf32, #tpu.memory_space<vmem_shared>>) target_semaphore(%arg14 : memref<!tpu.dma_semaphore, #tpu.memory_space<semaphore_mem>>)
    %mul3A_149 = arith.constant 640 : i32
    %mul3A_150 = arith.muli %arg1, %mul3A_149 : i32
    %add3A_151 = arith.constant 0 : i32
    %add3A_152 = arith.addi %mul3A_150, %add3A_151 : i32
    %dma_wait3A_153 = arith.constant 0 : i32
    %dma_wait3A_154 = tpu.memref_slice %arg13[%add3A_152, %dma_wait3A_153] : memref<10240x16xf32, #tpu.memory_space<vmem_shared>> -> memref<64x16xf32, #tpu.memory_space<vmem_shared>>
    %dma_wait3A_155 = arith.constant 0 : i32
    %dma_wait3A_156 = tpu.memref_slice %arg13[%add3A_152, %dma_wait3A_155] : memref<10240x16xf32, #tpu.memory_space<vmem_shared>> -> memref<64x16xf32, #tpu.memory_space<vmem_shared>>
    tpu.wait_dma2 semaphore(%arg14 : memref<!tpu.dma_semaphore, #tpu.memory_space<semaphore_mem>>) src(%arg12 : memref<64x16xf32, #tpu.memory_space<vmem>>) dst(%dma_wait3A_156 : memref<64x16xf32, #tpu.memory_space<vmem_shared>>)
    %mul3A_157 = arith.constant 640 : i32
    %mul3A_158 = arith.muli %arg1, %mul3A_157 : i32
    %add3A_159 = arith.constant 64 : i32
    %add3A_160 = arith.addi %mul3A_158, %add3A_159 : i32
    %dma_wait3A_161 = arith.constant 0 : i32
    %dma_wait3A_162 = tpu.memref_slice %arg13[%add3A_160, %dma_wait3A_161] : memref<10240x16xf32, #tpu.memory_space<vmem_shared>> -> memref<64x16xf32, #tpu.memory_space<vmem_shared>>
    %dma_wait3A_163 = arith.constant 0 : i32
    %dma_wait3A_164 = tpu.memref_slice %arg13[%add3A_160, %dma_wait3A_163] : memref<10240x16xf32, #tpu.memory_space<vmem_shared>> -> memref<64x16xf32, #tpu.memory_space<vmem_shared>>
    tpu.wait_dma2 semaphore(%arg14 : memref<!tpu.dma_semaphore, #tpu.memory_space<semaphore_mem>>) src(%arg12 : memref<64x16xf32, #tpu.memory_space<vmem>>) dst(%dma_wait3A_164 : memref<64x16xf32, #tpu.memory_space<vmem_shared>>)
    %mul3A_165 = arith.constant 640 : i32
    %mul3A_166 = arith.muli %arg1, %mul3A_165 : i32
    %add3A_167 = arith.constant 128 : i32
    %add3A_168 = arith.addi %mul3A_166, %add3A_167 : i32
    %dma_wait3A_169 = arith.constant 0 : i32
    %dma_wait3A_170 = tpu.memref_slice %arg13[%add3A_168, %dma_wait3A_169] : memref<10240x16xf32, #tpu.memory_space<vmem_shared>> -> memref<64x16xf32, #tpu.memory_space<vmem_shared>>
    %dma_wait3A_171 = arith.constant 0 : i32
    %dma_wait3A_172 = tpu.memref_slice %arg13[%add3A_168, %dma_wait3A_171] : memref<10240x16xf32, #tpu.memory_space<vmem_shared>> -> memref<64x16xf32, #tpu.memory_space<vmem_shared>>
    tpu.wait_dma2 semaphore(%arg14 : memref<!tpu.dma_semaphore, #tpu.memory_space<semaphore_mem>>) src(%arg12 : memref<64x16xf32, #tpu.memory_space<vmem>>) dst(%dma_wait3A_172 : memref<64x16xf32, #tpu.memory_space<vmem_shared>>)
    %mul3A_173 = arith.constant 640 : i32
    %mul3A_174 = arith.muli %arg1, %mul3A_173 : i32
    %add3A_175 = arith.constant 192 : i32
    %add3A_176 = arith.addi %mul3A_174, %add3A_175 : i32
    %dma_wait3A_177 = arith.constant 0 : i32
    %dma_wait3A_178 = tpu.memref_slice %arg13[%add3A_176, %dma_wait3A_177] : memref<10240x16xf32, #tpu.memory_space<vmem_shared>> -> memref<64x16xf32, #tpu.memory_space<vmem_shared>>
    %dma_wait3A_179 = arith.constant 0 : i32
    %dma_wait3A_180 = tpu.memref_slice %arg13[%add3A_176, %dma_wait3A_179] : memref<10240x16xf32, #tpu.memory_space<vmem_shared>> -> memref<64x16xf32, #tpu.memory_space<vmem_shared>>
    tpu.wait_dma2 semaphore(%arg14 : memref<!tpu.dma_semaphore, #tpu.memory_space<semaphore_mem>>) src(%arg12 : memref<64x16xf32, #tpu.memory_space<vmem>>) dst(%dma_wait3A_180 : memref<64x16xf32, #tpu.memory_space<vmem_shared>>)
    %mul3A_181 = arith.constant 640 : i32
    %mul3A_182 = arith.muli %arg1, %mul3A_181 : i32
    %add3A_183 = arith.constant 256 : i32
    %add3A_184 = arith.addi %mul3A_182, %add3A_183 : i32
    %dma_wait3A_185 = arith.constant 0 : i32
    %dma_wait3A_186 = tpu.memref_slice %arg13[%add3A_184, %dma_wait3A_185] : memref<10240x16xf32, #tpu.memory_space<vmem_shared>> -> memref<64x16xf32, #tpu.memory_space<vmem_shared>>
    %dma_wait3A_187 = arith.constant 0 : i32
    %dma_wait3A_188 = tpu.memref_slice %arg13[%add3A_184, %dma_wait3A_187] : memref<10240x16xf32, #tpu.memory_space<vmem_shared>> -> memref<64x16xf32, #tpu.memory_space<vmem_shared>>
    tpu.wait_dma2 semaphore(%arg14 : memref<!tpu.dma_semaphore, #tpu.memory_space<semaphore_mem>>) src(%arg12 : memref<64x16xf32, #tpu.memory_space<vmem>>) dst(%dma_wait3A_188 : memref<64x16xf32, #tpu.memory_space<vmem_shared>>)
    %mul3A_189 = arith.constant 640 : i32
    %mul3A_190 = arith.muli %arg1, %mul3A_189 : i32
    %add3A_191 = arith.constant 320 : i32
    %add3A_192 = arith.addi %mul3A_190, %add3A_191 : i32
    %dma_wait3A_193 = arith.constant 0 : i32
    %dma_wait3A_194 = tpu.memref_slice %arg13[%add3A_192, %dma_wait3A_193] : memref<10240x16xf32, #tpu.memory_space<vmem_shared>> -> memref<64x16xf32, #tpu.memory_space<vmem_shared>>
    %dma_wait3A_195 = arith.constant 0 : i32
    %dma_wait3A_196 = tpu.memref_slice %arg13[%add3A_192, %dma_wait3A_195] : memref<10240x16xf32, #tpu.memory_space<vmem_shared>> -> memref<64x16xf32, #tpu.memory_space<vmem_shared>>
    tpu.wait_dma2 semaphore(%arg14 : memref<!tpu.dma_semaphore, #tpu.memory_space<semaphore_mem>>) src(%arg12 : memref<64x16xf32, #tpu.memory_space<vmem>>) dst(%dma_wait3A_196 : memref<64x16xf32, #tpu.memory_space<vmem_shared>>)
    %mul3A_197 = arith.constant 640 : i32
    %mul3A_198 = arith.muli %arg1, %mul3A_197 : i32
    %add3A_199 = arith.constant 384 : i32
    %add3A_200 = arith.addi %mul3A_198, %add3A_199 : i32
    %dma_wait3A_201 = arith.constant 0 : i32
    %dma_wait3A_202 = tpu.memref_slice %arg13[%add3A_200, %dma_wait3A_201] : memref<10240x16xf32, #tpu.memory_space<vmem_shared>> -> memref<64x16xf32, #tpu.memory_space<vmem_shared>>
    %dma_wait3A_203 = arith.constant 0 : i32
    %dma_wait3A_204 = tpu.memref_slice %arg13[%add3A_200, %dma_wait3A_203] : memref<10240x16xf32, #tpu.memory_space<vmem_shared>> -> memref<64x16xf32, #tpu.memory_space<vmem_shared>>
    tpu.wait_dma2 semaphore(%arg14 : memref<!tpu.dma_semaphore, #tpu.memory_space<semaphore_mem>>) src(%arg12 : memref<64x16xf32, #tpu.memory_space<vmem>>) dst(%dma_wait3A_204 : memref<64x16xf32, #tpu.memory_space<vmem_shared>>)
    %mul3A_205 = arith.constant 640 : i32
    %mul3A_206 = arith.muli %arg1, %mul3A_205 : i32
    %add3A_207 = arith.constant 448 : i32
    %add3A_208 = arith.addi %mul3A_206, %add3A_207 : i32
    %dma_wait3A_209 = arith.constant 0 : i32
    %dma_wait3A_210 = tpu.memref_slice %arg13[%add3A_208, %dma_wait3A_209] : memref<10240x16xf32, #tpu.memory_space<vmem_shared>> -> memref<64x16xf32, #tpu.memory_space<vmem_shared>>
    %dma_wait3A_211 = arith.constant 0 : i32
    %dma_wait3A_212 = tpu.memref_slice %arg13[%add3A_208, %dma_wait3A_211] : memref<10240x16xf32, #tpu.memory_space<vmem_shared>> -> memref<64x16xf32, #tpu.memory_space<vmem_shared>>
    tpu.wait_dma2 semaphore(%arg14 : memref<!tpu.dma_semaphore, #tpu.memory_space<semaphore_mem>>) src(%arg12 : memref<64x16xf32, #tpu.memory_space<vmem>>) dst(%dma_wait3A_212 : memref<64x16xf32, #tpu.memory_space<vmem_shared>>)
    %mul3A_213 = arith.constant 640 : i32
    %mul3A_214 = arith.muli %arg1, %mul3A_213 : i32
    %add3A_215 = arith.constant 512 : i32
    %add3A_216 = arith.addi %mul3A_214, %add3A_215 : i32
    %dma_wait3A_217 = arith.constant 0 : i32
    %dma_wait3A_218 = tpu.memref_slice %arg13[%add3A_216, %dma_wait3A_217] : memref<10240x16xf32, #tpu.memory_space<vmem_shared>> -> memref<64x16xf32, #tpu.memory_space<vmem_shared>>
    %dma_wait3A_219 = arith.constant 0 : i32
    %dma_wait3A_220 = tpu.memref_slice %arg13[%add3A_216, %dma_wait3A_219] : memref<10240x16xf32, #tpu.memory_space<vmem_shared>> -> memref<64x16xf32, #tpu.memory_space<vmem_shared>>
    tpu.wait_dma2 semaphore(%arg14 : memref<!tpu.dma_semaphore, #tpu.memory_space<semaphore_mem>>) src(%arg12 : memref<64x16xf32, #tpu.memory_space<vmem>>) dst(%dma_wait3A_220 : memref<64x16xf32, #tpu.memory_space<vmem_shared>>)
    %mul3A_221 = arith.constant 640 : i32
    %mul3A_222 = arith.muli %arg1, %mul3A_221 : i32
    %add3A_223 = arith.constant 576 : i32
    %add3A_224 = arith.addi %mul3A_222, %add3A_223 : i32
    %dma_wait3A_225 = arith.constant 0 : i32
    %dma_wait3A_226 = tpu.memref_slice %arg13[%add3A_224, %dma_wait3A_225] : memref<10240x16xf32, #tpu.memory_space<vmem_shared>> -> memref<64x16xf32, #tpu.memory_space<vmem_shared>>
    %dma_wait3A_227 = arith.constant 0 : i32
    %dma_wait3A_228 = tpu.memref_slice %arg13[%add3A_224, %dma_wait3A_227] : memref<10240x16xf32, #tpu.memory_space<vmem_shared>> -> memref<64x16xf32, #tpu.memory_space<vmem_shared>>
    tpu.wait_dma2 semaphore(%arg14 : memref<!tpu.dma_semaphore, #tpu.memory_space<semaphore_mem>>) src(%arg12 : memref<64x16xf32, #tpu.memory_space<vmem>>) dst(%dma_wait3A_228 : memref<64x16xf32, #tpu.memory_space<vmem_shared>>)
    %barrier3A = arith.constant 0 : index
    tpu.barrier barrier_id(%barrier3A)
    %dma_start3A_229 = arith.constant 0 : i32
    %dma_start3A_230 = arith.constant 0 : i32
    %dma_start3A_231 = arith.constant 0 : i32
    %dma_start3A_232 = arith.constant 0 : i32
    %dma_start3A_233 = tpu.memref_slice %arg10[%dma_start3A_230, %dma_start3A_231, %dma_start3A_232] : memref<2x768x16xf32, #tpu.memory_space<vmem>> -> memref<1x768x16xf32, #tpu.memory_space<vmem>>
    %dma_start3A_234 = tpu.memref_squeeze %dma_start3A_233 : memref<1x768x16xf32, #tpu.memory_space<vmem>> -> memref<768x16xf32, #tpu.memory_space<vmem>>
    %dma_start3A_235 = arith.constant 0 : i32
    %dma_start3A_236 = tpu.memref_slice %arg6[%dma_start3A_229, %dma_start3A_235] : memref<13x768xi32, #tpu.memory_space<vmem>> -> memref<1x768xi32, #tpu.memory_space<vmem>>
    %dma_start3A_237 = tpu.memref_squeeze %dma_start3A_236 : memref<1x768xi32, #tpu.memory_space<vmem>> -> memref<768xi32, #tpu.memory_space<vmem>>
    %dma_start3A_238 = arith.constant 0 : i32
    %dma_start3A_239 = arith.constant 0 : i32
    %dma_start3A_240 = tpu.memref_slice %arg4[%dma_start3A_238, %dma_start3A_239] : memref<10000x16xf32, #tpu.memory_space<hbm>> -> memref<10000x16xf32, #tpu.memory_space<hbm>>
    tpu.enqueue_indirect_dma source(%dma_start3A_240 : memref<10000x16xf32, #tpu.memory_space<hbm>>) target(%dma_start3A_234 : memref<768x16xf32, #tpu.memory_space<vmem>>) offsets(%dma_start3A_237 : memref<768xi32, #tpu.memory_space<vmem>>) semaphore(%arg15 : memref<!tpu.dma_semaphore, #tpu.memory_space<semaphore_mem>>)
    %dma_start3A_241 = arith.constant 1 : i32
    %dma_start3A_242 = arith.constant 1 : i32
    %dma_start3A_243 = arith.constant 0 : i32
    %dma_start3A_244 = arith.constant 0 : i32
    %dma_start3A_245 = tpu.memref_slice %arg10[%dma_start3A_242, %dma_start3A_243, %dma_start3A_244] : memref<2x768x16xf32, #tpu.memory_space<vmem>> -> memref<1x768x16xf32, #tpu.memory_space<vmem>>
    %dma_start3A_246 = tpu.memref_squeeze %dma_start3A_245 : memref<1x768x16xf32, #tpu.memory_space<vmem>> -> memref<768x16xf32, #tpu.memory_space<vmem>>
    %dma_start3A_247 = arith.constant 0 : i32
    %dma_start3A_248 = tpu.memref_slice %arg6[%dma_start3A_241, %dma_start3A_247] : memref<13x768xi32, #tpu.memory_space<vmem>> -> memref<1x768xi32, #tpu.memory_space<vmem>>
    %dma_start3A_249 = tpu.memref_squeeze %dma_start3A_248 : memref<1x768xi32, #tpu.memory_space<vmem>> -> memref<768xi32, #tpu.memory_space<vmem>>
    %dma_start3A_250 = arith.constant 0 : i32
    %dma_start3A_251 = arith.constant 0 : i32
    %dma_start3A_252 = tpu.memref_slice %arg4[%dma_start3A_250, %dma_start3A_251] : memref<10000x16xf32, #tpu.memory_space<hbm>> -> memref<10000x16xf32, #tpu.memory_space<hbm>>
    tpu.enqueue_indirect_dma source(%dma_start3A_252 : memref<10000x16xf32, #tpu.memory_space<hbm>>) target(%dma_start3A_246 : memref<768x16xf32, #tpu.memory_space<vmem>>) offsets(%dma_start3A_249 : memref<768xi32, #tpu.memory_space<vmem>>) semaphore(%arg16 : memref<!tpu.dma_semaphore, #tpu.memory_space<semaphore_mem>>)
    %scan3A_253 = arith.constant 0 : i32
    %scan3A_254 = arith.constant 0 : i32
    %scan3A_255 = arith.constant 6 : i32
    %scan3A_256 = arith.addi %scan3A_254, %scan3A_255 : i32
    %scan3A_257 = arith.constant 1 : i32
    %scan3A_258 = scf.for %scan3A_322 = %scan3A_254 to %scan3A_256 step %scan3A_257 iter_args(%scan3A_323 = %scan3A_253) -> (i32)  : i32 {
      %mul3A_324 = arith.constant 2 : i32
      %mul3A_325 = arith.muli %scan3A_322, %mul3A_324 : i32
      %add3A_326 = arith.constant 0 : i32
      %add3A_327 = arith.addi %mul3A_325, %add3A_326 : i32
      %gt3A = arith.constant 0 : i32
      %gt3A_328 = arith.cmpi sgt, %add3A_327, %gt3A : i32
      %convert_element_type3A_329 = arith.extui %gt3A_328 : i1 to i32
      %cond3A_330 = arith.constant 0 : i32
      %cond3A_331 = arith.cmpi ne, %convert_element_type3A_329, %cond3A_330 : i32
      scf.if %cond3A_331 {
        %sub3A_565 = arith.constant 1 : i32
        %sub3A_566 = arith.subi %add3A_327, %sub3A_565 : i32
        %jit3A_567 = arith.constant 1 : i32
        %div3A_568 = arith.divsi %sub3A_566, %jit3A_567 : i32
        %sign3A_569 = arith.constant 0 : i32
        %sign3A_570 = arith.cmpi sgt, %sub3A_566, %sign3A_569 : i32
        %sign3A_571 = arith.extui %sign3A_570 : i1 to i32
        %sign3A_572 = arith.constant 0 : i32
        %sign3A_573 = arith.cmpi slt, %sub3A_566, %sign3A_572 : i32
        %sign3A_574 = arith.extui %sign3A_573 : i1 to i32
        %sign3A_575 = arith.subi %sign3A_571, %sign3A_574 : i32
        %sign3A_576 = arith.constant 0 : i32
        %sign3A_577 = arith.cmpi sgt, %jit3A_567, %sign3A_576 : i32
        %sign3A_578 = arith.extui %sign3A_577 : i1 to i32
        %sign3A_579 = arith.constant 0 : i32
        %sign3A_580 = arith.cmpi slt, %jit3A_567, %sign3A_579 : i32
        %sign3A_581 = arith.extui %sign3A_580 : i1 to i32
        %sign3A_582 = arith.subi %sign3A_578, %sign3A_581 : i32
        %ne3A_583 = arith.cmpi ne, %sign3A_575, %sign3A_582 : i32
        %rem3A_584 = arith.remsi %sub3A_566, %jit3A_567 : i32
        %ne3A_585 = arith.constant 0 : i32
        %ne3A_586 = arith.cmpi ne, %rem3A_584, %ne3A_585 : i32
        %and3A_587 = arith.andi %ne3A_583, %ne3A_586 : i1
        %sub3A_588 = arith.constant 1 : i32
        %sub3A_589 = arith.subi %div3A_568, %sub3A_588 : i32
        %select_n3A_590 = arith.select %and3A_587, %sub3A_589, %div3A_568 : i32
        %jit3A_591 = arith.constant 1 : i32
        %eq3A_592 = arith.constant 0 : i32
        %eq3A_593 = arith.cmpi eq, %jit3A_591, %eq3A_592 : i32
        %jit3A_594 = arith.constant 1 : i32
        %select_n3A_595 = arith.select %eq3A_593, %jit3A_594, %jit3A_591 : i32
        %rem3A_596 = arith.remsi %sub3A_566, %select_n3A_595 : i32
        %ne3A_597 = arith.constant 0 : i32
        %ne3A_598 = arith.cmpi ne, %rem3A_596, %ne3A_597 : i32
        %lt3A_599 = arith.constant 0 : i32
        %lt3A_600 = arith.cmpi slt, %rem3A_596, %lt3A_599 : i32
        %lt3A_601 = arith.constant 0 : i32
        %lt3A_602 = arith.cmpi slt, %select_n3A_595, %lt3A_601 : i32
        %ne3A_603 = arith.xori %lt3A_600, %lt3A_602 : i1
        %and3A_604 = arith.andi %ne3A_603, %ne3A_598 : i1
        %add3A_605 = arith.addi %rem3A_596, %select_n3A_595 : i32
        %select_n3A_606 = arith.select %and3A_604, %add3A_605, %rem3A_596 : i32
        %mul3A_607 = arith.constant 768 : i32
        %mul3A_608 = arith.muli %select_n3A_606, %mul3A_607 : i32
        %dma_wait3A_609 = arith.constant 1 : i32
        %dma_wait3A_610 = arith.constant 0 : i32
        %dma_wait3A_611 = arith.constant 0 : i32
        %dma_wait3A_612 = tpu.memref_slice %arg10[%dma_wait3A_609, %dma_wait3A_610, %dma_wait3A_611] : memref<2x768x16xf32, #tpu.memory_space<vmem>> -> memref<1x768x16xf32, #tpu.memory_space<vmem>>
        %dma_wait3A_613 = tpu.memref_squeeze %dma_wait3A_612 : memref<1x768x16xf32, #tpu.memory_space<vmem>> -> memref<768x16xf32, #tpu.memory_space<vmem>>
        %dma_wait3A_614 = tpu.memref_slice %arg7[%select_n3A_590, %mul3A_608] : memref<13x768xi32, #tpu.memory_space<vmem>> -> memref<1x768xi32, #tpu.memory_space<vmem>>
        %dma_wait3A_615 = tpu.memref_squeeze %dma_wait3A_614 : memref<1x768xi32, #tpu.memory_space<vmem>> -> memref<768xi32, #tpu.memory_space<vmem>>
        %dma_wait3A_616 = arith.constant 0 : i32
        %dma_wait3A_617 = arith.constant 0 : i32
        %dma_wait3A_618 = tpu.memref_slice %arg13[%dma_wait3A_616, %dma_wait3A_617] : memref<10240x16xf32, #tpu.memory_space<vmem_shared>> -> memref<10240x16xf32, #tpu.memory_space<vmem_shared>>
        tpu.wait_indirect_dma semaphore(%arg18 : memref<!tpu.dma_semaphore, #tpu.memory_space<semaphore_mem>>) src(%dma_wait3A_613 : memref<768x16xf32, #tpu.memory_space<vmem>>) dst(%dma_wait3A_618 : memref<10240x16xf32, #tpu.memory_space<vmem_shared>>)
      } else {
      }
      %gt3A_332 = arith.constant 0 : i32
      %gt3A_333 = arith.cmpi sgt, %add3A_327, %gt3A_332 : i32
      %sub3A = arith.constant 1 : i32
      %sub3A_334 = arith.subi %add3A_327, %sub3A : i32
      %add3A_335 = arith.constant 2 : i32
      %add3A_336 = arith.addi %sub3A_334, %add3A_335 : i32
      %lt3A = arith.constant 13 : i32
      %lt3A_337 = arith.cmpi slt, %add3A_336, %lt3A : i32
      %and3A_338 = arith.andi %gt3A_333, %lt3A_337 : i1
      %convert_element_type3A_339 = arith.extui %and3A_338 : i1 to i32
      %cond3A_340 = arith.constant 0 : i32
      %cond3A_341 = arith.cmpi ne, %convert_element_type3A_339, %cond3A_340 : i32
      scf.if %cond3A_341 {
        %sub3A_565 = arith.constant 1 : i32
        %sub3A_566 = arith.subi %add3A_327, %sub3A_565 : i32
        %add3A_567 = arith.constant 2 : i32
        %add3A_568 = arith.addi %sub3A_566, %add3A_567 : i32
        %jit3A_569 = arith.constant 1 : i32
        %div3A_570 = arith.divsi %add3A_568, %jit3A_569 : i32
        %sign3A_571 = arith.constant 0 : i32
        %sign3A_572 = arith.cmpi sgt, %add3A_568, %sign3A_571 : i32
        %sign3A_573 = arith.extui %sign3A_572 : i1 to i32
        %sign3A_574 = arith.constant 0 : i32
        %sign3A_575 = arith.cmpi slt, %add3A_568, %sign3A_574 : i32
        %sign3A_576 = arith.extui %sign3A_575 : i1 to i32
        %sign3A_577 = arith.subi %sign3A_573, %sign3A_576 : i32
        %sign3A_578 = arith.constant 0 : i32
        %sign3A_579 = arith.cmpi sgt, %jit3A_569, %sign3A_578 : i32
        %sign3A_580 = arith.extui %sign3A_579 : i1 to i32
        %sign3A_581 = arith.constant 0 : i32
        %sign3A_582 = arith.cmpi slt, %jit3A_569, %sign3A_581 : i32
        %sign3A_583 = arith.extui %sign3A_582 : i1 to i32
        %sign3A_584 = arith.subi %sign3A_580, %sign3A_583 : i32
        %ne3A_585 = arith.cmpi ne, %sign3A_577, %sign3A_584 : i32
        %rem3A_586 = arith.remsi %add3A_568, %jit3A_569 : i32
        %ne3A_587 = arith.constant 0 : i32
        %ne3A_588 = arith.cmpi ne, %rem3A_586, %ne3A_587 : i32
        %and3A_589 = arith.andi %ne3A_585, %ne3A_588 : i1
        %sub3A_590 = arith.constant 1 : i32
        %sub3A_591 = arith.subi %div3A_570, %sub3A_590 : i32
        %select_n3A_592 = arith.select %and3A_589, %sub3A_591, %div3A_570 : i32
        %jit3A_593 = arith.constant 1 : i32
        %eq3A_594 = arith.constant 0 : i32
        %eq3A_595 = arith.cmpi eq, %jit3A_593, %eq3A_594 : i32
        %jit3A_596 = arith.constant 1 : i32
        %select_n3A_597 = arith.select %eq3A_595, %jit3A_596, %jit3A_593 : i32
        %rem3A_598 = arith.remsi %add3A_568, %select_n3A_597 : i32
        %ne3A_599 = arith.constant 0 : i32
        %ne3A_600 = arith.cmpi ne, %rem3A_598, %ne3A_599 : i32
        %lt3A_601 = arith.constant 0 : i32
        %lt3A_602 = arith.cmpi slt, %rem3A_598, %lt3A_601 : i32
        %lt3A_603 = arith.constant 0 : i32
        %lt3A_604 = arith.cmpi slt, %select_n3A_597, %lt3A_603 : i32
        %ne3A_605 = arith.xori %lt3A_602, %lt3A_604 : i1
        %and3A_606 = arith.andi %ne3A_605, %ne3A_600 : i1
        %add3A_607 = arith.addi %rem3A_598, %select_n3A_597 : i32
        %select_n3A_608 = arith.select %and3A_606, %add3A_607, %rem3A_598 : i32
        %mul3A_609 = arith.constant 768 : i32
        %mul3A_610 = arith.muli %select_n3A_608, %mul3A_609 : i32
        %dma_start3A_611 = arith.constant 1 : i32
        %dma_start3A_612 = arith.constant 0 : i32
        %dma_start3A_613 = arith.constant 0 : i32
        %dma_start3A_614 = tpu.memref_slice %arg10[%dma_start3A_611, %dma_start3A_612, %dma_start3A_613] : memref<2x768x16xf32, #tpu.memory_space<vmem>> -> memref<1x768x16xf32, #tpu.memory_space<vmem>>
        %dma_start3A_615 = tpu.memref_squeeze %dma_start3A_614 : memref<1x768x16xf32, #tpu.memory_space<vmem>> -> memref<768x16xf32, #tpu.memory_space<vmem>>
        %dma_start3A_616 = tpu.memref_slice %arg6[%select_n3A_592, %mul3A_610] : memref<13x768xi32, #tpu.memory_space<vmem>> -> memref<1x768xi32, #tpu.memory_space<vmem>>
        %dma_start3A_617 = tpu.memref_squeeze %dma_start3A_616 : memref<1x768xi32, #tpu.memory_space<vmem>> -> memref<768xi32, #tpu.memory_space<vmem>>
        %dma_start3A_618 = arith.constant 0 : i32
        %dma_start3A_619 = arith.constant 0 : i32
        %dma_start3A_620 = tpu.memref_slice %arg4[%dma_start3A_618, %dma_start3A_619] : memref<10000x16xf32, #tpu.memory_space<hbm>> -> memref<10000x16xf32, #tpu.memory_space<hbm>>
        tpu.enqueue_indirect_dma source(%dma_start3A_620 : memref<10000x16xf32, #tpu.memory_space<hbm>>) target(%dma_start3A_615 : memref<768x16xf32, #tpu.memory_space<vmem>>) offsets(%dma_start3A_617 : memref<768xi32, #tpu.memory_space<vmem>>) semaphore(%arg16 : memref<!tpu.dma_semaphore, #tpu.memory_space<semaphore_mem>>)
      } else {
      }
      %jit3A = arith.constant 1 : i32
      %div3A = arith.divsi %add3A_327, %jit3A : i32
      %sign3A = arith.constant 0 : i32
      %sign3A_342 = arith.cmpi sgt, %add3A_327, %sign3A : i32
      %sign3A_343 = arith.extui %sign3A_342 : i1 to i32
      %sign3A_344 = arith.constant 0 : i32
      %sign3A_345 = arith.cmpi slt, %add3A_327, %sign3A_344 : i32
      %sign3A_346 = arith.extui %sign3A_345 : i1 to i32
      %sign3A_347 = arith.subi %sign3A_343, %sign3A_346 : i32
      %sign3A_348 = arith.constant 0 : i32
      %sign3A_349 = arith.cmpi sgt, %jit3A, %sign3A_348 : i32
      %sign3A_350 = arith.extui %sign3A_349 : i1 to i32
      %sign3A_351 = arith.constant 0 : i32
      %sign3A_352 = arith.cmpi slt, %jit3A, %sign3A_351 : i32
      %sign3A_353 = arith.extui %sign3A_352 : i1 to i32
      %sign3A_354 = arith.subi %sign3A_350, %sign3A_353 : i32
      %ne3A = arith.cmpi ne, %sign3A_347, %sign3A_354 : i32
      %rem3A = arith.remsi %add3A_327, %jit3A : i32
      %ne3A_355 = arith.constant 0 : i32
      %ne3A_356 = arith.cmpi ne, %rem3A, %ne3A_355 : i32
      %and3A_357 = arith.andi %ne3A, %ne3A_356 : i1
      %sub3A_358 = arith.constant 1 : i32
      %sub3A_359 = arith.subi %div3A, %sub3A_358 : i32
      %select_n3A = arith.select %and3A_357, %sub3A_359, %div3A : i32
      %jit3A_360 = arith.constant 1 : i32
      %eq3A = arith.constant 0 : i32
      %eq3A_361 = arith.cmpi eq, %jit3A_360, %eq3A : i32
      %jit3A_362 = arith.constant 1 : i32
      %select_n3A_363 = arith.select %eq3A_361, %jit3A_362, %jit3A_360 : i32
      %rem3A_364 = arith.remsi %add3A_327, %select_n3A_363 : i32
      %ne3A_365 = arith.constant 0 : i32
      %ne3A_366 = arith.cmpi ne, %rem3A_364, %ne3A_365 : i32
      %lt3A_367 = arith.constant 0 : i32
      %lt3A_368 = arith.cmpi slt, %rem3A_364, %lt3A_367 : i32
      %lt3A_369 = arith.constant 0 : i32
      %lt3A_370 = arith.cmpi slt, %select_n3A_363, %lt3A_369 : i32
      %ne3A_371 = arith.xori %lt3A_368, %lt3A_370 : i1
      %and3A_372 = arith.andi %ne3A_371, %ne3A_366 : i1
      %add3A_373 = arith.addi %rem3A_364, %select_n3A_363 : i32
      %select_n3A_374 = arith.select %and3A_372, %add3A_373, %rem3A_364 : i32
      %mul3A_375 = arith.constant 768 : i32
      %mul3A_376 = arith.muli %select_n3A_374, %mul3A_375 : i32
      %dma_wait3A_377 = arith.constant 0 : i32
      %dma_wait3A_378 = arith.constant 0 : i32
      %dma_wait3A_379 = arith.constant 0 : i32
      %dma_wait3A_380 = tpu.memref_slice %arg10[%dma_wait3A_377, %dma_wait3A_378, %dma_wait3A_379] : memref<2x768x16xf32, #tpu.memory_space<vmem>> -> memref<1x768x16xf32, #tpu.memory_space<vmem>>
      %dma_wait3A_381 = tpu.memref_squeeze %dma_wait3A_380 : memref<1x768x16xf32, #tpu.memory_space<vmem>> -> memref<768x16xf32, #tpu.memory_space<vmem>>
      %dma_wait3A_382 = tpu.memref_slice %arg6[%select_n3A, %mul3A_376] : memref<13x768xi32, #tpu.memory_space<vmem>> -> memref<1x768xi32, #tpu.memory_space<vmem>>
      %dma_wait3A_383 = tpu.memref_squeeze %dma_wait3A_382 : memref<1x768xi32, #tpu.memory_space<vmem>> -> memref<768xi32, #tpu.memory_space<vmem>>
      %dma_wait3A_384 = arith.constant 0 : i32
      %dma_wait3A_385 = arith.constant 0 : i32
      %dma_wait3A_386 = tpu.memref_slice %arg4[%dma_wait3A_384, %dma_wait3A_385] : memref<10000x16xf32, #tpu.memory_space<hbm>> -> memref<10000x16xf32, #tpu.memory_space<hbm>>
      tpu.wait_indirect_dma semaphore(%arg15 : memref<!tpu.dma_semaphore, #tpu.memory_space<semaphore_mem>>) src(%dma_wait3A_386 : memref<10000x16xf32, #tpu.memory_space<hbm>>) dst(%dma_wait3A_381 : memref<768x16xf32, #tpu.memory_space<vmem>>)
      %jit3A_387 = arith.constant 1 : i32
      %div3A_388 = arith.divsi %add3A_327, %jit3A_387 : i32
      %sign3A_389 = arith.constant 0 : i32
      %sign3A_390 = arith.cmpi sgt, %add3A_327, %sign3A_389 : i32
      %sign3A_391 = arith.extui %sign3A_390 : i1 to i32
      %sign3A_392 = arith.constant 0 : i32
      %sign3A_393 = arith.cmpi slt, %add3A_327, %sign3A_392 : i32
      %sign3A_394 = arith.extui %sign3A_393 : i1 to i32
      %sign3A_395 = arith.subi %sign3A_391, %sign3A_394 : i32
      %sign3A_396 = arith.constant 0 : i32
      %sign3A_397 = arith.cmpi sgt, %jit3A_387, %sign3A_396 : i32
      %sign3A_398 = arith.extui %sign3A_397 : i1 to i32
      %sign3A_399 = arith.constant 0 : i32
      %sign3A_400 = arith.cmpi slt, %jit3A_387, %sign3A_399 : i32
      %sign3A_401 = arith.extui %sign3A_400 : i1 to i32
      %sign3A_402 = arith.subi %sign3A_398, %sign3A_401 : i32
      %ne3A_403 = arith.cmpi ne, %sign3A_395, %sign3A_402 : i32
      %rem3A_404 = arith.remsi %add3A_327, %jit3A_387 : i32
      %ne3A_405 = arith.constant 0 : i32
      %ne3A_406 = arith.cmpi ne, %rem3A_404, %ne3A_405 : i32
      %and3A_407 = arith.andi %ne3A_403, %ne3A_406 : i1
      %sub3A_408 = arith.constant 1 : i32
      %sub3A_409 = arith.subi %div3A_388, %sub3A_408 : i32
      %select_n3A_410 = arith.select %and3A_407, %sub3A_409, %div3A_388 : i32
      %jit3A_411 = arith.constant 1 : i32
      %eq3A_412 = arith.constant 0 : i32
      %eq3A_413 = arith.cmpi eq, %jit3A_411, %eq3A_412 : i32
      %jit3A_414 = arith.constant 1 : i32
      %select_n3A_415 = arith.select %eq3A_413, %jit3A_414, %jit3A_411 : i32
      %rem3A_416 = arith.remsi %add3A_327, %select_n3A_415 : i32
      %ne3A_417 = arith.constant 0 : i32
      %ne3A_418 = arith.cmpi ne, %rem3A_416, %ne3A_417 : i32
      %lt3A_419 = arith.constant 0 : i32
      %lt3A_420 = arith.cmpi slt, %rem3A_416, %lt3A_419 : i32
      %lt3A_421 = arith.constant 0 : i32
      %lt3A_422 = arith.cmpi slt, %select_n3A_415, %lt3A_421 : i32
      %ne3A_423 = arith.xori %lt3A_420, %lt3A_422 : i1
      %and3A_424 = arith.andi %ne3A_423, %ne3A_418 : i1
      %add3A_425 = arith.addi %rem3A_416, %select_n3A_415 : i32
      %select_n3A_426 = arith.select %and3A_424, %add3A_425, %rem3A_416 : i32
      %mul3A_427 = arith.constant 768 : i32
      %mul3A_428 = arith.muli %select_n3A_426, %mul3A_427 : i32
      %dma_start3A_429 = arith.constant 0 : i32
      %dma_start3A_430 = arith.constant 0 : i32
      %dma_start3A_431 = arith.constant 0 : i32
      %dma_start3A_432 = tpu.memref_slice %arg10[%dma_start3A_429, %dma_start3A_430, %dma_start3A_431] : memref<2x768x16xf32, #tpu.memory_space<vmem>> -> memref<1x768x16xf32, #tpu.memory_space<vmem>>
      %dma_start3A_433 = tpu.memref_squeeze %dma_start3A_432 : memref<1x768x16xf32, #tpu.memory_space<vmem>> -> memref<768x16xf32, #tpu.memory_space<vmem>>
      %dma_start3A_434 = tpu.memref_slice %arg7[%select_n3A_410, %mul3A_428] : memref<13x768xi32, #tpu.memory_space<vmem>> -> memref<1x768xi32, #tpu.memory_space<vmem>>
      %dma_start3A_435 = tpu.memref_squeeze %dma_start3A_434 : memref<1x768xi32, #tpu.memory_space<vmem>> -> memref<768xi32, #tpu.memory_space<vmem>>
      %dma_start3A_436 = arith.constant 0 : i32
      %dma_start3A_437 = arith.constant 0 : i32
      %dma_start3A_438 = tpu.memref_slice %arg13[%dma_start3A_436, %dma_start3A_437] : memref<10240x16xf32, #tpu.memory_space<vmem_shared>> -> memref<10240x16xf32, #tpu.memory_space<vmem_shared>>
      tpu.enqueue_indirect_dma source(%dma_start3A_433 : memref<768x16xf32, #tpu.memory_space<vmem>>) target(%dma_start3A_438 : memref<10240x16xf32, #tpu.memory_space<vmem_shared>>) offsets(%dma_start3A_435 : memref<768xi32, #tpu.memory_space<vmem>>) semaphore(%arg17 : memref<!tpu.dma_semaphore, #tpu.memory_space<semaphore_mem>>) {add = true}
      %mul3A_439 = arith.constant 2 : i32
      %mul3A_440 = arith.muli %scan3A_322, %mul3A_439 : i32
      %add3A_441 = arith.constant 1 : i32
      %add3A_442 = arith.addi %mul3A_440, %add3A_441 : i32
      %gt3A_443 = arith.constant 0 : i32
      %gt3A_444 = arith.cmpi sgt, %add3A_442, %gt3A_443 : i32
      %convert_element_type3A_445 = arith.extui %gt3A_444 : i1 to i32
      %cond3A_446 = arith.constant 0 : i32
      %cond3A_447 = arith.cmpi ne, %convert_element_type3A_445, %cond3A_446 : i32
      scf.if %cond3A_447 {
        %sub3A_565 = arith.constant 1 : i32
        %sub3A_566 = arith.subi %add3A_442, %sub3A_565 : i32
        %jit3A_567 = arith.constant 1 : i32
        %div3A_568 = arith.divsi %sub3A_566, %jit3A_567 : i32
        %sign3A_569 = arith.constant 0 : i32
        %sign3A_570 = arith.cmpi sgt, %sub3A_566, %sign3A_569 : i32
        %sign3A_571 = arith.extui %sign3A_570 : i1 to i32
        %sign3A_572 = arith.constant 0 : i32
        %sign3A_573 = arith.cmpi slt, %sub3A_566, %sign3A_572 : i32
        %sign3A_574 = arith.extui %sign3A_573 : i1 to i32
        %sign3A_575 = arith.subi %sign3A_571, %sign3A_574 : i32
        %sign3A_576 = arith.constant 0 : i32
        %sign3A_577 = arith.cmpi sgt, %jit3A_567, %sign3A_576 : i32
        %sign3A_578 = arith.extui %sign3A_577 : i1 to i32
        %sign3A_579 = arith.constant 0 : i32
        %sign3A_580 = arith.cmpi slt, %jit3A_567, %sign3A_579 : i32
        %sign3A_581 = arith.extui %sign3A_580 : i1 to i32
        %sign3A_582 = arith.subi %sign3A_578, %sign3A_581 : i32
        %ne3A_583 = arith.cmpi ne, %sign3A_575, %sign3A_582 : i32
        %rem3A_584 = arith.remsi %sub3A_566, %jit3A_567 : i32
        %ne3A_585 = arith.constant 0 : i32
        %ne3A_586 = arith.cmpi ne, %rem3A_584, %ne3A_585 : i32
        %and3A_587 = arith.andi %ne3A_583, %ne3A_586 : i1
        %sub3A_588 = arith.constant 1 : i32
        %sub3A_589 = arith.subi %div3A_568, %sub3A_588 : i32
        %select_n3A_590 = arith.select %and3A_587, %sub3A_589, %div3A_568 : i32
        %jit3A_591 = arith.constant 1 : i32
        %eq3A_592 = arith.constant 0 : i32
        %eq3A_593 = arith.cmpi eq, %jit3A_591, %eq3A_592 : i32
        %jit3A_594 = arith.constant 1 : i32
        %select_n3A_595 = arith.select %eq3A_593, %jit3A_594, %jit3A_591 : i32
        %rem3A_596 = arith.remsi %sub3A_566, %select_n3A_595 : i32
        %ne3A_597 = arith.constant 0 : i32
        %ne3A_598 = arith.cmpi ne, %rem3A_596, %ne3A_597 : i32
        %lt3A_599 = arith.constant 0 : i32
        %lt3A_600 = arith.cmpi slt, %rem3A_596, %lt3A_599 : i32
        %lt3A_601 = arith.constant 0 : i32
        %lt3A_602 = arith.cmpi slt, %select_n3A_595, %lt3A_601 : i32
        %ne3A_603 = arith.xori %lt3A_600, %lt3A_602 : i1
        %and3A_604 = arith.andi %ne3A_603, %ne3A_598 : i1
        %add3A_605 = arith.addi %rem3A_596, %select_n3A_595 : i32
        %select_n3A_606 = arith.select %and3A_604, %add3A_605, %rem3A_596 : i32
        %mul3A_607 = arith.constant 768 : i32
        %mul3A_608 = arith.muli %select_n3A_606, %mul3A_607 : i32
        %dma_wait3A_609 = arith.constant 0 : i32
        %dma_wait3A_610 = arith.constant 0 : i32
        %dma_wait3A_611 = arith.constant 0 : i32
        %dma_wait3A_612 = tpu.memref_slice %arg10[%dma_wait3A_609, %dma_wait3A_610, %dma_wait3A_611] : memref<2x768x16xf32, #tpu.memory_space<vmem>> -> memref<1x768x16xf32, #tpu.memory_space<vmem>>
        %dma_wait3A_613 = tpu.memref_squeeze %dma_wait3A_612 : memref<1x768x16xf32, #tpu.memory_space<vmem>> -> memref<768x16xf32, #tpu.memory_space<vmem>>
        %dma_wait3A_614 = tpu.memref_slice %arg7[%select_n3A_590, %mul3A_608] : memref<13x768xi32, #tpu.memory_space<vmem>> -> memref<1x768xi32, #tpu.memory_space<vmem>>
        %dma_wait3A_615 = tpu.memref_squeeze %dma_wait3A_614 : memref<1x768xi32, #tpu.memory_space<vmem>> -> memref<768xi32, #tpu.memory_space<vmem>>
        %dma_wait3A_616 = arith.constant 0 : i32
        %dma_wait3A_617 = arith.constant 0 : i32
        %dma_wait3A_618 = tpu.memref_slice %arg13[%dma_wait3A_616, %dma_wait3A_617] : memref<10240x16xf32, #tpu.memory_space<vmem_shared>> -> memref<10240x16xf32, #tpu.memory_space<vmem_shared>>
        tpu.wait_indirect_dma semaphore(%arg17 : memref<!tpu.dma_semaphore, #tpu.memory_space<semaphore_mem>>) src(%dma_wait3A_613 : memref<768x16xf32, #tpu.memory_space<vmem>>) dst(%dma_wait3A_618 : memref<10240x16xf32, #tpu.memory_space<vmem_shared>>)
      } else {
      }
      %gt3A_448 = arith.constant 0 : i32
      %gt3A_449 = arith.cmpi sgt, %add3A_442, %gt3A_448 : i32
      %sub3A_450 = arith.constant 1 : i32
      %sub3A_451 = arith.subi %add3A_442, %sub3A_450 : i32
      %add3A_452 = arith.constant 2 : i32
      %add3A_453 = arith.addi %sub3A_451, %add3A_452 : i32
      %lt3A_454 = arith.constant 13 : i32
      %lt3A_455 = arith.cmpi slt, %add3A_453, %lt3A_454 : i32
      %and3A_456 = arith.andi %gt3A_449, %lt3A_455 : i1
      %convert_element_type3A_457 = arith.extui %and3A_456 : i1 to i32
      %cond3A_458 = arith.constant 0 : i32
      %cond3A_459 = arith.cmpi ne, %convert_element_type3A_457, %cond3A_458 : i32
      scf.if %cond3A_459 {
        %sub3A_565 = arith.constant 1 : i32
        %sub3A_566 = arith.subi %add3A_442, %sub3A_565 : i32
        %add3A_567 = arith.constant 2 : i32
        %add3A_568 = arith.addi %sub3A_566, %add3A_567 : i32
        %jit3A_569 = arith.constant 1 : i32
        %div3A_570 = arith.divsi %add3A_568, %jit3A_569 : i32
        %sign3A_571 = arith.constant 0 : i32
        %sign3A_572 = arith.cmpi sgt, %add3A_568, %sign3A_571 : i32
        %sign3A_573 = arith.extui %sign3A_572 : i1 to i32
        %sign3A_574 = arith.constant 0 : i32
        %sign3A_575 = arith.cmpi slt, %add3A_568, %sign3A_574 : i32
        %sign3A_576 = arith.extui %sign3A_575 : i1 to i32
        %sign3A_577 = arith.subi %sign3A_573, %sign3A_576 : i32
        %sign3A_578 = arith.constant 0 : i32
        %sign3A_579 = arith.cmpi sgt, %jit3A_569, %sign3A_578 : i32
        %sign3A_580 = arith.extui %sign3A_579 : i1 to i32
        %sign3A_581 = arith.constant 0 : i32
        %sign3A_582 = arith.cmpi slt, %jit3A_569, %sign3A_581 : i32
        %sign3A_583 = arith.extui %sign3A_582 : i1 to i32
        %sign3A_584 = arith.subi %sign3A_580, %sign3A_583 : i32
        %ne3A_585 = arith.cmpi ne, %sign3A_577, %sign3A_584 : i32
        %rem3A_586 = arith.remsi %add3A_568, %jit3A_569 : i32
        %ne3A_587 = arith.constant 0 : i32
        %ne3A_588 = arith.cmpi ne, %rem3A_586, %ne3A_587 : i32
        %and3A_589 = arith.andi %ne3A_585, %ne3A_588 : i1
        %sub3A_590 = arith.constant 1 : i32
        %sub3A_591 = arith.subi %div3A_570, %sub3A_590 : i32
        %select_n3A_592 = arith.select %and3A_589, %sub3A_591, %div3A_570 : i32
        %jit3A_593 = arith.constant 1 : i32
        %eq3A_594 = arith.constant 0 : i32
        %eq3A_595 = arith.cmpi eq, %jit3A_593, %eq3A_594 : i32
        %jit3A_596 = arith.constant 1 : i32
        %select_n3A_597 = arith.select %eq3A_595, %jit3A_596, %jit3A_593 : i32
        %rem3A_598 = arith.remsi %add3A_568, %select_n3A_597 : i32
        %ne3A_599 = arith.constant 0 : i32
        %ne3A_600 = arith.cmpi ne, %rem3A_598, %ne3A_599 : i32
        %lt3A_601 = arith.constant 0 : i32
        %lt3A_602 = arith.cmpi slt, %rem3A_598, %lt3A_601 : i32
        %lt3A_603 = arith.constant 0 : i32
        %lt3A_604 = arith.cmpi slt, %select_n3A_597, %lt3A_603 : i32
        %ne3A_605 = arith.xori %lt3A_602, %lt3A_604 : i1
        %and3A_606 = arith.andi %ne3A_605, %ne3A_600 : i1
        %add3A_607 = arith.addi %rem3A_598, %select_n3A_597 : i32
        %select_n3A_608 = arith.select %and3A_606, %add3A_607, %rem3A_598 : i32
        %mul3A_609 = arith.constant 768 : i32
        %mul3A_610 = arith.muli %select_n3A_608, %mul3A_609 : i32
        %dma_start3A_611 = arith.constant 0 : i32
        %dma_start3A_612 = arith.constant 0 : i32
        %dma_start3A_613 = arith.constant 0 : i32
        %dma_start3A_614 = tpu.memref_slice %arg10[%dma_start3A_611, %dma_start3A_612, %dma_start3A_613] : memref<2x768x16xf32, #tpu.memory_space<vmem>> -> memref<1x768x16xf32, #tpu.memory_space<vmem>>
        %dma_start3A_615 = tpu.memref_squeeze %dma_start3A_614 : memref<1x768x16xf32, #tpu.memory_space<vmem>> -> memref<768x16xf32, #tpu.memory_space<vmem>>
        %dma_start3A_616 = tpu.memref_slice %arg6[%select_n3A_592, %mul3A_610] : memref<13x768xi32, #tpu.memory_space<vmem>> -> memref<1x768xi32, #tpu.memory_space<vmem>>
        %dma_start3A_617 = tpu.memref_squeeze %dma_start3A_616 : memref<1x768xi32, #tpu.memory_space<vmem>> -> memref<768xi32, #tpu.memory_space<vmem>>
        %dma_start3A_618 = arith.constant 0 : i32
        %dma_start3A_619 = arith.constant 0 : i32
        %dma_start3A_620 = tpu.memref_slice %arg4[%dma_start3A_618, %dma_start3A_619] : memref<10000x16xf32, #tpu.memory_space<hbm>> -> memref<10000x16xf32, #tpu.memory_space<hbm>>
        tpu.enqueue_indirect_dma source(%dma_start3A_620 : memref<10000x16xf32, #tpu.memory_space<hbm>>) target(%dma_start3A_615 : memref<768x16xf32, #tpu.memory_space<vmem>>) offsets(%dma_start3A_617 : memref<768xi32, #tpu.memory_space<vmem>>) semaphore(%arg15 : memref<!tpu.dma_semaphore, #tpu.memory_space<semaphore_mem>>)
      } else {
      }
      %jit3A_460 = arith.constant 1 : i32
      %div3A_461 = arith.divsi %add3A_442, %jit3A_460 : i32
      %sign3A_462 = arith.constant 0 : i32
      %sign3A_463 = arith.cmpi sgt, %add3A_442, %sign3A_462 : i32
      %sign3A_464 = arith.extui %sign3A_463 : i1 to i32
      %sign3A_465 = arith.constant 0 : i32
      %sign3A_466 = arith.cmpi slt, %add3A_442, %sign3A_465 : i32
      %sign3A_467 = arith.extui %sign3A_466 : i1 to i32
      %sign3A_468 = arith.subi %sign3A_464, %sign3A_467 : i32
      %sign3A_469 = arith.constant 0 : i32
      %sign3A_470 = arith.cmpi sgt, %jit3A_460, %sign3A_469 : i32
      %sign3A_471 = arith.extui %sign3A_470 : i1 to i32
      %sign3A_472 = arith.constant 0 : i32
      %sign3A_473 = arith.cmpi slt, %jit3A_460, %sign3A_472 : i32
      %sign3A_474 = arith.extui %sign3A_473 : i1 to i32
      %sign3A_475 = arith.subi %sign3A_471, %sign3A_474 : i32
      %ne3A_476 = arith.cmpi ne, %sign3A_468, %sign3A_475 : i32
      %rem3A_477 = arith.remsi %add3A_442, %jit3A_460 : i32
      %ne3A_478 = arith.constant 0 : i32
      %ne3A_479 = arith.cmpi ne, %rem3A_477, %ne3A_478 : i32
      %and3A_480 = arith.andi %ne3A_476, %ne3A_479 : i1
      %sub3A_481 = arith.constant 1 : i32
      %sub3A_482 = arith.subi %div3A_461, %sub3A_481 : i32
      %select_n3A_483 = arith.select %and3A_480, %sub3A_482, %div3A_461 : i32
      %jit3A_484 = arith.constant 1 : i32
      %eq3A_485 = arith.constant 0 : i32
      %eq3A_486 = arith.cmpi eq, %jit3A_484, %eq3A_485 : i32
      %jit3A_487 = arith.constant 1 : i32
      %select_n3A_488 = arith.select %eq3A_486, %jit3A_487, %jit3A_484 : i32
      %rem3A_489 = arith.remsi %add3A_442, %select_n3A_488 : i32
      %ne3A_490 = arith.constant 0 : i32
      %ne3A_491 = arith.cmpi ne, %rem3A_489, %ne3A_490 : i32
      %lt3A_492 = arith.constant 0 : i32
      %lt3A_493 = arith.cmpi slt, %rem3A_489, %lt3A_492 : i32
      %lt3A_494 = arith.constant 0 : i32
      %lt3A_495 = arith.cmpi slt, %select_n3A_488, %lt3A_494 : i32
      %ne3A_496 = arith.xori %lt3A_493, %lt3A_495 : i1
      %and3A_497 = arith.andi %ne3A_496, %ne3A_491 : i1
      %add3A_498 = arith.addi %rem3A_489, %select_n3A_488 : i32
      %select_n3A_499 = arith.select %and3A_497, %add3A_498, %rem3A_489 : i32
      %mul3A_500 = arith.constant 768 : i32
      %mul3A_501 = arith.muli %select_n3A_499, %mul3A_500 : i32
      %dma_wait3A_502 = arith.constant 1 : i32
      %dma_wait3A_503 = arith.constant 0 : i32
      %dma_wait3A_504 = arith.constant 0 : i32
      %dma_wait3A_505 = tpu.memref_slice %arg10[%dma_wait3A_502, %dma_wait3A_503, %dma_wait3A_504] : memref<2x768x16xf32, #tpu.memory_space<vmem>> -> memref<1x768x16xf32, #tpu.memory_space<vmem>>
      %dma_wait3A_506 = tpu.memref_squeeze %dma_wait3A_505 : memref<1x768x16xf32, #tpu.memory_space<vmem>> -> memref<768x16xf32, #tpu.memory_space<vmem>>
      %dma_wait3A_507 = tpu.memref_slice %arg6[%select_n3A_483, %mul3A_501] : memref<13x768xi32, #tpu.memory_space<vmem>> -> memref<1x768xi32, #tpu.memory_space<vmem>>
      %dma_wait3A_508 = tpu.memref_squeeze %dma_wait3A_507 : memref<1x768xi32, #tpu.memory_space<vmem>> -> memref<768xi32, #tpu.memory_space<vmem>>
      %dma_wait3A_509 = arith.constant 0 : i32
      %dma_wait3A_510 = arith.constant 0 : i32
      %dma_wait3A_511 = tpu.memref_slice %arg4[%dma_wait3A_509, %dma_wait3A_510] : memref<10000x16xf32, #tpu.memory_space<hbm>> -> memref<10000x16xf32, #tpu.memory_space<hbm>>
      tpu.wait_indirect_dma semaphore(%arg16 : memref<!tpu.dma_semaphore, #tpu.memory_space<semaphore_mem>>) src(%dma_wait3A_511 : memref<10000x16xf32, #tpu.memory_space<hbm>>) dst(%dma_wait3A_506 : memref<768x16xf32, #tpu.memory_space<vmem>>)
      %jit3A_512 = arith.constant 1 : i32
      %div3A_513 = arith.divsi %add3A_442, %jit3A_512 : i32
      %sign3A_514 = arith.constant 0 : i32
      %sign3A_515 = arith.cmpi sgt, %add3A_442, %sign3A_514 : i32
      %sign3A_516 = arith.extui %sign3A_515 : i1 to i32
      %sign3A_517 = arith.constant 0 : i32
      %sign3A_518 = arith.cmpi slt, %add3A_442, %sign3A_517 : i32
      %sign3A_519 = arith.extui %sign3A_518 : i1 to i32
      %sign3A_520 = arith.subi %sign3A_516, %sign3A_519 : i32
      %sign3A_521 = arith.constant 0 : i32
      %sign3A_522 = arith.cmpi sgt, %jit3A_512, %sign3A_521 : i32
      %sign3A_523 = arith.extui %sign3A_522 : i1 to i32
      %sign3A_524 = arith.constant 0 : i32
      %sign3A_525 = arith.cmpi slt, %jit3A_512, %sign3A_524 : i32
      %sign3A_526 = arith.extui %sign3A_525 : i1 to i32
      %sign3A_527 = arith.subi %sign3A_523, %sign3A_526 : i32
      %ne3A_528 = arith.cmpi ne, %sign3A_520, %sign3A_527 : i32
      %rem3A_529 = arith.remsi %add3A_442, %jit3A_512 : i32
      %ne3A_530 = arith.constant 0 : i32
      %ne3A_531 = arith.cmpi ne, %rem3A_529, %ne3A_530 : i32
      %and3A_532 = arith.andi %ne3A_528, %ne3A_531 : i1
      %sub3A_533 = arith.constant 1 : i32
      %sub3A_534 = arith.subi %div3A_513, %sub3A_533 : i32
      %select_n3A_535 = arith.select %and3A_532, %sub3A_534, %div3A_513 : i32
      %jit3A_536 = arith.constant 1 : i32
      %eq3A_537 = arith.constant 0 : i32
      %eq3A_538 = arith.cmpi eq, %jit3A_536, %eq3A_537 : i32
      %jit3A_539 = arith.constant 1 : i32
      %select_n3A_540 = arith.select %eq3A_538, %jit3A_539, %jit3A_536 : i32
      %rem3A_541 = arith.remsi %add3A_442, %select_n3A_540 : i32
      %ne3A_542 = arith.constant 0 : i32
      %ne3A_543 = arith.cmpi ne, %rem3A_541, %ne3A_542 : i32
      %lt3A_544 = arith.constant 0 : i32
      %lt3A_545 = arith.cmpi slt, %rem3A_541, %lt3A_544 : i32
      %lt3A_546 = arith.constant 0 : i32
      %lt3A_547 = arith.cmpi slt, %select_n3A_540, %lt3A_546 : i32
      %ne3A_548 = arith.xori %lt3A_545, %lt3A_547 : i1
      %and3A_549 = arith.andi %ne3A_548, %ne3A_543 : i1
      %add3A_550 = arith.addi %rem3A_541, %select_n3A_540 : i32
      %select_n3A_551 = arith.select %and3A_549, %add3A_550, %rem3A_541 : i32
      %mul3A_552 = arith.constant 768 : i32
      %mul3A_553 = arith.muli %select_n3A_551, %mul3A_552 : i32
      %dma_start3A_554 = arith.constant 1 : i32
      %dma_start3A_555 = arith.constant 0 : i32
      %dma_start3A_556 = arith.constant 0 : i32
      %dma_start3A_557 = tpu.memref_slice %arg10[%dma_start3A_554, %dma_start3A_555, %dma_start3A_556] : memref<2x768x16xf32, #tpu.memory_space<vmem>> -> memref<1x768x16xf32, #tpu.memory_space<vmem>>
      %dma_start3A_558 = tpu.memref_squeeze %dma_start3A_557 : memref<1x768x16xf32, #tpu.memory_space<vmem>> -> memref<768x16xf32, #tpu.memory_space<vmem>>
      %dma_start3A_559 = tpu.memref_slice %arg7[%select_n3A_535, %mul3A_553] : memref<13x768xi32, #tpu.memory_space<vmem>> -> memref<1x768xi32, #tpu.memory_space<vmem>>
      %dma_start3A_560 = tpu.memref_squeeze %dma_start3A_559 : memref<1x768xi32, #tpu.memory_space<vmem>> -> memref<768xi32, #tpu.memory_space<vmem>>
      %dma_start3A_561 = arith.constant 0 : i32
      %dma_start3A_562 = arith.constant 0 : i32
      %dma_start3A_563 = tpu.memref_slice %arg13[%dma_start3A_561, %dma_start3A_562] : memref<10240x16xf32, #tpu.memory_space<vmem_shared>> -> memref<10240x16xf32, #tpu.memory_space<vmem_shared>>
      tpu.enqueue_indirect_dma source(%dma_start3A_558 : memref<768x16xf32, #tpu.memory_space<vmem>>) target(%dma_start3A_563 : memref<10240x16xf32, #tpu.memory_space<vmem_shared>>) offsets(%dma_start3A_560 : memref<768xi32, #tpu.memory_space<vmem>>) semaphore(%arg18 : memref<!tpu.dma_semaphore, #tpu.memory_space<semaphore_mem>>) {add = true}
      %scan3A_564 = arith.constant 0 : i32
      scf.yield %scan3A_564 : i32
    }
    %scan3A_259 = arith.constant 6 : i32
    %dma_wait3A_260 = arith.constant 1 : i32
    %dma_wait3A_261 = arith.constant 11 : i32
    %dma_wait3A_262 = arith.constant 0 : i32
    %dma_wait3A_263 = arith.constant 0 : i32
    %dma_wait3A_264 = tpu.memref_slice %arg10[%dma_wait3A_260, %dma_wait3A_262, %dma_wait3A_263] : memref<2x768x16xf32, #tpu.memory_space<vmem>> -> memref<1x768x16xf32, #tpu.memory_space<vmem>>
    %dma_wait3A_265 = tpu.memref_squeeze %dma_wait3A_264 : memref<1x768x16xf32, #tpu.memory_space<vmem>> -> memref<768x16xf32, #tpu.memory_space<vmem>>
    %dma_wait3A_266 = arith.constant 0 : i32
    %dma_wait3A_267 = tpu.memref_slice %arg7[%dma_wait3A_261, %dma_wait3A_266] : memref<13x768xi32, #tpu.memory_space<vmem>> -> memref<1x768xi32, #tpu.memory_space<vmem>>
    %dma_wait3A_268 = tpu.memref_squeeze %dma_wait3A_267 : memref<1x768xi32, #tpu.memory_space<vmem>> -> memref<768xi32, #tpu.memory_space<vmem>>
    %dma_wait3A_269 = arith.constant 0 : i32
    %dma_wait3A_270 = arith.constant 0 : i32
    %dma_wait3A_271 = tpu.memref_slice %arg13[%dma_wait3A_269, %dma_wait3A_270] : memref<10240x16xf32, #tpu.memory_space<vmem_shared>> -> memref<10240x16xf32, #tpu.memory_space<vmem_shared>>
    tpu.wait_indirect_dma semaphore(%arg18 : memref<!tpu.dma_semaphore, #tpu.memory_space<semaphore_mem>>) src(%dma_wait3A_265 : memref<768x16xf32, #tpu.memory_space<vmem>>) dst(%dma_wait3A_271 : memref<10240x16xf32, #tpu.memory_space<vmem_shared>>)
    %and3A = arith.constant true
    %and3A_272 = arith.constant false
    %and3A_273 = arith.andi %and3A, %and3A_272 : i1
    %convert_element_type3A = arith.extui %and3A_273 : i1 to i32
    %cond3A = arith.constant 0 : i32
    %cond3A_274 = arith.cmpi ne, %convert_element_type3A, %cond3A : i32
    scf.if %cond3A_274 {
      %dma_start3A_322 = arith.constant 13 : i32
      %dma_start3A_323 = arith.constant 1 : i32
      %dma_start3A_324 = arith.constant 0 : i32
      %dma_start3A_325 = arith.constant 0 : i32
      %dma_start3A_326 = tpu.memref_slice %arg10[%dma_start3A_323, %dma_start3A_324, %dma_start3A_325] : memref<2x768x16xf32, #tpu.memory_space<vmem>> -> memref<1x768x16xf32, #tpu.memory_space<vmem>>
      %dma_start3A_327 = tpu.memref_squeeze %dma_start3A_326 : memref<1x768x16xf32, #tpu.memory_space<vmem>> -> memref<768x16xf32, #tpu.memory_space<vmem>>
      %dma_start3A_328 = arith.constant 0 : i32
      %dma_start3A_329 = tpu.memref_slice %arg6[%dma_start3A_322, %dma_start3A_328] : memref<13x768xi32, #tpu.memory_space<vmem>> -> memref<1x768xi32, #tpu.memory_space<vmem>>
      %dma_start3A_330 = tpu.memref_squeeze %dma_start3A_329 : memref<1x768xi32, #tpu.memory_space<vmem>> -> memref<768xi32, #tpu.memory_space<vmem>>
      %dma_start3A_331 = arith.constant 0 : i32
      %dma_start3A_332 = arith.constant 0 : i32
      %dma_start3A_333 = tpu.memref_slice %arg4[%dma_start3A_331, %dma_start3A_332] : memref<10000x16xf32, #tpu.memory_space<hbm>> -> memref<10000x16xf32, #tpu.memory_space<hbm>>
      tpu.enqueue_indirect_dma source(%dma_start3A_333 : memref<10000x16xf32, #tpu.memory_space<hbm>>) target(%dma_start3A_327 : memref<768x16xf32, #tpu.memory_space<vmem>>) offsets(%dma_start3A_330 : memref<768xi32, #tpu.memory_space<vmem>>) semaphore(%arg16 : memref<!tpu.dma_semaphore, #tpu.memory_space<semaphore_mem>>)
    } else {
    }
    %dma_wait3A_275 = arith.constant 12 : i32
    %dma_wait3A_276 = arith.constant 0 : i32
    %dma_wait3A_277 = arith.constant 0 : i32
    %dma_wait3A_278 = arith.constant 0 : i32
    %dma_wait3A_279 = tpu.memref_slice %arg10[%dma_wait3A_276, %dma_wait3A_277, %dma_wait3A_278] : memref<2x768x16xf32, #tpu.memory_space<vmem>> -> memref<1x768x16xf32, #tpu.memory_space<vmem>>
    %dma_wait3A_280 = tpu.memref_squeeze %dma_wait3A_279 : memref<1x768x16xf32, #tpu.memory_space<vmem>> -> memref<768x16xf32, #tpu.memory_space<vmem>>
    %dma_wait3A_281 = arith.constant 0 : i32
    %dma_wait3A_282 = tpu.memref_slice %arg6[%dma_wait3A_275, %dma_wait3A_281] : memref<13x768xi32, #tpu.memory_space<vmem>> -> memref<1x768xi32, #tpu.memory_space<vmem>>
    %dma_wait3A_283 = tpu.memref_squeeze %dma_wait3A_282 : memref<1x768xi32, #tpu.memory_space<vmem>> -> memref<768xi32, #tpu.memory_space<vmem>>
    %dma_wait3A_284 = arith.constant 0 : i32
    %dma_wait3A_285 = arith.constant 0 : i32
    %dma_wait3A_286 = tpu.memref_slice %arg4[%dma_wait3A_284, %dma_wait3A_285] : memref<10000x16xf32, #tpu.memory_space<hbm>> -> memref<10000x16xf32, #tpu.memory_space<hbm>>
    tpu.wait_indirect_dma semaphore(%arg15 : memref<!tpu.dma_semaphore, #tpu.memory_space<semaphore_mem>>) src(%dma_wait3A_286 : memref<10000x16xf32, #tpu.memory_space<hbm>>) dst(%dma_wait3A_280 : memref<768x16xf32, #tpu.memory_space<vmem>>)
    %dma_start3A_287 = arith.constant 0 : i32
    %dma_start3A_288 = arith.constant 12 : i32
    %dma_start3A_289 = arith.constant 0 : i32
    %dma_start3A_290 = arith.constant 0 : i32
    %dma_start3A_291 = tpu.memref_slice %arg10[%dma_start3A_287, %dma_start3A_289, %dma_start3A_290] : memref<2x768x16xf32, #tpu.memory_space<vmem>> -> memref<1x768x16xf32, #tpu.memory_space<vmem>>
    %dma_start3A_292 = tpu.memref_squeeze %dma_start3A_291 : memref<1x768x16xf32, #tpu.memory_space<vmem>> -> memref<768x16xf32, #tpu.memory_space<vmem>>
    %dma_start3A_293 = arith.constant 0 : i32
    %dma_start3A_294 = tpu.memref_slice %arg7[%dma_start3A_288, %dma_start3A_293] : memref<13x768xi32, #tpu.memory_space<vmem>> -> memref<1x768xi32, #tpu.memory_space<vmem>>
    %dma_start3A_295 = tpu.memref_squeeze %dma_start3A_294 : memref<1x768xi32, #tpu.memory_space<vmem>> -> memref<768xi32, #tpu.memory_space<vmem>>
    %dma_start3A_296 = arith.constant 0 : i32
    %dma_start3A_297 = arith.constant 0 : i32
    %dma_start3A_298 = tpu.memref_slice %arg13[%dma_start3A_296, %dma_start3A_297] : memref<10240x16xf32, #tpu.memory_space<vmem_shared>> -> memref<10240x16xf32, #tpu.memory_space<vmem_shared>>
    tpu.enqueue_indirect_dma source(%dma_start3A_292 : memref<768x16xf32, #tpu.memory_space<vmem>>) target(%dma_start3A_298 : memref<10240x16xf32, #tpu.memory_space<vmem_shared>>) offsets(%dma_start3A_295 : memref<768xi32, #tpu.memory_space<vmem>>) semaphore(%arg17 : memref<!tpu.dma_semaphore, #tpu.memory_space<semaphore_mem>>) {add = true}
    %dma_wait3A_299 = arith.constant 0 : i32
    %dma_wait3A_300 = arith.constant 12 : i32
    %dma_wait3A_301 = arith.constant 0 : i32
    %dma_wait3A_302 = arith.constant 0 : i32
    %dma_wait3A_303 = tpu.memref_slice %arg10[%dma_wait3A_299, %dma_wait3A_301, %dma_wait3A_302] : memref<2x768x16xf32, #tpu.memory_space<vmem>> -> memref<1x768x16xf32, #tpu.memory_space<vmem>>
    %dma_wait3A_304 = tpu.memref_squeeze %dma_wait3A_303 : memref<1x768x16xf32, #tpu.memory_space<vmem>> -> memref<768x16xf32, #tpu.memory_space<vmem>>
    %dma_wait3A_305 = arith.constant 0 : i32
    %dma_wait3A_306 = tpu.memref_slice %arg7[%dma_wait3A_300, %dma_wait3A_305] : memref<13x768xi32, #tpu.memory_space<vmem>> -> memref<1x768xi32, #tpu.memory_space<vmem>>
    %dma_wait3A_307 = tpu.memref_squeeze %dma_wait3A_306 : memref<1x768xi32, #tpu.memory_space<vmem>> -> memref<768xi32, #tpu.memory_space<vmem>>
    %dma_wait3A_308 = arith.constant 0 : i32
    %dma_wait3A_309 = arith.constant 0 : i32
    %dma_wait3A_310 = tpu.memref_slice %arg13[%dma_wait3A_308, %dma_wait3A_309] : memref<10240x16xf32, #tpu.memory_space<vmem_shared>> -> memref<10240x16xf32, #tpu.memory_space<vmem_shared>>
    tpu.wait_indirect_dma semaphore(%arg17 : memref<!tpu.dma_semaphore, #tpu.memory_space<semaphore_mem>>) src(%dma_wait3A_304 : memref<768x16xf32, #tpu.memory_space<vmem>>) dst(%dma_wait3A_310 : memref<10240x16xf32, #tpu.memory_space<vmem_shared>>)
    %dma_start3A_311 = arith.constant 0 : i32
    %dma_start3A_312 = arith.constant 0 : i32
    %dma_start3A_313 = tpu.memref_slice %arg4[%dma_start3A_311, %dma_start3A_312] : memref<10000x16xf32, #tpu.memory_space<hbm>> -> memref<10000x16xf32, #tpu.memory_space<hbm>>
    tpu.enqueue_indirect_dma source(%dma_start3A_313 : memref<10000x16xf32, #tpu.memory_space<hbm>>) target(%arg11 : memref<16x16xf32, #tpu.memory_space<vmem>>) offsets(%arg8 : memref<16xi32, #tpu.memory_space<vmem>>) semaphore(%arg14 : memref<!tpu.dma_semaphore, #tpu.memory_space<semaphore_mem>>)
    %dma_wait3A_314 = arith.constant 0 : i32
    %dma_wait3A_315 = arith.constant 0 : i32
    %dma_wait3A_316 = tpu.memref_slice %arg4[%dma_wait3A_314, %dma_wait3A_315] : memref<10000x16xf32, #tpu.memory_space<hbm>> -> memref<10000x16xf32, #tpu.memory_space<hbm>>
    tpu.wait_indirect_dma semaphore(%arg14 : memref<!tpu.dma_semaphore, #tpu.memory_space<semaphore_mem>>) src(%dma_wait3A_316 : memref<10000x16xf32, #tpu.memory_space<hbm>>) dst(%arg11 : memref<16x16xf32, #tpu.memory_space<vmem>>)
    "tpu.region"() ({
      %run_scoped3A = tpu.sem_alloc : memref<!tpu.dma_semaphore, #tpu.memory_space<semaphore_mem>>
      %dma_start3A_322 = arith.constant 0 : i32
      %dma_start3A_323 = arith.constant 0 : i32
      %dma_start3A_324 = tpu.memref_slice %arg13[%dma_start3A_322, %dma_start3A_323] : memref<10240x16xf32, #tpu.memory_space<vmem_shared>> -> memref<10240x16xf32, #tpu.memory_space<vmem_shared>>
      tpu.enqueue_indirect_dma source(%arg11 : memref<16x16xf32, #tpu.memory_space<vmem>>) target(%dma_start3A_324 : memref<10240x16xf32, #tpu.memory_space<vmem_shared>>) offsets(%arg9 : memref<16xi32, #tpu.memory_space<vmem>>) semaphore(%run_scoped3A : memref<!tpu.dma_semaphore, #tpu.memory_space<semaphore_mem>>) {add = true}
      %dma_wait3A_325 = arith.constant 0 : i32
      %dma_wait3A_326 = arith.constant 0 : i32
      %dma_wait3A_327 = tpu.memref_slice %arg13[%dma_wait3A_325, %dma_wait3A_326] : memref<10240x16xf32, #tpu.memory_space<vmem_shared>> -> memref<10240x16xf32, #tpu.memory_space<vmem_shared>>
      tpu.wait_indirect_dma semaphore(%run_scoped3A : memref<!tpu.dma_semaphore, #tpu.memory_space<semaphore_mem>>) src(%arg11 : memref<16x16xf32, #tpu.memory_space<vmem>>) dst(%dma_wait3A_327 : memref<10240x16xf32, #tpu.memory_space<vmem_shared>>)
      tpu.yield
    }) : () -> ()
    %barrier3A_317 = arith.constant 0 : index
    tpu.barrier barrier_id(%barrier3A_317)
    %mul3A_318 = arith.constant 640 : i32
    %mul3A_319 = arith.muli %arg1, %mul3A_318 : i32
    %mul3A_320 = arith.constant 640 : i32
    %mul3A_321 = arith.muli %arg1, %mul3A_320 : i32
    "tpu.region"() ({
      %run_scoped3A = tpu.sem_alloc : memref<!tpu.dma_semaphore, #tpu.memory_space<semaphore_mem>>
      %dma_start3A_322 = arith.constant 0 : i32
      %dma_start3A_323 = arith.constant 0 : i32
      %dma_start3A_324 = tpu.memref_slice %arg5[%arg0, %dma_start3A_322, %dma_start3A_323] : memref<2x10240x16xf32, #tpu.memory_space<hbm>> -> memref<1x10240x16xf32, #tpu.memory_space<hbm>>
      %dma_start3A_325 = tpu.memref_squeeze %dma_start3A_324 : memref<1x10240x16xf32, #tpu.memory_space<hbm>> -> memref<10240x16xf32, #tpu.memory_space<hbm>>
      %dma_start3A_326 = arith.constant 0 : i32
      %dma_start3A_327 = tpu.memref_slice %dma_start3A_325[%mul3A_321, %dma_start3A_326] : memref<10240x16xf32, #tpu.memory_space<hbm>> -> memref<640x16xf32, #tpu.memory_space<hbm>>
      %dma_start3A_328 = arith.constant 0 : i32
      %dma_start3A_329 = tpu.memref_slice %arg13[%mul3A_319, %dma_start3A_328] : memref<10240x16xf32, #tpu.memory_space<vmem_shared>> -> memref<640x16xf32, #tpu.memory_space<vmem_shared>>
      tpu.enqueue_dma source(%dma_start3A_329 : memref<640x16xf32, #tpu.memory_space<vmem_shared>>) target(%dma_start3A_327 : memref<640x16xf32, #tpu.memory_space<hbm>>) target_semaphore(%run_scoped3A : memref<!tpu.dma_semaphore, #tpu.memory_space<semaphore_mem>>)
      %dma_wait3A_330 = arith.constant 0 : i32
      %dma_wait3A_331 = arith.constant 0 : i32
      %dma_wait3A_332 = tpu.memref_slice %arg5[%arg0, %dma_wait3A_330, %dma_wait3A_331] : memref<2x10240x16xf32, #tpu.memory_space<hbm>> -> memref<1x10240x16xf32, #tpu.memory_space<hbm>>
      %dma_wait3A_333 = tpu.memref_squeeze %dma_wait3A_332 : memref<1x10240x16xf32, #tpu.memory_space<hbm>> -> memref<10240x16xf32, #tpu.memory_space<hbm>>
      %dma_wait3A_334 = arith.constant 0 : i32
      %dma_wait3A_335 = tpu.memref_slice %dma_wait3A_333[%mul3A_321, %dma_wait3A_334] : memref<10240x16xf32, #tpu.memory_space<hbm>> -> memref<640x16xf32, #tpu.memory_space<hbm>>
      %dma_wait3A_336 = arith.constant 0 : i32
      %dma_wait3A_337 = tpu.memref_slice %arg13[%mul3A_319, %dma_wait3A_336] : memref<10240x16xf32, #tpu.memory_space<vmem_shared>> -> memref<640x16xf32, #tpu.memory_space<vmem_shared>>
      tpu.wait_dma2 semaphore(%run_scoped3A : memref<!tpu.dma_semaphore, #tpu.memory_space<semaphore_mem>>) src(%dma_wait3A_337 : memref<640x16xf32, #tpu.memory_space<vmem_shared>>) dst(%dma_wait3A_335 : memref<640x16xf32, #tpu.memory_space<hbm>>)
      tpu.yield
    }) : () -> ()
    return
  }
}

module attributes {stable_mosaic.version = 14 : i64} {
  func.func @_h1_body(%arg0: memref<10000x128xf32, #tpu.memory_space<vmem>>, %arg1: memref<128x16xf32, #tpu.memory_space<vmem>>, %arg2: memref<10000x16xf32, #tpu.memory_space<vmem>>) attributes {dimension_semantics = [], scalar_prefetch = 0 : i64, scratch_operands = 0 : i64, tpu.core_type = #tpu.core_type<tc>} {
    %get3A = arith.constant 0 : index
    %get3A_0 = arith.constant 0 : index
    %get3A_1 = vector.load %arg0[%get3A, %get3A_0] : memref<10000x128xf32, #tpu.memory_space<vmem>>, vector<10000x128xf32>
    %get3A_2 = arith.constant 0 : index
    %get3A_3 = arith.constant 0 : index
    %get3A_4 = vector.load %arg1[%get3A_2, %get3A_3] : memref<128x16xf32, #tpu.memory_space<vmem>>, vector<128x16xf32>
    %dot_general3A = arith.constant dense<0.000000e+00> : vector<10000x16xf32>
    %dot_general3A_5 = tpu.matmul %get3A_1, %get3A_4, %dot_general3A {dimension_numbers = #tpu.dot_dimension_numbers<[1], [0], [0], [1], [0, 0, 1, 1], [], []>, transpose_lhs_hint = false} : vector<10000x128xf32>, vector<128x16xf32>, vector<10000x16xf32> -> vector<10000x16xf32>
    %swap3A = arith.constant 0 : index
    %swap3A_6 = arith.constant 0 : index
    %swap3A_7 = vector.load %arg2[%swap3A, %swap3A_6] : memref<10000x16xf32, #tpu.memory_space<vmem>>, vector<10000x16xf32>
    tpu.vector_store %arg2[%swap3A, %swap3A_6], %dot_general3A_5 {strides = array<i32>} : memref<10000x16xf32, #tpu.memory_space<vmem>>, vector<10000x16xf32>,
    return
  }
}

module attributes {stable_mosaic.version = 14 : i64} {
  func.func @_scale_body(%arg0: memref<2x10240xf32, #tpu.memory_space<vmem>>, %arg1: memref<10000x16xf32, #tpu.memory_space<vmem>>, %arg2: memref<10000x16xf32, #tpu.memory_space<vmem>>, %arg3: memref<10240x1xf32, #tpu.memory_space<vmem>>) attributes {dimension_semantics = [], scalar_prefetch = 0 : i64, scratch_operands = 0 : i64, tpu.core_type = #tpu.core_type<tc>} {
    %get3A = arith.constant 0 : index
    %get3A_0 = arith.constant 0 : index
    %get3A_1 = vector.load %arg0[%get3A, %get3A_0] : memref<2x10240xf32, #tpu.memory_space<vmem>>, vector<2x10240xf32>
    %broadcast_in_dim3A = arith.constant 1.000000e+00 : f32
    %broadcast_in_dim3A_2 = vector.broadcast %broadcast_in_dim3A : f32 to vector<2x1xf32>
    %dot_general3A = arith.constant dense<0.000000e+00> : vector<10240x1xf32>
    %dot_general3A_3 = tpu.matmul %get3A_1, %broadcast_in_dim3A_2, %dot_general3A {dimension_numbers = #tpu.dot_dimension_numbers<[0], [0], [1], [1], [0, 1, 1, 1], [], []>, transpose_lhs_hint = false} : vector<2x10240xf32>, vector<2x1xf32>, vector<10240x1xf32> -> vector<10240x1xf32>
    %add3A = arith.constant 1.000000e+00 : f32
    %add3A_4 = vector.broadcast %add3A : f32 to vector<10240x1xf32>
    %add3A_5 = arith.addf %dot_general3A_3, %add3A_4 : vector<10240x1xf32>
    %rsqrt3A = math.rsqrt %add3A_5 : vector<10240x1xf32>
    %swap3A = arith.constant 0 : index
    %swap3A_6 = arith.constant 0 : index
    %swap3A_7 = vector.load %arg3[%swap3A, %swap3A_6] : memref<10240x1xf32, #tpu.memory_space<vmem>>, vector<10240x1xf32>
    tpu.vector_store %arg3[%swap3A, %swap3A_6], %rsqrt3A {strides = array<i32>} : memref<10240x1xf32, #tpu.memory_space<vmem>>, vector<10240x1xf32>,
    %slice3A = vector.extract_strided_slice %rsqrt3A {offsets = [0, 0], sizes = [10000, 1], strides = [1, 1]} : vector<10240x1xf32> to vector<10000x1xf32>
    %get3A_8 = arith.constant 0 : index
    %get3A_9 = arith.constant 0 : index
    %get3A_10 = vector.load %arg1[%get3A_8, %get3A_9] : memref<10000x16xf32, #tpu.memory_space<vmem>>, vector<10000x16xf32>
    %mul3A = vector.broadcast %slice3A : vector<10000x1xf32> to vector<10000x16xf32>
    %mul3A_11 = arith.mulf %mul3A, %get3A_10 : vector<10000x16xf32>
    %swap3A_12 = arith.constant 0 : index
    %swap3A_13 = arith.constant 0 : index
    %swap3A_14 = vector.load %arg2[%swap3A_12, %swap3A_13] : memref<10000x16xf32, #tpu.memory_space<vmem>>, vector<10000x16xf32>
    tpu.vector_store %arg2[%swap3A_12, %swap3A_13], %mul3A_11 {strides = array<i32>} : memref<10000x16xf32, #tpu.memory_space<vmem>>, vector<10000x16xf32>,
    return
  }
}

module attributes {stable_mosaic.version = 14 : i64} {
  func.func @_mid_body(%arg0: memref<2x10240x16xf32, #tpu.memory_space<vmem>>, %arg1: memref<10000x16xf32, #tpu.memory_space<vmem>>, %arg2: memref<10000x1xf32, #tpu.memory_space<vmem>>, %arg3: memref<1x16xf32, #tpu.memory_space<vmem>>, %arg4: memref<16x64xf32, #tpu.memory_space<vmem>>, %arg5: memref<10000x64xf32, #tpu.memory_space<vmem>>) attributes {dimension_semantics = [], scalar_prefetch = 0 : i64, scratch_operands = 0 : i64, tpu.core_type = #tpu.core_type<tc>} {
    %get3A = arith.constant 0 : index
    %get3A_0 = arith.constant 0 : index
    %get3A_1 = arith.constant 0 : index
    %get3A_2 = vector.load %arg0[%get3A, %get3A_0, %get3A_1] : memref<2x10240x16xf32, #tpu.memory_space<vmem>>, vector<1x10000x16xf32>
    %get3A_3 = vector.shape_cast %get3A_2 : vector<1x10000x16xf32> to vector<10000x16xf32>
    %get3A_4 = arith.constant 1 : index
    %get3A_5 = arith.constant 0 : index
    %get3A_6 = arith.constant 0 : index
    %get3A_7 = vector.load %arg0[%get3A_4, %get3A_5, %get3A_6] : memref<2x10240x16xf32, #tpu.memory_space<vmem>>, vector<1x10000x16xf32>
    %get3A_8 = vector.shape_cast %get3A_7 : vector<1x10000x16xf32> to vector<10000x16xf32>
    %add3A = arith.addf %get3A_3, %get3A_8 : vector<10000x16xf32>
    %get3A_9 = arith.constant 0 : index
    %get3A_10 = arith.constant 0 : index
    %get3A_11 = vector.load %arg2[%get3A_9, %get3A_10] : memref<10000x1xf32, #tpu.memory_space<vmem>>, vector<10000x1xf32>
    %get3A_12 = arith.constant 0 : index
    %get3A_13 = arith.constant 0 : index
    %get3A_14 = vector.load %arg1[%get3A_12, %get3A_13] : memref<10000x16xf32, #tpu.memory_space<vmem>>, vector<10000x16xf32>
    %add3A_15 = arith.addf %add3A, %get3A_14 : vector<10000x16xf32>
    %mul3A = vector.broadcast %get3A_11 : vector<10000x1xf32> to vector<10000x16xf32>
    %mul3A_16 = arith.mulf %mul3A, %add3A_15 : vector<10000x16xf32>
    %get3A_17 = arith.constant 0 : index
    %get3A_18 = arith.constant 0 : index
    %get3A_19 = vector.load %arg3[%get3A_17, %get3A_18] : memref<1x16xf32, #tpu.memory_space<vmem>>, vector<1x16xf32>
    %add3A_20 = vector.broadcast %get3A_19 : vector<1x16xf32> to vector<10000x16xf32>
    %add3A_21 = arith.addf %mul3A_16, %add3A_20 : vector<10000x16xf32>
    %max3A = arith.constant 0.000000e+00 : f32
    %max3A_22 = vector.broadcast %max3A : f32 to vector<10000x16xf32>
    %max3A_23 = arith.maximumf %add3A_21, %max3A_22 : vector<10000x16xf32>
    %get3A_24 = arith.constant 0 : index
    %get3A_25 = arith.constant 0 : index
    %get3A_26 = vector.load %arg4[%get3A_24, %get3A_25] : memref<16x64xf32, #tpu.memory_space<vmem>>, vector<16x64xf32>
    %dot_general3A = arith.constant dense<0.000000e+00> : vector<10000x64xf32>
    %dot_general3A_27 = tpu.matmul %max3A_23, %get3A_26, %dot_general3A {dimension_numbers = #tpu.dot_dimension_numbers<[1], [0], [0], [1], [0, 0, 1, 1], [], []>, transpose_lhs_hint = false} : vector<10000x16xf32>, vector<16x64xf32>, vector<10000x64xf32> -> vector<10000x64xf32>
    %get3A_28 = arith.constant 0 : index
    %get3A_29 = arith.constant 0 : index
    %get3A_30 = vector.load %arg2[%get3A_28, %get3A_29] : memref<10000x1xf32, #tpu.memory_space<vmem>>, vector<10000x1xf32>
    %mul3A_31 = vector.broadcast %get3A_30 : vector<10000x1xf32> to vector<10000x64xf32>
    %mul3A_32 = arith.mulf %mul3A_31, %dot_general3A_27 : vector<10000x64xf32>
    %swap3A = arith.constant 0 : index
    %swap3A_33 = arith.constant 0 : index
    %swap3A_34 = vector.load %arg5[%swap3A, %swap3A_33] : memref<10000x64xf32, #tpu.memory_space<vmem>>, vector<10000x64xf32>
    tpu.vector_store %arg5[%swap3A, %swap3A_33], %mul3A_32 {strides = array<i32>} : memref<10000x64xf32, #tpu.memory_space<vmem>>, vector<10000x64xf32>,
    return
  }
}

module attributes {stable_mosaic.version = 14 : i64} {
  func.func @_fin_body(%arg0: memref<2x5120x128xf32, #tpu.memory_space<vmem>>, %arg1: memref<5000x128xf32, #tpu.memory_space<vmem>>, %arg2: memref<5000x128xf32, #tpu.memory_space<vmem>>, %arg3: memref<1x128xf32, #tpu.memory_space<vmem>>, %arg4: memref<5000x128xf32, #tpu.memory_space<vmem>>) attributes {dimension_semantics = [], scalar_prefetch = 0 : i64, scratch_operands = 0 : i64, tpu.core_type = #tpu.core_type<tc>} {
    %get3A = arith.constant 0 : index
    %get3A_0 = arith.constant 0 : index
    %get3A_1 = arith.constant 0 : index
    %get3A_2 = vector.load %arg0[%get3A, %get3A_0, %get3A_1] : memref<2x5120x128xf32, #tpu.memory_space<vmem>>, vector<1x5000x128xf32>
    %get3A_3 = vector.shape_cast %get3A_2 : vector<1x5000x128xf32> to vector<5000x128xf32>
    %get3A_4 = arith.constant 1 : index
    %get3A_5 = arith.constant 0 : index
    %get3A_6 = arith.constant 0 : index
    %get3A_7 = vector.load %arg0[%get3A_4, %get3A_5, %get3A_6] : memref<2x5120x128xf32, #tpu.memory_space<vmem>>, vector<1x5000x128xf32>
    %get3A_8 = vector.shape_cast %get3A_7 : vector<1x5000x128xf32> to vector<5000x128xf32>
    %add3A = arith.addf %get3A_3, %get3A_8 : vector<5000x128xf32>
    %get3A_9 = arith.constant 0 : index
    %get3A_10 = arith.constant 0 : index
    %get3A_11 = vector.load %arg2[%get3A_9, %get3A_10] : memref<5000x128xf32, #tpu.memory_space<vmem>>, vector<5000x128xf32>
    %get3A_12 = arith.constant 0 : index
    %get3A_13 = arith.constant 0 : index
    %get3A_14 = vector.load %arg1[%get3A_12, %get3A_13] : memref<5000x128xf32, #tpu.memory_space<vmem>>, vector<5000x128xf32>
    %add3A_15 = arith.addf %add3A, %get3A_14 : vector<5000x128xf32>
    %mul3A = arith.mulf %get3A_11, %add3A_15 : vector<5000x128xf32>
    %get3A_16 = arith.constant 0 : index
    %get3A_17 = arith.constant 0 : index
    %get3A_18 = vector.load %arg3[%get3A_16, %get3A_17] : memref<1x128xf32, #tpu.memory_space<vmem>>, vector<1x128xf32>
    %add3A_19 = vector.broadcast %get3A_18 : vector<1x128xf32> to vector<5000x128xf32>
    %add3A_20 = arith.addf %mul3A, %add3A_19 : vector<5000x128xf32>
    %swap3A = arith.constant 0 : index
    %swap3A_21 = arith.constant 0 : index
    %swap3A_22 = vector.load %arg4[%swap3A, %swap3A_21] : memref<5000x128xf32, #tpu.memory_space<vmem>>, vector<5000x128xf32>
    tpu.vector_store %arg4[%swap3A, %swap3A_21], %add3A_20 {strides = array<i32>} : memref<5000x128xf32, #tpu.memory_space<vmem>>, vector<5000x128xf32>,
    return
  }
}

</mosaic_0001>

<sc_bundles>
// kernel: kernel.12.cloned.1.call-start
scs
__scs_entry_jumppad:
0x0: {  	(pc) =	sbr.rel $0x88, $3  }
0x1: {  	(tag) =	ssettag $0x0;
	lr =	simm.s32 $0x1  }
0x2: {  	[smem:$0x3F9B] =	sst lr;
	_ =	strace $0xD0000000  }
0x3: {  	_ = 	snop  }
0x4: {  	_ = 	snop  }
0x5: {  	_ = 	snop  }
0x6: {  	_ = 	snop  }
0x7: {  	_ = 	snop  }
__scs_overlays_trampoline_lowered:
0x8: {  	[smem:$0x3FAA] =	sst s0  }
0x9: {  	[smem:$0x3FAB] =	sst s1  }
0xa: {  	[smem:$0x3FAC] =	sst s2  }
0xb: {  	[smem:$0x3FAD] =	sst s3  }
0xc: {  	[smem:$0x3FAE] =	sst s4  }
0xd: {  	[smem:$0x3FAF] =	sst s5  }
0xe: {  	[smem:$0x3FB0] =	sst s6  }
0xf: {  	[smem:$0x3FB1] =	sst s7  }
0x10: {  	[smem:$0x3FB2] =	sst s8  }
0x11: {  	[smem:$0x3FB3] =	sst s9;
	s0 =	simm.s32 @!p0 $0x0  }
0x12: {  	s1 =	sld [smem:$0x3F99];
	s0 =	simm.s32 @p0 $0x1  }
0x13: {  	[smem:$0x3FB4] =	sst s0;
	s0 =	simm.s32 @!p1 $0x0  }
0x14: {  	s2 =	sld [smem:$0x3F98];
	s0 =	simm.s32 @p1 $0x1  }
0x15: {  	[smem:$0x3FB5] =	sst s0;
	s0 =	simm.s32 @!p2 $0x0  }
0x16: {  	s3 =	sld [smem:$0x3FDB];
	s0 =	simm.s32 @p2 $0x1  }
0x17: {  	s4 =	simm.s32 $0x1BF5;
	[smem:$0x3FB7] =	sst s0  }
0x18: {  	s0 =	sld [smem:$0x3F9A];
	_ =	swait.ge [sflag:s4], $0x0  }
0x19: {  	s7 =	sld [smem:$0x3F9B]  }
0x1a: {  	s8 =	sadd.s32 $0xFFFFE003, lr  }
0x1b: {  	s9 =	sadd.s32 $0xFFFFFEF7, lr;
	s5 =	simm.s32 $0xFFFFFFFF;
	p2 =	slt.u32 s8, $0xFFFFF086  }
0x1c: {  	p1 =	slt.u32 s9, $0xF7A;
	s5 =	simm.s32 @!p2 $0x0  }
0x1d: {  	s5 =	simm.s32 @p1 $0x1;
	p0 =	seq.s32 s7, s2  }
0x1e: {  	s7 =	smul.u32 @!p0 $0xF7A, s2;
	p2 =	seq.s32 @!p0 s5, $0x0  }
0x1f: {  	s9 =	smul.u32 $0xF7A, s1;
	s8 =	simm.s32 @!p0 $0x1BF5;
	p2 =	por !p2, p0  }
0x20: {  	[sflag:s8] =	ssyncset.s32 @!p0 $0xFFFFF086;
	s6 =	sadd.s32 @!p0 s3, s7;
	s7 =	simm.s32 @!p0 $0x108  }
0x21: {  	s3 =	sadd.s32 s3, s9;
	s6 =	sadd.s32 @!p0 $0x88, s6;
	s7 =	simm.s32 @p2 $0x1082  }
0x22: {  	[simem:s7], [sflag:s8] =	dma.local @!p0 [hbm:s6], $0xF7A  }
0x23: {  	s9 =	sor.u32 $0xD0000000, s2;
	s6 =	simm.s32 $0x108;
	_ =	swait.ge @!p0 [sflag:s8], $0x0  }
0x24: {  	s3 =	sadd.s32 $0x88, s3;
	s6 =	simm.s32 @!p1 $0x1082;
	[sflag:s4] =	ssyncset.s32 $0xFFFFF086  }
0x25: {  	[simem:s6], [sflag:s4] =	dma.local [hbm:s3], $0xF7A  }
0x26: {  	[smem:$0x3F9B] =	sst s1;
	(tag) =	ssettag s2;
	_ =	strace s9  }
0x27: {  	s1 =	sld [smem:$0x3FAB]  }
0x28: {  	s2 =	sld [smem:$0x3FAC]  }
0x29: {  	s4 =	sld [smem:$0x3FAE]  }
0x2a: {  	p0 =	seq.s32 s5, $0x0;
	s5 =	sld [smem:$0x3FAF]  }
0x2b: {  	s6 =	sld [smem:$0x3FB0]  }
0x2c: {  	s7 =	sld [smem:$0x3FB1]  }
0x2d: {  	s3 =	simm.s32 $0x108;
	s8 =	sld [smem:$0x3FB2]  }
0x2e: {  	s3 =	simm.s32 @!p0 $0x1082;
	s9 =	sld [smem:$0x3FB3]  }
0x2f: {  	lr =	sadd.s32 s0, s3;
	s0 =	sld [smem:$0x3FAA]  }
0x30: {  	s3 =	sld [smem:$0x3FAD]  }
0x31: {  	[smem:$0x3FB6] =	sst s10  }
0x32: {  	s10 =	sld [smem:$0x3FB4];
	_ =	sdelay $0x3  }
0x33: {  	p0 =	seq.s32 s10, $0x1;
	s10 =	sld [smem:$0x3FB6];
	_ =	sdelay $0x3  }
0x34: {  	[smem:$0x3FB6] =	sst s10  }
0x35: {  	s10 =	sld [smem:$0x3FB5];
	_ =	sdelay $0x3  }
0x36: {  	p1 =	seq.s32 s10, $0x1;
	s10 =	sld [smem:$0x3FB6];
	_ =	sdelay $0x3  }
0x37: {  	[smem:$0x3FB6] =	sst s10  }
0x38: {  	s10 =	sld [smem:$0x3FB7]  }
0x39: {  	_ = 	snop;
	(pc) =	sbr.ind lr, $3  }
0x3a: {  	_ = 	snop  }
0x3b: {  	_ = 	snop  }
0x3c: {  	p2 =	seq.s32 s10, $0x1;
	s10 =	sld [smem:$0x3FB6]  }
0x3d: {  	_ =	shalt  }
0x3e: {  	_ =	shalt  }
0x3f: {  	_ =	shalt  }
0x40: {  	_ =	shalt  }
0x41: {  	_ =	shalt  }
0x42: {  	_ =	shalt  }
0x43: {  	_ =	shalt  }
0x44: {  	_ =	shalt  }
0x45: {  	_ =	shalt  }
0x46: {  	_ =	shalt  }
0x47: {  	_ =	shalt  }
0x48: {  	_ =	shalt  }
0x49: {  	_ =	shalt  }
0x4a: {  	_ =	shalt  }
0x4b: {  	_ =	shalt  }
0x4c: {  	_ =	shalt  }
0x4d: {  	_ =	shalt  }
0x4e: {  	_ =	shalt  }
0x4f: {  	_ =	shalt  }
0x50: {  	_ =	shalt  }
0x51: {  	_ =	shalt  }
0x52: {  	_ =	shalt  }
0x53: {  	_ =	shalt  }
0x54: {  	_ =	shalt  }
0x55: {  	_ =	shalt  }
0x56: {  	_ =	shalt  }
0x57: {  	_ =	shalt  }
0x58: {  	_ =	shalt  }
0x59: {  	_ =	shalt  }
0x5a: {  	_ =	shalt  }
0x5b: {  	_ =	shalt  }
0x5c: {  	_ =	shalt  }
0x5d: {  	_ =	shalt  }
0x5e: {  	_ =	shalt  }
0x5f: {  	_ =	shalt  }
0x60: {  	_ =	shalt  }
0x61: {  	_ =	shalt  }
0x62: {  	_ =	shalt  }
0x63: {  	_ =	shalt  }
0x64: {  	_ =	shalt  }
0x65: {  	_ =	shalt  }
0x66: {  	_ =	shalt  }
0x67: {  	_ =	shalt  }
0x68: {  	_ =	shalt  }
0x69: {  	_ =	shalt  }
0x6a: {  	_ =	shalt  }
0x6b: {  	_ =	shalt  }
0x6c: {  	_ =	shalt  }
0x6d: {  	_ =	shalt  }
0x6e: {  	_ =	shalt  }
0x6f: {  	_ =	shalt  }
0x70: {  	_ =	shalt  }
0x71: {  	_ =	shalt  }
0x72: {  	_ =	shalt  }
0x73: {  	_ =	shalt  }
0x74: {  	_ =	shalt  }
0x75: {  	_ =	shalt  }
0x76: {  	_ =	shalt  }
0x77: {  	_ =	shalt  }
0x78: {  	_ =	shalt  }
0x79: {  	_ =	shalt  }
0x7a: {  	_ =	shalt  }
0x7b: {  	_ =	shalt  }
0x7c: {  	_ =	shalt  }
0x7d: {  	_ =	shalt  }
0x7e: {  	_ =	shalt  }
0x7f: {  	_ =	shalt  }
0x80: {  	_ =	shalt  }
0x81: {  	_ =	shalt  }
0x82: {  	_ =	shalt  }
0x83: {  	_ =	shalt  }
0x84: {  	_ =	shalt  }
0x85: {  	_ =	shalt  }
0x86: {  	_ =	shalt  }
0x87: {  	_ =	shalt  }
.Lfunc_end0:
.L_simem_size_0:
called_computation.1_lowered:
.L_overlay_start_0:
0x88: {  	s2 =	sld [smem:$0x3FD9]  }
0x89: {  	s3 =	sld [smem:$0x3FFE];
	_ =	sdelay $0x1  }
0x8a: {  	s1 =	srdreg.scid  }
0x8b: {  	s0 =	sand.u32 $0x1, s1  }
0x8c: {  	s17 =	sshll.u32 s0, $0xA;
	s2 =	sadd.s32 s3, s2  }
0x8d: {  	s2 =	sadd.s32 s2, s17  }
0x8e: {  	[smem:$0x3FC2] =	sst s2  }
0x8f: {  	_ = 	snop  }
0x90: {  	s2 =	sld [smem:$0x3FD0];
	(tm) =	ssettm $0x1  }
0x91: {  	s18 =	sld [smem:$0x3FFB];
	_ =	sdelay $0x3  }
0x92: {  	_ =	strace s18  }
0x93: {  	s3 =	sld [smem:$0x3FFC];
	_ =	sdelay $0x3  }
0x94: {  	_ =	strace s3  }
0x95: {  	s3 =	sld [smem:$0x3FFD];
	_ =	sdelay $0x3  }
0x96: {  	_ =	strace s3  }
0x97: {  	_ =	strace $0x8FFFFFFF  }
0x98: {  	s19 =	sld [smem:$0x3FDB];
	_ =	sdelay $0x1  }
0x99: {  	s4 =	simm.s32 $_scs_section_size  }
0x9a: {  	s5 =	simm.s32 $_size__tile_overlayer_lowered;
	s6 =	simm.s32 $_tile_overlayer_lowered  }
0x9b: {  	s22 =	simm.s32 $0x1BFF;
	s21 =	sshll.u32 s6, $0x1;
	s3 =	sadd.s32 s4, s19  }
0x9c: {  	s7 =	simm.s32 $0x0;
	s20 =	sshll.u32 s5, $0x1;
	s5 =	sadd.s32 s21, s3  }
0x9d: {  	[timem:s7], [sflag:s22] =	dma.local [hbm:s5], s20  }
0x9e: {  	_ =	swait.ge [sflag:s22], s20  }
0x9f: {  	s4 =	ssub.s32 $0x0, s20;
	[sflag:s22] =	ssyncset.done $0x0  }
0xa0: {  	[sflag:s22] =	ssyncadd.s32 s4;
	_ =	sdelay $0x1  }
0xa1: {  	s23 =	simm.s32 $0x1B8B  }
0xa2: {  	_ =	swait.ge [sflag:s23], $0x1  }
0xa3: {  	[sflag:s23] =	ssyncset.done $0x0  }
0xa4: {  	s25 =	simm.s32 $0x1B8E;
	s24 =	sld [smem:$0x3FFE];
	[sflag:s23] =	ssyncadd.s32 $0xFFFFFFFF  }
0xa5: {  	s26 =	simm.s32 $execute0_lowered;
	[smem:$0x3FD2] =	sst s25  }
0xa6: {  	s5 =	sshll.u32 s26, $0x1;
	_ =	strace $0x80000049;
	[dreg:$0x1] =	wrdreg $0xFFFFFFFF  }
0xa7: {  	s28 =	simm.s32 $_size_execute0_lowered;
	s3 =	sadd.s32 s3, s5;
	[dreg:$0x0] =	wrdreg $0x0  }
0xa8: {  	s5 =	sshll.u32 s28, $0x1;
	[dreg:$0x2] =	wrdreg s3  }
0xa9: {  	[dreg:$0x3] =	wrdreg s5  }
0xaa: {  	[dreg:$0x4] =	wrdreg $0xC0  }
0xab: {  	_ =	task [dreg:s7], $0x5FFFF  }
0xac: {  	[dreg:$0x1] =	wrdreg $0xFFFFFFFF  }
0xad: {  	[dreg:$0x0] =	wrdreg $0x60  }
0xae: {  	[dreg:$0x2] =	wrdreg s24  }
0xaf: {  	[dreg:$0x3] =	wrdreg s2  }
0xb0: {  	[dreg:$0x4] =	wrdreg $0xB3200  }
0xb1: {  	[dreg:$0x5] =	wrdreg $0x9  }
0xb2: {  	_ =	task.clear_ibuf [dreg:s7], $0x6FFFF;
	_ =	strace $0x90000049  }
0xb3: {  	s29 =	simm.s32 $0x9;
	_ =	strace $0x8000004B  }
0xb4: {  	_ =	swait.ge [sflag:s29], $0x1  }
0xb5: {  	[sflag:s29] =	ssyncadd.s32 $0xFFFFFFFF  }
0xb6: {  	_ =	strace $0x9000004B  }
0xb7: {  	_ =	sfence  }
0xb8: {  	s30 =	sld [smem:$0x0];
	_ =	sdelay $0x2  }
0xb9: {  	s31 =	sshll.u32 s1, $0xD;
	s1 =	sshrl.u32 s1, $0x2  }
0xba: {  	s3 =	sand.u32 $0x4000, s31;
	s1 =	sadd.s32 s1, s30  }
0xbb: {  	s0 =	sor.u32 s3, s0;
	s1 =	sshll.u32 s1, $0x11  }
0xbc: {  	s0 =	sor.u32 s1, s0  }
0xbd: {  	s0 =	sadd.s32 $0x8F2B, s0  }
0xbe: {  	[sflag:s0] =	ssyncadd.remote.s32 $0x1  }
0xbf: {  	_ =	sfence.sel $0xFFFF  }
0xc0: {  	[dreg:$0x0] =	wrdreg $0xFFFFFFFF;
	(pc) =	sbr.abs _section_cstart, $3  }
0xc1: {  	[dreg:$0x1] =	wrdreg $0xFFFFFFFF  }
0xc2: {  	_ =	task.clear_ibuf [dreg:s7], $0x2FFFF;
	_ =	strace $0x9FFFFFFF  }
0xc3: {  	(tm) =	ssettm $0x7FFFFFFF  }
tec
execute0_lowered:
.L_overlay_start_1:
0x0: {  	(tag) =	ssettag $0x1  }
0x1: {  	s1 =	rddreg [dreg:$0x0]  }
0x2: {  	s0 =	srdreg.scid;
	s5 =	rddreg [dreg:$0x1]  }
0x3: {  	s11 =	stileid.u32;
	s2 =	rddreg [dreg:$0x2]  }
0x4: {  	s28 =	simm.s32 $0x4E20;
	s29 =	simm.s32 $0x7E20;
	s30 =	simm.s32 $0x2  }
0x5: {  	s31 =	simm.s32 $0x4;
	s0 =	sand.u32 $0x1, s0;
	s10 =	smul.u32 $0xA000, s11  }
0x6: {  	s20 =	smul.u32 $0x2800, s11;
	s3 =	sshll.u32 s0, $0x4;
	s7 =	ssub.s32 $0x2, s0  }
0x7: {  	s0 =	smul.u32 $0x5000, s0;
	s4 =	sor.u32 s11, s3;
	s3 =	simm.s32 $0x0  }
0x8: {  	s9 =	sshrl.u32 s7, $0x1;
	s21 =	sshrl.u32 s10, $0x2;
	s26 =	sshrl.u32 s20, $0x3  }
0x9: {  	s6 =	smul.u32 $0x2700, s4;
	[smem:$0x7FF] =	sst s3;
	s4 =	sshll.u32 s4, $0x1  }
0xa: {  	s23 =	sadd.s32 s21, s2;
	s0 =	sadd.s32 s5, s0;
	s21 =	simm.s32 $0x2700  }
0xb: {  	s5 =	simm.s32 $0x10;
	_ =	strace $0x8000004A;
	s8 =	sadd.s32 s4, s1  }
0xc: {  	s4 =	sadd.s32 $0x15800, s1;
	s24 =	sadd.s32 $0x400, s23;
	s25 =	sadd.s32 $0x800, s23  }
0xd: {  	s12 =	sadd.s32 $0xC00, s23;
	s13 =	sadd.s32 $0x1000, s23;
	s14 =	sadd.s32 $0x1400, s23  }
0xe: {  	s15 =	sadd.s32 $0x1800, s23;
	s16 =	sadd.s32 $0x1C00, s23;
	s17 =	sadd.s32 $0x2000, s23  }
0xf: {  	s6 =	sshrl.u32 s6, $0x3;
	s19 =	sadd.s32 $0x15600, s8;
	[dreg:$0x8] =	wrdreg s24  }
0x10: {  	s22 =	sadd.s32 $0x15640, s8;
	[dreg:$0x9] =	wrdreg s25;
	s24 =	sadd.s32 s26, s0  }
0x11: {  	s25 =	simm.s32 $0xAF20;
	s26 =	simm.s32 $0x300;
	s0 =	simm.s32 $0x3  }
0x12: {  	s8 =	simm.s32 $0x0;
	s6 =	sadd.s32 s6, s1;
	[dreg:$0x5] =	wrdreg s19  }
0x13: {  	s1 =	ssub.s32 s7, s9;
	[dreg:$0x7] =	wrdreg s22;
	s9 =	sadd.s32 s20, s2  }
0x14: {  	s20 =	simm.s32 $0x4E00;
	s22 =	simm.s32 $0x4E10;
	s18 =	sadd.s32 $0x1E00, s6  }
0x15: {  	s7 =	simm.s32 $0x6;
	s6 =	sadd.s32 $0xBA00, s6;
	[dreg:$0x4] =	wrdreg s18  }
0x16: {  	s19 =	smax.u32 s1, $0x1;
	s1 =	simm.s32 $0x5;
	[dreg:$0x6] =	wrdreg s6  }
0x17: {  	v0 =	vimm.f32 $0.0e+00;
	s18 =	sadd.s32 $0x2400, s23;
	s23 =	simm.s32 $0x1;
	s6 =	simm.s32 $0xAE20  }
.LBB2_1:
0x18: {  	s10 =	rddreg [dreg:$0x4]  }
0x19: {  	[tilespmem:s3], [sflag:$0x1] =	stream.linear.gather [hbm4b:s10+s3], $0x2700, $0x38;
	[tilespmem:$0xDB20] =	vst v63  }
0x1a: {  	s11 =	rddreg [dreg:$0x5]  }
0x1b: {  	[tilespmem:s20], [sflag:$0x1] =	stream.linear.gather [hbm4b:s11+s3], $0x10, $0x38;
	[tilespmem:$0xDB20] =	vst v63  }
0x1c: {  	s11 =	rddreg [dreg:$0x6]  }
0x1d: {  	[tilespmem:s21], [sflag:$0x1] =	stream.linear.gather [hbm4b:s11+s3], $0x2700, $0x38;
	[tilespmem:$0xDB20] =	vst v63  }
0x1e: {  	s11 =	rddreg [dreg:$0x7]  }
0x1f: {  	[tilespmem:s22], [sflag:$0x1] =	stream.linear.gather [hbm4b:s11+s3], $0x10, $0x38;
	[tilespmem:$0xDB20] =	vst v63  }
0x20: {  	s10 =	simm.s32 $0x40;
	s11 =	simm.s32 $0x0  }
.LBB2_2:
0x21: {  	p0 =	sne.s32 s10, $0xFC0;
	[tilespmem:s11+$0xAF20] =	vst v0;
	s11 =	smov.u32 s10;
	s10 =	sadd.s32 $0x40, s10  }
.Ltmp0:
0x22: {  	(pc) =	sbr.rel @p0 .LBB2_2-.Ltmp0, $2  }
0x23: {  	_ =	sdelay $0x2  }
0x24: {  	s11 =	sshra.s32 s11, $0x2  }
0x25: {  	[tilespmem:s11+$0xAF20] =	vst v0  }
0x26: {  	_ =	swait.ge [sflag:s23], $0x2700  }
0x27: {  	[sflag:s23] =	ssyncset.done $0x0  }
0x28: {  	[sflag:s23] =	ssyncadd.s32 $0xFFFFD900  }
0x29: {  	_ =	swait.ge [sflag:s23], $0x10  }
0x2a: {  	[sflag:s23] =	ssyncset.done $0x0  }
0x2b: {  	[sflag:s23] =	ssyncadd.s32 $0xFFFFFFF0  }
0x2c: {  	_ =	swait.ge [sflag:s23], $0x2700  }
0x2d: {  	[sflag:s23] =	ssyncset.done $0x0  }
0x2e: {  	[sflag:s23] =	ssyncadd.s32 $0xFFFFD900  }
0x2f: {  	_ =	swait.ge [sflag:s23], $0x10  }
0x30: {  	[sflag:s23] =	ssyncset.done $0x0  }
0x31: {  	[sflag:s23] =	ssyncadd.s32 $0xFFFFFFF0  }
0x32: {  	[spmem:s9] =	stream.linear.scatter [tilespmem:s25], [sflag:$0x1], $0x400, $0x38;
	[tilespmem:$0xDB20] =	vst v63  }
0x33: {  	s10 =	rddreg [dreg:$0x8]  }
0x34: {  	[spmem:s10] =	stream.linear.scatter [tilespmem:s25], [sflag:$0x1], $0x400, $0x38;
	[tilespmem:$0xDB20] =	vst v63  }
0x35: {  	s11 =	rddreg [dreg:$0x9]  }
0x36: {  	[spmem:s11] =	stream.linear.scatter [tilespmem:s25], [sflag:$0x1], $0x400, $0x38;
	[tilespmem:$0xDB20] =	vst v63  }
0x37: {  	_ = 	snop  }
0x38: {  	[spmem:s12] =	stream.linear.scatter [tilespmem:s25], [sflag:$0x1], $0x400, $0x38;
	[tilespmem:$0xDB20] =	vst v63  }
0x39: {  	_ = 	snop  }
0x3a: {  	[spmem:s13] =	stream.linear.scatter [tilespmem:s25], [sflag:$0x1], $0x400, $0x38;
	[tilespmem:$0xDB20] =	vst v63  }
0x3b: {  	_ = 	snop  }
0x3c: {  	[spmem:s14] =	stream.linear.scatter [tilespmem:s25], [sflag:$0x1], $0x400, $0x38;
	[tilespmem:$0xDB20] =	vst v63  }
0x3d: {  	_ = 	snop  }
0x3e: {  	[spmem:s15] =	stream.linear.scatter [tilespmem:s25], [sflag:$0x1], $0x400, $0x38;
	[tilespmem:$0xDB20] =	vst v63  }
0x3f: {  	_ = 	snop  }
0x40: {  	[spmem:s16] =	stream.linear.scatter [tilespmem:s25], [sflag:$0x1], $0x400, $0x38;
	[tilespmem:$0xDB20] =	vst v63  }
0x41: {  	_ = 	snop  }
0x42: {  	[spmem:s17] =	stream.linear.scatter [tilespmem:s25], [sflag:$0x1], $0x400, $0x38;
	[tilespmem:$0xDB20] =	vst v63  }
0x43: {  	_ = 	snop  }
0x44: {  	[spmem:s18] =	stream.linear.scatter [tilespmem:s25], [sflag:$0x1], $0x400, $0x38;
	[tilespmem:$0xDB20] =	vst v63  }
0x45: {  	_ =	swait.ge [sflag:s23], $0x400  }
0x46: {  	[sflag:s23] =	ssyncset.done $0x0  }
0x47: {  	[sflag:s23] =	ssyncadd.s32 $0xFFFFFC00  }
0x48: {  	_ =	swait.ge [sflag:s23], $0x400  }
0x49: {  	[sflag:s23] =	ssyncset.done $0x0  }
0x4a: {  	[sflag:s23] =	ssyncadd.s32 $0xFFFFFC00  }
0x4b: {  	_ =	swait.ge [sflag:s23], $0x400  }
0x4c: {  	[sflag:s23] =	ssyncset.done $0x0  }
0x4d: {  	[sflag:s23] =	ssyncadd.s32 $0xFFFFFC00  }
0x4e: {  	_ =	swait.ge [sflag:s23], $0x400  }
0x4f: {  	[sflag:s23] =	ssyncset.done $0x0  }
0x50: {  	[sflag:s23] =	ssyncadd.s32 $0xFFFFFC00  }
0x51: {  	_ =	swait.ge [sflag:s23], $0x400  }
0x52: {  	[sflag:s23] =	ssyncset.done $0x0  }
0x53: {  	[sflag:s23] =	ssyncadd.s32 $0xFFFFFC00  }
0x54: {  	_ =	swait.ge [sflag:s23], $0x400  }
0x55: {  	[sflag:s23] =	ssyncset.done $0x0  }
0x56: {  	[sflag:s23] =	ssyncadd.s32 $0xFFFFFC00  }
0x57: {  	_ =	swait.ge [sflag:s23], $0x400  }
0x58: {  	[sflag:s23] =	ssyncset.done $0x0  }
0x59: {  	[sflag:s23] =	ssyncadd.s32 $0xFFFFFC00  }
0x5a: {  	_ =	swait.ge [sflag:s23], $0x400  }
0x5b: {  	[sflag:s23] =	ssyncset.done $0x0  }
0x5c: {  	[sflag:s23] =	ssyncadd.s32 $0xFFFFFC00  }
0x5d: {  	_ =	swait.ge [sflag:s23], $0x400  }
0x5e: {  	[sflag:s23] =	ssyncset.done $0x0  }
0x5f: {  	[sflag:s23] =	ssyncadd.s32 $0xFFFFFC00  }
0x60: {  	_ =	swait.ge [sflag:s23], $0x400  }
0x61: {  	[sflag:s23] =	ssyncset.done $0x0  }
0x62: {  	[sflag:s23] =	ssyncadd.s32 $0xFFFFFC00  }
0x63: {  	[bflag:$0x0] =	sbarrier.arrive $0xFFFF  }
0x64: {  	[tilespmem:s28], [sflag:$0x2] =	stream.indirect.gather [hbm4b:s4+s26], $0x10, s3, s26, $0xb8;
	[tilespmem:$0xDB20] =	vst v63  }
0x65: {  	_ = 	snop  }
0x66: {  	[tilespmem:s29], [sflag:$0x3] =	stream.indirect.gather [hbm4b:s4+s26], $0x10, s26, s26, $0xb8;
	[tilespmem:$0xDB20] =	vst v63  }
0x67: {  	_ =	swait.ge [sflag:s30], $0x3000  }
0x68: {  	[sflag:s30] =	ssyncset.done $0x0  }
0x69: {  	[sflag:s30] =	ssyncadd.s32 $0xFFFFD000  }
0x6a: {  	[spmem:s2] =	stream.indirect.scatter.add.f32 [tilespmem:s28], [sflag:$0x4], $0x10, s21, s26, $0xb8;
	[tilespmem:$0xDB20] =	vst v63  }
0x6b: {  	_ =	swait.ge [sflag:s31], $0x3000  }
0x6c: {  	[sflag:s31] =	ssyncset.done $0x0  }
0x6d: {  	s11 =	simm.s32 $0x600;
	[sflag:s31] =	ssyncadd.s32 $0xFFFFD000  }
0x6e: {  	[tilespmem:s28], [sflag:$0x2] =	stream.indirect.gather [hbm4b:s4+s26], $0x10, s11, s26, $0xb8;
	[tilespmem:$0xDB20] =	vst v63  }
0x6f: {  	_ =	swait.ge [sflag:s0], $0x3000  }
0x70: {  	[sflag:s0] =	ssyncset.done $0x0  }
0x71: {  	s11 =	simm.s32 $0x2A00;
	[sflag:s0] =	ssyncadd.s32 $0xFFFFD000  }
0x72: {  	[spmem:s2] =	stream.indirect.scatter.add.f32 [tilespmem:s29], [sflag:$0x5], $0x10, s11, s26, $0xb8;
	[tilespmem:$0xDB20] =	vst v63  }
0x73: {  	_ =	swait.ge [sflag:s1], $0x3000  }
0x74: {  	[sflag:s1] =	ssyncset.done $0x0  }
0x75: {  	s11 =	simm.s32 $0x900;
	[sflag:s1] =	ssyncadd.s32 $0xFFFFD000  }
0x76: {  	[tilespmem:s29], [sflag:$0x3] =	stream.indirect.gather [hbm4b:s4+s26], $0x10, s11, s26, $0xb8;
	[tilespmem:$0xDB20] =	vst v63  }
0x77: {  	_ =	swait.ge [sflag:s30], $0x3000  }
0x78: {  	[sflag:s30] =	ssyncset.done $0x0  }
0x79: {  	s11 =	simm.s32 $0x2D00;
	[sflag:s30] =	ssyncadd.s32 $0xFFFFD000  }
0x7a: {  	[spmem:s2] =	stream.indirect.scatter.add.f32 [tilespmem:s28], [sflag:$0x4], $0x10, s11, s26, $0xb8;
	[tilespmem:$0xDB20] =	vst v63  }
0x7b: {  	_ =	swait.ge [sflag:s31], $0x3000  }
0x7c: {  	[sflag:s31] =	ssyncset.done $0x0  }
0x7d: {  	s11 =	simm.s32 $0xC00;
	[sflag:s31] =	ssyncadd.s32 $0xFFFFD000  }
0x7e: {  	[tilespmem:s28], [sflag:$0x2] =	stream.indirect.gather [hbm4b:s4+s26], $0x10, s11, s26, $0xb8;
	[tilespmem:$0xDB20] =	vst v63  }
0x7f: {  	_ =	swait.ge [sflag:s0], $0x3000  }
0x80: {  	[sflag:s0] =	ssyncset.done $0x0  }
0x81: {  	s11 =	simm.s32 $0x3000;
	[sflag:s0] =	ssyncadd.s32 $0xFFFFD000  }
0x82: {  	[spmem:s2] =	stream.indirect.scatter.add.f32 [tilespmem:s29], [sflag:$0x5], $0x10, s11, s26, $0xb8;
	[tilespmem:$0xDB20] =	vst v63  }
0x83: {  	_ =	swait.ge [sflag:s1], $0x3000  }
0x84: {  	[sflag:s1] =	ssyncset.done $0x0  }
0x85: {  	s11 =	simm.s32 $0xF00;
	[sflag:s1] =	ssyncadd.s32 $0xFFFFD000  }
0x86: {  	[tilespmem:s29], [sflag:$0x3] =	stream.indirect.gather [hbm4b:s4+s26], $0x10, s11, s26, $0xb8;
	[tilespmem:$0xDB20] =	vst v63  }
0x87: {  	_ =	swait.ge [sflag:s30], $0x3000  }
0x88: {  	[sflag:s30] =	ssyncset.done $0x0  }
0x89: {  	s11 =	simm.s32 $0x3300;
	[sflag:s30] =	ssyncadd.s32 $0xFFFFD000  }
0x8a: {  	[spmem:s2] =	stream.indirect.scatter.add.f32 [tilespmem:s28], [sflag:$0x4], $0x10, s11, s26, $0xb8;
	[tilespmem:$0xDB20] =	vst v63  }
0x8b: {  	_ =	swait.ge [sflag:s31], $0x3000  }
0x8c: {  	[sflag:s31] =	ssyncset.done $0x0  }
0x8d: {  	s11 =	simm.s32 $0x1200;
	[sflag:s31] =	ssyncadd.s32 $0xFFFFD000  }
0x8e: {  	[tilespmem:s28], [sflag:$0x2] =	stream.indirect.gather [hbm4b:s4+s26], $0x10, s11, s26, $0xb8;
	[tilespmem:$0xDB20] =	vst v63  }
0x8f: {  	_ =	swait.ge [sflag:s0], $0x3000  }
0x90: {  	[sflag:s0] =	ssyncset.done $0x0  }
0x91: {  	s11 =	simm.s32 $0x3600;
	[sflag:s0] =	ssyncadd.s32 $0xFFFFD000  }
0x92: {  	[spmem:s2] =	stream.indirect.scatter.add.f32 [tilespmem:s29], [sflag:$0x5], $0x10, s11, s26, $0xb8;
	[tilespmem:$0xDB20] =	vst v63  }
0x93: {  	_ =	swait.ge [sflag:s1], $0x3000  }
0x94: {  	[sflag:s1] =	ssyncset.done $0x0  }
0x95: {  	s11 =	simm.s32 $0x1500;
	[sflag:s1] =	ssyncadd.s32 $0xFFFFD000  }
0x96: {  	[tilespmem:s29], [sflag:$0x3] =	stream.indirect.gather [hbm4b:s4+s26], $0x10, s11, s26, $0xb8;
	[tilespmem:$0xDB20] =	vst v63  }
0x97: {  	_ =	swait.ge [sflag:s30], $0x3000  }
0x98: {  	[sflag:s30] =	ssyncset.done $0x0  }
0x99: {  	s11 =	simm.s32 $0x3900;
	[sflag:s30] =	ssyncadd.s32 $0xFFFFD000  }
0x9a: {  	[spmem:s2] =	stream.indirect.scatter.add.f32 [tilespmem:s28], [sflag:$0x4], $0x10, s11, s26, $0xb8;
	[tilespmem:$0xDB20] =	vst v63  }
0x9b: {  	_ =	swait.ge [sflag:s31], $0x3000  }
0x9c: {  	[sflag:s31] =	ssyncset.done $0x0  }
0x9d: {  	s11 =	simm.s32 $0x1800;
	[sflag:s31] =	ssyncadd.s32 $0xFFFFD000  }
0x9e: {  	[tilespmem:s28], [sflag:$0x2] =	stream.indirect.gather [hbm4b:s4+s26], $0x10, s11, s26, $0xb8;
	[tilespmem:$0xDB20] =	vst v63  }
0x9f: {  	_ =	swait.ge [sflag:s0], $0x3000  }
0xa0: {  	[sflag:s0] =	ssyncset.done $0x0  }
0xa1: {  	s11 =	simm.s32 $0x3C00;
	[sflag:s0] =	ssyncadd.s32 $0xFFFFD000  }
0xa2: {  	[spmem:s2] =	stream.indirect.scatter.add.f32 [tilespmem:s29], [sflag:$0x5], $0x10, s11, s26, $0xb8;
	[tilespmem:$0xDB20] =	vst v63  }
0xa3: {  	_ =	swait.ge [sflag:s1], $0x3000  }
0xa4: {  	[sflag:s1] =	ssyncset.done $0x0  }
0xa5: {  	s11 =	simm.s32 $0x1B00;
	[sflag:s1] =	ssyncadd.s32 $0xFFFFD000  }
0xa6: {  	[tilespmem:s29], [sflag:$0x3] =	stream.indirect.gather [hbm4b:s4+s26], $0x10, s11, s26, $0xb8;
	[tilespmem:$0xDB20] =	vst v63  }
0xa7: {  	_ =	swait.ge [sflag:s30], $0x3000  }
0xa8: {  	[sflag:s30] =	ssyncset.done $0x0  }
0xa9: {  	s11 =	simm.s32 $0x3F00;
	[sflag:s30] =	ssyncadd.s32 $0xFFFFD000  }
0xaa: {  	[spmem:s2] =	stream.indirect.scatter.add.f32 [tilespmem:s28], [sflag:$0x4], $0x10, s11, s26, $0xb8;
	[tilespmem:$0xDB20] =	vst v63  }
0xab: {  	_ =	swait.ge [sflag:s31], $0x3000  }
0xac: {  	[sflag:s31] =	ssyncset.done $0x0  }
0xad: {  	s11 =	simm.s32 $0x1E00;
	[sflag:s31] =	ssyncadd.s32 $0xFFFFD000  }
0xae: {  	[tilespmem:s28], [sflag:$0x2] =	stream.indirect.gather [hbm4b:s4+s26], $0x10, s11, s26, $0xb8;
	[tilespmem:$0xDB20] =	vst v63  }
0xaf: {  	_ =	swait.ge [sflag:s0], $0x3000  }
0xb0: {  	[sflag:s0] =	ssyncset.done $0x0  }
0xb1: {  	s11 =	simm.s32 $0x4200;
	[sflag:s0] =	ssyncadd.s32 $0xFFFFD000  }
0xb2: {  	[spmem:s2] =	stream.indirect.scatter.add.f32 [tilespmem:s29], [sflag:$0x5], $0x10, s11, s26, $0xb8;
	[tilespmem:$0xDB20] =	vst v63  }
0xb3: {  	_ =	swait.ge [sflag:s1], $0x3000  }
0xb4: {  	[sflag:s1] =	ssyncset.done $0x0  }
0xb5: {  	s11 =	simm.s32 $0x2100;
	[sflag:s1] =	ssyncadd.s32 $0xFFFFD000  }
0xb6: {  	[tilespmem:s29], [sflag:$0x3] =	stream.indirect.gather [hbm4b:s4+s26], $0x10, s11, s26, $0xb8;
	[tilespmem:$0xDB20] =	vst v63  }
0xb7: {  	_ =	swait.ge [sflag:s30], $0x3000  }
0xb8: {  	[sflag:s30] =	ssyncset.done $0x0  }
0xb9: {  	s11 =	simm.s32 $0x4500;
	[sflag:s30] =	ssyncadd.s32 $0xFFFFD000  }
0xba: {  	[spmem:s2] =	stream.indirect.scatter.add.f32 [tilespmem:s28], [sflag:$0x4], $0x10, s11, s26, $0xb8;
	[tilespmem:$0xDB20] =	vst v63  }
0xbb: {  	_ =	swait.ge [sflag:s31], $0x3000  }
0xbc: {  	[sflag:s31] =	ssyncset.done $0x0  }
0xbd: {  	s11 =	simm.s32 $0x2400;
	[sflag:s31] =	ssyncadd.s32 $0xFFFFD000  }
0xbe: {  	[tilespmem:s28], [sflag:$0x2] =	stream.indirect.gather [hbm4b:s4+s26], $0x10, s11, s26, $0xb8;
	[tilespmem:$0xDB20] =	vst v63  }
0xbf: {  	_ =	swait.ge [sflag:s0], $0x3000  }
0xc0: {  	[sflag:s0] =	ssyncset.done $0x0  }
0xc1: {  	s11 =	simm.s32 $0x4800;
	[sflag:s0] =	ssyncadd.s32 $0xFFFFD000  }
0xc2: {  	[spmem:s2] =	stream.indirect.scatter.add.f32 [tilespmem:s29], [sflag:$0x5], $0x10, s11, s26, $0xb8;
	[tilespmem:$0xDB20] =	vst v63  }
0xc3: {  	_ =	swait.ge [sflag:s1], $0x3000  }
0xc4: {  	[sflag:s1] =	ssyncset.done $0x0  }
0xc5: {  	[sflag:s1] =	ssyncadd.s32 $0xFFFFD000  }
0xc6: {  	_ =	swait.ge [sflag:s30], $0x3000  }
0xc7: {  	[sflag:s30] =	ssyncset.done $0x0  }
0xc8: {  	s11 =	simm.s32 $0x4B00;
	[sflag:s30] =	ssyncadd.s32 $0xFFFFD000  }
0xc9: {  	[spmem:s2] =	stream.indirect.scatter.add.f32 [tilespmem:s28], [sflag:$0x4], $0x10, s11, s26, $0xb8;
	[tilespmem:$0xDB20] =	vst v63  }
0xca: {  	_ =	swait.ge [sflag:s31], $0x3000  }
0xcb: {  	[sflag:s31] =	ssyncset.done $0x0  }
0xcc: {  	[sflag:s31] =	ssyncadd.s32 $0xFFFFD000  }
0xcd: {  	[tilespmem:s6], [sflag:$0x1] =	stream.indirect.gather [hbm4b:s4+s5], $0x10, s20, s5, $0xb8;
	[tilespmem:$0xDB20] =	vst v63  }
0xce: {  	_ =	swait.ge [sflag:s23], $0x100  }
0xcf: {  	[sflag:s23] =	ssyncset.done $0x0  }
0xd0: {  	[sflag:s23] =	ssyncadd.s32 $0xFFFFFF00  }
0xd1: {  	[spmem:s2] =	stream.indirect.scatter.add.f32 [tilespmem:s6], [sflag:$0x6], $0x10, s22, s5, $0xb8;
	[tilespmem:$0xDB20] =	vst v63  }
0xd2: {  	s8 =	sadd.s32 $0x1, s8;
	_ =	swait.ge [sflag:s7], $0x100  }
0xd3: {  	p0 =	sne.s32 s8, s19;
	s11 =	stileid.u32;
	[sflag:s7] =	ssyncset.done $0x0  }
0xd4: {  	s10 =	sshll.u32 s11, $0x6;
	s11 =	sshrl.u32 s9, $0x3;
	[sflag:s7] =	ssyncadd.s32 $0xFFFFFF00  }
.Ltmp1:
0xd5: {  	s10 =	sor.u32 $0x1C06, s10;
	[bflag:$0x0] =	sbarrier.arrive $0xFFFF;
	(pc) =	sbr.rel @p0 .LBB2_1-.Ltmp1, $4  }
0xd6: {  	[hbm:s24], [sflag:s10] =	dma.local [spmem:s11], $0x500  }
0xd7: {  	_ =	swait.ge [sflag:s7], $0x500  }
0xd8: {  	[sflag:s7] =	ssyncset.done $0x0  }
0xd9: {  	[sflag:s7] =	ssyncadd.s32 $0xFFFFFB00  }
0xda: {  	_ =	sfence.sel $0x180000  }
0xdb: {  	[bflag:$0x0] =	sbarrier.arrive $0xFFFF  }
0xdc: {  	_ =	strace $0x9000004A  }
0xdd: {  	s0 =	stileid.u32;
	[bflag:$0x2] =	sbarrier.arrive $0xFFFF  }
0xde: {  	p0 =	sne.s32 s0, $0x0;
	s0 =	rddreg [dreg:$0x3]  }
0xdf: {  	s0 =	sadd.s32 @!p0 $0x100000, s0  }
0xe0: {  	[sflag:s0] =	ssyncadd.tile.s32 @!p0 $0x1;
	_ =	shalt  }
.Lfunc_end2:
_tile_overlayer_lowered:
.L_overlay_start_2:
0xe1: {  	(tag) =	ssettag $0x2  }
0xe2: {  	s0 =	rddreg [dreg:$0x0];
	s2 =	stileid.u32  }
0xe3: {  	s1 =	rddreg [dreg:$0x1];
	p0 =	sne.s32 s2, $0x0  }
0xe4: {  	s3 =	rddreg [dreg:$0x2];
	[bflag:$0x3] =	sbarrier.arrive $0xFFFF;
	s2 =	simm.s32 @!p0 $0x1C06  }
0xe5: {  	[timem:s3], [sflag:s2] =	dma.local @!p0 [hbm:s0], s1  }
0xe6: {  	s0 =	simm.s32 @!p0 $0x6  }
0xe7: {  	_ =	swait.ge @!p0 [sflag:s0], s1  }
0xe8: {  	s1 =	ssub.s32 @!p0 $0x0, s1;
	[sflag:s0] =	ssyncset.done @!p0 $0x0  }
0xe9: {  	[sflag:s0] =	ssyncadd.s32 @!p0 s1  }
0xea: {  	[bflag:$0x3] =	sbarrier.arrive $0xFFFF  }
0xeb: {  	_ =	shalt  }

// kernel: kernel.15.cloned.1.call-start
scs
__scs_entry_jumppad:
0x0: {  	(pc) =	sbr.rel $0x88, $3  }
0x1: {  	(tag) =	ssettag $0x0;
	lr =	simm.s32 $0x1  }
0x2: {  	[smem:$0x3F9B] =	sst lr;
	_ =	strace $0xD0000000  }
0x3: {  	_ = 	snop  }
0x4: {  	_ = 	snop  }
0x5: {  	_ = 	snop  }
0x6: {  	_ = 	snop  }
0x7: {  	_ = 	snop  }
__scs_overlays_trampoline_lowered:
0x8: {  	[smem:$0x3FAA] =	sst s0  }
0x9: {  	[smem:$0x3FAB] =	sst s1  }
0xa: {  	[smem:$0x3FAC] =	sst s2  }
0xb: {  	[smem:$0x3FAD] =	sst s3  }
0xc: {  	[smem:$0x3FAE] =	sst s4  }
0xd: {  	[smem:$0x3FAF] =	sst s5  }
0xe: {  	[smem:$0x3FB0] =	sst s6  }
0xf: {  	[smem:$0x3FB1] =	sst s7  }
0x10: {  	[smem:$0x3FB2] =	sst s8  }
0x11: {  	[smem:$0x3FB3] =	sst s9;
	s0 =	simm.s32 @!p0 $0x0  }
0x12: {  	s1 =	sld [smem:$0x3F99];
	s0 =	simm.s32 @p0 $0x1  }
0x13: {  	[smem:$0x3FB4] =	sst s0;
	s0 =	simm.s32 @!p1 $0x0  }
0x14: {  	s2 =	sld [smem:$0x3F98];
	s0 =	simm.s32 @p1 $0x1  }
0x15: {  	[smem:$0x3FB5] =	sst s0;
	s0 =	simm.s32 @!p2 $0x0  }
0x16: {  	s3 =	sld [smem:$0x3FDB];
	s0 =	simm.s32 @p2 $0x1  }
0x17: {  	s4 =	simm.s32 $0x1BF5;
	[smem:$0x3FB7] =	sst s0  }
0x18: {  	s0 =	sld [smem:$0x3F9A];
	_ =	swait.ge [sflag:s4], $0x0  }
0x19: {  	s7 =	sld [smem:$0x3F9B]  }
0x1a: {  	s8 =	sadd.s32 $0xFFFFE003, lr  }
0x1b: {  	s9 =	sadd.s32 $0xFFFFFEF7, lr;
	s5 =	simm.s32 $0xFFFFFFFF;
	p2 =	slt.u32 s8, $0xFFFFF086  }
0x1c: {  	p1 =	slt.u32 s9, $0xF7A;
	s5 =	simm.s32 @!p2 $0x0  }
0x1d: {  	s5 =	simm.s32 @p1 $0x1;
	p0 =	seq.s32 s7, s2  }
0x1e: {  	s7 =	smul.u32 @!p0 $0xF7A, s2;
	p2 =	seq.s32 @!p0 s5, $0x0  }
0x1f: {  	s9 =	smul.u32 $0xF7A, s1;
	s8 =	simm.s32 @!p0 $0x1BF5;
	p2 =	por !p2, p0  }
0x20: {  	[sflag:s8] =	ssyncset.s32 @!p0 $0xFFFFF086;
	s6 =	sadd.s32 @!p0 s3, s7;
	s7 =	simm.s32 @!p0 $0x108  }
0x21: {  	s3 =	sadd.s32 s3, s9;
	s6 =	sadd.s32 @!p0 $0x88, s6;
	s7 =	simm.s32 @p2 $0x1082  }
0x22: {  	[simem:s7], [sflag:s8] =	dma.local @!p0 [hbm:s6], $0xF7A  }
0x23: {  	s9 =	sor.u32 $0xD0000000, s2;
	s6 =	simm.s32 $0x108;
	_ =	swait.ge @!p0 [sflag:s8], $0x0  }
0x24: {  	s3 =	sadd.s32 $0x88, s3;
	s6 =	simm.s32 @!p1 $0x1082;
	[sflag:s4] =	ssyncset.s32 $0xFFFFF086  }
0x25: {  	[simem:s6], [sflag:s4] =	dma.local [hbm:s3], $0xF7A  }
0x26: {  	[smem:$0x3F9B] =	sst s1;
	(tag) =	ssettag s2;
	_ =	strace s9  }
0x27: {  	s1 =	sld [smem:$0x3FAB]  }
0x28: {  	s2 =	sld [smem:$0x3FAC]  }
0x29: {  	s4 =	sld [smem:$0x3FAE]  }
0x2a: {  	p0 =	seq.s32 s5, $0x0;
	s5 =	sld [smem:$0x3FAF]  }
0x2b: {  	s6 =	sld [smem:$0x3FB0]  }
0x2c: {  	s7 =	sld [smem:$0x3FB1]  }
0x2d: {  	s3 =	simm.s32 $0x108;
	s8 =	sld [smem:$0x3FB2]  }
0x2e: {  	s3 =	simm.s32 @!p0 $0x1082;
	s9 =	sld [smem:$0x3FB3]  }
0x2f: {  	lr =	sadd.s32 s0, s3;
	s0 =	sld [smem:$0x3FAA]  }
0x30: {  	s3 =	sld [smem:$0x3FAD]  }
0x31: {  	[smem:$0x3FB6] =	sst s10  }
0x32: {  	s10 =	sld [smem:$0x3FB4];
	_ =	sdelay $0x3  }
0x33: {  	p0 =	seq.s32 s10, $0x1;
	s10 =	sld [smem:$0x3FB6];
	_ =	sdelay $0x3  }
0x34: {  	[smem:$0x3FB6] =	sst s10  }
0x35: {  	s10 =	sld [smem:$0x3FB5];
	_ =	sdelay $0x3  }
0x36: {  	p1 =	seq.s32 s10, $0x1;
	s10 =	sld [smem:$0x3FB6];
	_ =	sdelay $0x3  }
0x37: {  	[smem:$0x3FB6] =	sst s10  }
0x38: {  	s10 =	sld [smem:$0x3FB7]  }
0x39: {  	_ = 	snop;
	(pc) =	sbr.ind lr, $3  }
0x3a: {  	_ = 	snop  }
0x3b: {  	_ = 	snop  }
0x3c: {  	p2 =	seq.s32 s10, $0x1;
	s10 =	sld [smem:$0x3FB6]  }
0x3d: {  	_ =	shalt  }
0x3e: {  	_ =	shalt  }
0x3f: {  	_ =	shalt  }
0x40: {  	_ =	shalt  }
0x41: {  	_ =	shalt  }
0x42: {  	_ =	shalt  }
0x43: {  	_ =	shalt  }
0x44: {  	_ =	shalt  }
0x45: {  	_ =	shalt  }
0x46: {  	_ =	shalt  }
0x47: {  	_ =	shalt  }
0x48: {  	_ =	shalt  }
0x49: {  	_ =	shalt  }
0x4a: {  	_ =	shalt  }
0x4b: {  	_ =	shalt  }
0x4c: {  	_ =	shalt  }
0x4d: {  	_ =	shalt  }
0x4e: {  	_ =	shalt  }
0x4f: {  	_ =	shalt  }
0x50: {  	_ =	shalt  }
0x51: {  	_ =	shalt  }
0x52: {  	_ =	shalt  }
0x53: {  	_ =	shalt  }
0x54: {  	_ =	shalt  }
0x55: {  	_ =	shalt  }
0x56: {  	_ =	shalt  }
0x57: {  	_ =	shalt  }
0x58: {  	_ =	shalt  }
0x59: {  	_ =	shalt  }
0x5a: {  	_ =	shalt  }
0x5b: {  	_ =	shalt  }
0x5c: {  	_ =	shalt  }
0x5d: {  	_ =	shalt  }
0x5e: {  	_ =	shalt  }
0x5f: {  	_ =	shalt  }
0x60: {  	_ =	shalt  }
0x61: {  	_ =	shalt  }
0x62: {  	_ =	shalt  }
0x63: {  	_ =	shalt  }
0x64: {  	_ =	shalt  }
0x65: {  	_ =	shalt  }
0x66: {  	_ =	shalt  }
0x67: {  	_ =	shalt  }
0x68: {  	_ =	shalt  }
0x69: {  	_ =	shalt  }
0x6a: {  	_ =	shalt  }
0x6b: {  	_ =	shalt  }
0x6c: {  	_ =	shalt  }
0x6d: {  	_ =	shalt  }
0x6e: {  	_ =	shalt  }
0x6f: {  	_ =	shalt  }
0x70: {  	_ =	shalt  }
0x71: {  	_ =	shalt  }
0x72: {  	_ =	shalt  }
0x73: {  	_ =	shalt  }
0x74: {  	_ =	shalt  }
0x75: {  	_ =	shalt  }
0x76: {  	_ =	shalt  }
0x77: {  	_ =	shalt  }
0x78: {  	_ =	shalt  }
0x79: {  	_ =	shalt  }
0x7a: {  	_ =	shalt  }
0x7b: {  	_ =	shalt  }
0x7c: {  	_ =	shalt  }
0x7d: {  	_ =	shalt  }
0x7e: {  	_ =	shalt  }
0x7f: {  	_ =	shalt  }
0x80: {  	_ =	shalt  }
0x81: {  	_ =	shalt  }
0x82: {  	_ =	shalt  }
0x83: {  	_ =	shalt  }
0x84: {  	_ =	shalt  }
0x85: {  	_ =	shalt  }
0x86: {  	_ =	shalt  }
0x87: {  	_ =	shalt  }
.Lfunc_end0:
.L_simem_size_0:
called_computation.2_lowered:
.L_overlay_start_0:
0x88: {  	s2 =	sld [smem:$0x3FD9]  }
0x89: {  	s3 =	sld [smem:$0x3FFE];
	_ =	sdelay $0x1  }
0x8a: {  	s1 =	srdreg.scid  }
0x8b: {  	s0 =	sand.u32 $0x1, s1  }
0x8c: {  	s17 =	sshll.u32 s0, $0xA;
	s2 =	sadd.s32 s3, s2  }
0x8d: {  	s2 =	sadd.s32 s2, s17  }
0x8e: {  	[smem:$0x3FC2] =	sst s2  }
0x8f: {  	_ = 	snop  }
0x90: {  	s2 =	sld [smem:$0x3FD0];
	(tm) =	ssettm $0x1  }
0x91: {  	s18 =	sld [smem:$0x3FFB];
	_ =	sdelay $0x3  }
0x92: {  	_ =	strace s18  }
0x93: {  	s3 =	sld [smem:$0x3FFC];
	_ =	sdelay $0x3  }
0x94: {  	_ =	strace s3  }
0x95: {  	s3 =	sld [smem:$0x3FFD];
	_ =	sdelay $0x3  }
0x96: {  	_ =	strace s3  }
0x97: {  	_ =	strace $0x8FFFFFFF  }
0x98: {  	s19 =	sld [smem:$0x3FDB];
	_ =	sdelay $0x1  }
0x99: {  	s4 =	simm.s32 $_scs_section_size  }
0x9a: {  	s5 =	simm.s32 $_size__tile_overlayer_lowered;
	s6 =	simm.s32 $_tile_overlayer_lowered  }
0x9b: {  	s22 =	simm.s32 $0x1BFF;
	s21 =	sshll.u32 s6, $0x1;
	s3 =	sadd.s32 s4, s19  }
0x9c: {  	s7 =	simm.s32 $0x0;
	s20 =	sshll.u32 s5, $0x1;
	s5 =	sadd.s32 s21, s3  }
0x9d: {  	[timem:s7], [sflag:s22] =	dma.local [hbm:s5], s20  }
0x9e: {  	_ =	swait.ge [sflag:s22], s20  }
0x9f: {  	s4 =	ssub.s32 $0x0, s20;
	[sflag:s22] =	ssyncset.done $0x0  }
0xa0: {  	[sflag:s22] =	ssyncadd.s32 s4;
	_ =	sdelay $0x1  }
0xa1: {  	s23 =	simm.s32 $0x1B8B  }
0xa2: {  	_ =	swait.ge [sflag:s23], $0x1  }
0xa3: {  	[sflag:s23] =	ssyncset.done $0x0  }
0xa4: {  	s25 =	simm.s32 $0x1B8E;
	s24 =	sld [smem:$0x3FFE];
	[sflag:s23] =	ssyncadd.s32 $0xFFFFFFFF  }
0xa5: {  	s26 =	simm.s32 $execute0_lowered;
	[smem:$0x3FD2] =	sst s25  }
0xa6: {  	s5 =	sshll.u32 s26, $0x1;
	_ =	strace $0x8000004C;
	[dreg:$0x1] =	wrdreg $0xFFFFFFFF  }
0xa7: {  	s28 =	simm.s32 $_size_execute0_lowered;
	s3 =	sadd.s32 s3, s5;
	[dreg:$0x0] =	wrdreg $0x0  }
0xa8: {  	s5 =	sshll.u32 s28, $0x1;
	[dreg:$0x2] =	wrdreg s3  }
0xa9: {  	[dreg:$0x3] =	wrdreg s5  }
0xaa: {  	[dreg:$0x4] =	wrdreg $0xC0  }
0xab: {  	_ =	task [dreg:s7], $0x5FFFF  }
0xac: {  	[dreg:$0x1] =	wrdreg $0xFFFFFFFF  }
0xad: {  	[dreg:$0x0] =	wrdreg $0x60  }
0xae: {  	[dreg:$0x2] =	wrdreg s24  }
0xaf: {  	[dreg:$0x3] =	wrdreg s2  }
0xb0: {  	[dreg:$0x4] =	wrdreg $0x122200  }
0xb1: {  	[dreg:$0x5] =	wrdreg $0x9  }
0xb2: {  	_ =	task.clear_ibuf [dreg:s7], $0x6FFFF;
	_ =	strace $0x9000004C  }
0xb3: {  	s29 =	simm.s32 $0x9;
	_ =	strace $0x8000004E  }
0xb4: {  	_ =	swait.ge [sflag:s29], $0x1  }
0xb5: {  	[sflag:s29] =	ssyncadd.s32 $0xFFFFFFFF  }
0xb6: {  	_ =	strace $0x9000004E  }
0xb7: {  	_ =	sfence  }
0xb8: {  	s30 =	sld [smem:$0x0];
	_ =	sdelay $0x2  }
0xb9: {  	s31 =	sshll.u32 s1, $0xD;
	s1 =	sshrl.u32 s1, $0x2  }
0xba: {  	s3 =	sand.u32 $0x4000, s31;
	s1 =	sadd.s32 s1, s30  }
0xbb: {  	s0 =	sor.u32 s3, s0;
	s1 =	sshll.u32 s1, $0x11  }
0xbc: {  	s0 =	sor.u32 s1, s0  }
0xbd: {  	s0 =	sadd.s32 $0x8F2B, s0  }
0xbe: {  	[sflag:s0] =	ssyncadd.remote.s32 $0x1  }
0xbf: {  	_ =	sfence.sel $0xFFFF  }
0xc0: {  	[dreg:$0x0] =	wrdreg $0xFFFFFFFF;
	(pc) =	sbr.abs _section_cstart, $3  }
0xc1: {  	[dreg:$0x1] =	wrdreg $0xFFFFFFFF  }
0xc2: {  	_ =	task.clear_ibuf [dreg:s7], $0x2FFFF;
	_ =	strace $0x9FFFFFFF  }
0xc3: {  	(tm) =	ssettm $0x7FFFFFFF  }
tec
execute0_lowered:
.L_overlay_start_1:
0x0: {  	(tag) =	ssettag $0x1  }
0x1: {  	s0 =	rddreg [dreg:$0x0];
	s1 =	srdreg.scid  }
0x2: {  	s3 =	rddreg [dreg:$0x2];
	s8 =	stileid.u32  }
0x3: {  	s5 =	simm.s32 $0x0;
	s29 =	simm.s32 $0x4E20;
	s28 =	simm.s32 $0x6E20  }
0x4: {  	s30 =	simm.s32 $0x8E20;
	s31 =	simm.s32 $0xCE20;
	s10 =	simm.s32 $0x2  }
0x5: {  	s11 =	simm.s32 $0x8;
	s2 =	simm.s32 $0xB;
	s7 =	smul.u32 $0x28000, s8  }
0x6: {  	s1 =	sand.u32 $0x1, s1;
	[smem:$0x7FF] =	sst s5;
	s15 =	smul.u32 $0xA000, s8  }
0x7: {  	s4 =	sshll.u32 s1, $0x4;
	s6 =	smul.u32 $0x14000, s1;
	s1 =	ssub.s32 $0x2, s1  }
0x8: {  	_ =	strace $0x8000004D;
	s4 =	sor.u32 s8, s4;
	s13 =	sshrl.u32 s1, $0x1  }
0x9: {  	s17 =	sshrl.u32 s7, $0x2;
	s7 =	sadd.s32 s15, s3;
	s26 =	sshrl.u32 s15, $0x3  }
0xa: {  	s8 =	simm.s32 $0x1;
	s12 =	smul.u32 $0x2700, s4;
	s18 =	sadd.s32 s17, s3  }
0xb: {  	s4 =	sshll.u32 s4, $0x1;
	[dreg:$0x8] =	wrdreg s7;
	s19 =	sadd.s32 $0x2000, s18  }
0xc: {  	s1 =	ssub.s32 s1, s13;
	s20 =	sadd.s32 $0x3000, s18;
	[dreg:$0xa] =	wrdreg s19  }
0xd: {  	s17 =	simm.s32 $0xEE20;
	s21 =	sadd.s32 $0x4000, s18;
	[dreg:$0xb] =	wrdreg s20  }
0xe: {  	s13 =	simm.s32 $0x9;
	s22 =	sadd.s32 $0x5000, s18;
	[dreg:$0xc] =	wrdreg s21  }
0xf: {  	s4 =	sadd.s32 s4, s0;
	s23 =	sadd.s32 $0x6000, s18;
	[dreg:$0xd] =	wrdreg s22  }
0x10: {  	s24 =	sadd.s32 $0x7000, s18;
	s25 =	sadd.s32 $0x8000, s18;
	[dreg:$0xe] =	wrdreg s23  }
0x11: {  	s1 =	smax.u32 s1, $0x1;
	s5 =	sshrl.u32 s12, $0x3;
	[dreg:$0xf] =	wrdreg s24  }
0x12: {  	s16 =	sadd.s32 $0x15600, s4;
	s4 =	sadd.s32 $0x15640, s4;
	[dreg:$0x10] =	wrdreg s25  }
0x13: {  	[dreg:$0x12] =	wrdreg s1;
	s21 =	simm.s32 $0xAE20;
	s12 =	simm.s32 $0x3  }
0x14: {  	s20 =	simm.s32 $0x4;
	s1 =	simm.s32 $0x0;
	[dreg:$0x5] =	wrdreg s16  }
0x15: {  	s5 =	sadd.s32 s5, s0;
	[dreg:$0x7] =	wrdreg s4;
	s4 =	sadd.s32 $0x9000, s18  }
0x16: {  	s0 =	sadd.s32 s6, s0;
	s14 =	sadd.s32 $0x1E00, s5;
	[dreg:$0x11] =	wrdreg s4  }
0x17: {  	s6 =	simm.s32 $0x4E10;
	s5 =	sadd.s32 $0xBA00, s5;
	[dreg:$0x4] =	wrdreg s14  }
0x18: {  	s0 =	sadd.s32 $0x15800, s0;
	[dreg:$0x6] =	wrdreg s5;
	s5 =	sadd.s32 $0x1000, s18  }
0x19: {  	s0 =	sadd.s32 s26, s0;
	s26 =	simm.s32 $0x80;
	[dreg:$0x9] =	wrdreg s5  }
0x1a: {  	v0 =	vimm.f32 $0.0e+00;
	s14 =	simm.s32 $0xA;
	s5 =	simm.s32 $0x4E00;
	[dreg:$0x13] =	wrdreg s0  }
.LBB2_1:
0x1b: {  	[dreg:$0x14] =	wrdreg s1  }
0x1c: {  	s19 =	rddreg [dreg:$0x4]  }
0x1d: {  	s0 =	simm.s32 $0x0;
	s22 =	rddreg [dreg:$0x5]  }
0x1e: {  	[tilespmem:s0], [sflag:$0x1] =	stream.linear.gather [hbm4b:s19+s0], $0x2700, $0x38;
	[tilespmem:$0x1C220] =	vst v63  }
0x1f: {  	s23 =	rddreg [dreg:$0x6];
	s4 =	simm.s32 $0x2700;
	s25 =	sand.u32 $0x3F00, s0  }
0x20: {  	[tilespmem:s5], [sflag:$0x1] =	stream.linear.gather [hbm4b:s22+s0], $0x10, $0x38;
	[tilespmem:$0x1C220] =	vst v63  }
0x21: {  	s24 =	rddreg [dreg:$0x7];
	s9 =	sand.u32 $0x30, s0;
	s15 =	sshrl.u32 s25, $0x2  }
0x22: {  	[tilespmem:s4], [sflag:$0x1] =	stream.linear.gather [hbm4b:s23+s0], $0x2700, $0x38;
	[tilespmem:$0x1C220] =	vst v63  }
0x23: {  	s15 =	sor.u32 s9, s15;
	s9 =	simm.s32 $0x0;
	s4 =	simm.s32 $0x40  }
0x24: {  	[tilespmem:s6], [sflag:$0x1] =	stream.linear.gather [hbm4b:s24+s0], $0x10, $0x38;
	[tilespmem:$0x1C220] =	vst v63  }
.LBB2_2:
0x25: {  	p0 =	sne.s32 s4, $0x3FC0  }
0x26: {  	[tilespmem:s15+$0x11220] =	vst v0;
	s9 =	sadd.s32 $0x10, s9;
	s15 =	smov.u32 s4;
	s4 =	sadd.s32 $0x40, s4  }
.Ltmp0:
0x27: {  	(pc) =	sbr.rel @p0 .LBB2_2-.Ltmp0, $4  }
0x28: {  	_ = 	snop  }
0x29: {  	s15 =	sand.u32 $0x3F00, s15  }
0x2a: {  	s16 =	sand.u32 $0x30, s9;
	s15 =	sshrl.u32 s15, $0x2  }
0x2b: {  	s15 =	sor.u32 s16, s15  }
0x2c: {  	[tilespmem:s15+$0x11220] =	vst v0  }
0x2d: {  	_ =	swait.ge [sflag:s8], $0x2700  }
0x2e: {  	[sflag:s8] =	ssyncset.done $0x0  }
0x2f: {  	[sflag:s8] =	ssyncadd.s32 $0xFFFFD900  }
0x30: {  	_ =	swait.ge [sflag:s8], $0x10  }
0x31: {  	[sflag:s8] =	ssyncset.done $0x0  }
0x32: {  	[sflag:s8] =	ssyncadd.s32 $0xFFFFFFF0  }
0x33: {  	_ =	swait.ge [sflag:s8], $0x2700  }
0x34: {  	[sflag:s8] =	ssyncset.done $0x0  }
0x35: {  	[sflag:s8] =	ssyncadd.s32 $0xFFFFD900  }
0x36: {  	_ =	swait.ge [sflag:s8], $0x10  }
0x37: {  	[sflag:s8] =	ssyncset.done $0x0  }
0x38: {  	s1 =	simm.s32 $0x11220;
	[sflag:s8] =	ssyncadd.s32 $0xFFFFFFF0  }
0x39: {  	[spmem:s7] =	stream.linear.scatter [tilespmem:s1], [sflag:$0x1], $0x1000, $0x38;
	[tilespmem:$0x1C220] =	vst v63  }
0x3a: {  	s0 =	rddreg [dreg:$0x9]  }
0x3b: {  	[spmem:s0] =	stream.linear.scatter [tilespmem:s1], [sflag:$0x1], $0x1000, $0x38;
	[tilespmem:$0x1C220] =	vst v63  }
0x3c: {  	s23 =	rddreg [dreg:$0xa]  }
0x3d: {  	[spmem:s23] =	stream.linear.scatter [tilespmem:s1], [sflag:$0x1], $0x1000, $0x38;
	[tilespmem:$0x1C220] =	vst v63  }
0x3e: {  	s24 =	rddreg [dreg:$0xb]  }
0x3f: {  	[spmem:s24] =	stream.linear.scatter [tilespmem:s1], [sflag:$0x1], $0x1000, $0x38;
	[tilespmem:$0x1C220] =	vst v63  }
0x40: {  	s25 =	rddreg [dreg:$0xc]  }
0x41: {  	[spmem:s25] =	stream.linear.scatter [tilespmem:s1], [sflag:$0x1], $0x1000, $0x38;
	[tilespmem:$0x1C220] =	vst v63  }
0x42: {  	s4 =	rddreg [dreg:$0xd]  }
0x43: {  	[spmem:s4] =	stream.linear.scatter [tilespmem:s1], [sflag:$0x1], $0x1000, $0x38;
	[tilespmem:$0x1C220] =	vst v63  }
0x44: {  	s5 =	rddreg [dreg:$0xe]  }
0x45: {  	[spmem:s5] =	stream.linear.scatter [tilespmem:s1], [sflag:$0x1], $0x1000, $0x38;
	[tilespmem:$0x1C220] =	vst v63  }
0x46: {  	s6 =	rddreg [dreg:$0xf]  }
0x47: {  	[spmem:s6] =	stream.linear.scatter [tilespmem:s1], [sflag:$0x1], $0x1000, $0x38;
	[tilespmem:$0x1C220] =	vst v63  }
0x48: {  	s7 =	rddreg [dreg:$0x10]  }
0x49: {  	[spmem:s7] =	stream.linear.scatter [tilespmem:s1], [sflag:$0x1], $0x1000, $0x38;
	[tilespmem:$0x1C220] =	vst v63  }
0x4a: {  	s9 =	rddreg [dreg:$0x11]  }
0x4b: {  	[spmem:s9] =	stream.linear.scatter [tilespmem:s1], [sflag:$0x1], $0x1000, $0x38;
	[tilespmem:$0x1C220] =	vst v63  }
0x4c: {  	_ =	swait.ge [sflag:s8], $0x1000  }
0x4d: {  	[sflag:s8] =	ssyncset.done $0x0  }
0x4e: {  	[sflag:s8] =	ssyncadd.s32 $0xFFFFF000  }
0x4f: {  	_ =	swait.ge [sflag:s8], $0x1000  }
0x50: {  	[sflag:s8] =	ssyncset.done $0x0  }
0x51: {  	[sflag:s8] =	ssyncadd.s32 $0xFFFFF000  }
0x52: {  	_ =	swait.ge [sflag:s8], $0x1000  }
0x53: {  	[sflag:s8] =	ssyncset.done $0x0  }
0x54: {  	[sflag:s8] =	ssyncadd.s32 $0xFFFFF000  }
0x55: {  	_ =	swait.ge [sflag:s8], $0x1000  }
0x56: {  	[sflag:s8] =	ssyncset.done $0x0  }
0x57: {  	[sflag:s8] =	ssyncadd.s32 $0xFFFFF000  }
0x58: {  	_ =	swait.ge [sflag:s8], $0x1000  }
0x59: {  	[sflag:s8] =	ssyncset.done $0x0  }
0x5a: {  	[sflag:s8] =	ssyncadd.s32 $0xFFFFF000  }
0x5b: {  	_ =	swait.ge [sflag:s8], $0x1000  }
0x5c: {  	[sflag:s8] =	ssyncset.done $0x0  }
0x5d: {  	[sflag:s8] =	ssyncadd.s32 $0xFFFFF000  }
0x5e: {  	_ =	swait.ge [sflag:s8], $0x1000  }
0x5f: {  	[sflag:s8] =	ssyncset.done $0x0  }
0x60: {  	[sflag:s8] =	ssyncadd.s32 $0xFFFFF000  }
0x61: {  	_ =	swait.ge [sflag:s8], $0x1000  }
0x62: {  	[sflag:s8] =	ssyncset.done $0x0  }
0x63: {  	[sflag:s8] =	ssyncadd.s32 $0xFFFFF000  }
0x64: {  	_ =	swait.ge [sflag:s8], $0x1000  }
0x65: {  	[sflag:s8] =	ssyncset.done $0x0  }
0x66: {  	[sflag:s8] =	ssyncadd.s32 $0xFFFFF000  }
0x67: {  	_ =	swait.ge [sflag:s8], $0x1000  }
0x68: {  	[sflag:s8] =	ssyncset.done $0x0  }
0x69: {  	s19 =	simm.s32 $0x0;
	[sflag:s8] =	ssyncadd.s32 $0xFFFFF000  }
0x6a: {  	s15 =	simm.s32 $0x100;
	s16 =	simm.s32 $0x180;
	[bflag:$0x0] =	sbarrier.arrive $0xFFFF  }
0x6b: {  	s18 =	simm.s32 $0x200;
	s22 =	simm.s32 $0x280;
	s6 =	rddreg [dreg:$0x1]  }
0x6c: {  	[tilespmem:s29], [sflag:$0x2] =	stream.indirect.gather [hbm4b:s6+s26], $0x40, s19, s26, $0xb8;
	[tilespmem:$0x1C220] =	vst v63  }
0x6d: {  	p1 =	por $0x1, $0x1;
	p0 =	por $0x0, $0x0;
	s4 =	smul.u32 $0x6, s19  }
0x6e: {  	[tilespmem:s28], [sflag:$0x3] =	stream.indirect.gather [hbm4b:s6+s26], $0x40, s26, s26, $0xb8;
	[tilespmem:$0x1C220] =	vst v63  }
0x6f: {  	p2 =	por p0, p0;
	s7 =	sor.u32 $0x1, s4;
	s9 =	simm.s32 $0x0  }
0x70: {  	[tilespmem:s30], [sflag:$0x4] =	stream.indirect.gather [hbm4b:s6+s26], $0x40, s15, s26, $0xb8;
	[tilespmem:$0x1C220] =	vst v63  }
0x71: {  	s5 =	sadd.s32 @!p0 $0x7, s4;
	s23 =	sand.u32 $0xFF, s7;
	s9 =	simm.s32 @p1 $0x0  }
0x72: {  	[tilespmem:s21], [sflag:$0x5] =	stream.indirect.gather [hbm4b:s6+s26], $0x40, s16, s26, $0xb8;
	[tilespmem:$0x1C220] =	vst v63  }
0x73: {  	s23 =	smul.u32 $0xAB, s23;
	s1 =	sadd.s32 @!p0 $0x8, s4;
	s24 =	sshra.s32 @!p0 s9, $0x2  }
0x74: {  	[tilespmem:s31], [sflag:$0x6] =	stream.indirect.gather [hbm4b:s6+s26], $0x40, s18, s26, $0xb8;
	[tilespmem:$0x1C220] =	vst v63  }
0x75: {  	s25 =	sshrl.u32 s23, $0xA;
	s23 =	simm.s32 @!p0 $0x8E20;
	s16 =	simm.s32 @!p1 $0xD  }
0x76: {  	[tilespmem:s17], [sflag:$0x7] =	stream.indirect.gather [hbm4b:s6+s26], $0x40, s22, s26, $0xb8;
	[tilespmem:$0x1C220] =	vst v63  }
0x77: {  	s8 =	simm.s32 @!p0 $0x4E20;
	s17 =	smul.u32 $0x6, s25;
	_ =	swait.ge @!p1 [sflag:s16], $0x2000  }
0x78: {  	s15 =	simm.s32 @!p1 $0x280;
	s18 =	simm.s32 @!p1 $0x80;
	[sflag:s16] =	ssyncset.done @!p1 $0x0  }
0x79: {  	s22 =	simm.s32 @!p1 $0xEE20;
	s17 =	ssub.s32 s7, s17;
	[sflag:s16] =	ssyncadd.s32 @!p1 $0xFFFFE000  }
0x7a: {  	[tilespmem:s22], [sflag:$0x7] =	stream.indirect.gather @!p1 [hbm4b:s6+s18], $0x40, s15, s18, $0xb8;
	[tilespmem:$0x1C220] =	vst v63  }
0x7b: {  	s16 =	simm.s32 @!p0 $0x80;
	s17 =	sand.u32 $0xFF, s17;
	_ =	swait.ge [sflag:s10], $0x2000  }
0x7c: {  	s15 =	sand.u32 @!p0 $0xFF, s5;
	s22 =	sshra.s32 s9, $0x2;
	[sflag:s10] =	ssyncset.done $0x0  }
0x7d: {  	s9 =	smul.u32 @!p0 $0xAB, s15;
	s0 =	sadd.s32 $0x2700, s22;
	[sflag:s10] =	ssyncadd.s32 $0xFFFFE000  }
0x7e: {  	[spmem:s3] =	stream.indirect.scatter.add.f32 [tilespmem:s29], [sflag:$0x8], $0x40, s0, s26, $0xb8;
	[tilespmem:$0x1C220] =	vst v63  }
0x7f: {  	s17 =	sshll.u32 s17, $0x7;
	s9 =	sshrl.u32 @!p0 s9, $0xA;
	_ =	swait.ge [sflag:s11], $0x2000  }
0x80: {  	s17 =	sadd.s32 s17, s0;
	s18 =	smul.u32 @!p0 $0x6, s9;
	[sflag:s11] =	ssyncset.done $0x0  }
0x81: {  	s9 =	sadd.s32 @!p0 $0x300, s24;
	s29 =	sadd.s32 $0x2, s4;
	[sflag:s11] =	ssyncadd.s32 $0xFFFFE000  }
0x82: {  	[tilespmem:s8], [sflag:$0x2] =	stream.indirect.gather @!p0 [hbm4b:s6+s16], $0x40, s9, s16, $0xb8;
	[tilespmem:$0x1C220] =	vst v63  }
0x83: {  	s18 =	ssub.s32 @!p0 s5, s18;
	s5 =	sand.u32 $0xFF, s29;
	s9 =	sand.u32 @!p0 $0xFF, s1  }
0x84: {  	s18 =	sand.u32 @!p0 $0xFF, s18;
	s8 =	sadd.s32 $0x3, s4;
	s15 =	smul.u32 @!p0 $0xAB, s9  }
0x85: {  	s9 =	smul.u32 $0xAB, s5;
	_ =	swait.ge [sflag:s12], $0x2000;
	s10 =	sand.u32 $0xFF, s8  }
0x86: {  	s18 =	sshll.u32 @!p0 s18, $0x7;
	[sflag:s12] =	ssyncset.done $0x0;
	s11 =	smul.u32 $0xAB, s10  }
0x87: {  	s15 =	sshrl.u32 @!p0 s15, $0xA;
	s9 =	sshrl.u32 s9, $0xA;
	[sflag:s12] =	ssyncadd.s32 $0xFFFFE000  }
0x88: {  	[spmem:s3] =	stream.indirect.scatter.add.f32 [tilespmem:s28], [sflag:$0x9], $0x40, s17, s26, $0xb8;
	[tilespmem:$0x1C220] =	vst v63  }
0x89: {  	s12 =	sadd.s32 $0x4, s4;
	s17 =	sadd.s32 @!p0 s18, s24;
	s9 =	smul.u32 $0x6, s9  }
0x8a: {  	s15 =	smul.u32 @!p0 $0x6, s15;
	s18 =	simm.s32 @!p0 $0x6E20;
	_ =	swait.ge [sflag:s13], $0x2000  }
0x8b: {  	s25 =	sand.u32 $0xFF, s12;
	s17 =	sadd.s32 @!p0 $0x300, s17;
	[sflag:s13] =	ssyncset.done $0x0  }
0x8c: {  	s9 =	ssub.s32 s29, s9;
	s15 =	ssub.s32 @!p0 s1, s15;
	[sflag:s13] =	ssyncadd.s32 $0xFFFFE000  }
0x8d: {  	[tilespmem:s18], [sflag:$0x3] =	stream.indirect.gather @!p0 [hbm4b:s6+s16], $0x40, s17, s16, $0xb8;
	[tilespmem:$0x1C220] =	vst v63  }
0x8e: {  	s9 =	sand.u32 $0xFF, s9;
	s15 =	sand.u32 @!p0 $0xFF, s15;
	_ =	swait.ge [sflag:s20], $0x2000  }
0x8f: {  	s9 =	sshll.u32 s9, $0x7;
	s15 =	sshll.u32 @!p0 s15, $0x7;
	[sflag:s20] =	ssyncset.done $0x0  }
0x90: {  	s18 =	sadd.s32 @!p0 $0x9, s4;
	s9 =	sadd.s32 s9, s0;
	[sflag:s20] =	ssyncadd.s32 $0xFFFFE000  }
0x91: {  	[spmem:s3] =	stream.indirect.scatter.add.f32 [tilespmem:s30], [sflag:$0xA], $0x40, s9, s26, $0xb8;
	[tilespmem:$0x1C220] =	vst v63  }
0x92: {  	s15 =	sadd.s32 @!p0 s15, s24;
	s9 =	smul.u32 $0xAB, s25;
	_ =	swait.ge [sflag:s14], $0x2000  }
0x93: {  	s17 =	sshrl.u32 s11, $0xA;
	s15 =	sadd.s32 @!p0 $0x300, s15;
	[sflag:s14] =	ssyncset.done $0x0  }
0x94: {  	s25 =	smul.u32 $0x6, s17;
	s28 =	sshrl.u32 s9, $0xA;
	[sflag:s14] =	ssyncadd.s32 $0xFFFFE000  }
0x95: {  	[tilespmem:s23], [sflag:$0x4] =	stream.indirect.gather @!p0 [hbm4b:s6+s16], $0x40, s15, s16, $0xb8;
	[tilespmem:$0x1C220] =	vst v63  }
0x96: {  	s10 =	simm.s32 $0x6;
	s29 =	smul.u32 $0x6, s28;
	s15 =	sand.u32 @!p0 $0xFF, s18  }
0x97: {  	s13 =	simm.s32 $0x9;
	s11 =	simm.s32 $0xC;
	s15 =	smul.u32 @!p0 $0xAB, s15  }
0x98: {  	s20 =	simm.s32 $0x4;
	s9 =	sadd.s32 @!p0 $0xA, s4;
	s4 =	ssub.s32 s12, s29  }
0x99: {  	s30 =	ssub.s32 s8, s25;
	s4 =	sand.u32 $0xFF, s4;
	s15 =	sshrl.u32 @!p0 s15, $0xA  }
0x9a: {  	s14 =	simm.s32 $0xA;
	s4 =	sshll.u32 s4, $0x7;
	s17 =	smul.u32 @!p0 $0x6, s15  }
0x9b: {  	s12 =	simm.s32 $0x7;
	s15 =	sand.u32 $0xFF, s30;
	s4 =	sadd.s32 s4, s0  }
0x9c: {  	s15 =	sshll.u32 s15, $0x7;
	s17 =	ssub.s32 @!p0 s18, s17;
	s18 =	sand.u32 @!p0 $0xFF, s9  }
0x9d: {  	s23 =	smul.u32 @!p0 $0xAB, s18;
	s18 =	sand.u32 @!p0 $0xFF, s17;
	s17 =	sadd.s32 s15, s0  }
0x9e: {  	s15 =	simm.s32 $0x1;
	s0 =	simm.s32 $0x5;
	s18 =	sshll.u32 @!p0 s18, $0x7  }
0x9f: {  	_ =	swait.ge [sflag:s0], $0x2000;
	s18 =	sadd.s32 @!p0 s18, s24;
	s23 =	sshrl.u32 @!p0 s23, $0xA  }
0xa0: {  	[sflag:s0] =	ssyncset.done $0x0;
	s18 =	sadd.s32 @!p0 $0x300, s18;
	s23 =	smul.u32 @!p0 $0x6, s23  }
.LBB2_4:
0xa1: {  	s19 =	sadd.s32 $0xC00, s19  }
0xa2: {  	s25 =	smov.u32 s15;
	s15 =	sadd.s32 $0x1, s15;
	[sflag:s0] =	ssyncadd.s32 $0xFFFFE000  }
0xa3: {  	[spmem:s3] =	stream.indirect.scatter.add.f32 [tilespmem:s21], [sflag:$0xB], $0x40, s17, s26, $0xb8;
	[tilespmem:$0x1C220] =	vst v63  }
0xa4: {  	s28 =	sadd.s32 $0x2980, s22;
	p0 =	sne.s32 s15, $0xD;
	s9 =	ssub.s32 @!p2 s9, s23  }
0xa5: {  	s23 =	simm.s32 @!p2 $0xCE20;
	s17 =	simm.s32 @!p2 $0xAE20;
	p3 =	seq.s32 s19, $0x0  }
0xa6: {  	p1 =	seq.s32 s25, $0xC;
	_ =	swait.ge [sflag:s2], $0x2000;
	s9 =	sand.u32 @!p2 $0xFF, s9  }
0xa7: {  	s30 =	simm.s32 @!p3 $0xEE20;
	[sflag:s2] =	ssyncset.done $0x0;
	s9 =	sshll.u32 @!p2 s9, $0x7  }
0xa8: {  	[sflag:s2] =	ssyncadd.s32 $0xFFFFE000;
	s9 =	sadd.s32 @!p2 s9, s24;
	s2 =	simm.s32 $0xEE20  }
0xa9: {  	[tilespmem:s17], [sflag:$0x5] =	stream.indirect.gather @!p2 [hbm4b:s6+s16], $0x40, s18, s16, $0xb8;
	[tilespmem:$0x1C220] =	vst v63  }
0xaa: {  	s18 =	sshra.s32 @!p3 s19, $0x2;
	s17 =	smul.u32 $0x6, s25;
	_ =	swait.ge [sflag:s10], $0x2000  }
0xab: {  	s29 =	sadd.s32 @!p3 $0x280, s18;
	s18 =	smov.u32 s19;
	[sflag:s10] =	ssyncset.done $0x0  }
0xac: {  	s18 =	simm.s32 @p3 $0x0;
	s25 =	sadd.s32 $0x3, s17;
	s21 =	sor.u32 $0x1, s17  }
0xad: {  	s5 =	sadd.s32 @!p1 $0x8, s17;
	[sflag:s10] =	ssyncadd.s32 $0xFFFFE000;
	s24 =	sshra.s32 @!p1 s18, $0x2  }
0xae: {  	s1 =	sand.u32 $0xFF, s21;
	s22 =	sshra.s32 s18, $0x2;
	s18 =	sadd.s32 $0x2, s17  }
0xaf: {  	[spmem:s3] =	stream.indirect.scatter.add.f32 [tilespmem:s31], [sflag:$0xC], $0x40, s4, s26, $0xb8;
	[tilespmem:$0x1C220] =	vst v63  }
0xb0: {  	s4 =	sadd.s32 @!p2 $0x300, s9;
	s31 =	sadd.s32 @!p1 $0x7, s17;
	s9 =	sadd.s32 @!p1 $0xA, s17  }
0xb1: {  	s1 =	smul.u32 $0xAB, s1;
	s8 =	sand.u32 $0xFF, s18;
	_ =	swait.ge [sflag:s11], $0x2000  }
0xb2: {  	s0 =	sand.u32 @!p1 $0xFF, s31;
	s8 =	smul.u32 $0xAB, s8;
	[sflag:s11] =	ssyncset.done $0x0  }
0xb3: {  	s0 =	smul.u32 @!p1 $0xAB, s0;
	s1 =	sshrl.u32 s1, $0xA;
	[sflag:s11] =	ssyncadd.s32 $0xFFFFE000  }
0xb4: {  	[tilespmem:s23], [sflag:$0x6] =	stream.indirect.gather @!p2 [hbm4b:s6+s16], $0x40, s4, s16, $0xb8;
	[tilespmem:$0x1C220] =	vst v63  }
0xb5: {  	s1 =	smul.u32 $0x6, s1;
	s8 =	sshrl.u32 s8, $0xA;
	s6 =	simm.s32 @!p1 $0x4E20  }
0xb6: {  	s4 =	sand.u32 @!p1 $0xFF, s5;
	s16 =	simm.s32 @!p3 $0xD;
	s0 =	sshrl.u32 @!p1 s0, $0xA  }
0xb7: {  	s23 =	sand.u32 @!p1 $0xFF, s9;
	p2 =	por p1, p1;
	_ =	swait.ge [sflag:s12], $0x2000  }
0xb8: {  	s7 =	smul.u32 @!p1 $0xAB, s4;
	s4 =	sadd.s32 $0x2700, s22;
	[sflag:s12] =	ssyncset.done $0x0  }
0xb9: {  	s0 =	smul.u32 @!p1 $0x6, s0;
	s1 =	ssub.s32 s21, s1;
	[sflag:s12] =	ssyncadd.s32 $0xFFFFE000  }
0xba: {  	[spmem:s3] =	stream.indirect.scatter.add.f32 [tilespmem:s2], [sflag:$0xD], $0x40, s28, s26, $0xb8;
	[tilespmem:$0x1C220] =	vst v63  }
0xbb: {  	s21 =	sadd.s32 @!p1 $0x300, s24;
	s1 =	sand.u32 $0xFF, s1;
	_ =	swait.ge @!p3 [sflag:s16], $0x2000  }
0xbc: {  	s0 =	ssub.s32 @!p1 s31, s0;
	s31 =	simm.s32 $0xCE20;
	[sflag:s16] =	ssyncset.done @!p3 $0x0  }
0xbd: {  	s7 =	sshrl.u32 @!p1 s7, $0xA;
	s1 =	sshll.u32 s1, $0x7;
	[sflag:s16] =	ssyncadd.s32 @!p3 $0xFFFFE000  }
0xbe: {  	s28 =	simm.s32 @!p3 $0x80;
	s0 =	sand.u32 @!p1 $0xFF, s0;
	s16 =	rddreg [dreg:$0x1]  }
0xbf: {  	[tilespmem:s30], [sflag:$0x7] =	stream.indirect.gather @!p3 [hbm4b:s16+s28], $0x40, s29, s28, $0xb8;
	[tilespmem:$0x1C220] =	vst v63  }
0xc0: {  	s2 =	simm.s32 $0x8;
	s7 =	smul.u32 @!p1 $0x6, s7;
	s16 =	simm.s32 $0x2  }
0xc1: {  	s1 =	sadd.s32 s1, s4;
	s0 =	sshll.u32 @!p1 s0, $0x7;
	_ =	swait.ge [sflag:s16], $0x2000  }
0xc2: {  	s0 =	sadd.s32 @!p1 s0, s24;
	s5 =	ssub.s32 @!p1 s5, s7;
	[sflag:s16] =	ssyncset.done $0x0  }
0xc3: {  	s5 =	sand.u32 @!p1 $0xFF, s5;
	s29 =	simm.s32 $0x4E20;
	[sflag:s16] =	ssyncadd.s32 $0xFFFFE000  }
0xc4: {  	[spmem:s3] =	stream.indirect.scatter.add.f32 [tilespmem:s29], [sflag:$0x8], $0x40, s4, s26, $0xb8;
	[tilespmem:$0x1C220] =	vst v63  }
0xc5: {  	s0 =	sadd.s32 @!p1 $0x300, s0;
	s5 =	sshll.u32 @!p1 s5, $0x7;
	_ =	swait.ge [sflag:s2], $0x2000  }
0xc6: {  	s30 =	simm.s32 $0x8E20;
	s28 =	sand.u32 $0xFF, s25;
	[sflag:s2] =	ssyncset.done $0x0  }
0xc7: {  	s5 =	sadd.s32 @!p1 s5, s24;
	s7 =	smul.u32 $0xAB, s28;
	[sflag:s2] =	ssyncadd.s32 $0xFFFFE000  }
0xc8: {  	s16 =	simm.s32 @!p1 $0x80;
	s2 =	smov.u32 s3;
	s3 =	rddreg [dreg:$0x1]  }
0xc9: {  	[tilespmem:s6], [sflag:$0x2] =	stream.indirect.gather @!p1 [hbm4b:s3+s16], $0x40, s21, s16, $0xb8;
	[tilespmem:$0x1C220] =	vst v63  }
0xca: {  	s28 =	simm.s32 $0x6E20;
	s5 =	sadd.s32 @!p1 $0x300, s5;
	s21 =	simm.s32 $0x3  }
0xcb: {  	s6 =	smul.u32 $0x6, s8;
	s8 =	sadd.s32 @!p1 $0x9, s17;
	_ =	swait.ge [sflag:s21], $0x2000  }
0xcc: {  	s3 =	sshrl.u32 s7, $0xA;
	s7 =	sand.u32 @!p1 $0xFF, s8;
	[sflag:s21] =	ssyncset.done $0x0  }
0xcd: {  	s6 =	ssub.s32 s18, s6;
	s7 =	smul.u32 @!p1 $0xAB, s7;
	[sflag:s21] =	ssyncadd.s32 $0xFFFFE000  }
0xce: {  	[spmem:s2] =	stream.indirect.scatter.add.f32 [tilespmem:s28], [sflag:$0x9], $0x40, s1, s26, $0xb8;
	[tilespmem:$0x1C220] =	vst v63  }
0xcf: {  	s18 =	sadd.s32 $0x4, s17;
	s6 =	sand.u32 $0xFF, s6;
	s1 =	smul.u32 $0x6, s3  }
0xd0: {  	s21 =	smul.u32 @!p1 $0xAB, s23;
	s17 =	sand.u32 $0xFF, s18;
	s6 =	sshll.u32 s6, $0x7  }
0xd1: {  	s7 =	sshrl.u32 @!p1 s7, $0xA;
	_ =	swait.ge [sflag:s13], $0x2000;
	s1 =	ssub.s32 s25, s1  }
0xd2: {  	s23 =	smul.u32 $0xAB, s17;
	[sflag:s13] =	ssyncset.done $0x0;
	s1 =	sand.u32 $0xFF, s1  }
0xd3: {  	s25 =	simm.s32 @!p1 $0x6E20;
	[sflag:s13] =	ssyncadd.s32 $0xFFFFE000;
	s1 =	sshll.u32 s1, $0x7  }
0xd4: {  	s3 =	rddreg [dreg:$0x1];
	s17 =	sadd.s32 s1, s4;
	s1 =	smul.u32 @!p1 $0x6, s7  }
0xd5: {  	[tilespmem:s25], [sflag:$0x3] =	stream.indirect.gather @!p1 [hbm4b:s3+s16], $0x40, s0, s16, $0xb8;
	[tilespmem:$0x1C220] =	vst v63  }
0xd6: {  	s6 =	sadd.s32 s6, s4;
	s3 =	smov.u32 s2;
	s7 =	simm.s32 @!p1 $0x8E20  }
0xd7: {  	s25 =	simm.s32 $0x5;
	_ =	swait.ge [sflag:s20], $0x2000;
	s0 =	ssub.s32 @!p1 s8, s1  }
0xd8: {  	s8 =	sshrl.u32 s23, $0xA;
	[sflag:s20] =	ssyncset.done $0x0;
	s0 =	sand.u32 @!p1 $0xFF, s0  }
0xd9: {  	s1 =	smul.u32 $0x6, s8;
	[sflag:s20] =	ssyncadd.s32 $0xFFFFE000;
	s0 =	sshll.u32 @!p1 s0, $0x7  }
0xda: {  	[spmem:s2] =	stream.indirect.scatter.add.f32 [tilespmem:s30], [sflag:$0xA], $0x40, s6, s26, $0xb8;
	[tilespmem:$0x1C220] =	vst v63  }
0xdb: {  	s6 =	rddreg [dreg:$0x1];
	s2 =	simm.s32 $0xB;
	_ =	swait.ge [sflag:s14], $0x2000  }
0xdc: {  	s0 =	sadd.s32 @!p1 s0, s24;
	s1 =	ssub.s32 s18, s1;
	[sflag:s14] =	ssyncset.done $0x0  }
.Ltmp1:
0xdd: {  	s18 =	sadd.s32 @!p1 $0x300, s0;
	s23 =	sand.u32 $0xFF, s1;
	(pc) =	sbr.rel @p0 .LBB2_4-.Ltmp1, $4  }
0xde: {  	s1 =	sshrl.u32 @!p1 s21, $0xA;
	[sflag:s14] =	ssyncadd.s32 $0xFFFFE000;
	s0 =	sshll.u32 s23, $0x7  }
0xdf: {  	[tilespmem:s7], [sflag:$0x4] =	stream.indirect.gather @!p1 [hbm4b:s6+s16], $0x40, s5, s16, $0xb8;
	[tilespmem:$0x1C220] =	vst v63  }
0xe0: {  	s4 =	sadd.s32 s0, s4;
	s0 =	simm.s32 $0x5;
	_ =	swait.ge [sflag:s25], $0x2000  }
0xe1: {  	s21 =	simm.s32 $0xAE20;
	s23 =	smul.u32 @!p1 $0x6, s1;
	[sflag:s0] =	ssyncset.done $0x0  }
0xe2: {  	[sflag:s0] =	ssyncadd.s32 $0xFFFFE000  }
0xe3: {  	[spmem:s3] =	stream.indirect.scatter.add.f32 [tilespmem:s21], [sflag:$0xB], $0x40, s17, s26, $0xb8;
	[tilespmem:$0x1C220] =	vst v63  }
0xe4: {  	_ =	swait.ge [sflag:s2], $0x2000  }
0xe5: {  	[sflag:s2] =	ssyncset.done $0x0  }
0xe6: {  	s0 =	simm.s32 @!p2 $0xAE20;
	[sflag:s2] =	ssyncadd.s32 $0xFFFFE000  }
0xe7: {  	[tilespmem:s0], [sflag:$0x5] =	stream.indirect.gather @!p2 [hbm4b:s6+s16], $0x40, s18, s16, $0xb8;
	[tilespmem:$0x1C220] =	vst v63  }
0xe8: {  	_ =	swait.ge [sflag:s10], $0x2000  }
0xe9: {  	s0 =	ssub.s32 @!p2 s9, s23;
	[sflag:s10] =	ssyncset.done $0x0  }
0xea: {  	s0 =	sand.u32 @!p2 $0xFF, s0;
	[sflag:s10] =	ssyncadd.s32 $0xFFFFE000  }
0xeb: {  	[spmem:s3] =	stream.indirect.scatter.add.f32 [tilespmem:s31], [sflag:$0xC], $0x40, s4, s26, $0xb8;
	[tilespmem:$0x1C220] =	vst v63  }
0xec: {  	s0 =	sshll.u32 @!p2 s0, $0x7;
	_ =	swait.ge [sflag:s11], $0x2000  }
0xed: {  	s0 =	sadd.s32 @!p2 s0, s24;
	[sflag:s11] =	ssyncset.done $0x0  }
0xee: {  	s1 =	simm.s32 @!p2 $0xCE20;
	s0 =	sadd.s32 @!p2 $0x300, s0;
	[sflag:s11] =	ssyncadd.s32 $0xFFFFE000  }
0xef: {  	[tilespmem:s1], [sflag:$0x6] =	stream.indirect.gather @!p2 [hbm4b:s6+s16], $0x40, s0, s16, $0xb8;
	[tilespmem:$0x1C220] =	vst v63  }
0xf0: {  	_ =	swait.ge [sflag:s12], $0x2000  }
0xf1: {  	s14 =	sadd.s32 $0x2980, s22;
	[sflag:s12] =	ssyncset.done $0x0  }
0xf2: {  	s15 =	simm.s32 $0xEE20;
	s16 =	simm.s32 $0xD;
	[sflag:s12] =	ssyncadd.s32 $0xFFFFE000  }
0xf3: {  	[spmem:s3] =	stream.indirect.scatter.add.f32 [tilespmem:s15], [sflag:$0xD], $0x40, s14, s26, $0xb8;
	[tilespmem:$0x1C220] =	vst v63  }
0xf4: {  	_ =	swait.ge [sflag:s16], $0x2000  }
0xf5: {  	s5 =	simm.s32 $0x4E00;
	s8 =	simm.s32 $0x1;
	[sflag:s16] =	ssyncset.done $0x0  }
0xf6: {  	s17 =	simm.s32 $0x10;
	s18 =	simm.s32 $0x10E20;
	[sflag:s16] =	ssyncadd.s32 $0xFFFFE000  }
0xf7: {  	[tilespmem:s18], [sflag:$0x1] =	stream.indirect.gather [hbm4b:s6+s17], $0x40, s5, s17, $0xb8;
	[tilespmem:$0x1C220] =	vst v63  }
0xf8: {  	_ =	swait.ge [sflag:s8], $0x400  }
0xf9: {  	[sflag:s8] =	ssyncset.done $0x0  }
0xfa: {  	s19 =	simm.s32 $0xE;
	s6 =	simm.s32 $0x4E10;
	[sflag:s8] =	ssyncadd.s32 $0xFFFFFC00  }
0xfb: {  	[spmem:s3] =	stream.indirect.scatter.add.f32 [tilespmem:s18], [sflag:$0xE], $0x40, s6, s17, $0xb8;
	[tilespmem:$0x1C220] =	vst v63  }
0xfc: {  	_ =	swait.ge [sflag:s19], $0x400  }
0xfd: {  	[sflag:s19] =	ssyncset.done $0x0  }
0xfe: {  	[sflag:s19] =	ssyncadd.s32 $0xFFFFFC00  }
0xff: {  	s20 =	stileid.u32;
	[bflag:$0x0] =	sbarrier.arrive $0xFFFF  }
0x100: {  	s0 =	sshll.u32 s20, $0x6;
	s7 =	rddreg [dreg:$0x8]  }
0x101: {  	s0 =	sor.u32 $0x1C0E, s0;
	s23 =	rddreg [dreg:$0x13];
	s22 =	sshrl.u32 s7, $0x3  }
0x102: {  	[hbm:s23], [sflag:s0] =	dma.local [spmem:s22], $0x1400  }
0x103: {  	_ =	swait.ge [sflag:s19], $0x1400  }
0x104: {  	s24 =	rddreg [dreg:$0x14]  }
0x105: {  	s25 =	rddreg [dreg:$0x12];
	s1 =	sadd.s32 $0x1, s24  }
0x106: {  	p0 =	sne.s32 s1, s25  }
.Ltmp2:
0x107: {  	_ = 	snop;
	(pc) =	sbr.rel @p0 .LBB2_1-.Ltmp2, $4  }
0x108: {  	_ = 	snop  }
0x109: {  	s13 =	simm.s32 $0x9;
	s10 =	simm.s32 $0x2;
	s11 =	simm.s32 $0x8  }
0x10a: {  	s20 =	simm.s32 $0x4;
	s12 =	simm.s32 $0x3;
	[sflag:s19] =	ssyncset.done $0x0  }
0x10b: {  	s14 =	simm.s32 $0xA;
	s17 =	simm.s32 $0xEE20;
	[sflag:s19] =	ssyncadd.s32 $0xFFFFEC00  }
0x10c: {  	_ =	sfence.sel $0x180000  }
0x10d: {  	[bflag:$0x0] =	sbarrier.arrive $0xFFFF  }
0x10e: {  	_ =	strace $0x9000004D  }
0x10f: {  	s0 =	stileid.u32;
	[bflag:$0x2] =	sbarrier.arrive $0xFFFF  }
0x110: {  	p0 =	sne.s32 s0, $0x0;
	s0 =	rddreg [dreg:$0x3]  }
0x111: {  	s0 =	sadd.s32 @!p0 $0x100000, s0  }
0x112: {  	[sflag:s0] =	ssyncadd.tile.s32 @!p0 $0x1;
	_ =	shalt  }
.Lfunc_end2:
_tile_overlayer_lowered:
.L_overlay_start_2:
0x113: {  	(tag) =	ssettag $0x2  }
0x114: {  	s0 =	rddreg [dreg:$0x0];
	s2 =	stileid.u32  }
0x115: {  	s1 =	rddreg [dreg:$0x1];
	p0 =	sne.s32 s2, $0x0  }
0x116: {  	s3 =	rddreg [dreg:$0x2];
	[bflag:$0x3] =	sbarrier.arrive $0xFFFF;
	s2 =	simm.s32 @!p0 $0x1C0E  }
0x117: {  	[timem:s3], [sflag:s2] =	dma.local @!p0 [hbm:s0], s1  }
0x118: {  	s0 =	simm.s32 @!p0 $0xE  }
0x119: {  	_ =	swait.ge @!p0 [sflag:s0], s1  }
0x11a: {  	s1 =	ssub.s32 @!p0 $0x0, s1;
	[sflag:s0] =	ssyncset.done @!p0 $0x0  }
0x11b: {  	[sflag:s0] =	ssyncadd.s32 @!p0 s1  }
0x11c: {  	[bflag:$0x3] =	sbarrier.arrive $0xFFFF  }
0x11d: {  	_ =	shalt  }

// kernel: kernel.9.cloned.1.call-start
scs
__scs_entry_jumppad:
0x0: {  	(pc) =	sbr.rel $0x88, $3  }
0x1: {  	(tag) =	ssettag $0x0;
	lr =	simm.s32 $0x1  }
0x2: {  	[smem:$0x3F9B] =	sst lr;
	_ =	strace $0xD0000000  }
0x3: {  	_ = 	snop  }
0x4: {  	_ = 	snop  }
0x5: {  	_ = 	snop  }
0x6: {  	_ = 	snop  }
0x7: {  	_ = 	snop  }
__scs_overlays_trampoline_lowered:
0x8: {  	[smem:$0x3FAA] =	sst s0  }
0x9: {  	[smem:$0x3FAB] =	sst s1  }
0xa: {  	[smem:$0x3FAC] =	sst s2  }
0xb: {  	[smem:$0x3FAD] =	sst s3  }
0xc: {  	[smem:$0x3FAE] =	sst s4  }
0xd: {  	[smem:$0x3FAF] =	sst s5  }
0xe: {  	[smem:$0x3FB0] =	sst s6  }
0xf: {  	[smem:$0x3FB1] =	sst s7  }
0x10: {  	[smem:$0x3FB2] =	sst s8  }
0x11: {  	[smem:$0x3FB3] =	sst s9;
	s0 =	simm.s32 @!p0 $0x0  }
0x12: {  	s1 =	sld [smem:$0x3F99];
	s0 =	simm.s32 @p0 $0x1  }
0x13: {  	[smem:$0x3FB4] =	sst s0;
	s0 =	simm.s32 @!p1 $0x0  }
0x14: {  	s2 =	sld [smem:$0x3F98];
	s0 =	simm.s32 @p1 $0x1  }
0x15: {  	[smem:$0x3FB5] =	sst s0;
	s0 =	simm.s32 @!p2 $0x0  }
0x16: {  	s3 =	sld [smem:$0x3FDB];
	s0 =	simm.s32 @p2 $0x1  }
0x17: {  	s4 =	simm.s32 $0x1BF5;
	[smem:$0x3FB7] =	sst s0  }
0x18: {  	s0 =	sld [smem:$0x3F9A];
	_ =	swait.ge [sflag:s4], $0x0  }
0x19: {  	s7 =	sld [smem:$0x3F9B]  }
0x1a: {  	s8 =	sadd.s32 $0xFFFFE003, lr  }
0x1b: {  	s9 =	sadd.s32 $0xFFFFFEF7, lr;
	s5 =	simm.s32 $0xFFFFFFFF;
	p2 =	slt.u32 s8, $0xFFFFF086  }
0x1c: {  	p1 =	slt.u32 s9, $0xF7A;
	s5 =	simm.s32 @!p2 $0x0  }
0x1d: {  	s5 =	simm.s32 @p1 $0x1;
	p0 =	seq.s32 s7, s2  }
0x1e: {  	s7 =	smul.u32 @!p0 $0xF7A, s2;
	p2 =	seq.s32 @!p0 s5, $0x0  }
0x1f: {  	s9 =	smul.u32 $0xF7A, s1;
	s8 =	simm.s32 @!p0 $0x1BF5;
	p2 =	por !p2, p0  }
0x20: {  	[sflag:s8] =	ssyncset.s32 @!p0 $0xFFFFF086;
	s6 =	sadd.s32 @!p0 s3, s7;
	s7 =	simm.s32 @!p0 $0x108  }
0x21: {  	s3 =	sadd.s32 s3, s9;
	s6 =	sadd.s32 @!p0 $0x88, s6;
	s7 =	simm.s32 @p2 $0x1082  }
0x22: {  	[simem:s7], [sflag:s8] =	dma.local @!p0 [hbm:s6], $0xF7A  }
0x23: {  	s9 =	sor.u32 $0xD0000000, s2;
	s6 =	simm.s32 $0x108;
	_ =	swait.ge @!p0 [sflag:s8], $0x0  }
0x24: {  	s3 =	sadd.s32 $0x88, s3;
	s6 =	simm.s32 @!p1 $0x1082;
	[sflag:s4] =	ssyncset.s32 $0xFFFFF086  }
0x25: {  	[simem:s6], [sflag:s4] =	dma.local [hbm:s3], $0xF7A  }
0x26: {  	[smem:$0x3F9B] =	sst s1;
	(tag) =	ssettag s2;
	_ =	strace s9  }
0x27: {  	s1 =	sld [smem:$0x3FAB]  }
0x28: {  	s2 =	sld [smem:$0x3FAC]  }
0x29: {  	s4 =	sld [smem:$0x3FAE]  }
0x2a: {  	p0 =	seq.s32 s5, $0x0;
	s5 =	sld [smem:$0x3FAF]  }
0x2b: {  	s6 =	sld [smem:$0x3FB0]  }
0x2c: {  	s7 =	sld [smem:$0x3FB1]  }
0x2d: {  	s3 =	simm.s32 $0x108;
	s8 =	sld [smem:$0x3FB2]  }
0x2e: {  	s3 =	simm.s32 @!p0 $0x1082;
	s9 =	sld [smem:$0x3FB3]  }
0x2f: {  	lr =	sadd.s32 s0, s3;
	s0 =	sld [smem:$0x3FAA]  }
0x30: {  	s3 =	sld [smem:$0x3FAD]  }
0x31: {  	[smem:$0x3FB6] =	sst s10  }
0x32: {  	s10 =	sld [smem:$0x3FB4];
	_ =	sdelay $0x3  }
0x33: {  	p0 =	seq.s32 s10, $0x1;
	s10 =	sld [smem:$0x3FB6];
	_ =	sdelay $0x3  }
0x34: {  	[smem:$0x3FB6] =	sst s10  }
0x35: {  	s10 =	sld [smem:$0x3FB5];
	_ =	sdelay $0x3  }
0x36: {  	p1 =	seq.s32 s10, $0x1;
	s10 =	sld [smem:$0x3FB6];
	_ =	sdelay $0x3  }
0x37: {  	[smem:$0x3FB6] =	sst s10  }
0x38: {  	s10 =	sld [smem:$0x3FB7]  }
0x39: {  	_ = 	snop;
	(pc) =	sbr.ind lr, $3  }
0x3a: {  	_ = 	snop  }
0x3b: {  	_ = 	snop  }
0x3c: {  	p2 =	seq.s32 s10, $0x1;
	s10 =	sld [smem:$0x3FB6]  }
0x3d: {  	_ =	shalt  }
0x3e: {  	_ =	shalt  }
0x3f: {  	_ =	shalt  }
0x40: {  	_ =	shalt  }
0x41: {  	_ =	shalt  }
0x42: {  	_ =	shalt  }
0x43: {  	_ =	shalt  }
0x44: {  	_ =	shalt  }
0x45: {  	_ =	shalt  }
0x46: {  	_ =	shalt  }
0x47: {  	_ =	shalt  }
0x48: {  	_ =	shalt  }
0x49: {  	_ =	shalt  }
0x4a: {  	_ =	shalt  }
0x4b: {  	_ =	shalt  }
0x4c: {  	_ =	shalt  }
0x4d: {  	_ =	shalt  }
0x4e: {  	_ =	shalt  }
0x4f: {  	_ =	shalt  }
0x50: {  	_ =	shalt  }
0x51: {  	_ =	shalt  }
0x52: {  	_ =	shalt  }
0x53: {  	_ =	shalt  }
0x54: {  	_ =	shalt  }
0x55: {  	_ =	shalt  }
0x56: {  	_ =	shalt  }
0x57: {  	_ =	shalt  }
0x58: {  	_ =	shalt  }
0x59: {  	_ =	shalt  }
0x5a: {  	_ =	shalt  }
0x5b: {  	_ =	shalt  }
0x5c: {  	_ =	shalt  }
0x5d: {  	_ =	shalt  }
0x5e: {  	_ =	shalt  }
0x5f: {  	_ =	shalt  }
0x60: {  	_ =	shalt  }
0x61: {  	_ =	shalt  }
0x62: {  	_ =	shalt  }
0x63: {  	_ =	shalt  }
0x64: {  	_ =	shalt  }
0x65: {  	_ =	shalt  }
0x66: {  	_ =	shalt  }
0x67: {  	_ =	shalt  }
0x68: {  	_ =	shalt  }
0x69: {  	_ =	shalt  }
0x6a: {  	_ =	shalt  }
0x6b: {  	_ =	shalt  }
0x6c: {  	_ =	shalt  }
0x6d: {  	_ =	shalt  }
0x6e: {  	_ =	shalt  }
0x6f: {  	_ =	shalt  }
0x70: {  	_ =	shalt  }
0x71: {  	_ =	shalt  }
0x72: {  	_ =	shalt  }
0x73: {  	_ =	shalt  }
0x74: {  	_ =	shalt  }
0x75: {  	_ =	shalt  }
0x76: {  	_ =	shalt  }
0x77: {  	_ =	shalt  }
0x78: {  	_ =	shalt  }
0x79: {  	_ =	shalt  }
0x7a: {  	_ =	shalt  }
0x7b: {  	_ =	shalt  }
0x7c: {  	_ =	shalt  }
0x7d: {  	_ =	shalt  }
0x7e: {  	_ =	shalt  }
0x7f: {  	_ =	shalt  }
0x80: {  	_ =	shalt  }
0x81: {  	_ =	shalt  }
0x82: {  	_ =	shalt  }
0x83: {  	_ =	shalt  }
0x84: {  	_ =	shalt  }
0x85: {  	_ =	shalt  }
0x86: {  	_ =	shalt  }
0x87: {  	_ =	shalt  }
.Lfunc_end0:
.L_simem_size_0:
called_computation_lowered:
.L_overlay_start_0:
0x88: {  	s2 =	sld [smem:$0x3FD9]  }
0x89: {  	s3 =	sld [smem:$0x3FFE];
	_ =	sdelay $0x1  }
0x8a: {  	s1 =	srdreg.scid  }
0x8b: {  	s0 =	sand.u32 $0x1, s1  }
0x8c: {  	s17 =	sshll.u32 s0, $0xA;
	s2 =	sadd.s32 s3, s2  }
0x8d: {  	s2 =	sadd.s32 s2, s17  }
0x8e: {  	[smem:$0x3FC2] =	sst s2  }
0x8f: {  	_ = 	snop  }
0x90: {  	s2 =	sld [smem:$0x3FD0];
	(tm) =	ssettm $0x1  }
0x91: {  	s18 =	sld [smem:$0x3FFB];
	_ =	sdelay $0x3  }
0x92: {  	_ =	strace s18  }
0x93: {  	s3 =	sld [smem:$0x3FFC];
	_ =	sdelay $0x3  }
0x94: {  	_ =	strace s3  }
0x95: {  	s3 =	sld [smem:$0x3FFD];
	_ =	sdelay $0x3  }
0x96: {  	_ =	strace s3  }
0x97: {  	_ =	strace $0x8FFFFFFF  }
0x98: {  	s19 =	sld [smem:$0x3FDB];
	_ =	sdelay $0x1  }
0x99: {  	s4 =	simm.s32 $_scs_section_size  }
0x9a: {  	s5 =	simm.s32 $_size__tile_overlayer_lowered;
	s6 =	simm.s32 $_tile_overlayer_lowered  }
0x9b: {  	s22 =	simm.s32 $0x1BFF;
	s21 =	sshll.u32 s6, $0x1;
	s3 =	sadd.s32 s4, s19  }
0x9c: {  	s7 =	simm.s32 $0x0;
	s20 =	sshll.u32 s5, $0x1;
	s5 =	sadd.s32 s21, s3  }
0x9d: {  	[timem:s7], [sflag:s22] =	dma.local [hbm:s5], s20  }
0x9e: {  	_ =	swait.ge [sflag:s22], s20  }
0x9f: {  	s4 =	ssub.s32 $0x0, s20;
	[sflag:s22] =	ssyncset.done $0x0  }
0xa0: {  	[sflag:s22] =	ssyncadd.s32 s4;
	_ =	sdelay $0x1  }
0xa1: {  	s23 =	simm.s32 $0x1B8B  }
0xa2: {  	_ =	swait.ge [sflag:s23], $0x1  }
0xa3: {  	[sflag:s23] =	ssyncset.done $0x0  }
0xa4: {  	s25 =	simm.s32 $0x1B8E;
	s24 =	sld [smem:$0x3FFE];
	[sflag:s23] =	ssyncadd.s32 $0xFFFFFFFF  }
0xa5: {  	s26 =	simm.s32 $execute0_lowered;
	[smem:$0x3FD2] =	sst s25  }
0xa6: {  	s5 =	sshll.u32 s26, $0x1;
	_ =	strace $0x80000046;
	[dreg:$0x1] =	wrdreg $0xFFFFFFFF  }
0xa7: {  	s28 =	simm.s32 $_size_execute0_lowered;
	s3 =	sadd.s32 s3, s5;
	[dreg:$0x0] =	wrdreg $0x0  }
0xa8: {  	s5 =	sshll.u32 s28, $0x1;
	[dreg:$0x2] =	wrdreg s3  }
0xa9: {  	[dreg:$0x3] =	wrdreg s5  }
0xaa: {  	[dreg:$0x4] =	wrdreg $0xC0  }
0xab: {  	_ =	task [dreg:s7], $0x5FFFF  }
0xac: {  	[dreg:$0x1] =	wrdreg $0xFFFFFFFF  }
0xad: {  	[dreg:$0x0] =	wrdreg $0x60  }
0xae: {  	[dreg:$0x2] =	wrdreg s24  }
0xaf: {  	[dreg:$0x3] =	wrdreg s2  }
0xb0: {  	[dreg:$0x4] =	wrdreg $0x2CA00  }
0xb1: {  	[dreg:$0x5] =	wrdreg $0x9  }
0xb2: {  	_ =	task.clear_ibuf [dreg:s7], $0x6FFFF;
	_ =	strace $0x90000046  }
0xb3: {  	s29 =	simm.s32 $0x9;
	_ =	strace $0x80000048  }
0xb4: {  	_ =	swait.ge [sflag:s29], $0x1  }
0xb5: {  	[sflag:s29] =	ssyncadd.s32 $0xFFFFFFFF  }
0xb6: {  	_ =	strace $0x90000048  }
0xb7: {  	_ =	sfence  }
0xb8: {  	s30 =	sld [smem:$0x0];
	_ =	sdelay $0x2  }
0xb9: {  	s31 =	sshll.u32 s1, $0xD;
	s1 =	sshrl.u32 s1, $0x2  }
0xba: {  	s3 =	sand.u32 $0x4000, s31;
	s1 =	sadd.s32 s1, s30  }
0xbb: {  	s0 =	sor.u32 s3, s0;
	s1 =	sshll.u32 s1, $0x11  }
0xbc: {  	s0 =	sor.u32 s1, s0  }
0xbd: {  	s0 =	sadd.s32 $0x8F2B, s0  }
0xbe: {  	[sflag:s0] =	ssyncadd.remote.s32 $0x1  }
0xbf: {  	_ =	sfence.sel $0xFFFF  }
0xc0: {  	[dreg:$0x0] =	wrdreg $0xFFFFFFFF;
	(pc) =	sbr.abs _section_cstart, $3  }
0xc1: {  	[dreg:$0x1] =	wrdreg $0xFFFFFFFF  }
0xc2: {  	_ =	task.clear_ibuf [dreg:s7], $0x2FFFF;
	_ =	strace $0x9FFFFFFF  }
0xc3: {  	(tm) =	ssettm $0x7FFFFFFF  }
tec
execute0_lowered:
.L_overlay_start_1:
0x0: {  	(tag) =	ssettag $0x1  }
0x1: {  	s4 =	rddreg [dreg:$0x0]  }
0x2: {  	s0 =	srdreg.scid;
	s6 =	rddreg [dreg:$0x1]  }
0x3: {  	s2 =	rddreg [dreg:$0x2];
	s1 =	stileid.u32  }
0x4: {  	s3 =	simm.s32 $0x0;
	s11 =	simm.s32 $0x300;
	s12 =	simm.s32 $0x2710  }
0x5: {  	s13 =	simm.s32 $0x2;
	s14 =	simm.s32 $0x600;
	s15 =	simm.s32 $0x900  }
0x6: {  	s16 =	simm.s32 $0xC00;
	s17 =	simm.s32 $0xF00;
	s18 =	simm.s32 $0x1200  }
0x7: {  	s19 =	simm.s32 $0x1500;
	s20 =	simm.s32 $0x1800;
	s21 =	simm.s32 $0x1B00  }
0x8: {  	s22 =	simm.s32 $0x1E00;
	s23 =	simm.s32 $0x2100;
	s26 =	simm.s32 $0x10  }
0x9: {  	s28 =	simm.s32 $0x2A10;
	s5 =	sand.u32 $0x1, s0;
	s0 =	rddreg [dreg:$0x3]  }
0xa: {  	[smem:$0x7FF] =	sst s3;
	s30 =	smul.u32 $0x280, s1;
	s7 =	sshll.u32 s5, $0x4  }
0xb: {  	_ =	strace $0x80000047;
	s9 =	ssub.s32 $0x2, s5;
	s31 =	smul.u32 $0x500, s5  }
0xc: {  	s7 =	sor.u32 s1, s7;
	s10 =	sshrl.u32 s9, $0x1;
	s5 =	sadd.s32 s30, s2  }
0xd: {  	s25 =	sshrl.u32 s30, $0x3;
	s8 =	smul.u32 $0x2700, s7;
	s7 =	sshll.u32 s7, $0x1  }
0xe: {  	s9 =	ssub.s32 s9, s10;
	s24 =	sadd.s32 s6, s31;
	s10 =	simm.s32 $0x3  }
0xf: {  	s7 =	sadd.s32 s7, s4;
	s6 =	smax.u32 s9, $0x1;
	s8 =	sshrl.u32 s8, $0x3  }
0x10: {  	s9 =	simm.s32 $0x2A20;
	s24 =	sadd.s32 s25, s24;
	s4 =	sadd.s32 s4, s8  }
0x11: {  	s25 =	simm.s32 $0x2400;
	s8 =	simm.s32 $0x1;
	s4 =	sadd.s32 $0xBA00, s4  }
0x12: {  	v0 =	vimm.f32 $1.000000000e+00;
	v1 =	vimm.f32 $0.0e+00;
	[dreg:$0x4] =	wrdreg s4;
	s4 =	sadd.s32 $0x15640, s7;
	s7 =	simm.s32 $0x2700  }
.LBB2_1:
0x13: {  	s29 =	rddreg [dreg:$0x4]  }
0x14: {  	[tilespmem:s3], [sflag:$0x1] =	stream.linear.gather [hbm4b:s29+s3], $0x2700, $0x38;
	[tilespmem:$0x2F20] =	vst v63  }
0x15: {  	_ = 	snop  }
0x16: {  	[tilespmem:s7], [sflag:$0x1] =	stream.linear.gather [hbm4b:s4+s3], $0x10, $0x38;
	[tilespmem:$0x2F20] =	vst v63  }
0x17: {  	[tilespmem:$0x2710] =	vst v0  }
0x18: {  	[tilespmem:$0x2720] =	vst v0  }
0x19: {  	[tilespmem:$0x2730] =	vst v0  }
0x1a: {  	[tilespmem:$0x2740] =	vst v0  }
0x1b: {  	[tilespmem:$0x2750] =	vst v0  }
0x1c: {  	[tilespmem:$0x2760] =	vst v0  }
0x1d: {  	[tilespmem:$0x2770] =	vst v0  }
0x1e: {  	[tilespmem:$0x2780] =	vst v0  }
0x1f: {  	[tilespmem:$0x2790] =	vst v0  }
0x20: {  	[tilespmem:$0x27A0] =	vst v0  }
0x21: {  	[tilespmem:$0x27B0] =	vst v0  }
0x22: {  	[tilespmem:$0x27C0] =	vst v0  }
0x23: {  	[tilespmem:$0x27D0] =	vst v0  }
0x24: {  	[tilespmem:$0x27E0] =	vst v0  }
0x25: {  	[tilespmem:$0x27F0] =	vst v0  }
0x26: {  	[tilespmem:$0x2800] =	vst v0  }
0x27: {  	[tilespmem:$0x2810] =	vst v0  }
0x28: {  	[tilespmem:$0x2820] =	vst v0  }
0x29: {  	[tilespmem:$0x2830] =	vst v0  }
0x2a: {  	[tilespmem:$0x2840] =	vst v0  }
0x2b: {  	[tilespmem:$0x2850] =	vst v0  }
0x2c: {  	[tilespmem:$0x2860] =	vst v0  }
0x2d: {  	[tilespmem:$0x2870] =	vst v0  }
0x2e: {  	[tilespmem:$0x2880] =	vst v0  }
0x2f: {  	[tilespmem:$0x2890] =	vst v0  }
0x30: {  	[tilespmem:$0x28A0] =	vst v0  }
0x31: {  	[tilespmem:$0x28B0] =	vst v0  }
0x32: {  	[tilespmem:$0x28C0] =	vst v0  }
0x33: {  	[tilespmem:$0x28D0] =	vst v0  }
0x34: {  	[tilespmem:$0x28E0] =	vst v0  }
0x35: {  	[tilespmem:$0x28F0] =	vst v0  }
0x36: {  	[tilespmem:$0x2900] =	vst v0  }
0x37: {  	[tilespmem:$0x2910] =	vst v0  }
0x38: {  	[tilespmem:$0x2920] =	vst v0  }
0x39: {  	[tilespmem:$0x2930] =	vst v0  }
0x3a: {  	[tilespmem:$0x2940] =	vst v0  }
0x3b: {  	[tilespmem:$0x2950] =	vst v0  }
0x3c: {  	[tilespmem:$0x2960] =	vst v0  }
0x3d: {  	[tilespmem:$0x2970] =	vst v0  }
0x3e: {  	[tilespmem:$0x2980] =	vst v0  }
0x3f: {  	[tilespmem:$0x2990] =	vst v0  }
0x40: {  	[tilespmem:$0x29A0] =	vst v0  }
0x41: {  	[tilespmem:$0x29B0] =	vst v0  }
0x42: {  	[tilespmem:$0x29C0] =	vst v0  }
0x43: {  	[tilespmem:$0x29D0] =	vst v0  }
0x44: {  	[tilespmem:$0x29E0] =	vst v0  }
0x45: {  	[tilespmem:$0x29F0] =	vst v0  }
0x46: {  	[tilespmem:$0x2A00] =	vst v0  }
0x47: {  	[tilespmem:$0x2A10] =	vst v0  }
0x48: {  	[tilespmem:$0x2A20] =	vst v1  }
0x49: {  	[tilespmem:$0x2A30] =	vst v1  }
0x4a: {  	[tilespmem:$0x2A40] =	vst v1  }
0x4b: {  	[tilespmem:$0x2A50] =	vst v1  }
0x4c: {  	[tilespmem:$0x2A60] =	vst v1  }
0x4d: {  	[tilespmem:$0x2A70] =	vst v1  }
0x4e: {  	[tilespmem:$0x2A80] =	vst v1  }
0x4f: {  	[tilespmem:$0x2A90] =	vst v1  }
0x50: {  	[tilespmem:$0x2AA0] =	vst v1  }
0x51: {  	[tilespmem:$0x2AB0] =	vst v1  }
0x52: {  	[tilespmem:$0x2AC0] =	vst v1  }
0x53: {  	[tilespmem:$0x2AD0] =	vst v1  }
0x54: {  	[tilespmem:$0x2AE0] =	vst v1  }
0x55: {  	[tilespmem:$0x2AF0] =	vst v1  }
0x56: {  	[tilespmem:$0x2B00] =	vst v1  }
0x57: {  	[tilespmem:$0x2B10] =	vst v1  }
0x58: {  	[tilespmem:$0x2B20] =	vst v1  }
0x59: {  	[tilespmem:$0x2B30] =	vst v1  }
0x5a: {  	[tilespmem:$0x2B40] =	vst v1  }
0x5b: {  	[tilespmem:$0x2B50] =	vst v1  }
0x5c: {  	[tilespmem:$0x2B60] =	vst v1  }
0x5d: {  	[tilespmem:$0x2B70] =	vst v1  }
0x5e: {  	[tilespmem:$0x2B80] =	vst v1  }
0x5f: {  	[tilespmem:$0x2B90] =	vst v1  }
0x60: {  	[tilespmem:$0x2BA0] =	vst v1  }
0x61: {  	[tilespmem:$0x2BB0] =	vst v1  }
0x62: {  	[tilespmem:$0x2BC0] =	vst v1  }
0x63: {  	[tilespmem:$0x2BD0] =	vst v1  }
0x64: {  	[tilespmem:$0x2BE0] =	vst v1  }
0x65: {  	[tilespmem:$0x2BF0] =	vst v1  }
0x66: {  	[tilespmem:$0x2C00] =	vst v1  }
0x67: {  	[tilespmem:$0x2C10] =	vst v1  }
0x68: {  	[tilespmem:$0x2C20] =	vst v1  }
0x69: {  	[tilespmem:$0x2C30] =	vst v1  }
0x6a: {  	[tilespmem:$0x2C40] =	vst v1  }
0x6b: {  	[tilespmem:$0x2C50] =	vst v1  }
0x6c: {  	[tilespmem:$0x2C60] =	vst v1  }
0x6d: {  	[tilespmem:$0x2C70] =	vst v1  }
0x6e: {  	[tilespmem:$0x2C80] =	vst v1  }
0x6f: {  	[tilespmem:$0x2C90] =	vst v1  }
0x70: {  	_ =	swait.ge [sflag:s8], $0x2700  }
0x71: {  	[sflag:s8] =	ssyncset.done $0x0  }
0x72: {  	[sflag:s8] =	ssyncadd.s32 $0xFFFFD900  }
0x73: {  	_ =	swait.ge [sflag:s8], $0x10  }
0x74: {  	[sflag:s8] =	ssyncset.done $0x0  }
0x75: {  	[sflag:s8] =	ssyncadd.s32 $0xFFFFFFF0  }
0x76: {  	[spmem:s5] =	stream.linear.scatter [tilespmem:s9], [sflag:$0x3], $0x280, $0x38;
	[tilespmem:$0x2F20] =	vst v63  }
0x77: {  	_ =	swait.ge [sflag:s10], $0x280  }
0x78: {  	[sflag:s10] =	ssyncset.done $0x0  }
0x79: {  	[sflag:s10] =	ssyncadd.s32 $0xFFFFFD80  }
0x7a: {  	[bflag:$0x0] =	sbarrier.arrive $0xFFFF  }
0x7b: {  	[spmem:s2] =	stream.indirect.scatter.add.f32 [tilespmem:s12], [sflag:$0x2], $0x1, s3, s11, $0xb8;
	[tilespmem:$0x2F20] =	vst v63  }
0x7c: {  	_ = 	snop  }
0x7d: {  	[spmem:s2] =	stream.indirect.scatter.add.f32 [tilespmem:s12], [sflag:$0x2], $0x1, s11, s11, $0xb8;
	[tilespmem:$0x2F20] =	vst v63  }
0x7e: {  	_ =	swait.ge [sflag:s13], $0x300  }
0x7f: {  	[sflag:s13] =	ssyncset.done $0x0  }
0x80: {  	[sflag:s13] =	ssyncadd.s32 $0xFFFFFD00  }
0x81: {  	[spmem:s2] =	stream.indirect.scatter.add.f32 [tilespmem:s12], [sflag:$0x2], $0x1, s14, s11, $0xb8;
	[tilespmem:$0x2F20] =	vst v63  }
0x82: {  	_ =	swait.ge [sflag:s13], $0x300  }
0x83: {  	[sflag:s13] =	ssyncset.done $0x0  }
0x84: {  	[sflag:s13] =	ssyncadd.s32 $0xFFFFFD00  }
0x85: {  	[spmem:s2] =	stream.indirect.scatter.add.f32 [tilespmem:s12], [sflag:$0x2], $0x1, s15, s11, $0xb8;
	[tilespmem:$0x2F20] =	vst v63  }
0x86: {  	_ =	swait.ge [sflag:s13], $0x300  }
0x87: {  	[sflag:s13] =	ssyncset.done $0x0  }
0x88: {  	[sflag:s13] =	ssyncadd.s32 $0xFFFFFD00  }
0x89: {  	[spmem:s2] =	stream.indirect.scatter.add.f32 [tilespmem:s12], [sflag:$0x2], $0x1, s16, s11, $0xb8;
	[tilespmem:$0x2F20] =	vst v63  }
0x8a: {  	_ =	swait.ge [sflag:s13], $0x300  }
0x8b: {  	[sflag:s13] =	ssyncset.done $0x0  }
0x8c: {  	[sflag:s13] =	ssyncadd.s32 $0xFFFFFD00  }
0x8d: {  	[spmem:s2] =	stream.indirect.scatter.add.f32 [tilespmem:s12], [sflag:$0x2], $0x1, s17, s11, $0xb8;
	[tilespmem:$0x2F20] =	vst v63  }
0x8e: {  	_ =	swait.ge [sflag:s13], $0x300  }
0x8f: {  	[sflag:s13] =	ssyncset.done $0x0  }
0x90: {  	[sflag:s13] =	ssyncadd.s32 $0xFFFFFD00  }
0x91: {  	[spmem:s2] =	stream.indirect.scatter.add.f32 [tilespmem:s12], [sflag:$0x2], $0x1, s18, s11, $0xb8;
	[tilespmem:$0x2F20] =	vst v63  }
0x92: {  	_ =	swait.ge [sflag:s13], $0x300  }
0x93: {  	[sflag:s13] =	ssyncset.done $0x0  }
0x94: {  	[sflag:s13] =	ssyncadd.s32 $0xFFFFFD00  }
0x95: {  	[spmem:s2] =	stream.indirect.scatter.add.f32 [tilespmem:s12], [sflag:$0x2], $0x1, s19, s11, $0xb8;
	[tilespmem:$0x2F20] =	vst v63  }
0x96: {  	_ =	swait.ge [sflag:s13], $0x300  }
0x97: {  	[sflag:s13] =	ssyncset.done $0x0  }
0x98: {  	[sflag:s13] =	ssyncadd.s32 $0xFFFFFD00  }
0x99: {  	[spmem:s2] =	stream.indirect.scatter.add.f32 [tilespmem:s12], [sflag:$0x2], $0x1, s20, s11, $0xb8;
	[tilespmem:$0x2F20] =	vst v63  }
0x9a: {  	_ =	swait.ge [sflag:s13], $0x300  }
0x9b: {  	[sflag:s13] =	ssyncset.done $0x0  }
0x9c: {  	[sflag:s13] =	ssyncadd.s32 $0xFFFFFD00  }
0x9d: {  	[spmem:s2] =	stream.indirect.scatter.add.f32 [tilespmem:s12], [sflag:$0x2], $0x1, s21, s11, $0xb8;
	[tilespmem:$0x2F20] =	vst v63  }
0x9e: {  	_ =	swait.ge [sflag:s13], $0x300  }
0x9f: {  	[sflag:s13] =	ssyncset.done $0x0  }
0xa0: {  	[sflag:s13] =	ssyncadd.s32 $0xFFFFFD00  }
0xa1: {  	[spmem:s2] =	stream.indirect.scatter.add.f32 [tilespmem:s12], [sflag:$0x2], $0x1, s22, s11, $0xb8;
	[tilespmem:$0x2F20] =	vst v63  }
0xa2: {  	_ =	swait.ge [sflag:s13], $0x300  }
0xa3: {  	[sflag:s13] =	ssyncset.done $0x0  }
0xa4: {  	[sflag:s13] =	ssyncadd.s32 $0xFFFFFD00  }
0xa5: {  	[spmem:s2] =	stream.indirect.scatter.add.f32 [tilespmem:s12], [sflag:$0x2], $0x1, s23, s11, $0xb8;
	[tilespmem:$0x2F20] =	vst v63  }
0xa6: {  	_ =	swait.ge [sflag:s13], $0x300  }
0xa7: {  	[sflag:s13] =	ssyncset.done $0x0  }
0xa8: {  	[sflag:s13] =	ssyncadd.s32 $0xFFFFFD00  }
0xa9: {  	[spmem:s2] =	stream.indirect.scatter.add.f32 [tilespmem:s12], [sflag:$0x2], $0x1, s25, s11, $0xb8;
	[tilespmem:$0x2F20] =	vst v63  }
0xaa: {  	_ =	swait.ge [sflag:s13], $0x300  }
0xab: {  	[sflag:s13] =	ssyncset.done $0x0  }
0xac: {  	[sflag:s13] =	ssyncadd.s32 $0xFFFFFD00  }
0xad: {  	_ =	swait.ge [sflag:s13], $0x300  }
0xae: {  	[sflag:s13] =	ssyncset.done $0x0  }
0xaf: {  	[sflag:s13] =	ssyncadd.s32 $0xFFFFFD00  }
0xb0: {  	[spmem:s2] =	stream.indirect.scatter.add.f32 [tilespmem:s28], [sflag:$0x3], $0x1, s7, s26, $0xb8;
	[tilespmem:$0x2F20] =	vst v63  }
0xb1: {  	_ =	swait.ge [sflag:s10], $0x10  }
0xb2: {  	s31 =	sshll.u32 s1, $0x6;
	[sflag:s10] =	ssyncset.done $0x0  }
0xb3: {  	s30 =	sshrl.u32 s5, $0x3;
	p0 =	sne.s32 s6, $0x1;
	[sflag:s10] =	ssyncadd.s32 $0xFFFFFFF0  }
.Ltmp0:
0xb4: {  	s29 =	sor.u32 $0x1C03, s31;
	[bflag:$0x0] =	sbarrier.arrive $0xFFFF;
	(pc) =	sbr.rel @p0 .LBB2_1-.Ltmp0, $4  }
0xb5: {  	[hbm:s24], [sflag:s29] =	dma.local [spmem:s30], $0x50  }
0xb6: {  	_ =	swait.ge [sflag:s10], $0x50  }
0xb7: {  	[sflag:s10] =	ssyncset.done $0x0  }
0xb8: {  	s6 =	sadd.s32 $0xFFFFFFFF, s6;
	[sflag:s10] =	ssyncadd.s32 $0xFFFFFFB0  }
0xb9: {  	_ =	sfence.sel $0x180000  }
0xba: {  	[bflag:$0x0] =	sbarrier.arrive $0xFFFF  }
0xbb: {  	p0 =	sne.s32 s1, $0x0;
	_ =	strace $0x90000047  }
0xbc: {  	s0 =	sadd.s32 @!p0 $0x100000, s0;
	[bflag:$0x2] =	sbarrier.arrive $0xFFFF  }
0xbd: {  	[sflag:s0] =	ssyncadd.tile.s32 @!p0 $0x1;
	_ =	shalt  }
.Lfunc_end2:
_tile_overlayer_lowered:
.L_overlay_start_2:
0xbe: {  	(tag) =	ssettag $0x2  }
0xbf: {  	s0 =	rddreg [dreg:$0x0];
	s2 =	stileid.u32  }
0xc0: {  	s1 =	rddreg [dreg:$0x1];
	p0 =	sne.s32 s2, $0x0  }
0xc1: {  	s3 =	rddreg [dreg:$0x2];
	[bflag:$0x3] =	sbarrier.arrive $0xFFFF;
	s2 =	simm.s32 @!p0 $0x1C03  }
0xc2: {  	[timem:s3], [sflag:s2] =	dma.local @!p0 [hbm:s0], s1  }
0xc3: {  	s0 =	simm.s32 @!p0 $0x3  }
0xc4: {  	_ =	swait.ge @!p0 [sflag:s0], s1  }
0xc5: {  	s1 =	ssub.s32 @!p0 $0x0, s1;
	[sflag:s0] =	ssyncset.done @!p0 $0x0  }
0xc6: {  	[sflag:s0] =	ssyncadd.s32 @!p0 s1  }
0xc7: {  	[bflag:$0x3] =	sbarrier.arrive $0xFFFF  }
0xc8: {  	_ =	shalt  }

</sc_bundles>
